<compile_context>
chip_gen: v7x
topology: tpu7x:2x2x1
jax: 0.10.2.dev20260603
libtpu: 0.0.44.dev20260713+nightly
codegen_flags: <defaults>
</compile_context>

<pallas_src>
import functools

import jax
import jax.numpy as jnp
from jax import lax
from jax.experimental import pallas as pl
from jax.experimental.pallas import tpu as pltpu
from jax.experimental.pallas import tpu_sc as plsc

_NC = 2
_NS = 16
_NW = _NC * _NS
_L = 16
_CH = 80


def _sc_mesh():
  return plsc.VectorSubcoreMesh(
      core_axis_name="c", subcore_axis_name="s",
      num_cores=_NC, num_subcores=_NS)


def _stripe(n):
  ps = (-(-n // _NS) + 7) // 8 * 8
  return ps, ps * _NS


def _deg_kernel(dst, w, n, d):
  e = dst.shape[0]
  per_w = e // _NW
  n_chunks = per_w // _CH
  ps, np_ = _stripe(n)
  nk = d // _L

  @functools.partial(
      pl.kernel,
      out_type=jax.ShapeDtypeStruct((_NC, np_, d), jnp.float32),
      mesh=_sc_mesh(),
      scratch_types=[
          pltpu.VMEM((_CH,), jnp.int32),
          pltpu.VMEM((_CH,), jnp.float32),
          pltpu.VMEM((_CH, d), jnp.float32),
          pltpu.VMEM((8, d), jnp.float32),
          pltpu.VMEM_SHARED((np_, d), jnp.float32),
      ],
      compiler_params=pltpu.CompilerParams(needs_layout_passes=False),
  )
  def body(dst_hbm, w_hbm, degp_hbm, dstv, wv, wrows, zbuf, acc_s):
    c = lax.axis_index("c")
    s = lax.axis_index("s")
    wid = s * _NC + c
    off = s * ps
    lane0 = jnp.where(lax.iota(jnp.int32, _L) == 0,
                      jnp.float32(1.0), jnp.float32(0.0))

    for r in range(8):
      for k in range(nk):
        zbuf[r, pl.ds(k * _L, _L)] = jnp.zeros((_L,), jnp.float32)

    @pl.loop(0, _CH)
    def _zrows(ei):
      for k in range(nk):
        wrows[ei, pl.ds(k * _L, _L)] = jnp.zeros((_L,), jnp.float32)

    @pl.loop(0, ps // 8)
    def _zero(j):
      pltpu.sync_copy(zbuf, acc_s.at[pl.ds(off + j * 8, 8)])

    plsc.subcore_barrier()

    @pl.loop(0, n_chunks)
    def _chunks(ci):
      base = wid * per_w + ci * _CH
      pltpu.sync_copy(dst_hbm.at[pl.ds(base, _CH)], dstv)
      pltpu.sync_copy(w_hbm.at[pl.ds(base, _CH)], wv)

      @pl.loop(0, _CH, unroll=8)
      def _build(ei):
        ws = plsc.load_gather(wv, [jnp.full((_L,), ei, jnp.int32)])
        wrows[ei, pl.ds(0, _L)] = ws * lane0

      pltpu.sync_copy(wrows, acc_s.at[dstv], add=True)

    plsc.subcore_barrier()
    pltpu.sync_copy(acc_s.at[pl.ds(off, ps)], degp_hbm.at[c, pl.ds(off, ps)])

  return body(dst, w)


def _agg_kernel(src, dst, w, h, n):
  e = src.shape[0]
  d = h.shape[1]
  nk = d // _L
  per_w = e // _NW
  n_chunks = per_w // _CH
  ps, np_ = _stripe(n)

  @functools.partial(
      pl.kernel,
      out_type=jax.ShapeDtypeStruct((_NC, np_, d), jnp.float32),
      mesh=_sc_mesh(),
      scratch_types=[
          pltpu.VMEM((_CH,), jnp.int32),
          pltpu.VMEM((_CH,), jnp.int32),
          pltpu.VMEM((_CH,), jnp.float32),
          pltpu.VMEM((_CH, d), jnp.float32),
          pltpu.VMEM((8, d), jnp.float32),
          pltpu.VMEM_SHARED((np_, d), jnp.float32),
          pltpu.SemaphoreType.DMA,
      ],
      compiler_params=pltpu.CompilerParams(needs_layout_passes=False),
  )
  def body(src_hbm, dst_hbm, w_hbm, h_hbm, out_hbm,
           srcv, dstv, wv, rows, zbuf, acc_s, sem):
    c = lax.axis_index("c")
    s = lax.axis_index("s")
    wid = s * _NC + c
    off = s * ps

    for r in range(8):
      for k in range(nk):
        zbuf[r, pl.ds(k * _L, _L)] = jnp.zeros((_L,), jnp.float32)

    @pl.loop(0, ps // 8)
    def _zero(j):
      pltpu.sync_copy(zbuf, acc_s.at[pl.ds(off + j * 8, 8)])

    plsc.subcore_barrier()

    @pl.loop(0, n_chunks)
    def _chunks(ci):
      base = wid * per_w + ci * _CH
      pltpu.sync_copy(src_hbm.at[pl.ds(base, _CH)], srcv)
      pltpu.sync_copy(dst_hbm.at[pl.ds(base, _CH)], dstv)
      pltpu.sync_copy(w_hbm.at[pl.ds(base, _CH)], wv)
      pltpu.async_copy(h_hbm.at[srcv], rows, sem).wait()

      @pl.loop(0, _CH, unroll=8)
      def _scale(ei):
        ws = plsc.load_gather(wv, [jnp.full((_L,), ei, jnp.int32)])
        for k in range(nk):
          sl = pl.ds(k * _L, _L)
          rows[ei, sl] = rows[ei, sl] * ws

      pltpu.sync_copy(rows, acc_s.at[dstv], add=True)

    plsc.subcore_barrier()
    pltpu.sync_copy(acc_s.at[pl.ds(off, ps)], out_hbm.at[c, pl.ds(off, ps)])

  return body(src, dst, w, h)


def _tc_first(x, w1, degp):
  n, d = x.shape

  def body(x_ref, w_ref, degp_ref, h_ref, dinv_ref):
    deg = (degp_ref[0] + degp_ref[1])[:n, 0:1]
    dinv = jnp.where(deg > 0, lax.rsqrt(deg), 0.0)
    dinv_ref[...] = dinv
    h = jnp.dot(x_ref[...], w_ref[...], preferred_element_type=jnp.float32)
    h_ref[...] = h * dinv

  return pl.pallas_call(
      body,
      out_shape=[jax.ShapeDtypeStruct((n, d), jnp.float32),
                 jax.ShapeDtypeStruct((n, 1), jnp.float32)],
  )(x, w1, degp)


def _tc_mid(accp, dinv, b, w2):
  n = dinv.shape[0]
  d = accp.shape[2]

  def body(accp_ref, dinv_ref, b_ref, w_ref, h_ref):
    dv = dinv_ref[...]
    x2 = (accp_ref[0] + accp_ref[1])[:n] * dv + b_ref[...]
    h = jnp.dot(x2, w_ref[...], preferred_element_type=jnp.float32)
    h_ref[...] = h * dv

  return pl.pallas_call(
      body,
      out_shape=jax.ShapeDtypeStruct((n, d), jnp.float32),
  )(accp, dinv, b, w2)


def _tc_last(accp, dinv, b):
  n = dinv.shape[0]
  d = accp.shape[2]

  def body(accp_ref, dinv_ref, b_ref, o_ref):
    o = (accp_ref[0] + accp_ref[1])[:n] * dinv_ref[...] + b_ref[...]
    o_ref[...] = jnp.maximum(o, 0.0)

  return pl.pallas_call(
      body,
      out_shape=jax.ShapeDtypeStruct((n, d), jnp.float32),
  )(accp, dinv, b)


def kernel(x, edge_index, edge_weights, W1, b1, W2, b2):
  n, d = x.shape
  e = edge_weights.shape[0]
  assert e % _NW == 0 and (e // _NW) % _CH == 0 and d % _L == 0
  src = edge_index[0]
  dst = edge_index[1]

  degp = _deg_kernel(dst, edge_weights, n, d)
  h1, dinv = _tc_first(x, W1, degp)
  acc1 = _agg_kernel(src, dst, edge_weights, h1, n)
  h2 = _tc_mid(acc1, dinv, b1, W2)
  acc2 = _agg_kernel(src, dst, edge_weights, h2, n)
  return _tc_last(acc2, dinv, b2)

# --- scband reference (transcript-rebuilt; emitter-appended) ---
"""Pipeline reference for scband-gcn-id-straight-7919919694203 (READ-ONLY COPY).

The authoritative reference and input builder live on the scoring server;
editing this copy changes nothing except your own understanding.
"""

import jax, jax.numpy as jnp
import numpy as np

N = 10000
E = 320000
D = 128


def setup_inputs(seed: int = 0) -> dict:
    key = jax.random.key(seed)
    k1, k2, k3, k4, k5, k6 = jax.random.split(key, 6)
    x = jax.random.normal(k1, (N, D), dtype=jnp.float32)
    edge_index = jax.random.randint(k2, (2, E), 0, N, dtype=jnp.int32)
    edge_weights = jax.random.uniform(k3, (E,), dtype=jnp.float32)
    scale = 1.0 / np.sqrt(D)
    W1 = jax.random.normal(k4, (D, D), dtype=jnp.float32) * scale
    b1 = jnp.zeros((D,), dtype=jnp.float32)
    W2 = jax.random.normal(k5, (D, D), dtype=jnp.float32) * scale
    b2 = jnp.zeros((D,), dtype=jnp.float32)
    return {"x": x, "edge_index": edge_index, "edge_weights": edge_weights,
            "W1": W1, "b1": b1, "W2": W2, "b2": b2}


def _gcn_layer(x, edge_weights, W, b, src, dst):
    # PyG GCNConv with add_self_loops=False:
    # gcn_norm: deg = scatter_add(edge_weight, dst); norm = deg^-1/2[src] * w * deg^-1/2[dst]
    n = x.shape[0]
    deg = jnp.zeros((n,), dtype=x.dtype).at[dst].add(edge_weights)
    safe_deg = jnp.where(deg > 0, deg, 1.0)
    deg_inv_sqrt = jnp.where(deg > 0, 1.0 / jnp.sqrt(safe_deg), 0.0)
    norm = deg_inv_sqrt[src] * edge_weights * deg_inv_sqrt[dst]
    h = x @ W  # linear transform (no bias inside lin)
    msg = h[src] * norm[:, None]
    out = jnp.zeros_like(h).at[dst].add(msg)
    return out + b


def reference(x, edge_index, edge_weights, W1, b1, W2, b2):
    src = edge_index[0]
    dst = edge_index[1]
    h = _gcn_layer(x, edge_weights, W1, b1, src, dst)
    h = _gcn_layer(h, edge_weights, W2, b2, src, dst)
    return jax.nn.relu(h)

if __name__ == "__main__":
    import jax
    _d = setup_inputs()
    print(jax.jit(kernel)(*tuple(_d.values())))

</pallas_src>

<mosaic_0001>
#map = affine_map<(d0, d1) -> (0)>
#map1 = affine_map<(d0, d1) -> (0, 0, 0)>
module attributes {stable_mosaic.version = 14 : i64} {
  func.func @body(%arg0: i32, %arg1: i32, %arg2: memref<320000xi32, #tpu.memory_space<hbm>>, %arg3: memref<320000xf32, #tpu.memory_space<hbm>>, %arg4: memref<2x10112x128xf32, #tpu.memory_space<hbm>>, %arg5: memref<80xi32, #tpu.memory_space<vmem>>, %arg6: memref<80xf32, #tpu.memory_space<vmem>>, %arg7: memref<80x128xf32, #tpu.memory_space<vmem>>, %arg8: memref<8x128xf32, #tpu.memory_space<vmem>>, %arg9: memref<10112x128xf32, #tpu.memory_space<vmem_shared>>) attributes {dimension_semantics = [#tpu.dimension_semantics<core_parallel>, #tpu.dimension_semantics<subcore_parallel>], iteration_bounds = array<i64: 2, 16>, scalar_prefetch = 0 : i64, scratch_operands = 5 : i64, tpu.core_type = #tpu.core_type<sc_vector_subcore>, window_params = [{transform_indices = #map}, {transform_indices = #map}, {transform_indices = #map1}]} {
    %mul3A = arith.constant 2 : i32
    %mul3A_0 = arith.muli %arg1, %mul3A : i32
    %add3A = arith.addi %mul3A_0, %arg0 : i32
    %mul3A_1 = arith.constant 632 : i32
    %mul3A_2 = arith.muli %arg1, %mul3A_1 : i32
    %iota3A = tpu.iota {dimensions = array<i32: 0>} : vector<16xi32>
    %eq3A = arith.constant 0 : i32
    %eq3A_3 = vector.broadcast %eq3A : i32 to vector<16xi32>
    %eq3A_4 = arith.cmpi eq, %iota3A, %eq3A_3 : vector<16xi32>
    %jit3A = arith.constant 1.000000e+00 : f32
    %jit3A_5 = arith.constant 0.000000e+00 : f32
    %broadcast_in_dim3A = vector.broadcast %jit3A : f32 to vector<16xf32>
    %broadcast_in_dim3A_6 = vector.broadcast %jit3A_5 : f32 to vector<16xf32>
    %select_n3A = arith.select %eq3A_4, %broadcast_in_dim3A, %broadcast_in_dim3A_6 : vector<16xi1>, vector<16xf32>
    %broadcast_in_dim3A_7 = arith.constant 0.000000e+00 : f32
    %broadcast_in_dim3A_8 = vector.broadcast %broadcast_in_dim3A_7 : f32 to vector<16xf32>
    %swap3A = arith.constant 0 : i32
    %swap3A_9 = arith.index_cast %swap3A : i32 to index
    %swap3A_10 = arith.constant 0 : index
    %swap3A_11 = tpu.vector_load %arg8[%swap3A_9, %swap3A_10] {strides = array<i32>} : memref<8x128xf32, #tpu.memory_space<vmem>>, vector<16xf32>,
    tpu.vector_store %arg8[%swap3A_9, %swap3A_10], %broadcast_in_dim3A_8 {strides = array<i32>} : memref<8x128xf32, #tpu.memory_space<vmem>>, vector<16xf32>,
    %broadcast_in_dim3A_12 = arith.constant 0.000000e+00 : f32
    %broadcast_in_dim3A_13 = vector.broadcast %broadcast_in_dim3A_12 : f32 to vector<16xf32>
    %swap3A_14 = arith.constant 0 : i32
    %swap3A_15 = arith.index_cast %swap3A_14 : i32 to index
    %swap3A_16 = arith.constant 16 : index
    %swap3A_17 = tpu.vector_load %arg8[%swap3A_15, %swap3A_16] {strides = array<i32>} : memref<8x128xf32, #tpu.memory_space<vmem>>, vector<16xf32>,
    tpu.vector_store %arg8[%swap3A_15, %swap3A_16], %broadcast_in_dim3A_13 {strides = array<i32>} : memref<8x128xf32, #tpu.memory_space<vmem>>, vector<16xf32>,
    %broadcast_in_dim3A_18 = arith.constant 0.000000e+00 : f32
    %broadcast_in_dim3A_19 = vector.broadcast %broadcast_in_dim3A_18 : f32 to vector<16xf32>
    %swap3A_20 = arith.constant 0 : i32
    %swap3A_21 = arith.index_cast %swap3A_20 : i32 to index
    %swap3A_22 = arith.constant 32 : index
    %swap3A_23 = tpu.vector_load %arg8[%swap3A_21, %swap3A_22] {strides = array<i32>} : memref<8x128xf32, #tpu.memory_space<vmem>>, vector<16xf32>,
    tpu.vector_store %arg8[%swap3A_21, %swap3A_22], %broadcast_in_dim3A_19 {strides = array<i32>} : memref<8x128xf32, #tpu.memory_space<vmem>>, vector<16xf32>,
    %broadcast_in_dim3A_24 = arith.constant 0.000000e+00 : f32
    %broadcast_in_dim3A_25 = vector.broadcast %broadcast_in_dim3A_24 : f32 to vector<16xf32>
    %swap3A_26 = arith.constant 0 : i32
    %swap3A_27 = arith.index_cast %swap3A_26 : i32 to index
    %swap3A_28 = arith.constant 48 : index
    %swap3A_29 = tpu.vector_load %arg8[%swap3A_27, %swap3A_28] {strides = array<i32>} : memref<8x128xf32, #tpu.memory_space<vmem>>, vector<16xf32>,
    tpu.vector_store %arg8[%swap3A_27, %swap3A_28], %broadcast_in_dim3A_25 {strides = array<i32>} : memref<8x128xf32, #tpu.memory_space<vmem>>, vector<16xf32>,
    %broadcast_in_dim3A_30 = arith.constant 0.000000e+00 : f32
    %broadcast_in_dim3A_31 = vector.broadcast %broadcast_in_dim3A_30 : f32 to vector<16xf32>
    %swap3A_32 = arith.constant 0 : i32
    %swap3A_33 = arith.index_cast %swap3A_32 : i32 to index
    %swap3A_34 = arith.constant 64 : index
    %swap3A_35 = tpu.vector_load %arg8[%swap3A_33, %swap3A_34] {strides = array<i32>} : memref<8x128xf32, #tpu.memory_space<vmem>>, vector<16xf32>,
    tpu.vector_store %arg8[%swap3A_33, %swap3A_34], %broadcast_in_dim3A_31 {strides = array<i32>} : memref<8x128xf32, #tpu.memory_space<vmem>>, vector<16xf32>,
    %broadcast_in_dim3A_36 = arith.constant 0.000000e+00 : f32
    %broadcast_in_dim3A_37 = vector.broadcast %broadcast_in_dim3A_36 : f32 to vector<16xf32>
    %swap3A_38 = arith.constant 0 : i32
    %swap3A_39 = arith.index_cast %swap3A_38 : i32 to index
    %swap3A_40 = arith.constant 80 : index
    %swap3A_41 = tpu.vector_load %arg8[%swap3A_39, %swap3A_40] {strides = array<i32>} : memref<8x128xf32, #tpu.memory_space<vmem>>, vector<16xf32>,
    tpu.vector_store %arg8[%swap3A_39, %swap3A_40], %broadcast_in_dim3A_37 {strides = array<i32>} : memref<8x128xf32, #tpu.memory_space<vmem>>, vector<16xf32>,
    %broadcast_in_dim3A_42 = arith.constant 0.000000e+00 : f32
    %broadcast_in_dim3A_43 = vector.broadcast %broadcast_in_dim3A_42 : f32 to vector<16xf32>
    %swap3A_44 = arith.constant 0 : i32
    %swap3A_45 = arith.index_cast %swap3A_44 : i32 to index
    %swap3A_46 = arith.constant 96 : index
    %swap3A_47 = tpu.vector_load %arg8[%swap3A_45, %swap3A_46] {strides = array<i32>} : memref<8x128xf32, #tpu.memory_space<vmem>>, vector<16xf32>,
    tpu.vector_store %arg8[%swap3A_45, %swap3A_46], %broadcast_in_dim3A_43 {strides = array<i32>} : memref<8x128xf32, #tpu.memory_space<vmem>>, vector<16xf32>,
    %broadcast_in_dim3A_48 = arith.constant 0.000000e+00 : f32
    %broadcast_in_dim3A_49 = vector.broadcast %broadcast_in_dim3A_48 : f32 to vector<16xf32>
    %swap3A_50 = arith.constant 0 : i32
    %swap3A_51 = arith.index_cast %swap3A_50 : i32 to index
    %swap3A_52 = arith.constant 112 : index
    %swap3A_53 = tpu.vector_load %arg8[%swap3A_51, %swap3A_52] {strides = array<i32>} : memref<8x128xf32, #tpu.memory_space<vmem>>, vector<16xf32>,
    tpu.vector_store %arg8[%swap3A_51, %swap3A_52], %broadcast_in_dim3A_49 {strides = array<i32>} : memref<8x128xf32, #tpu.memory_space<vmem>>, vector<16xf32>,
    %broadcast_in_dim3A_54 = arith.constant 0.000000e+00 : f32
    %broadcast_in_dim3A_55 = vector.broadcast %broadcast_in_dim3A_54 : f32 to vector<16xf32>
    %swap3A_56 = arith.constant 1 : i32
    %swap3A_57 = arith.index_cast %swap3A_56 : i32 to index
    %swap3A_58 = arith.constant 0 : index
    %swap3A_59 = tpu.vector_load %arg8[%swap3A_57, %swap3A_58] {strides = array<i32>} : memref<8x128xf32, #tpu.memory_space<vmem>>, vector<16xf32>,
    tpu.vector_store %arg8[%swap3A_57, %swap3A_58], %broadcast_in_dim3A_55 {strides = array<i32>} : memref<8x128xf32, #tpu.memory_space<vmem>>, vector<16xf32>,
    %broadcast_in_dim3A_60 = arith.constant 0.000000e+00 : f32
    %broadcast_in_dim3A_61 = vector.broadcast %broadcast_in_dim3A_60 : f32 to vector<16xf32>
    %swap3A_62 = arith.constant 1 : i32
    %swap3A_63 = arith.index_cast %swap3A_62 : i32 to index
    %swap3A_64 = arith.constant 16 : index
    %swap3A_65 = tpu.vector_load %arg8[%swap3A_63, %swap3A_64] {strides = array<i32>} : memref<8x128xf32, #tpu.memory_space<vmem>>, vector<16xf32>,
    tpu.vector_store %arg8[%swap3A_63, %swap3A_64], %broadcast_in_dim3A_61 {strides = array<i32>} : memref<8x128xf32, #tpu.memory_space<vmem>>, vector<16xf32>,
    %broadcast_in_dim3A_66 = arith.constant 0.000000e+00 : f32
    %broadcast_in_dim3A_67 = vector.broadcast %broadcast_in_dim3A_66 : f32 to vector<16xf32>
    %swap3A_68 = arith.constant 1 : i32
    %swap3A_69 = arith.index_cast %swap3A_68 : i32 to index
    %swap3A_70 = arith.constant 32 : index
    %swap3A_71 = tpu.vector_load %arg8[%swap3A_69, %swap3A_70] {strides = array<i32>} : memref<8x128xf32, #tpu.memory_space<vmem>>, vector<16xf32>,
    tpu.vector_store %arg8[%swap3A_69, %swap3A_70], %broadcast_in_dim3A_67 {strides = array<i32>} : memref<8x128xf32, #tpu.memory_space<vmem>>, vector<16xf32>,
    %broadcast_in_dim3A_72 = arith.constant 0.000000e+00 : f32
    %broadcast_in_dim3A_73 = vector.broadcast %broadcast_in_dim3A_72 : f32 to vector<16xf32>
    %swap3A_74 = arith.constant 1 : i32
    %swap3A_75 = arith.index_cast %swap3A_74 : i32 to index
    %swap3A_76 = arith.constant 48 : index
    %swap3A_77 = tpu.vector_load %arg8[%swap3A_75, %swap3A_76] {strides = array<i32>} : memref<8x128xf32, #tpu.memory_space<vmem>>, vector<16xf32>,
    tpu.vector_store %arg8[%swap3A_75, %swap3A_76], %broadcast_in_dim3A_73 {strides = array<i32>} : memref<8x128xf32, #tpu.memory_space<vmem>>, vector<16xf32>,
    %broadcast_in_dim3A_78 = arith.constant 0.000000e+00 : f32
    %broadcast_in_dim3A_79 = vector.broadcast %broadcast_in_dim3A_78 : f32 to vector<16xf32>
    %swap3A_80 = arith.constant 1 : i32
    %swap3A_81 = arith.index_cast %swap3A_80 : i32 to index
    %swap3A_82 = arith.constant 64 : index
    %swap3A_83 = tpu.vector_load %arg8[%swap3A_81, %swap3A_82] {strides = array<i32>} : memref<8x128xf32, #tpu.memory_space<vmem>>, vector<16xf32>,
    tpu.vector_store %arg8[%swap3A_81, %swap3A_82], %broadcast_in_dim3A_79 {strides = array<i32>} : memref<8x128xf32, #tpu.memory_space<vmem>>, vector<16xf32>,
    %broadcast_in_dim3A_84 = arith.constant 0.000000e+00 : f32
    %broadcast_in_dim3A_85 = vector.broadcast %broadcast_in_dim3A_84 : f32 to vector<16xf32>
    %swap3A_86 = arith.constant 1 : i32
    %swap3A_87 = arith.index_cast %swap3A_86 : i32 to index
    %swap3A_88 = arith.constant 80 : index
    %swap3A_89 = tpu.vector_load %arg8[%swap3A_87, %swap3A_88] {strides = array<i32>} : memref<8x128xf32, #tpu.memory_space<vmem>>, vector<16xf32>,
    tpu.vector_store %arg8[%swap3A_87, %swap3A_88], %broadcast_in_dim3A_85 {strides = array<i32>} : memref<8x128xf32, #tpu.memory_space<vmem>>, vector<16xf32>,
    %broadcast_in_dim3A_90 = arith.constant 0.000000e+00 : f32
    %broadcast_in_dim3A_91 = vector.broadcast %broadcast_in_dim3A_90 : f32 to vector<16xf32>
    %swap3A_92 = arith.constant 1 : i32
    %swap3A_93 = arith.index_cast %swap3A_92 : i32 to index
    %swap3A_94 = arith.constant 96 : index
    %swap3A_95 = tpu.vector_load %arg8[%swap3A_93, %swap3A_94] {strides = array<i32>} : memref<8x128xf32, #tpu.memory_space<vmem>>, vector<16xf32>,
    tpu.vector_store %arg8[%swap3A_93, %swap3A_94], %broadcast_in_dim3A_91 {strides = array<i32>} : memref<8x128xf32, #tpu.memory_space<vmem>>, vector<16xf32>,
    %broadcast_in_dim3A_96 = arith.constant 0.000000e+00 : f32
    %broadcast_in_dim3A_97 = vector.broadcast %broadcast_in_dim3A_96 : f32 to vector<16xf32>
    %swap3A_98 = arith.constant 1 : i32
    %swap3A_99 = arith.index_cast %swap3A_98 : i32 to index
    %swap3A_100 = arith.constant 112 : index
    %swap3A_101 = tpu.vector_load %arg8[%swap3A_99, %swap3A_100] {strides = array<i32>} : memref<8x128xf32, #tpu.memory_space<vmem>>, vector<16xf32>,
    tpu.vector_store %arg8[%swap3A_99, %swap3A_100], %broadcast_in_dim3A_97 {strides = array<i32>} : memref<8x128xf32, #tpu.memory_space<vmem>>, vector<16xf32>,
    %broadcast_in_dim3A_102 = arith.constant 0.000000e+00 : f32
    %broadcast_in_dim3A_103 = vector.broadcast %broadcast_in_dim3A_102 : f32 to vector<16xf32>
    %swap3A_104 = arith.constant 2 : i32
    %swap3A_105 = arith.index_cast %swap3A_104 : i32 to index
    %swap3A_106 = arith.constant 0 : index
    %swap3A_107 = tpu.vector_load %arg8[%swap3A_105, %swap3A_106] {strides = array<i32>} : memref<8x128xf32, #tpu.memory_space<vmem>>, vector<16xf32>,
    tpu.vector_store %arg8[%swap3A_105, %swap3A_106], %broadcast_in_dim3A_103 {strides = array<i32>} : memref<8x128xf32, #tpu.memory_space<vmem>>, vector<16xf32>,
    %broadcast_in_dim3A_108 = arith.constant 0.000000e+00 : f32
    %broadcast_in_dim3A_109 = vector.broadcast %broadcast_in_dim3A_108 : f32 to vector<16xf32>
    %swap3A_110 = arith.constant 2 : i32
    %swap3A_111 = arith.index_cast %swap3A_110 : i32 to index
    %swap3A_112 = arith.constant 16 : index
    %swap3A_113 = tpu.vector_load %arg8[%swap3A_111, %swap3A_112] {strides = array<i32>} : memref<8x128xf32, #tpu.memory_space<vmem>>, vector<16xf32>,
    tpu.vector_store %arg8[%swap3A_111, %swap3A_112], %broadcast_in_dim3A_109 {strides = array<i32>} : memref<8x128xf32, #tpu.memory_space<vmem>>, vector<16xf32>,
    %broadcast_in_dim3A_114 = arith.constant 0.000000e+00 : f32
    %broadcast_in_dim3A_115 = vector.broadcast %broadcast_in_dim3A_114 : f32 to vector<16xf32>
    %swap3A_116 = arith.constant 2 : i32
    %swap3A_117 = arith.index_cast %swap3A_116 : i32 to index
    %swap3A_118 = arith.constant 32 : index
    %swap3A_119 = tpu.vector_load %arg8[%swap3A_117, %swap3A_118] {strides = array<i32>} : memref<8x128xf32, #tpu.memory_space<vmem>>, vector<16xf32>,
    tpu.vector_store %arg8[%swap3A_117, %swap3A_118], %broadcast_in_dim3A_115 {strides = array<i32>} : memref<8x128xf32, #tpu.memory_space<vmem>>, vector<16xf32>,
    %broadcast_in_dim3A_120 = arith.constant 0.000000e+00 : f32
    %broadcast_in_dim3A_121 = vector.broadcast %broadcast_in_dim3A_120 : f32 to vector<16xf32>
    %swap3A_122 = arith.constant 2 : i32
    %swap3A_123 = arith.index_cast %swap3A_122 : i32 to index
    %swap3A_124 = arith.constant 48 : index
    %swap3A_125 = tpu.vector_load %arg8[%swap3A_123, %swap3A_124] {strides = array<i32>} : memref<8x128xf32, #tpu.memory_space<vmem>>, vector<16xf32>,
    tpu.vector_store %arg8[%swap3A_123, %swap3A_124], %broadcast_in_dim3A_121 {strides = array<i32>} : memref<8x128xf32, #tpu.memory_space<vmem>>, vector<16xf32>,
    %broadcast_in_dim3A_126 = arith.constant 0.000000e+00 : f32
    %broadcast_in_dim3A_127 = vector.broadcast %broadcast_in_dim3A_126 : f32 to vector<16xf32>
    %swap3A_128 = arith.constant 2 : i32
    %swap3A_129 = arith.index_cast %swap3A_128 : i32 to index
    %swap3A_130 = arith.constant 64 : index
    %swap3A_131 = tpu.vector_load %arg8[%swap3A_129, %swap3A_130] {strides = array<i32>} : memref<8x128xf32, #tpu.memory_space<vmem>>, vector<16xf32>,
    tpu.vector_store %arg8[%swap3A_129, %swap3A_130], %broadcast_in_dim3A_127 {strides = array<i32>} : memref<8x128xf32, #tpu.memory_space<vmem>>, vector<16xf32>,
    %broadcast_in_dim3A_132 = arith.constant 0.000000e+00 : f32
    %broadcast_in_dim3A_133 = vector.broadcast %broadcast_in_dim3A_132 : f32 to vector<16xf32>
    %swap3A_134 = arith.constant 2 : i32
    %swap3A_135 = arith.index_cast %swap3A_134 : i32 to index
    %swap3A_136 = arith.constant 80 : index
    %swap3A_137 = tpu.vector_load %arg8[%swap3A_135, %swap3A_136] {strides = array<i32>} : memref<8x128xf32, #tpu.memory_space<vmem>>, vector<16xf32>,
    tpu.vector_store %arg8[%swap3A_135, %swap3A_136], %broadcast_in_dim3A_133 {strides = array<i32>} : memref<8x128xf32, #tpu.memory_space<vmem>>, vector<16xf32>,
    %broadcast_in_dim3A_138 = arith.constant 0.000000e+00 : f32
    %broadcast_in_dim3A_139 = vector.broadcast %broadcast_in_dim3A_138 : f32 to vector<16xf32>
    %swap3A_140 = arith.constant 2 : i32
    %swap3A_141 = arith.index_cast %swap3A_140 : i32 to index
    %swap3A_142 = arith.constant 96 : index
    %swap3A_143 = tpu.vector_load %arg8[%swap3A_141, %swap3A_142] {strides = array<i32>} : memref<8x128xf32, #tpu.memory_space<vmem>>, vector<16xf32>,
    tpu.vector_store %arg8[%swap3A_141, %swap3A_142], %broadcast_in_dim3A_139 {strides = array<i32>} : memref<8x128xf32, #tpu.memory_space<vmem>>, vector<16xf32>,
    %broadcast_in_dim3A_144 = arith.constant 0.000000e+00 : f32
    %broadcast_in_dim3A_145 = vector.broadcast %broadcast_in_dim3A_144 : f32 to vector<16xf32>
    %swap3A_146 = arith.constant 2 : i32
    %swap3A_147 = arith.index_cast %swap3A_146 : i32 to index
    %swap3A_148 = arith.constant 112 : index
    %swap3A_149 = tpu.vector_load %arg8[%swap3A_147, %swap3A_148] {strides = array<i32>} : memref<8x128xf32, #tpu.memory_space<vmem>>, vector<16xf32>,
    tpu.vector_store %arg8[%swap3A_147, %swap3A_148], %broadcast_in_dim3A_145 {strides = array<i32>} : memref<8x128xf32, #tpu.memory_space<vmem>>, vector<16xf32>,
    %broadcast_in_dim3A_150 = arith.constant 0.000000e+00 : f32
    %broadcast_in_dim3A_151 = vector.broadcast %broadcast_in_dim3A_150 : f32 to vector<16xf32>
    %swap3A_152 = arith.constant 3 : i32
    %swap3A_153 = arith.index_cast %swap3A_152 : i32 to index
    %swap3A_154 = arith.constant 0 : index
    %swap3A_155 = tpu.vector_load %arg8[%swap3A_153, %swap3A_154] {strides = array<i32>} : memref<8x128xf32, #tpu.memory_space<vmem>>, vector<16xf32>,
    tpu.vector_store %arg8[%swap3A_153, %swap3A_154], %broadcast_in_dim3A_151 {strides = array<i32>} : memref<8x128xf32, #tpu.memory_space<vmem>>, vector<16xf32>,
    %broadcast_in_dim3A_156 = arith.constant 0.000000e+00 : f32
    %broadcast_in_dim3A_157 = vector.broadcast %broadcast_in_dim3A_156 : f32 to vector<16xf32>
    %swap3A_158 = arith.constant 3 : i32
    %swap3A_159 = arith.index_cast %swap3A_158 : i32 to index
    %swap3A_160 = arith.constant 16 : index
    %swap3A_161 = tpu.vector_load %arg8[%swap3A_159, %swap3A_160] {strides = array<i32>} : memref<8x128xf32, #tpu.memory_space<vmem>>, vector<16xf32>,
    tpu.vector_store %arg8[%swap3A_159, %swap3A_160], %broadcast_in_dim3A_157 {strides = array<i32>} : memref<8x128xf32, #tpu.memory_space<vmem>>, vector<16xf32>,
    %broadcast_in_dim3A_162 = arith.constant 0.000000e+00 : f32
    %broadcast_in_dim3A_163 = vector.broadcast %broadcast_in_dim3A_162 : f32 to vector<16xf32>
    %swap3A_164 = arith.constant 3 : i32
    %swap3A_165 = arith.index_cast %swap3A_164 : i32 to index
    %swap3A_166 = arith.constant 32 : index
    %swap3A_167 = tpu.vector_load %arg8[%swap3A_165, %swap3A_166] {strides = array<i32>} : memref<8x128xf32, #tpu.memory_space<vmem>>, vector<16xf32>,
    tpu.vector_store %arg8[%swap3A_165, %swap3A_166], %broadcast_in_dim3A_163 {strides = array<i32>} : memref<8x128xf32, #tpu.memory_space<vmem>>, vector<16xf32>,
    %broadcast_in_dim3A_168 = arith.constant 0.000000e+00 : f32
    %broadcast_in_dim3A_169 = vector.broadcast %broadcast_in_dim3A_168 : f32 to vector<16xf32>
    %swap3A_170 = arith.constant 3 : i32
    %swap3A_171 = arith.index_cast %swap3A_170 : i32 to index
    %swap3A_172 = arith.constant 48 : index
    %swap3A_173 = tpu.vector_load %arg8[%swap3A_171, %swap3A_172] {strides = array<i32>} : memref<8x128xf32, #tpu.memory_space<vmem>>, vector<16xf32>,
    tpu.vector_store %arg8[%swap3A_171, %swap3A_172], %broadcast_in_dim3A_169 {strides = array<i32>} : memref<8x128xf32, #tpu.memory_space<vmem>>, vector<16xf32>,
    %broadcast_in_dim3A_174 = arith.constant 0.000000e+00 : f32
    %broadcast_in_dim3A_175 = vector.broadcast %broadcast_in_dim3A_174 : f32 to vector<16xf32>
    %swap3A_176 = arith.constant 3 : i32
    %swap3A_177 = arith.index_cast %swap3A_176 : i32 to index
    %swap3A_178 = arith.constant 64 : index
    %swap3A_179 = tpu.vector_load %arg8[%swap3A_177, %swap3A_178] {strides = array<i32>} : memref<8x128xf32, #tpu.memory_space<vmem>>, vector<16xf32>,
    tpu.vector_store %arg8[%swap3A_177, %swap3A_178], %broadcast_in_dim3A_175 {strides = array<i32>} : memref<8x128xf32, #tpu.memory_space<vmem>>, vector<16xf32>,
    %broadcast_in_dim3A_180 = arith.constant 0.000000e+00 : f32
    %broadcast_in_dim3A_181 = vector.broadcast %broadcast_in_dim3A_180 : f32 to vector<16xf32>
    %swap3A_182 = arith.constant 3 : i32
    %swap3A_183 = arith.index_cast %swap3A_182 : i32 to index
    %swap3A_184 = arith.constant 80 : index
    %swap3A_185 = tpu.vector_load %arg8[%swap3A_183, %swap3A_184] {strides = array<i32>} : memref<8x128xf32, #tpu.memory_space<vmem>>, vector<16xf32>,
    tpu.vector_store %arg8[%swap3A_183, %swap3A_184], %broadcast_in_dim3A_181 {strides = array<i32>} : memref<8x128xf32, #tpu.memory_space<vmem>>, vector<16xf32>,
    %broadcast_in_dim3A_186 = arith.constant 0.000000e+00 : f32
    %broadcast_in_dim3A_187 = vector.broadcast %broadcast_in_dim3A_186 : f32 to vector<16xf32>
    %swap3A_188 = arith.constant 3 : i32
    %swap3A_189 = arith.index_cast %swap3A_188 : i32 to index
    %swap3A_190 = arith.constant 96 : index
    %swap3A_191 = tpu.vector_load %arg8[%swap3A_189, %swap3A_190] {strides = array<i32>} : memref<8x128xf32, #tpu.memory_space<vmem>>, vector<16xf32>,
    tpu.vector_store %arg8[%swap3A_189, %swap3A_190], %broadcast_in_dim3A_187 {strides = array<i32>} : memref<8x128xf32, #tpu.memory_space<vmem>>, vector<16xf32>,
    %broadcast_in_dim3A_192 = arith.constant 0.000000e+00 : f32
    %broadcast_in_dim3A_193 = vector.broadcast %broadcast_in_dim3A_192 : f32 to vector<16xf32>
    %swap3A_194 = arith.constant 3 : i32
    %swap3A_195 = arith.index_cast %swap3A_194 : i32 to index
    %swap3A_196 = arith.constant 112 : index
    %swap3A_197 = tpu.vector_load %arg8[%swap3A_195, %swap3A_196] {strides = array<i32>} : memref<8x128xf32, #tpu.memory_space<vmem>>, vector<16xf32>,
    tpu.vector_store %arg8[%swap3A_195, %swap3A_196], %broadcast_in_dim3A_193 {strides = array<i32>} : memref<8x128xf32, #tpu.memory_space<vmem>>, vector<16xf32>,
    %broadcast_in_dim3A_198 = arith.constant 0.000000e+00 : f32
    %broadcast_in_dim3A_199 = vector.broadcast %broadcast_in_dim3A_198 : f32 to vector<16xf32>
    %swap3A_200 = arith.constant 4 : i32
    %swap3A_201 = arith.index_cast %swap3A_200 : i32 to index
    %swap3A_202 = arith.constant 0 : index
    %swap3A_203 = tpu.vector_load %arg8[%swap3A_201, %swap3A_202] {strides = array<i32>} : memref<8x128xf32, #tpu.memory_space<vmem>>, vector<16xf32>,
    tpu.vector_store %arg8[%swap3A_201, %swap3A_202], %broadcast_in_dim3A_199 {strides = array<i32>} : memref<8x128xf32, #tpu.memory_space<vmem>>, vector<16xf32>,
    %broadcast_in_dim3A_204 = arith.constant 0.000000e+00 : f32
    %broadcast_in_dim3A_205 = vector.broadcast %broadcast_in_dim3A_204 : f32 to vector<16xf32>
    %swap3A_206 = arith.constant 4 : i32
    %swap3A_207 = arith.index_cast %swap3A_206 : i32 to index
    %swap3A_208 = arith.constant 16 : index
    %swap3A_209 = tpu.vector_load %arg8[%swap3A_207, %swap3A_208] {strides = array<i32>} : memref<8x128xf32, #tpu.memory_space<vmem>>, vector<16xf32>,
    tpu.vector_store %arg8[%swap3A_207, %swap3A_208], %broadcast_in_dim3A_205 {strides = array<i32>} : memref<8x128xf32, #tpu.memory_space<vmem>>, vector<16xf32>,
    %broadcast_in_dim3A_210 = arith.constant 0.000000e+00 : f32
    %broadcast_in_dim3A_211 = vector.broadcast %broadcast_in_dim3A_210 : f32 to vector<16xf32>
    %swap3A_212 = arith.constant 4 : i32
    %swap3A_213 = arith.index_cast %swap3A_212 : i32 to index
    %swap3A_214 = arith.constant 32 : index
    %swap3A_215 = tpu.vector_load %arg8[%swap3A_213, %swap3A_214] {strides = array<i32>} : memref<8x128xf32, #tpu.memory_space<vmem>>, vector<16xf32>,
    tpu.vector_store %arg8[%swap3A_213, %swap3A_214], %broadcast_in_dim3A_211 {strides = array<i32>} : memref<8x128xf32, #tpu.memory_space<vmem>>, vector<16xf32>,
    %broadcast_in_dim3A_216 = arith.constant 0.000000e+00 : f32
    %broadcast_in_dim3A_217 = vector.broadcast %broadcast_in_dim3A_216 : f32 to vector<16xf32>
    %swap3A_218 = arith.constant 4 : i32
    %swap3A_219 = arith.index_cast %swap3A_218 : i32 to index
    %swap3A_220 = arith.constant 48 : index
    %swap3A_221 = tpu.vector_load %arg8[%swap3A_219, %swap3A_220] {strides = array<i32>} : memref<8x128xf32, #tpu.memory_space<vmem>>, vector<16xf32>,
    tpu.vector_store %arg8[%swap3A_219, %swap3A_220], %broadcast_in_dim3A_217 {strides = array<i32>} : memref<8x128xf32, #tpu.memory_space<vmem>>, vector<16xf32>,
    %broadcast_in_dim3A_222 = arith.constant 0.000000e+00 : f32
    %broadcast_in_dim3A_223 = vector.broadcast %broadcast_in_dim3A_222 : f32 to vector<16xf32>
    %swap3A_224 = arith.constant 4 : i32
    %swap3A_225 = arith.index_cast %swap3A_224 : i32 to index
    %swap3A_226 = arith.constant 64 : index
    %swap3A_227 = tpu.vector_load %arg8[%swap3A_225, %swap3A_226] {strides = array<i32>} : memref<8x128xf32, #tpu.memory_space<vmem>>, vector<16xf32>,
    tpu.vector_store %arg8[%swap3A_225, %swap3A_226], %broadcast_in_dim3A_223 {strides = array<i32>} : memref<8x128xf32, #tpu.memory_space<vmem>>, vector<16xf32>,
    %broadcast_in_dim3A_228 = arith.constant 0.000000e+00 : f32
    %broadcast_in_dim3A_229 = vector.broadcast %broadcast_in_dim3A_228 : f32 to vector<16xf32>
    %swap3A_230 = arith.constant 4 : i32
    %swap3A_231 = arith.index_cast %swap3A_230 : i32 to index
    %swap3A_232 = arith.constant 80 : index
    %swap3A_233 = tpu.vector_load %arg8[%swap3A_231, %swap3A_232] {strides = array<i32>} : memref<8x128xf32, #tpu.memory_space<vmem>>, vector<16xf32>,
    tpu.vector_store %arg8[%swap3A_231, %swap3A_232], %broadcast_in_dim3A_229 {strides = array<i32>} : memref<8x128xf32, #tpu.memory_space<vmem>>, vector<16xf32>,
    %broadcast_in_dim3A_234 = arith.constant 0.000000e+00 : f32
    %broadcast_in_dim3A_235 = vector.broadcast %broadcast_in_dim3A_234 : f32 to vector<16xf32>
    %swap3A_236 = arith.constant 4 : i32
    %swap3A_237 = arith.index_cast %swap3A_236 : i32 to index
    %swap3A_238 = arith.constant 96 : index
    %swap3A_239 = tpu.vector_load %arg8[%swap3A_237, %swap3A_238] {strides = array<i32>} : memref<8x128xf32, #tpu.memory_space<vmem>>, vector<16xf32>,
    tpu.vector_store %arg8[%swap3A_237, %swap3A_238], %broadcast_in_dim3A_235 {strides = array<i32>} : memref<8x128xf32, #tpu.memory_space<vmem>>, vector<16xf32>,
    %broadcast_in_dim3A_240 = arith.constant 0.000000e+00 : f32
    %broadcast_in_dim3A_241 = vector.broadcast %broadcast_in_dim3A_240 : f32 to vector<16xf32>
    %swap3A_242 = arith.constant 4 : i32
    %swap3A_243 = arith.index_cast %swap3A_242 : i32 to index
    %swap3A_244 = arith.constant 112 : index
    %swap3A_245 = tpu.vector_load %arg8[%swap3A_243, %swap3A_244] {strides = array<i32>} : memref<8x128xf32, #tpu.memory_space<vmem>>, vector<16xf32>,
    tpu.vector_store %arg8[%swap3A_243, %swap3A_244], %broadcast_in_dim3A_241 {strides = array<i32>} : memref<8x128xf32, #tpu.memory_space<vmem>>, vector<16xf32>,
    %broadcast_in_dim3A_246 = arith.constant 0.000000e+00 : f32
    %broadcast_in_dim3A_247 = vector.broadcast %broadcast_in_dim3A_246 : f32 to vector<16xf32>
    %swap3A_248 = arith.constant 5 : i32
    %swap3A_249 = arith.index_cast %swap3A_248 : i32 to index
    %swap3A_250 = arith.constant 0 : index
    %swap3A_251 = tpu.vector_load %arg8[%swap3A_249, %swap3A_250] {strides = array<i32>} : memref<8x128xf32, #tpu.memory_space<vmem>>, vector<16xf32>,
    tpu.vector_store %arg8[%swap3A_249, %swap3A_250], %broadcast_in_dim3A_247 {strides = array<i32>} : memref<8x128xf32, #tpu.memory_space<vmem>>, vector<16xf32>,
    %broadcast_in_dim3A_252 = arith.constant 0.000000e+00 : f32
    %broadcast_in_dim3A_253 = vector.broadcast %broadcast_in_dim3A_252 : f32 to vector<16xf32>
    %swap3A_254 = arith.constant 5 : i32
    %swap3A_255 = arith.index_cast %swap3A_254 : i32 to index
    %swap3A_256 = arith.constant 16 : index
    %swap3A_257 = tpu.vector_load %arg8[%swap3A_255, %swap3A_256] {strides = array<i32>} : memref<8x128xf32, #tpu.memory_space<vmem>>, vector<16xf32>,
    tpu.vector_store %arg8[%swap3A_255, %swap3A_256], %broadcast_in_dim3A_253 {strides = array<i32>} : memref<8x128xf32, #tpu.memory_space<vmem>>, vector<16xf32>,
    %broadcast_in_dim3A_258 = arith.constant 0.000000e+00 : f32
    %broadcast_in_dim3A_259 = vector.broadcast %broadcast_in_dim3A_258 : f32 to vector<16xf32>
    %swap3A_260 = arith.constant 5 : i32
    %swap3A_261 = arith.index_cast %swap3A_260 : i32 to index
    %swap3A_262 = arith.constant 32 : index
    %swap3A_263 = tpu.vector_load %arg8[%swap3A_261, %swap3A_262] {strides = array<i32>} : memref<8x128xf32, #tpu.memory_space<vmem>>, vector<16xf32>,
    tpu.vector_store %arg8[%swap3A_261, %swap3A_262], %broadcast_in_dim3A_259 {strides = array<i32>} : memref<8x128xf32, #tpu.memory_space<vmem>>, vector<16xf32>,
    %broadcast_in_dim3A_264 = arith.constant 0.000000e+00 : f32
    %broadcast_in_dim3A_265 = vector.broadcast %broadcast_in_dim3A_264 : f32 to vector<16xf32>
    %swap3A_266 = arith.constant 5 : i32
    %swap3A_267 = arith.index_cast %swap3A_266 : i32 to index
    %swap3A_268 = arith.constant 48 : index
    %swap3A_269 = tpu.vector_load %arg8[%swap3A_267, %swap3A_268] {strides = array<i32>} : memref<8x128xf32, #tpu.memory_space<vmem>>, vector<16xf32>,
    tpu.vector_store %arg8[%swap3A_267, %swap3A_268], %broadcast_in_dim3A_265 {strides = array<i32>} : memref<8x128xf32, #tpu.memory_space<vmem>>, vector<16xf32>,
    %broadcast_in_dim3A_270 = arith.constant 0.000000e+00 : f32
    %broadcast_in_dim3A_271 = vector.broadcast %broadcast_in_dim3A_270 : f32 to vector<16xf32>
    %swap3A_272 = arith.constant 5 : i32
    %swap3A_273 = arith.index_cast %swap3A_272 : i32 to index
    %swap3A_274 = arith.constant 64 : index
    %swap3A_275 = tpu.vector_load %arg8[%swap3A_273, %swap3A_274] {strides = array<i32>} : memref<8x128xf32, #tpu.memory_space<vmem>>, vector<16xf32>,
    tpu.vector_store %arg8[%swap3A_273, %swap3A_274], %broadcast_in_dim3A_271 {strides = array<i32>} : memref<8x128xf32, #tpu.memory_space<vmem>>, vector<16xf32>,
    %broadcast_in_dim3A_276 = arith.constant 0.000000e+00 : f32
    %broadcast_in_dim3A_277 = vector.broadcast %broadcast_in_dim3A_276 : f32 to vector<16xf32>
    %swap3A_278 = arith.constant 5 : i32
    %swap3A_279 = arith.index_cast %swap3A_278 : i32 to index
    %swap3A_280 = arith.constant 80 : index
    %swap3A_281 = tpu.vector_load %arg8[%swap3A_279, %swap3A_280] {strides = array<i32>} : memref<8x128xf32, #tpu.memory_space<vmem>>, vector<16xf32>,
    tpu.vector_store %arg8[%swap3A_279, %swap3A_280], %broadcast_in_dim3A_277 {strides = array<i32>} : memref<8x128xf32, #tpu.memory_space<vmem>>, vector<16xf32>,
    %broadcast_in_dim3A_282 = arith.constant 0.000000e+00 : f32
    %broadcast_in_dim3A_283 = vector.broadcast %broadcast_in_dim3A_282 : f32 to vector<16xf32>
    %swap3A_284 = arith.constant 5 : i32
    %swap3A_285 = arith.index_cast %swap3A_284 : i32 to index
    %swap3A_286 = arith.constant 96 : index
    %swap3A_287 = tpu.vector_load %arg8[%swap3A_285, %swap3A_286] {strides = array<i32>} : memref<8x128xf32, #tpu.memory_space<vmem>>, vector<16xf32>,
    tpu.vector_store %arg8[%swap3A_285, %swap3A_286], %broadcast_in_dim3A_283 {strides = array<i32>} : memref<8x128xf32, #tpu.memory_space<vmem>>, vector<16xf32>,
    %broadcast_in_dim3A_288 = arith.constant 0.000000e+00 : f32
    %broadcast_in_dim3A_289 = vector.broadcast %broadcast_in_dim3A_288 : f32 to vector<16xf32>
    %swap3A_290 = arith.constant 5 : i32
    %swap3A_291 = arith.index_cast %swap3A_290 : i32 to index
    %swap3A_292 = arith.constant 112 : index
    %swap3A_293 = tpu.vector_load %arg8[%swap3A_291, %swap3A_292] {strides = array<i32>} : memref<8x128xf32, #tpu.memory_space<vmem>>, vector<16xf32>,
    tpu.vector_store %arg8[%swap3A_291, %swap3A_292], %broadcast_in_dim3A_289 {strides = array<i32>} : memref<8x128xf32, #tpu.memory_space<vmem>>, vector<16xf32>,
    %broadcast_in_dim3A_294 = arith.constant 0.000000e+00 : f32
    %broadcast_in_dim3A_295 = vector.broadcast %broadcast_in_dim3A_294 : f32 to vector<16xf32>
    %swap3A_296 = arith.constant 6 : i32
    %swap3A_297 = arith.index_cast %swap3A_296 : i32 to index
    %swap3A_298 = arith.constant 0 : index
    %swap3A_299 = tpu.vector_load %arg8[%swap3A_297, %swap3A_298] {strides = array<i32>} : memref<8x128xf32, #tpu.memory_space<vmem>>, vector<16xf32>,
    tpu.vector_store %arg8[%swap3A_297, %swap3A_298], %broadcast_in_dim3A_295 {strides = array<i32>} : memref<8x128xf32, #tpu.memory_space<vmem>>, vector<16xf32>,
    %broadcast_in_dim3A_300 = arith.constant 0.000000e+00 : f32
    %broadcast_in_dim3A_301 = vector.broadcast %broadcast_in_dim3A_300 : f32 to vector<16xf32>
    %swap3A_302 = arith.constant 6 : i32
    %swap3A_303 = arith.index_cast %swap3A_302 : i32 to index
    %swap3A_304 = arith.constant 16 : index
    %swap3A_305 = tpu.vector_load %arg8[%swap3A_303, %swap3A_304] {strides = array<i32>} : memref<8x128xf32, #tpu.memory_space<vmem>>, vector<16xf32>,
    tpu.vector_store %arg8[%swap3A_303, %swap3A_304], %broadcast_in_dim3A_301 {strides = array<i32>} : memref<8x128xf32, #tpu.memory_space<vmem>>, vector<16xf32>,
    %broadcast_in_dim3A_306 = arith.constant 0.000000e+00 : f32
    %broadcast_in_dim3A_307 = vector.broadcast %broadcast_in_dim3A_306 : f32 to vector<16xf32>
    %swap3A_308 = arith.constant 6 : i32
    %swap3A_309 = arith.index_cast %swap3A_308 : i32 to index
    %swap3A_310 = arith.constant 32 : index
    %swap3A_311 = tpu.vector_load %arg8[%swap3A_309, %swap3A_310] {strides = array<i32>} : memref<8x128xf32, #tpu.memory_space<vmem>>, vector<16xf32>,
    tpu.vector_store %arg8[%swap3A_309, %swap3A_310], %broadcast_in_dim3A_307 {strides = array<i32>} : memref<8x128xf32, #tpu.memory_space<vmem>>, vector<16xf32>,
    %broadcast_in_dim3A_312 = arith.constant 0.000000e+00 : f32
    %broadcast_in_dim3A_313 = vector.broadcast %broadcast_in_dim3A_312 : f32 to vector<16xf32>
    %swap3A_314 = arith.constant 6 : i32
    %swap3A_315 = arith.index_cast %swap3A_314 : i32 to index
    %swap3A_316 = arith.constant 48 : index
    %swap3A_317 = tpu.vector_load %arg8[%swap3A_315, %swap3A_316] {strides = array<i32>} : memref<8x128xf32, #tpu.memory_space<vmem>>, vector<16xf32>,
    tpu.vector_store %arg8[%swap3A_315, %swap3A_316], %broadcast_in_dim3A_313 {strides = array<i32>} : memref<8x128xf32, #tpu.memory_space<vmem>>, vector<16xf32>,
    %broadcast_in_dim3A_318 = arith.constant 0.000000e+00 : f32
    %broadcast_in_dim3A_319 = vector.broadcast %broadcast_in_dim3A_318 : f32 to vector<16xf32>
    %swap3A_320 = arith.constant 6 : i32
    %swap3A_321 = arith.index_cast %swap3A_320 : i32 to index
    %swap3A_322 = arith.constant 64 : index
    %swap3A_323 = tpu.vector_load %arg8[%swap3A_321, %swap3A_322] {strides = array<i32>} : memref<8x128xf32, #tpu.memory_space<vmem>>, vector<16xf32>,
    tpu.vector_store %arg8[%swap3A_321, %swap3A_322], %broadcast_in_dim3A_319 {strides = array<i32>} : memref<8x128xf32, #tpu.memory_space<vmem>>, vector<16xf32>,
    %broadcast_in_dim3A_324 = arith.constant 0.000000e+00 : f32
    %broadcast_in_dim3A_325 = vector.broadcast %broadcast_in_dim3A_324 : f32 to vector<16xf32>
    %swap3A_326 = arith.constant 6 : i32
    %swap3A_327 = arith.index_cast %swap3A_326 : i32 to index
    %swap3A_328 = arith.constant 80 : index
    %swap3A_329 = tpu.vector_load %arg8[%swap3A_327, %swap3A_328] {strides = array<i32>} : memref<8x128xf32, #tpu.memory_space<vmem>>, vector<16xf32>,
    tpu.vector_store %arg8[%swap3A_327, %swap3A_328], %broadcast_in_dim3A_325 {strides = array<i32>} : memref<8x128xf32, #tpu.memory_space<vmem>>, vector<16xf32>,
    %broadcast_in_dim3A_330 = arith.constant 0.000000e+00 : f32
    %broadcast_in_dim3A_331 = vector.broadcast %broadcast_in_dim3A_330 : f32 to vector<16xf32>
    %swap3A_332 = arith.constant 6 : i32
    %swap3A_333 = arith.index_cast %swap3A_332 : i32 to index
    %swap3A_334 = arith.constant 96 : index
    %swap3A_335 = tpu.vector_load %arg8[%swap3A_333, %swap3A_334] {strides = array<i32>} : memref<8x128xf32, #tpu.memory_space<vmem>>, vector<16xf32>,
    tpu.vector_store %arg8[%swap3A_333, %swap3A_334], %broadcast_in_dim3A_331 {strides = array<i32>} : memref<8x128xf32, #tpu.memory_space<vmem>>, vector<16xf32>,
    %broadcast_in_dim3A_336 = arith.constant 0.000000e+00 : f32
    %broadcast_in_dim3A_337 = vector.broadcast %broadcast_in_dim3A_336 : f32 to vector<16xf32>
    %swap3A_338 = arith.constant 6 : i32
    %swap3A_339 = arith.index_cast %swap3A_338 : i32 to index
    %swap3A_340 = arith.constant 112 : index
    %swap3A_341 = tpu.vector_load %arg8[%swap3A_339, %swap3A_340] {strides = array<i32>} : memref<8x128xf32, #tpu.memory_space<vmem>>, vector<16xf32>,
    tpu.vector_store %arg8[%swap3A_339, %swap3A_340], %broadcast_in_dim3A_337 {strides = array<i32>} : memref<8x128xf32, #tpu.memory_space<vmem>>, vector<16xf32>,
    %broadcast_in_dim3A_342 = arith.constant 0.000000e+00 : f32
    %broadcast_in_dim3A_343 = vector.broadcast %broadcast_in_dim3A_342 : f32 to vector<16xf32>
    %swap3A_344 = arith.constant 7 : i32
    %swap3A_345 = arith.index_cast %swap3A_344 : i32 to index
    %swap3A_346 = arith.constant 0 : index
    %swap3A_347 = tpu.vector_load %arg8[%swap3A_345, %swap3A_346] {strides = array<i32>} : memref<8x128xf32, #tpu.memory_space<vmem>>, vector<16xf32>,
    tpu.vector_store %arg8[%swap3A_345, %swap3A_346], %broadcast_in_dim3A_343 {strides = array<i32>} : memref<8x128xf32, #tpu.memory_space<vmem>>, vector<16xf32>,
    %broadcast_in_dim3A_348 = arith.constant 0.000000e+00 : f32
    %broadcast_in_dim3A_349 = vector.broadcast %broadcast_in_dim3A_348 : f32 to vector<16xf32>
    %swap3A_350 = arith.constant 7 : i32
    %swap3A_351 = arith.index_cast %swap3A_350 : i32 to index
    %swap3A_352 = arith.constant 16 : index
    %swap3A_353 = tpu.vector_load %arg8[%swap3A_351, %swap3A_352] {strides = array<i32>} : memref<8x128xf32, #tpu.memory_space<vmem>>, vector<16xf32>,
    tpu.vector_store %arg8[%swap3A_351, %swap3A_352], %broadcast_in_dim3A_349 {strides = array<i32>} : memref<8x128xf32, #tpu.memory_space<vmem>>, vector<16xf32>,
    %broadcast_in_dim3A_354 = arith.constant 0.000000e+00 : f32
    %broadcast_in_dim3A_355 = vector.broadcast %broadcast_in_dim3A_354 : f32 to vector<16xf32>
    %swap3A_356 = arith.constant 7 : i32
    %swap3A_357 = arith.index_cast %swap3A_356 : i32 to index
    %swap3A_358 = arith.constant 32 : index
    %swap3A_359 = tpu.vector_load %arg8[%swap3A_357, %swap3A_358] {strides = array<i32>} : memref<8x128xf32, #tpu.memory_space<vmem>>, vector<16xf32>,
    tpu.vector_store %arg8[%swap3A_357, %swap3A_358], %broadcast_in_dim3A_355 {strides = array<i32>} : memref<8x128xf32, #tpu.memory_space<vmem>>, vector<16xf32>,
    %broadcast_in_dim3A_360 = arith.constant 0.000000e+00 : f32
    %broadcast_in_dim3A_361 = vector.broadcast %broadcast_in_dim3A_360 : f32 to vector<16xf32>
    %swap3A_362 = arith.constant 7 : i32
    %swap3A_363 = arith.index_cast %swap3A_362 : i32 to index
    %swap3A_364 = arith.constant 48 : index
    %swap3A_365 = tpu.vector_load %arg8[%swap3A_363, %swap3A_364] {strides = array<i32>} : memref<8x128xf32, #tpu.memory_space<vmem>>, vector<16xf32>,
    tpu.vector_store %arg8[%swap3A_363, %swap3A_364], %broadcast_in_dim3A_361 {strides = array<i32>} : memref<8x128xf32, #tpu.memory_space<vmem>>, vector<16xf32>,
    %broadcast_in_dim3A_366 = arith.constant 0.000000e+00 : f32
    %broadcast_in_dim3A_367 = vector.broadcast %broadcast_in_dim3A_366 : f32 to vector<16xf32>
    %swap3A_368 = arith.constant 7 : i32
    %swap3A_369 = arith.index_cast %swap3A_368 : i32 to index
    %swap3A_370 = arith.constant 64 : index
    %swap3A_371 = tpu.vector_load %arg8[%swap3A_369, %swap3A_370] {strides = array<i32>} : memref<8x128xf32, #tpu.memory_space<vmem>>, vector<16xf32>,
    tpu.vector_store %arg8[%swap3A_369, %swap3A_370], %broadcast_in_dim3A_367 {strides = array<i32>} : memref<8x128xf32, #tpu.memory_space<vmem>>, vector<16xf32>,
    %broadcast_in_dim3A_372 = arith.constant 0.000000e+00 : f32
    %broadcast_in_dim3A_373 = vector.broadcast %broadcast_in_dim3A_372 : f32 to vector<16xf32>
    %swap3A_374 = arith.constant 7 : i32
    %swap3A_375 = arith.index_cast %swap3A_374 : i32 to index
    %swap3A_376 = arith.constant 80 : index
    %swap3A_377 = tpu.vector_load %arg8[%swap3A_375, %swap3A_376] {strides = array<i32>} : memref<8x128xf32, #tpu.memory_space<vmem>>, vector<16xf32>,
    tpu.vector_store %arg8[%swap3A_375, %swap3A_376], %broadcast_in_dim3A_373 {strides = array<i32>} : memref<8x128xf32, #tpu.memory_space<vmem>>, vector<16xf32>,
    %broadcast_in_dim3A_378 = arith.constant 0.000000e+00 : f32
    %broadcast_in_dim3A_379 = vector.broadcast %broadcast_in_dim3A_378 : f32 to vector<16xf32>
    %swap3A_380 = arith.constant 7 : i32
    %swap3A_381 = arith.index_cast %swap3A_380 : i32 to index
    %swap3A_382 = arith.constant 96 : index
    %swap3A_383 = tpu.vector_load %arg8[%swap3A_381, %swap3A_382] {strides = array<i32>} : memref<8x128xf32, #tpu.memory_space<vmem>>, vector<16xf32>,
    tpu.vector_store %arg8[%swap3A_381, %swap3A_382], %broadcast_in_dim3A_379 {strides = array<i32>} : memref<8x128xf32, #tpu.memory_space<vmem>>, vector<16xf32>,
    %broadcast_in_dim3A_384 = arith.constant 0.000000e+00 : f32
    %broadcast_in_dim3A_385 = vector.broadcast %broadcast_in_dim3A_384 : f32 to vector<16xf32>
    %swap3A_386 = arith.constant 7 : i32
    %swap3A_387 = arith.index_cast %swap3A_386 : i32 to index
    %swap3A_388 = arith.constant 112 : index
    %swap3A_389 = tpu.vector_load %arg8[%swap3A_387, %swap3A_388] {strides = array<i32>} : memref<8x128xf32, #tpu.memory_space<vmem>>, vector<16xf32>,
    tpu.vector_store %arg8[%swap3A_387, %swap3A_388], %broadcast_in_dim3A_385 {strides = array<i32>} : memref<8x128xf32, #tpu.memory_space<vmem>>, vector<16xf32>,
    %scan3A = arith.constant 0 : i32
    %scan3A_390 = arith.constant 80 : i32
    %scan3A_391 = arith.addi %scan3A, %scan3A_390 : i32
    %scan3A_392 = arith.constant 1 : i32
    scf.for %scan3A_405 = %scan3A to %scan3A_391 step %scan3A_392  : i32 {
      %mul3A_406 = arith.constant 1 : i32
      %mul3A_407 = arith.muli %scan3A_405, %mul3A_406 : i32
      %add3A_408 = arith.constant 0 : i32
      %add3A_409 = arith.addi %add3A_408, %mul3A_407 : i32
      %broadcast_in_dim3A_410 = arith.constant 0.000000e+00 : f32
      %broadcast_in_dim3A_411 = vector.broadcast %broadcast_in_dim3A_410 : f32 to vector<16xf32>
      %swap3A_412 = arith.index_cast %add3A_409 : i32 to index
      %swap3A_413 = arith.constant 0 : index
      %swap3A_414 = tpu.vector_load %arg7[%swap3A_412, %swap3A_413] {strides = array<i32>} : memref<80x128xf32, #tpu.memory_space<vmem>>, vector<16xf32>,
      tpu.vector_store %arg7[%swap3A_412, %swap3A_413], %broadcast_in_dim3A_411 {strides = array<i32>} : memref<80x128xf32, #tpu.memory_space<vmem>>, vector<16xf32>,
      %broadcast_in_dim3A_415 = arith.constant 0.000000e+00 : f32
      %broadcast_in_dim3A_416 = vector.broadcast %broadcast_in_dim3A_415 : f32 to vector<16xf32>
      %swap3A_417 = arith.index_cast %add3A_409 : i32 to index
      %swap3A_418 = arith.constant 16 : index
      %swap3A_419 = tpu.vector_load %arg7[%swap3A_417, %swap3A_418] {strides = array<i32>} : memref<80x128xf32, #tpu.memory_space<vmem>>, vector<16xf32>,
      tpu.vector_store %arg7[%swap3A_417, %swap3A_418], %broadcast_in_dim3A_416 {strides = array<i32>} : memref<80x128xf32, #tpu.memory_space<vmem>>, vector<16xf32>,
      %broadcast_in_dim3A_420 = arith.constant 0.000000e+00 : f32
      %broadcast_in_dim3A_421 = vector.broadcast %broadcast_in_dim3A_420 : f32 to vector<16xf32>
      %swap3A_422 = arith.index_cast %add3A_409 : i32 to index
      %swap3A_423 = arith.constant 32 : index
      %swap3A_424 = tpu.vector_load %arg7[%swap3A_422, %swap3A_423] {strides = array<i32>} : memref<80x128xf32, #tpu.memory_space<vmem>>, vector<16xf32>,
      tpu.vector_store %arg7[%swap3A_422, %swap3A_423], %broadcast_in_dim3A_421 {strides = array<i32>} : memref<80x128xf32, #tpu.memory_space<vmem>>, vector<16xf32>,
      %broadcast_in_dim3A_425 = arith.constant 0.000000e+00 : f32
      %broadcast_in_dim3A_426 = vector.broadcast %broadcast_in_dim3A_425 : f32 to vector<16xf32>
      %swap3A_427 = arith.index_cast %add3A_409 : i32 to index
      %swap3A_428 = arith.constant 48 : index
      %swap3A_429 = tpu.vector_load %arg7[%swap3A_427, %swap3A_428] {strides = array<i32>} : memref<80x128xf32, #tpu.memory_space<vmem>>, vector<16xf32>,
      tpu.vector_store %arg7[%swap3A_427, %swap3A_428], %broadcast_in_dim3A_426 {strides = array<i32>} : memref<80x128xf32, #tpu.memory_space<vmem>>, vector<16xf32>,
      %broadcast_in_dim3A_430 = arith.constant 0.000000e+00 : f32
      %broadcast_in_dim3A_431 = vector.broadcast %broadcast_in_dim3A_430 : f32 to vector<16xf32>
      %swap3A_432 = arith.index_cast %add3A_409 : i32 to index
      %swap3A_433 = arith.constant 64 : index
      %swap3A_434 = tpu.vector_load %arg7[%swap3A_432, %swap3A_433] {strides = array<i32>} : memref<80x128xf32, #tpu.memory_space<vmem>>, vector<16xf32>,
      tpu.vector_store %arg7[%swap3A_432, %swap3A_433], %broadcast_in_dim3A_431 {strides = array<i32>} : memref<80x128xf32, #tpu.memory_space<vmem>>, vector<16xf32>,
      %broadcast_in_dim3A_435 = arith.constant 0.000000e+00 : f32
      %broadcast_in_dim3A_436 = vector.broadcast %broadcast_in_dim3A_435 : f32 to vector<16xf32>
      %swap3A_437 = arith.index_cast %add3A_409 : i32 to index
      %swap3A_438 = arith.constant 80 : index
      %swap3A_439 = tpu.vector_load %arg7[%swap3A_437, %swap3A_438] {strides = array<i32>} : memref<80x128xf32, #tpu.memory_space<vmem>>, vector<16xf32>,
      tpu.vector_store %arg7[%swap3A_437, %swap3A_438], %broadcast_in_dim3A_436 {strides = array<i32>} : memref<80x128xf32, #tpu.memory_space<vmem>>, vector<16xf32>,
      %broadcast_in_dim3A_440 = arith.constant 0.000000e+00 : f32
      %broadcast_in_dim3A_441 = vector.broadcast %broadcast_in_dim3A_440 : f32 to vector<16xf32>
      %swap3A_442 = arith.index_cast %add3A_409 : i32 to index
      %swap3A_443 = arith.constant 96 : index
      %swap3A_444 = tpu.vector_load %arg7[%swap3A_442, %swap3A_443] {strides = array<i32>} : memref<80x128xf32, #tpu.memory_space<vmem>>, vector<16xf32>,
      tpu.vector_store %arg7[%swap3A_442, %swap3A_443], %broadcast_in_dim3A_441 {strides = array<i32>} : memref<80x128xf32, #tpu.memory_space<vmem>>, vector<16xf32>,
      %broadcast_in_dim3A_445 = arith.constant 0.000000e+00 : f32
      %broadcast_in_dim3A_446 = vector.broadcast %broadcast_in_dim3A_445 : f32 to vector<16xf32>
      %swap3A_447 = arith.index_cast %add3A_409 : i32 to index
      %swap3A_448 = arith.constant 112 : index
      %swap3A_449 = tpu.vector_load %arg7[%swap3A_447, %swap3A_448] {strides = array<i32>} : memref<80x128xf32, #tpu.memory_space<vmem>>, vector<16xf32>,
      tpu.vector_store %arg7[%swap3A_447, %swap3A_448], %broadcast_in_dim3A_446 {strides = array<i32>} : memref<80x128xf32, #tpu.memory_space<vmem>>, vector<16xf32>,
    }
    %scan3A_393 = arith.constant 80 : i32
    %scan3A_394 = arith.constant 0 : i32
    %scan3A_395 = arith.constant 79 : i32
    %scan3A_396 = arith.addi %scan3A_394, %scan3A_395 : i32
    %scan3A_397 = arith.constant 1 : i32
    scf.for %scan3A_405 = %scan3A_394 to %scan3A_396 step %scan3A_397  : i32 {
      %mul3A_406 = arith.constant 1 : i32
      %mul3A_407 = arith.muli %scan3A_405, %mul3A_406 : i32
      %add3A_408 = arith.constant 0 : i32
      %add3A_409 = arith.addi %add3A_408, %mul3A_407 : i32
      %mul3A_410 = arith.constant 8 : i32
      %mul3A_411 = arith.muli %add3A_409, %mul3A_410 : i32
      %add3A_412 = arith.addi %mul3A_2, %mul3A_411 : i32
      "tpu.region"() ({
        %run_scoped3A = tpu.sem_alloc : memref<!tpu.dma_semaphore, #tpu.memory_space<semaphore_mem>>
        %dma_start3A = arith.constant 0 : i32
        %dma_start3A_413 = tpu.memref_slice %arg9[%add3A_412, %dma_start3A] : memref<10112x128xf32, #tpu.memory_space<vmem_shared>> -> memref<8x128xf32, #tpu.memory_space<vmem_shared>>
        %dma_start3A_414 = arith.constant 0 : i32
        %dma_start3A_415 = tpu.memref_slice %arg9[%add3A_412, %dma_start3A_414] : memref<10112x128xf32, #tpu.memory_space<vmem_shared>> -> memref<8x128xf32, #tpu.memory_space<vmem_shared>>
        tpu.enqueue_dma source(%arg8 : memref<8x128xf32, #tpu.memory_space<vmem>>) target(%dma_start3A_415 : memref<8x128xf32, #tpu.memory_space<vmem_shared>>) target_semaphore(%run_scoped3A : memref<!tpu.dma_semaphore, #tpu.memory_space<semaphore_mem>>)
        %dma_wait3A = arith.constant 0 : i32
        %dma_wait3A_416 = tpu.memref_slice %arg9[%add3A_412, %dma_wait3A] : memref<10112x128xf32, #tpu.memory_space<vmem_shared>> -> memref<8x128xf32, #tpu.memory_space<vmem_shared>>
        %dma_wait3A_417 = arith.constant 0 : i32
        %dma_wait3A_418 = tpu.memref_slice %arg9[%add3A_412, %dma_wait3A_417] : memref<10112x128xf32, #tpu.memory_space<vmem_shared>> -> memref<8x128xf32, #tpu.memory_space<vmem_shared>>
        tpu.wait_dma2 semaphore(%run_scoped3A : memref<!tpu.dma_semaphore, #tpu.memory_space<semaphore_mem>>) src(%arg8 : memref<8x128xf32, #tpu.memory_space<vmem>>) dst(%dma_wait3A_418 : memref<8x128xf32, #tpu.memory_space<vmem_shared>>)
        tpu.yield
      }) : () -> ()
    }
    %scan3A_398 = arith.constant 79 : i32
    %barrier3A = arith.constant 0 : index
    tpu.barrier barrier_id(%barrier3A)
    %scan3A_399 = arith.constant 0 : i32
    %scan3A_400 = arith.constant 125 : i32
    %scan3A_401 = arith.addi %scan3A_399, %scan3A_400 : i32
    %scan3A_402 = arith.constant 1 : i32
    scf.for %scan3A_405 = %scan3A_399 to %scan3A_401 step %scan3A_402  : i32 {
      %mul3A_406 = arith.constant 1 : i32
      %mul3A_407 = arith.muli %scan3A_405, %mul3A_406 : i32
      %add3A_408 = arith.constant 0 : i32
      %add3A_409 = arith.addi %add3A_408, %mul3A_407 : i32
      %mul3A_410 = arith.constant 10000 : i32
      %mul3A_411 = arith.muli %add3A, %mul3A_410 : i32
      %mul3A_412 = arith.constant 80 : i32
      %mul3A_413 = arith.muli %add3A_409, %mul3A_412 : i32
      %add3A_414 = arith.addi %mul3A_411, %mul3A_413 : i32
      "tpu.region"() ({
        %run_scoped3A = tpu.sem_alloc : memref<!tpu.dma_semaphore, #tpu.memory_space<semaphore_mem>>
        %dma_start3A = tpu.memref_slice %arg2[%add3A_414] : memref<320000xi32, #tpu.memory_space<hbm>> -> memref<80xi32, #tpu.memory_space<hbm>>
        %dma_start3A_420 = tpu.memref_slice %arg2[%add3A_414] : memref<320000xi32, #tpu.memory_space<hbm>> -> memref<80xi32, #tpu.memory_space<hbm>>
        tpu.enqueue_dma source(%dma_start3A_420 : memref<80xi32, #tpu.memory_space<hbm>>) target(%arg5 : memref<80xi32, #tpu.memory_space<vmem>>) target_semaphore(%run_scoped3A : memref<!tpu.dma_semaphore, #tpu.memory_space<semaphore_mem>>)
        %dma_wait3A = tpu.memref_slice %arg2[%add3A_414] : memref<320000xi32, #tpu.memory_space<hbm>> -> memref<80xi32, #tpu.memory_space<hbm>>
        %dma_wait3A_421 = tpu.memref_slice %arg2[%add3A_414] : memref<320000xi32, #tpu.memory_space<hbm>> -> memref<80xi32, #tpu.memory_space<hbm>>
        tpu.wait_dma2 semaphore(%run_scoped3A : memref<!tpu.dma_semaphore, #tpu.memory_space<semaphore_mem>>) src(%dma_wait3A_421 : memref<80xi32, #tpu.memory_space<hbm>>) dst(%arg5 : memref<80xi32, #tpu.memory_space<vmem>>)
        tpu.yield
      }) : () -> ()
      "tpu.region"() ({
        %run_scoped3A = tpu.sem_alloc : memref<!tpu.dma_semaphore, #tpu.memory_space<semaphore_mem>>
        %dma_start3A = tpu.memref_slice %arg3[%add3A_414] : memref<320000xf32, #tpu.memory_space<hbm>> -> memref<80xf32, #tpu.memory_space<hbm>>
        %dma_start3A_420 = tpu.memref_slice %arg3[%add3A_414] : memref<320000xf32, #tpu.memory_space<hbm>> -> memref<80xf32, #tpu.memory_space<hbm>>
        tpu.enqueue_dma source(%dma_start3A_420 : memref<80xf32, #tpu.memory_space<hbm>>) target(%arg6 : memref<80xf32, #tpu.memory_space<vmem>>) target_semaphore(%run_scoped3A : memref<!tpu.dma_semaphore, #tpu.memory_space<semaphore_mem>>)
        %dma_wait3A = tpu.memref_slice %arg3[%add3A_414] : memref<320000xf32, #tpu.memory_space<hbm>> -> memref<80xf32, #tpu.memory_space<hbm>>
        %dma_wait3A_421 = tpu.memref_slice %arg3[%add3A_414] : memref<320000xf32, #tpu.memory_space<hbm>> -> memref<80xf32, #tpu.memory_space<hbm>>
        tpu.wait_dma2 semaphore(%run_scoped3A : memref<!tpu.dma_semaphore, #tpu.memory_space<semaphore_mem>>) src(%dma_wait3A_421 : memref<80xf32, #tpu.memory_space<hbm>>) dst(%arg6 : memref<80xf32, #tpu.memory_space<vmem>>)
        tpu.yield
      }) : () -> ()
      %scan3A_415 = arith.constant 0 : i32
      %scan3A_416 = arith.constant 80 : i32
      %scan3A_417 = arith.addi %scan3A_415, %scan3A_416 : i32
      %scan3A_418 = arith.constant 8 : i32
      scf.for %scan3A_420 = %scan3A_415 to %scan3A_417 step %scan3A_418  : i32 {
        %mul3A_421 = arith.constant 1 : i32
        %mul3A_422 = arith.muli %scan3A_420, %mul3A_421 : i32
        %add3A_423 = arith.constant 0 : i32
        %add3A_424 = arith.addi %add3A_423, %mul3A_422 : i32
        %broadcast_in_dim3A_425 = vector.broadcast %add3A_424 : i32 to vector<16xi32>
        %gather3A = tpu.vector_load_idx %arg6[%broadcast_in_dim3A_425] : memref<80xf32, #tpu.memory_space<vmem>>[vector<16xi32>], vector<16xf32>,
        %mul3A_426 = arith.mulf %gather3A, %select_n3A : vector<16xf32>
        %swap3A_427 = arith.index_cast %add3A_424 : i32 to index
        %swap3A_428 = arith.constant 0 : index
        %swap3A_429 = tpu.vector_load %arg7[%swap3A_427, %swap3A_428] {strides = array<i32>} : memref<80x128xf32, #tpu.memory_space<vmem>>, vector<16xf32>,
        tpu.vector_store %arg7[%swap3A_427, %swap3A_428], %mul3A_426 {strides = array<i32>} : memref<80x128xf32, #tpu.memory_space<vmem>>, vector<16xf32>,
        %scan3A_430 = arith.constant 1 : i32
        %scan3A_431 = arith.addi %scan3A_420, %scan3A_430 : i32
        %mul3A_432 = arith.constant 1 : i32
        %mul3A_433 = arith.muli %scan3A_431, %mul3A_432 : i32
        %add3A_434 = arith.constant 0 : i32
        %add3A_435 = arith.addi %add3A_434, %mul3A_433 : i32
        %broadcast_in_dim3A_436 = vector.broadcast %add3A_435 : i32 to vector<16xi32>
        %gather3A_437 = tpu.vector_load_idx %arg6[%broadcast_in_dim3A_436] : memref<80xf32, #tpu.memory_space<vmem>>[vector<16xi32>], vector<16xf32>,
        %mul3A_438 = arith.mulf %gather3A_437, %select_n3A : vector<16xf32>
        %swap3A_439 = arith.index_cast %add3A_435 : i32 to index
        %swap3A_440 = arith.constant 0 : index
        %swap3A_441 = tpu.vector_load %arg7[%swap3A_439, %swap3A_440] {strides = array<i32>} : memref<80x128xf32, #tpu.memory_space<vmem>>, vector<16xf32>,
        tpu.vector_store %arg7[%swap3A_439, %swap3A_440], %mul3A_438 {strides = array<i32>} : memref<80x128xf32, #tpu.memory_space<vmem>>, vector<16xf32>,
        %scan3A_442 = arith.constant 2 : i32
        %scan3A_443 = arith.addi %scan3A_420, %scan3A_442 : i32
        %mul3A_444 = arith.constant 1 : i32
        %mul3A_445 = arith.muli %scan3A_443, %mul3A_444 : i32
        %add3A_446 = arith.constant 0 : i32
        %add3A_447 = arith.addi %add3A_446, %mul3A_445 : i32
        %broadcast_in_dim3A_448 = vector.broadcast %add3A_447 : i32 to vector<16xi32>
        %gather3A_449 = tpu.vector_load_idx %arg6[%broadcast_in_dim3A_448] : memref<80xf32, #tpu.memory_space<vmem>>[vector<16xi32>], vector<16xf32>,
        %mul3A_450 = arith.mulf %gather3A_449, %select_n3A : vector<16xf32>
        %swap3A_451 = arith.index_cast %add3A_447 : i32 to index
        %swap3A_452 = arith.constant 0 : index
        %swap3A_453 = tpu.vector_load %arg7[%swap3A_451, %swap3A_452] {strides = array<i32>} : memref<80x128xf32, #tpu.memory_space<vmem>>, vector<16xf32>,
        tpu.vector_store %arg7[%swap3A_451, %swap3A_452], %mul3A_450 {strides = array<i32>} : memref<80x128xf32, #tpu.memory_space<vmem>>, vector<16xf32>,
        %scan3A_454 = arith.constant 3 : i32
        %scan3A_455 = arith.addi %scan3A_420, %scan3A_454 : i32
        %mul3A_456 = arith.constant 1 : i32
        %mul3A_457 = arith.muli %scan3A_455, %mul3A_456 : i32
        %add3A_458 = arith.constant 0 : i32
        %add3A_459 = arith.addi %add3A_458, %mul3A_457 : i32
        %broadcast_in_dim3A_460 = vector.broadcast %add3A_459 : i32 to vector<16xi32>
        %gather3A_461 = tpu.vector_load_idx %arg6[%broadcast_in_dim3A_460] : memref<80xf32, #tpu.memory_space<vmem>>[vector<16xi32>], vector<16xf32>,
        %mul3A_462 = arith.mulf %gather3A_461, %select_n3A : vector<16xf32>
        %swap3A_463 = arith.index_cast %add3A_459 : i32 to index
        %swap3A_464 = arith.constant 0 : index
        %swap3A_465 = tpu.vector_load %arg7[%swap3A_463, %swap3A_464] {strides = array<i32>} : memref<80x128xf32, #tpu.memory_space<vmem>>, vector<16xf32>,
        tpu.vector_store %arg7[%swap3A_463, %swap3A_464], %mul3A_462 {strides = array<i32>} : memref<80x128xf32, #tpu.memory_space<vmem>>, vector<16xf32>,
        %scan3A_466 = arith.constant 4 : i32
        %scan3A_467 = arith.addi %scan3A_420, %scan3A_466 : i32
        %mul3A_468 = arith.constant 1 : i32
        %mul3A_469 = arith.muli %scan3A_467, %mul3A_468 : i32
        %add3A_470 = arith.constant 0 : i32
        %add3A_471 = arith.addi %add3A_470, %mul3A_469 : i32
        %broadcast_in_dim3A_472 = vector.broadcast %add3A_471 : i32 to vector<16xi32>
        %gather3A_473 = tpu.vector_load_idx %arg6[%broadcast_in_dim3A_472] : memref<80xf32, #tpu.memory_space<vmem>>[vector<16xi32>], vector<16xf32>,
        %mul3A_474 = arith.mulf %gather3A_473, %select_n3A : vector<16xf32>
        %swap3A_475 = arith.index_cast %add3A_471 : i32 to index
        %swap3A_476 = arith.constant 0 : index
        %swap3A_477 = tpu.vector_load %arg7[%swap3A_475, %swap3A_476] {strides = array<i32>} : memref<80x128xf32, #tpu.memory_space<vmem>>, vector<16xf32>,
        tpu.vector_store %arg7[%swap3A_475, %swap3A_476], %mul3A_474 {strides = array<i32>} : memref<80x128xf32, #tpu.memory_space<vmem>>, vector<16xf32>,
        %scan3A_478 = arith.constant 5 : i32
        %scan3A_479 = arith.addi %scan3A_420, %scan3A_478 : i32
        %mul3A_480 = arith.constant 1 : i32
        %mul3A_481 = arith.muli %scan3A_479, %mul3A_480 : i32
        %add3A_482 = arith.constant 0 : i32
        %add3A_483 = arith.addi %add3A_482, %mul3A_481 : i32
        %broadcast_in_dim3A_484 = vector.broadcast %add3A_483 : i32 to vector<16xi32>
        %gather3A_485 = tpu.vector_load_idx %arg6[%broadcast_in_dim3A_484] : memref<80xf32, #tpu.memory_space<vmem>>[vector<16xi32>], vector<16xf32>,
        %mul3A_486 = arith.mulf %gather3A_485, %select_n3A : vector<16xf32>
        %swap3A_487 = arith.index_cast %add3A_483 : i32 to index
        %swap3A_488 = arith.constant 0 : index
        %swap3A_489 = tpu.vector_load %arg7[%swap3A_487, %swap3A_488] {strides = array<i32>} : memref<80x128xf32, #tpu.memory_space<vmem>>, vector<16xf32>,
        tpu.vector_store %arg7[%swap3A_487, %swap3A_488], %mul3A_486 {strides = array<i32>} : memref<80x128xf32, #tpu.memory_space<vmem>>, vector<16xf32>,
        %scan3A_490 = arith.constant 6 : i32
        %scan3A_491 = arith.addi %scan3A_420, %scan3A_490 : i32
        %mul3A_492 = arith.constant 1 : i32
        %mul3A_493 = arith.muli %scan3A_491, %mul3A_492 : i32
        %add3A_494 = arith.constant 0 : i32
        %add3A_495 = arith.addi %add3A_494, %mul3A_493 : i32
        %broadcast_in_dim3A_496 = vector.broadcast %add3A_495 : i32 to vector<16xi32>
        %gather3A_497 = tpu.vector_load_idx %arg6[%broadcast_in_dim3A_496] : memref<80xf32, #tpu.memory_space<vmem>>[vector<16xi32>], vector<16xf32>,
        %mul3A_498 = arith.mulf %gather3A_497, %select_n3A : vector<16xf32>
        %swap3A_499 = arith.index_cast %add3A_495 : i32 to index
        %swap3A_500 = arith.constant 0 : index
        %swap3A_501 = tpu.vector_load %arg7[%swap3A_499, %swap3A_500] {strides = array<i32>} : memref<80x128xf32, #tpu.memory_space<vmem>>, vector<16xf32>,
        tpu.vector_store %arg7[%swap3A_499, %swap3A_500], %mul3A_498 {strides = array<i32>} : memref<80x128xf32, #tpu.memory_space<vmem>>, vector<16xf32>,
        %scan3A_502 = arith.constant 7 : i32
        %scan3A_503 = arith.addi %scan3A_420, %scan3A_502 : i32
        %mul3A_504 = arith.constant 1 : i32
        %mul3A_505 = arith.muli %scan3A_503, %mul3A_504 : i32
        %add3A_506 = arith.constant 0 : i32
        %add3A_507 = arith.addi %add3A_506, %mul3A_505 : i32
        %broadcast_in_dim3A_508 = vector.broadcast %add3A_507 : i32 to vector<16xi32>
        %gather3A_509 = tpu.vector_load_idx %arg6[%broadcast_in_dim3A_508] : memref<80xf32, #tpu.memory_space<vmem>>[vector<16xi32>], vector<16xf32>,
        %mul3A_510 = arith.mulf %gather3A_509, %select_n3A : vector<16xf32>
        %swap3A_511 = arith.index_cast %add3A_507 : i32 to index
        %swap3A_512 = arith.constant 0 : index
        %swap3A_513 = tpu.vector_load %arg7[%swap3A_511, %swap3A_512] {strides = array<i32>} : memref<80x128xf32, #tpu.memory_space<vmem>>, vector<16xf32>,
        tpu.vector_store %arg7[%swap3A_511, %swap3A_512], %mul3A_510 {strides = array<i32>} : memref<80x128xf32, #tpu.memory_space<vmem>>, vector<16xf32>,
      }
      %scan3A_419 = arith.constant 80 : i32
      "tpu.region"() ({
        %run_scoped3A = tpu.sem_alloc : memref<!tpu.dma_semaphore, #tpu.memory_space<semaphore_mem>>
        %dma_start3A = arith.constant 0 : i32
        %dma_start3A_420 = arith.constant 0 : i32
        %dma_start3A_421 = tpu.memref_slice %arg9[%dma_start3A, %dma_start3A_420] : memref<10112x128xf32, #tpu.memory_space<vmem_shared>> -> memref<10112x128xf32, #tpu.memory_space<vmem_shared>>
        tpu.enqueue_indirect_dma source(%arg7 : memref<80x128xf32, #tpu.memory_space<vmem>>) target(%dma_start3A_421 : memref<10112x128xf32, #tpu.memory_space<vmem_shared>>) offsets(%arg5 : memref<80xi32, #tpu.memory_space<vmem>>) semaphore(%run_scoped3A : memref<!tpu.dma_semaphore, #tpu.memory_space<semaphore_mem>>) {add = true}
        %dma_wait3A = arith.constant 0 : i32
        %dma_wait3A_422 = arith.constant 0 : i32
        %dma_wait3A_423 = tpu.memref_slice %arg9[%dma_wait3A, %dma_wait3A_422] : memref<10112x128xf32, #tpu.memory_space<vmem_shared>> -> memref<10112x128xf32, #tpu.memory_space<vmem_shared>>
        tpu.wait_indirect_dma semaphore(%run_scoped3A : memref<!tpu.dma_semaphore, #tpu.memory_space<semaphore_mem>>) src(%arg7 : memref<80x128xf32, #tpu.memory_space<vmem>>) dst(%dma_wait3A_423 : memref<10112x128xf32, #tpu.memory_space<vmem_shared>>)
        tpu.yield
      }) : () -> ()
    }
    %scan3A_403 = arith.constant 125 : i32
    %barrier3A_404 = arith.constant 0 : index
    tpu.barrier barrier_id(%barrier3A_404)
    "tpu.region"() ({
      %run_scoped3A = tpu.sem_alloc : memref<!tpu.dma_semaphore, #tpu.memory_space<semaphore_mem>>
      %dma_start3A = arith.constant 0 : i32
      %dma_start3A_405 = tpu.memref_slice %arg4[%arg0, %mul3A_2, %dma_start3A] : memref<2x10112x128xf32, #tpu.memory_space<hbm>> -> memref<1x632x128xf32, #tpu.memory_space<hbm>>
      %dma_start3A_406 = tpu.memref_squeeze %dma_start3A_405 : memref<1x632x128xf32, #tpu.memory_space<hbm>> -> memref<632x128xf32, #tpu.memory_space<hbm>>
      %dma_start3A_407 = arith.constant 0 : i32
      %dma_start3A_408 = tpu.memref_slice %arg9[%mul3A_2, %dma_start3A_407] : memref<10112x128xf32, #tpu.memory_space<vmem_shared>> -> memref<632x128xf32, #tpu.memory_space<vmem_shared>>
      tpu.enqueue_dma source(%dma_start3A_408 : memref<632x128xf32, #tpu.memory_space<vmem_shared>>) target(%dma_start3A_406 : memref<632x128xf32, #tpu.memory_space<hbm>>) target_semaphore(%run_scoped3A : memref<!tpu.dma_semaphore, #tpu.memory_space<semaphore_mem>>)
      %dma_wait3A = arith.constant 0 : i32
      %dma_wait3A_409 = tpu.memref_slice %arg4[%arg0, %mul3A_2, %dma_wait3A] : memref<2x10112x128xf32, #tpu.memory_space<hbm>> -> memref<1x632x128xf32, #tpu.memory_space<hbm>>
      %dma_wait3A_410 = tpu.memref_squeeze %dma_wait3A_409 : memref<1x632x128xf32, #tpu.memory_space<hbm>> -> memref<632x128xf32, #tpu.memory_space<hbm>>
      %dma_wait3A_411 = arith.constant 0 : i32
      %dma_wait3A_412 = tpu.memref_slice %arg9[%mul3A_2, %dma_wait3A_411] : memref<10112x128xf32, #tpu.memory_space<vmem_shared>> -> memref<632x128xf32, #tpu.memory_space<vmem_shared>>
      tpu.wait_dma2 semaphore(%run_scoped3A : memref<!tpu.dma_semaphore, #tpu.memory_space<semaphore_mem>>) src(%dma_wait3A_412 : memref<632x128xf32, #tpu.memory_space<vmem_shared>>) dst(%dma_wait3A_410 : memref<632x128xf32, #tpu.memory_space<hbm>>)
      tpu.yield
    }) : () -> ()
    return
  }
}

#map = affine_map<(d0, d1) -> (0)>
#map1 = affine_map<(d0, d1) -> (0, 0)>
#map2 = affine_map<(d0, d1) -> (0, 0, 0)>
module attributes {stable_mosaic.version = 14 : i64} {
  func.func @body(%arg0: i32, %arg1: i32, %arg2: memref<320000xi32, #tpu.memory_space<hbm>>, %arg3: memref<320000xi32, #tpu.memory_space<hbm>>, %arg4: memref<320000xf32, #tpu.memory_space<hbm>>, %arg5: memref<10000x128xf32, #tpu.memory_space<hbm>>, %arg6: memref<2x10112x128xf32, #tpu.memory_space<hbm>>, %arg7: memref<80xi32, #tpu.memory_space<vmem>>, %arg8: memref<80xi32, #tpu.memory_space<vmem>>, %arg9: memref<80xf32, #tpu.memory_space<vmem>>, %arg10: memref<80x128xf32, #tpu.memory_space<vmem>>, %arg11: memref<8x128xf32, #tpu.memory_space<vmem>>, %arg12: memref<10112x128xf32, #tpu.memory_space<vmem_shared>>, %arg13: memref<!tpu.dma_semaphore, #tpu.memory_space<semaphore_mem>>) attributes {dimension_semantics = [#tpu.dimension_semantics<core_parallel>, #tpu.dimension_semantics<subcore_parallel>], iteration_bounds = array<i64: 2, 16>, scalar_prefetch = 0 : i64, scratch_operands = 7 : i64, tpu.core_type = #tpu.core_type<sc_vector_subcore>, window_params = [{transform_indices = #map}, {transform_indices = #map}, {transform_indices = #map}, {transform_indices = #map1}, {transform_indices = #map2}]} {
    %mul3A = arith.constant 2 : i32
    %mul3A_0 = arith.muli %arg1, %mul3A : i32
    %add3A = arith.addi %mul3A_0, %arg0 : i32
    %mul3A_1 = arith.constant 632 : i32
    %mul3A_2 = arith.muli %arg1, %mul3A_1 : i32
    %broadcast_in_dim3A = arith.constant 0.000000e+00 : f32
    %broadcast_in_dim3A_3 = vector.broadcast %broadcast_in_dim3A : f32 to vector<16xf32>
    %swap3A = arith.constant 0 : i32
    %swap3A_4 = arith.index_cast %swap3A : i32 to index
    %swap3A_5 = arith.constant 0 : index
    %swap3A_6 = tpu.vector_load %arg11[%swap3A_4, %swap3A_5] {strides = array<i32>} : memref<8x128xf32, #tpu.memory_space<vmem>>, vector<16xf32>,
    tpu.vector_store %arg11[%swap3A_4, %swap3A_5], %broadcast_in_dim3A_3 {strides = array<i32>} : memref<8x128xf32, #tpu.memory_space<vmem>>, vector<16xf32>,
    %broadcast_in_dim3A_7 = arith.constant 0.000000e+00 : f32
    %broadcast_in_dim3A_8 = vector.broadcast %broadcast_in_dim3A_7 : f32 to vector<16xf32>
    %swap3A_9 = arith.constant 0 : i32
    %swap3A_10 = arith.index_cast %swap3A_9 : i32 to index
    %swap3A_11 = arith.constant 16 : index
    %swap3A_12 = tpu.vector_load %arg11[%swap3A_10, %swap3A_11] {strides = array<i32>} : memref<8x128xf32, #tpu.memory_space<vmem>>, vector<16xf32>,
    tpu.vector_store %arg11[%swap3A_10, %swap3A_11], %broadcast_in_dim3A_8 {strides = array<i32>} : memref<8x128xf32, #tpu.memory_space<vmem>>, vector<16xf32>,
    %broadcast_in_dim3A_13 = arith.constant 0.000000e+00 : f32
    %broadcast_in_dim3A_14 = vector.broadcast %broadcast_in_dim3A_13 : f32 to vector<16xf32>
    %swap3A_15 = arith.constant 0 : i32
    %swap3A_16 = arith.index_cast %swap3A_15 : i32 to index
    %swap3A_17 = arith.constant 32 : index
    %swap3A_18 = tpu.vector_load %arg11[%swap3A_16, %swap3A_17] {strides = array<i32>} : memref<8x128xf32, #tpu.memory_space<vmem>>, vector<16xf32>,
    tpu.vector_store %arg11[%swap3A_16, %swap3A_17], %broadcast_in_dim3A_14 {strides = array<i32>} : memref<8x128xf32, #tpu.memory_space<vmem>>, vector<16xf32>,
    %broadcast_in_dim3A_19 = arith.constant 0.000000e+00 : f32
    %broadcast_in_dim3A_20 = vector.broadcast %broadcast_in_dim3A_19 : f32 to vector<16xf32>
    %swap3A_21 = arith.constant 0 : i32
    %swap3A_22 = arith.index_cast %swap3A_21 : i32 to index
    %swap3A_23 = arith.constant 48 : index
    %swap3A_24 = tpu.vector_load %arg11[%swap3A_22, %swap3A_23] {strides = array<i32>} : memref<8x128xf32, #tpu.memory_space<vmem>>, vector<16xf32>,
    tpu.vector_store %arg11[%swap3A_22, %swap3A_23], %broadcast_in_dim3A_20 {strides = array<i32>} : memref<8x128xf32, #tpu.memory_space<vmem>>, vector<16xf32>,
    %broadcast_in_dim3A_25 = arith.constant 0.000000e+00 : f32
    %broadcast_in_dim3A_26 = vector.broadcast %broadcast_in_dim3A_25 : f32 to vector<16xf32>
    %swap3A_27 = arith.constant 0 : i32
    %swap3A_28 = arith.index_cast %swap3A_27 : i32 to index
    %swap3A_29 = arith.constant 64 : index
    %swap3A_30 = tpu.vector_load %arg11[%swap3A_28, %swap3A_29] {strides = array<i32>} : memref<8x128xf32, #tpu.memory_space<vmem>>, vector<16xf32>,
    tpu.vector_store %arg11[%swap3A_28, %swap3A_29], %broadcast_in_dim3A_26 {strides = array<i32>} : memref<8x128xf32, #tpu.memory_space<vmem>>, vector<16xf32>,
    %broadcast_in_dim3A_31 = arith.constant 0.000000e+00 : f32
    %broadcast_in_dim3A_32 = vector.broadcast %broadcast_in_dim3A_31 : f32 to vector<16xf32>
    %swap3A_33 = arith.constant 0 : i32
    %swap3A_34 = arith.index_cast %swap3A_33 : i32 to index
    %swap3A_35 = arith.constant 80 : index
    %swap3A_36 = tpu.vector_load %arg11[%swap3A_34, %swap3A_35] {strides = array<i32>} : memref<8x128xf32, #tpu.memory_space<vmem>>, vector<16xf32>,
    tpu.vector_store %arg11[%swap3A_34, %swap3A_35], %broadcast_in_dim3A_32 {strides = array<i32>} : memref<8x128xf32, #tpu.memory_space<vmem>>, vector<16xf32>,
    %broadcast_in_dim3A_37 = arith.constant 0.000000e+00 : f32
    %broadcast_in_dim3A_38 = vector.broadcast %broadcast_in_dim3A_37 : f32 to vector<16xf32>
    %swap3A_39 = arith.constant 0 : i32
    %swap3A_40 = arith.index_cast %swap3A_39 : i32 to index
    %swap3A_41 = arith.constant 96 : index
    %swap3A_42 = tpu.vector_load %arg11[%swap3A_40, %swap3A_41] {strides = array<i32>} : memref<8x128xf32, #tpu.memory_space<vmem>>, vector<16xf32>,
    tpu.vector_store %arg11[%swap3A_40, %swap3A_41], %broadcast_in_dim3A_38 {strides = array<i32>} : memref<8x128xf32, #tpu.memory_space<vmem>>, vector<16xf32>,
    %broadcast_in_dim3A_43 = arith.constant 0.000000e+00 : f32
    %broadcast_in_dim3A_44 = vector.broadcast %broadcast_in_dim3A_43 : f32 to vector<16xf32>
    %swap3A_45 = arith.constant 0 : i32
    %swap3A_46 = arith.index_cast %swap3A_45 : i32 to index
    %swap3A_47 = arith.constant 112 : index
    %swap3A_48 = tpu.vector_load %arg11[%swap3A_46, %swap3A_47] {strides = array<i32>} : memref<8x128xf32, #tpu.memory_space<vmem>>, vector<16xf32>,
    tpu.vector_store %arg11[%swap3A_46, %swap3A_47], %broadcast_in_dim3A_44 {strides = array<i32>} : memref<8x128xf32, #tpu.memory_space<vmem>>, vector<16xf32>,
    %broadcast_in_dim3A_49 = arith.constant 0.000000e+00 : f32
    %broadcast_in_dim3A_50 = vector.broadcast %broadcast_in_dim3A_49 : f32 to vector<16xf32>
    %swap3A_51 = arith.constant 1 : i32
    %swap3A_52 = arith.index_cast %swap3A_51 : i32 to index
    %swap3A_53 = arith.constant 0 : index
    %swap3A_54 = tpu.vector_load %arg11[%swap3A_52, %swap3A_53] {strides = array<i32>} : memref<8x128xf32, #tpu.memory_space<vmem>>, vector<16xf32>,
    tpu.vector_store %arg11[%swap3A_52, %swap3A_53], %broadcast_in_dim3A_50 {strides = array<i32>} : memref<8x128xf32, #tpu.memory_space<vmem>>, vector<16xf32>,
    %broadcast_in_dim3A_55 = arith.constant 0.000000e+00 : f32
    %broadcast_in_dim3A_56 = vector.broadcast %broadcast_in_dim3A_55 : f32 to vector<16xf32>
    %swap3A_57 = arith.constant 1 : i32
    %swap3A_58 = arith.index_cast %swap3A_57 : i32 to index
    %swap3A_59 = arith.constant 16 : index
    %swap3A_60 = tpu.vector_load %arg11[%swap3A_58, %swap3A_59] {strides = array<i32>} : memref<8x128xf32, #tpu.memory_space<vmem>>, vector<16xf32>,
    tpu.vector_store %arg11[%swap3A_58, %swap3A_59], %broadcast_in_dim3A_56 {strides = array<i32>} : memref<8x128xf32, #tpu.memory_space<vmem>>, vector<16xf32>,
    %broadcast_in_dim3A_61 = arith.constant 0.000000e+00 : f32
    %broadcast_in_dim3A_62 = vector.broadcast %broadcast_in_dim3A_61 : f32 to vector<16xf32>
    %swap3A_63 = arith.constant 1 : i32
    %swap3A_64 = arith.index_cast %swap3A_63 : i32 to index
    %swap3A_65 = arith.constant 32 : index
    %swap3A_66 = tpu.vector_load %arg11[%swap3A_64, %swap3A_65] {strides = array<i32>} : memref<8x128xf32, #tpu.memory_space<vmem>>, vector<16xf32>,
    tpu.vector_store %arg11[%swap3A_64, %swap3A_65], %broadcast_in_dim3A_62 {strides = array<i32>} : memref<8x128xf32, #tpu.memory_space<vmem>>, vector<16xf32>,
    %broadcast_in_dim3A_67 = arith.constant 0.000000e+00 : f32
    %broadcast_in_dim3A_68 = vector.broadcast %broadcast_in_dim3A_67 : f32 to vector<16xf32>
    %swap3A_69 = arith.constant 1 : i32
    %swap3A_70 = arith.index_cast %swap3A_69 : i32 to index
    %swap3A_71 = arith.constant 48 : index
    %swap3A_72 = tpu.vector_load %arg11[%swap3A_70, %swap3A_71] {strides = array<i32>} : memref<8x128xf32, #tpu.memory_space<vmem>>, vector<16xf32>,
    tpu.vector_store %arg11[%swap3A_70, %swap3A_71], %broadcast_in_dim3A_68 {strides = array<i32>} : memref<8x128xf32, #tpu.memory_space<vmem>>, vector<16xf32>,
    %broadcast_in_dim3A_73 = arith.constant 0.000000e+00 : f32
    %broadcast_in_dim3A_74 = vector.broadcast %broadcast_in_dim3A_73 : f32 to vector<16xf32>
    %swap3A_75 = arith.constant 1 : i32
    %swap3A_76 = arith.index_cast %swap3A_75 : i32 to index
    %swap3A_77 = arith.constant 64 : index
    %swap3A_78 = tpu.vector_load %arg11[%swap3A_76, %swap3A_77] {strides = array<i32>} : memref<8x128xf32, #tpu.memory_space<vmem>>, vector<16xf32>,
    tpu.vector_store %arg11[%swap3A_76, %swap3A_77], %broadcast_in_dim3A_74 {strides = array<i32>} : memref<8x128xf32, #tpu.memory_space<vmem>>, vector<16xf32>,
    %broadcast_in_dim3A_79 = arith.constant 0.000000e+00 : f32
    %broadcast_in_dim3A_80 = vector.broadcast %broadcast_in_dim3A_79 : f32 to vector<16xf32>
    %swap3A_81 = arith.constant 1 : i32
    %swap3A_82 = arith.index_cast %swap3A_81 : i32 to index
    %swap3A_83 = arith.constant 80 : index
    %swap3A_84 = tpu.vector_load %arg11[%swap3A_82, %swap3A_83] {strides = array<i32>} : memref<8x128xf32, #tpu.memory_space<vmem>>, vector<16xf32>,
    tpu.vector_store %arg11[%swap3A_82, %swap3A_83], %broadcast_in_dim3A_80 {strides = array<i32>} : memref<8x128xf32, #tpu.memory_space<vmem>>, vector<16xf32>,
    %broadcast_in_dim3A_85 = arith.constant 0.000000e+00 : f32
    %broadcast_in_dim3A_86 = vector.broadcast %broadcast_in_dim3A_85 : f32 to vector<16xf32>
    %swap3A_87 = arith.constant 1 : i32
    %swap3A_88 = arith.index_cast %swap3A_87 : i32 to index
    %swap3A_89 = arith.constant 96 : index
    %swap3A_90 = tpu.vector_load %arg11[%swap3A_88, %swap3A_89] {strides = array<i32>} : memref<8x128xf32, #tpu.memory_space<vmem>>, vector<16xf32>,
    tpu.vector_store %arg11[%swap3A_88, %swap3A_89], %broadcast_in_dim3A_86 {strides = array<i32>} : memref<8x128xf32, #tpu.memory_space<vmem>>, vector<16xf32>,
    %broadcast_in_dim3A_91 = arith.constant 0.000000e+00 : f32
    %broadcast_in_dim3A_92 = vector.broadcast %broadcast_in_dim3A_91 : f32 to vector<16xf32>
    %swap3A_93 = arith.constant 1 : i32
    %swap3A_94 = arith.index_cast %swap3A_93 : i32 to index
    %swap3A_95 = arith.constant 112 : index
    %swap3A_96 = tpu.vector_load %arg11[%swap3A_94, %swap3A_95] {strides = array<i32>} : memref<8x128xf32, #tpu.memory_space<vmem>>, vector<16xf32>,
    tpu.vector_store %arg11[%swap3A_94, %swap3A_95], %broadcast_in_dim3A_92 {strides = array<i32>} : memref<8x128xf32, #tpu.memory_space<vmem>>, vector<16xf32>,
    %broadcast_in_dim3A_97 = arith.constant 0.000000e+00 : f32
    %broadcast_in_dim3A_98 = vector.broadcast %broadcast_in_dim3A_97 : f32 to vector<16xf32>
    %swap3A_99 = arith.constant 2 : i32
    %swap3A_100 = arith.index_cast %swap3A_99 : i32 to index
    %swap3A_101 = arith.constant 0 : index
    %swap3A_102 = tpu.vector_load %arg11[%swap3A_100, %swap3A_101] {strides = array<i32>} : memref<8x128xf32, #tpu.memory_space<vmem>>, vector<16xf32>,
    tpu.vector_store %arg11[%swap3A_100, %swap3A_101], %broadcast_in_dim3A_98 {strides = array<i32>} : memref<8x128xf32, #tpu.memory_space<vmem>>, vector<16xf32>,
    %broadcast_in_dim3A_103 = arith.constant 0.000000e+00 : f32
    %broadcast_in_dim3A_104 = vector.broadcast %broadcast_in_dim3A_103 : f32 to vector<16xf32>
    %swap3A_105 = arith.constant 2 : i32
    %swap3A_106 = arith.index_cast %swap3A_105 : i32 to index
    %swap3A_107 = arith.constant 16 : index
    %swap3A_108 = tpu.vector_load %arg11[%swap3A_106, %swap3A_107] {strides = array<i32>} : memref<8x128xf32, #tpu.memory_space<vmem>>, vector<16xf32>,
    tpu.vector_store %arg11[%swap3A_106, %swap3A_107], %broadcast_in_dim3A_104 {strides = array<i32>} : memref<8x128xf32, #tpu.memory_space<vmem>>, vector<16xf32>,
    %broadcast_in_dim3A_109 = arith.constant 0.000000e+00 : f32
    %broadcast_in_dim3A_110 = vector.broadcast %broadcast_in_dim3A_109 : f32 to vector<16xf32>
    %swap3A_111 = arith.constant 2 : i32
    %swap3A_112 = arith.index_cast %swap3A_111 : i32 to index
    %swap3A_113 = arith.constant 32 : index
    %swap3A_114 = tpu.vector_load %arg11[%swap3A_112, %swap3A_113] {strides = array<i32>} : memref<8x128xf32, #tpu.memory_space<vmem>>, vector<16xf32>,
    tpu.vector_store %arg11[%swap3A_112, %swap3A_113], %broadcast_in_dim3A_110 {strides = array<i32>} : memref<8x128xf32, #tpu.memory_space<vmem>>, vector<16xf32>,
    %broadcast_in_dim3A_115 = arith.constant 0.000000e+00 : f32
    %broadcast_in_dim3A_116 = vector.broadcast %broadcast_in_dim3A_115 : f32 to vector<16xf32>
    %swap3A_117 = arith.constant 2 : i32
    %swap3A_118 = arith.index_cast %swap3A_117 : i32 to index
    %swap3A_119 = arith.constant 48 : index
    %swap3A_120 = tpu.vector_load %arg11[%swap3A_118, %swap3A_119] {strides = array<i32>} : memref<8x128xf32, #tpu.memory_space<vmem>>, vector<16xf32>,
    tpu.vector_store %arg11[%swap3A_118, %swap3A_119], %broadcast_in_dim3A_116 {strides = array<i32>} : memref<8x128xf32, #tpu.memory_space<vmem>>, vector<16xf32>,
    %broadcast_in_dim3A_121 = arith.constant 0.000000e+00 : f32
    %broadcast_in_dim3A_122 = vector.broadcast %broadcast_in_dim3A_121 : f32 to vector<16xf32>
    %swap3A_123 = arith.constant 2 : i32
    %swap3A_124 = arith.index_cast %swap3A_123 : i32 to index
    %swap3A_125 = arith.constant 64 : index
    %swap3A_126 = tpu.vector_load %arg11[%swap3A_124, %swap3A_125] {strides = array<i32>} : memref<8x128xf32, #tpu.memory_space<vmem>>, vector<16xf32>,
    tpu.vector_store %arg11[%swap3A_124, %swap3A_125], %broadcast_in_dim3A_122 {strides = array<i32>} : memref<8x128xf32, #tpu.memory_space<vmem>>, vector<16xf32>,
    %broadcast_in_dim3A_127 = arith.constant 0.000000e+00 : f32
    %broadcast_in_dim3A_128 = vector.broadcast %broadcast_in_dim3A_127 : f32 to vector<16xf32>
    %swap3A_129 = arith.constant 2 : i32
    %swap3A_130 = arith.index_cast %swap3A_129 : i32 to index
    %swap3A_131 = arith.constant 80 : index
    %swap3A_132 = tpu.vector_load %arg11[%swap3A_130, %swap3A_131] {strides = array<i32>} : memref<8x128xf32, #tpu.memory_space<vmem>>, vector<16xf32>,
    tpu.vector_store %arg11[%swap3A_130, %swap3A_131], %broadcast_in_dim3A_128 {strides = array<i32>} : memref<8x128xf32, #tpu.memory_space<vmem>>, vector<16xf32>,
    %broadcast_in_dim3A_133 = arith.constant 0.000000e+00 : f32
    %broadcast_in_dim3A_134 = vector.broadcast %broadcast_in_dim3A_133 : f32 to vector<16xf32>
    %swap3A_135 = arith.constant 2 : i32
    %swap3A_136 = arith.index_cast %swap3A_135 : i32 to index
    %swap3A_137 = arith.constant 96 : index
    %swap3A_138 = tpu.vector_load %arg11[%swap3A_136, %swap3A_137] {strides = array<i32>} : memref<8x128xf32, #tpu.memory_space<vmem>>, vector<16xf32>,
    tpu.vector_store %arg11[%swap3A_136, %swap3A_137], %broadcast_in_dim3A_134 {strides = array<i32>} : memref<8x128xf32, #tpu.memory_space<vmem>>, vector<16xf32>,
    %broadcast_in_dim3A_139 = arith.constant 0.000000e+00 : f32
    %broadcast_in_dim3A_140 = vector.broadcast %broadcast_in_dim3A_139 : f32 to vector<16xf32>
    %swap3A_141 = arith.constant 2 : i32
    %swap3A_142 = arith.index_cast %swap3A_141 : i32 to index
    %swap3A_143 = arith.constant 112 : index
    %swap3A_144 = tpu.vector_load %arg11[%swap3A_142, %swap3A_143] {strides = array<i32>} : memref<8x128xf32, #tpu.memory_space<vmem>>, vector<16xf32>,
    tpu.vector_store %arg11[%swap3A_142, %swap3A_143], %broadcast_in_dim3A_140 {strides = array<i32>} : memref<8x128xf32, #tpu.memory_space<vmem>>, vector<16xf32>,
    %broadcast_in_dim3A_145 = arith.constant 0.000000e+00 : f32
    %broadcast_in_dim3A_146 = vector.broadcast %broadcast_in_dim3A_145 : f32 to vector<16xf32>
    %swap3A_147 = arith.constant 3 : i32
    %swap3A_148 = arith.index_cast %swap3A_147 : i32 to index
    %swap3A_149 = arith.constant 0 : index
    %swap3A_150 = tpu.vector_load %arg11[%swap3A_148, %swap3A_149] {strides = array<i32>} : memref<8x128xf32, #tpu.memory_space<vmem>>, vector<16xf32>,
    tpu.vector_store %arg11[%swap3A_148, %swap3A_149], %broadcast_in_dim3A_146 {strides = array<i32>} : memref<8x128xf32, #tpu.memory_space<vmem>>, vector<16xf32>,
    %broadcast_in_dim3A_151 = arith.constant 0.000000e+00 : f32
    %broadcast_in_dim3A_152 = vector.broadcast %broadcast_in_dim3A_151 : f32 to vector<16xf32>
    %swap3A_153 = arith.constant 3 : i32
    %swap3A_154 = arith.index_cast %swap3A_153 : i32 to index
    %swap3A_155 = arith.constant 16 : index
    %swap3A_156 = tpu.vector_load %arg11[%swap3A_154, %swap3A_155] {strides = array<i32>} : memref<8x128xf32, #tpu.memory_space<vmem>>, vector<16xf32>,
    tpu.vector_store %arg11[%swap3A_154, %swap3A_155], %broadcast_in_dim3A_152 {strides = array<i32>} : memref<8x128xf32, #tpu.memory_space<vmem>>, vector<16xf32>,
    %broadcast_in_dim3A_157 = arith.constant 0.000000e+00 : f32
    %broadcast_in_dim3A_158 = vector.broadcast %broadcast_in_dim3A_157 : f32 to vector<16xf32>
    %swap3A_159 = arith.constant 3 : i32
    %swap3A_160 = arith.index_cast %swap3A_159 : i32 to index
    %swap3A_161 = arith.constant 32 : index
    %swap3A_162 = tpu.vector_load %arg11[%swap3A_160, %swap3A_161] {strides = array<i32>} : memref<8x128xf32, #tpu.memory_space<vmem>>, vector<16xf32>,
    tpu.vector_store %arg11[%swap3A_160, %swap3A_161], %broadcast_in_dim3A_158 {strides = array<i32>} : memref<8x128xf32, #tpu.memory_space<vmem>>, vector<16xf32>,
    %broadcast_in_dim3A_163 = arith.constant 0.000000e+00 : f32
    %broadcast_in_dim3A_164 = vector.broadcast %broadcast_in_dim3A_163 : f32 to vector<16xf32>
    %swap3A_165 = arith.constant 3 : i32
    %swap3A_166 = arith.index_cast %swap3A_165 : i32 to index
    %swap3A_167 = arith.constant 48 : index
    %swap3A_168 = tpu.vector_load %arg11[%swap3A_166, %swap3A_167] {strides = array<i32>} : memref<8x128xf32, #tpu.memory_space<vmem>>, vector<16xf32>,
    tpu.vector_store %arg11[%swap3A_166, %swap3A_167], %broadcast_in_dim3A_164 {strides = array<i32>} : memref<8x128xf32, #tpu.memory_space<vmem>>, vector<16xf32>,
    %broadcast_in_dim3A_169 = arith.constant 0.000000e+00 : f32
    %broadcast_in_dim3A_170 = vector.broadcast %broadcast_in_dim3A_169 : f32 to vector<16xf32>
    %swap3A_171 = arith.constant 3 : i32
    %swap3A_172 = arith.index_cast %swap3A_171 : i32 to index
    %swap3A_173 = arith.constant 64 : index
    %swap3A_174 = tpu.vector_load %arg11[%swap3A_172, %swap3A_173] {strides = array<i32>} : memref<8x128xf32, #tpu.memory_space<vmem>>, vector<16xf32>,
    tpu.vector_store %arg11[%swap3A_172, %swap3A_173], %broadcast_in_dim3A_170 {strides = array<i32>} : memref<8x128xf32, #tpu.memory_space<vmem>>, vector<16xf32>,
    %broadcast_in_dim3A_175 = arith.constant 0.000000e+00 : f32
    %broadcast_in_dim3A_176 = vector.broadcast %broadcast_in_dim3A_175 : f32 to vector<16xf32>
    %swap3A_177 = arith.constant 3 : i32
    %swap3A_178 = arith.index_cast %swap3A_177 : i32 to index
    %swap3A_179 = arith.constant 80 : index
    %swap3A_180 = tpu.vector_load %arg11[%swap3A_178, %swap3A_179] {strides = array<i32>} : memref<8x128xf32, #tpu.memory_space<vmem>>, vector<16xf32>,
    tpu.vector_store %arg11[%swap3A_178, %swap3A_179], %broadcast_in_dim3A_176 {strides = array<i32>} : memref<8x128xf32, #tpu.memory_space<vmem>>, vector<16xf32>,
    %broadcast_in_dim3A_181 = arith.constant 0.000000e+00 : f32
    %broadcast_in_dim3A_182 = vector.broadcast %broadcast_in_dim3A_181 : f32 to vector<16xf32>
    %swap3A_183 = arith.constant 3 : i32
    %swap3A_184 = arith.index_cast %swap3A_183 : i32 to index
    %swap3A_185 = arith.constant 96 : index
    %swap3A_186 = tpu.vector_load %arg11[%swap3A_184, %swap3A_185] {strides = array<i32>} : memref<8x128xf32, #tpu.memory_space<vmem>>, vector<16xf32>,
    tpu.vector_store %arg11[%swap3A_184, %swap3A_185], %broadcast_in_dim3A_182 {strides = array<i32>} : memref<8x128xf32, #tpu.memory_space<vmem>>, vector<16xf32>,
    %broadcast_in_dim3A_187 = arith.constant 0.000000e+00 : f32
    %broadcast_in_dim3A_188 = vector.broadcast %broadcast_in_dim3A_187 : f32 to vector<16xf32>
    %swap3A_189 = arith.constant 3 : i32
    %swap3A_190 = arith.index_cast %swap3A_189 : i32 to index
    %swap3A_191 = arith.constant 112 : index
    %swap3A_192 = tpu.vector_load %arg11[%swap3A_190, %swap3A_191] {strides = array<i32>} : memref<8x128xf32, #tpu.memory_space<vmem>>, vector<16xf32>,
    tpu.vector_store %arg11[%swap3A_190, %swap3A_191], %broadcast_in_dim3A_188 {strides = array<i32>} : memref<8x128xf32, #tpu.memory_space<vmem>>, vector<16xf32>,
    %broadcast_in_dim3A_193 = arith.constant 0.000000e+00 : f32
    %broadcast_in_dim3A_194 = vector.broadcast %broadcast_in_dim3A_193 : f32 to vector<16xf32>
    %swap3A_195 = arith.constant 4 : i32
    %swap3A_196 = arith.index_cast %swap3A_195 : i32 to index
    %swap3A_197 = arith.constant 0 : index
    %swap3A_198 = tpu.vector_load %arg11[%swap3A_196, %swap3A_197] {strides = array<i32>} : memref<8x128xf32, #tpu.memory_space<vmem>>, vector<16xf32>,
    tpu.vector_store %arg11[%swap3A_196, %swap3A_197], %broadcast_in_dim3A_194 {strides = array<i32>} : memref<8x128xf32, #tpu.memory_space<vmem>>, vector<16xf32>,
    %broadcast_in_dim3A_199 = arith.constant 0.000000e+00 : f32
    %broadcast_in_dim3A_200 = vector.broadcast %broadcast_in_dim3A_199 : f32 to vector<16xf32>
    %swap3A_201 = arith.constant 4 : i32
    %swap3A_202 = arith.index_cast %swap3A_201 : i32 to index
    %swap3A_203 = arith.constant 16 : index
    %swap3A_204 = tpu.vector_load %arg11[%swap3A_202, %swap3A_203] {strides = array<i32>} : memref<8x128xf32, #tpu.memory_space<vmem>>, vector<16xf32>,
    tpu.vector_store %arg11[%swap3A_202, %swap3A_203], %broadcast_in_dim3A_200 {strides = array<i32>} : memref<8x128xf32, #tpu.memory_space<vmem>>, vector<16xf32>,
    %broadcast_in_dim3A_205 = arith.constant 0.000000e+00 : f32
    %broadcast_in_dim3A_206 = vector.broadcast %broadcast_in_dim3A_205 : f32 to vector<16xf32>
    %swap3A_207 = arith.constant 4 : i32
    %swap3A_208 = arith.index_cast %swap3A_207 : i32 to index
    %swap3A_209 = arith.constant 32 : index
    %swap3A_210 = tpu.vector_load %arg11[%swap3A_208, %swap3A_209] {strides = array<i32>} : memref<8x128xf32, #tpu.memory_space<vmem>>, vector<16xf32>,
    tpu.vector_store %arg11[%swap3A_208, %swap3A_209], %broadcast_in_dim3A_206 {strides = array<i32>} : memref<8x128xf32, #tpu.memory_space<vmem>>, vector<16xf32>,
    %broadcast_in_dim3A_211 = arith.constant 0.000000e+00 : f32
    %broadcast_in_dim3A_212 = vector.broadcast %broadcast_in_dim3A_211 : f32 to vector<16xf32>
    %swap3A_213 = arith.constant 4 : i32
    %swap3A_214 = arith.index_cast %swap3A_213 : i32 to index
    %swap3A_215 = arith.constant 48 : index
    %swap3A_216 = tpu.vector_load %arg11[%swap3A_214, %swap3A_215] {strides = array<i32>} : memref<8x128xf32, #tpu.memory_space<vmem>>, vector<16xf32>,
    tpu.vector_store %arg11[%swap3A_214, %swap3A_215], %broadcast_in_dim3A_212 {strides = array<i32>} : memref<8x128xf32, #tpu.memory_space<vmem>>, vector<16xf32>,
    %broadcast_in_dim3A_217 = arith.constant 0.000000e+00 : f32
    %broadcast_in_dim3A_218 = vector.broadcast %broadcast_in_dim3A_217 : f32 to vector<16xf32>
    %swap3A_219 = arith.constant 4 : i32
    %swap3A_220 = arith.index_cast %swap3A_219 : i32 to index
    %swap3A_221 = arith.constant 64 : index
    %swap3A_222 = tpu.vector_load %arg11[%swap3A_220, %swap3A_221] {strides = array<i32>} : memref<8x128xf32, #tpu.memory_space<vmem>>, vector<16xf32>,
    tpu.vector_store %arg11[%swap3A_220, %swap3A_221], %broadcast_in_dim3A_218 {strides = array<i32>} : memref<8x128xf32, #tpu.memory_space<vmem>>, vector<16xf32>,
    %broadcast_in_dim3A_223 = arith.constant 0.000000e+00 : f32
    %broadcast_in_dim3A_224 = vector.broadcast %broadcast_in_dim3A_223 : f32 to vector<16xf32>
    %swap3A_225 = arith.constant 4 : i32
    %swap3A_226 = arith.index_cast %swap3A_225 : i32 to index
    %swap3A_227 = arith.constant 80 : index
    %swap3A_228 = tpu.vector_load %arg11[%swap3A_226, %swap3A_227] {strides = array<i32>} : memref<8x128xf32, #tpu.memory_space<vmem>>, vector<16xf32>,
    tpu.vector_store %arg11[%swap3A_226, %swap3A_227], %broadcast_in_dim3A_224 {strides = array<i32>} : memref<8x128xf32, #tpu.memory_space<vmem>>, vector<16xf32>,
    %broadcast_in_dim3A_229 = arith.constant 0.000000e+00 : f32
    %broadcast_in_dim3A_230 = vector.broadcast %broadcast_in_dim3A_229 : f32 to vector<16xf32>
    %swap3A_231 = arith.constant 4 : i32
    %swap3A_232 = arith.index_cast %swap3A_231 : i32 to index
    %swap3A_233 = arith.constant 96 : index
    %swap3A_234 = tpu.vector_load %arg11[%swap3A_232, %swap3A_233] {strides = array<i32>} : memref<8x128xf32, #tpu.memory_space<vmem>>, vector<16xf32>,
    tpu.vector_store %arg11[%swap3A_232, %swap3A_233], %broadcast_in_dim3A_230 {strides = array<i32>} : memref<8x128xf32, #tpu.memory_space<vmem>>, vector<16xf32>,
    %broadcast_in_dim3A_235 = arith.constant 0.000000e+00 : f32
    %broadcast_in_dim3A_236 = vector.broadcast %broadcast_in_dim3A_235 : f32 to vector<16xf32>
    %swap3A_237 = arith.constant 4 : i32
    %swap3A_238 = arith.index_cast %swap3A_237 : i32 to index
    %swap3A_239 = arith.constant 112 : index
    %swap3A_240 = tpu.vector_load %arg11[%swap3A_238, %swap3A_239] {strides = array<i32>} : memref<8x128xf32, #tpu.memory_space<vmem>>, vector<16xf32>,
    tpu.vector_store %arg11[%swap3A_238, %swap3A_239], %broadcast_in_dim3A_236 {strides = array<i32>} : memref<8x128xf32, #tpu.memory_space<vmem>>, vector<16xf32>,
    %broadcast_in_dim3A_241 = arith.constant 0.000000e+00 : f32
    %broadcast_in_dim3A_242 = vector.broadcast %broadcast_in_dim3A_241 : f32 to vector<16xf32>
    %swap3A_243 = arith.constant 5 : i32
    %swap3A_244 = arith.index_cast %swap3A_243 : i32 to index
    %swap3A_245 = arith.constant 0 : index
    %swap3A_246 = tpu.vector_load %arg11[%swap3A_244, %swap3A_245] {strides = array<i32>} : memref<8x128xf32, #tpu.memory_space<vmem>>, vector<16xf32>,
    tpu.vector_store %arg11[%swap3A_244, %swap3A_245], %broadcast_in_dim3A_242 {strides = array<i32>} : memref<8x128xf32, #tpu.memory_space<vmem>>, vector<16xf32>,
    %broadcast_in_dim3A_247 = arith.constant 0.000000e+00 : f32
    %broadcast_in_dim3A_248 = vector.broadcast %broadcast_in_dim3A_247 : f32 to vector<16xf32>
    %swap3A_249 = arith.constant 5 : i32
    %swap3A_250 = arith.index_cast %swap3A_249 : i32 to index
    %swap3A_251 = arith.constant 16 : index
    %swap3A_252 = tpu.vector_load %arg11[%swap3A_250, %swap3A_251] {strides = array<i32>} : memref<8x128xf32, #tpu.memory_space<vmem>>, vector<16xf32>,
    tpu.vector_store %arg11[%swap3A_250, %swap3A_251], %broadcast_in_dim3A_248 {strides = array<i32>} : memref<8x128xf32, #tpu.memory_space<vmem>>, vector<16xf32>,
    %broadcast_in_dim3A_253 = arith.constant 0.000000e+00 : f32
    %broadcast_in_dim3A_254 = vector.broadcast %broadcast_in_dim3A_253 : f32 to vector<16xf32>
    %swap3A_255 = arith.constant 5 : i32
    %swap3A_256 = arith.index_cast %swap3A_255 : i32 to index
    %swap3A_257 = arith.constant 32 : index
    %swap3A_258 = tpu.vector_load %arg11[%swap3A_256, %swap3A_257] {strides = array<i32>} : memref<8x128xf32, #tpu.memory_space<vmem>>, vector<16xf32>,
    tpu.vector_store %arg11[%swap3A_256, %swap3A_257], %broadcast_in_dim3A_254 {strides = array<i32>} : memref<8x128xf32, #tpu.memory_space<vmem>>, vector<16xf32>,
    %broadcast_in_dim3A_259 = arith.constant 0.000000e+00 : f32
    %broadcast_in_dim3A_260 = vector.broadcast %broadcast_in_dim3A_259 : f32 to vector<16xf32>
    %swap3A_261 = arith.constant 5 : i32
    %swap3A_262 = arith.index_cast %swap3A_261 : i32 to index
    %swap3A_263 = arith.constant 48 : index
    %swap3A_264 = tpu.vector_load %arg11[%swap3A_262, %swap3A_263] {strides = array<i32>} : memref<8x128xf32, #tpu.memory_space<vmem>>, vector<16xf32>,
    tpu.vector_store %arg11[%swap3A_262, %swap3A_263], %broadcast_in_dim3A_260 {strides = array<i32>} : memref<8x128xf32, #tpu.memory_space<vmem>>, vector<16xf32>,
    %broadcast_in_dim3A_265 = arith.constant 0.000000e+00 : f32
    %broadcast_in_dim3A_266 = vector.broadcast %broadcast_in_dim3A_265 : f32 to vector<16xf32>
    %swap3A_267 = arith.constant 5 : i32
    %swap3A_268 = arith.index_cast %swap3A_267 : i32 to index
    %swap3A_269 = arith.constant 64 : index
    %swap3A_270 = tpu.vector_load %arg11[%swap3A_268, %swap3A_269] {strides = array<i32>} : memref<8x128xf32, #tpu.memory_space<vmem>>, vector<16xf32>,
    tpu.vector_store %arg11[%swap3A_268, %swap3A_269], %broadcast_in_dim3A_266 {strides = array<i32>} : memref<8x128xf32, #tpu.memory_space<vmem>>, vector<16xf32>,
    %broadcast_in_dim3A_271 = arith.constant 0.000000e+00 : f32
    %broadcast_in_dim3A_272 = vector.broadcast %broadcast_in_dim3A_271 : f32 to vector<16xf32>
    %swap3A_273 = arith.constant 5 : i32
    %swap3A_274 = arith.index_cast %swap3A_273 : i32 to index
    %swap3A_275 = arith.constant 80 : index
    %swap3A_276 = tpu.vector_load %arg11[%swap3A_274, %swap3A_275] {strides = array<i32>} : memref<8x128xf32, #tpu.memory_space<vmem>>, vector<16xf32>,
    tpu.vector_store %arg11[%swap3A_274, %swap3A_275], %broadcast_in_dim3A_272 {strides = array<i32>} : memref<8x128xf32, #tpu.memory_space<vmem>>, vector<16xf32>,
    %broadcast_in_dim3A_277 = arith.constant 0.000000e+00 : f32
    %broadcast_in_dim3A_278 = vector.broadcast %broadcast_in_dim3A_277 : f32 to vector<16xf32>
    %swap3A_279 = arith.constant 5 : i32
    %swap3A_280 = arith.index_cast %swap3A_279 : i32 to index
    %swap3A_281 = arith.constant 96 : index
    %swap3A_282 = tpu.vector_load %arg11[%swap3A_280, %swap3A_281] {strides = array<i32>} : memref<8x128xf32, #tpu.memory_space<vmem>>, vector<16xf32>,
    tpu.vector_store %arg11[%swap3A_280, %swap3A_281], %broadcast_in_dim3A_278 {strides = array<i32>} : memref<8x128xf32, #tpu.memory_space<vmem>>, vector<16xf32>,
    %broadcast_in_dim3A_283 = arith.constant 0.000000e+00 : f32
    %broadcast_in_dim3A_284 = vector.broadcast %broadcast_in_dim3A_283 : f32 to vector<16xf32>
    %swap3A_285 = arith.constant 5 : i32
    %swap3A_286 = arith.index_cast %swap3A_285 : i32 to index
    %swap3A_287 = arith.constant 112 : index
    %swap3A_288 = tpu.vector_load %arg11[%swap3A_286, %swap3A_287] {strides = array<i32>} : memref<8x128xf32, #tpu.memory_space<vmem>>, vector<16xf32>,
    tpu.vector_store %arg11[%swap3A_286, %swap3A_287], %broadcast_in_dim3A_284 {strides = array<i32>} : memref<8x128xf32, #tpu.memory_space<vmem>>, vector<16xf32>,
    %broadcast_in_dim3A_289 = arith.constant 0.000000e+00 : f32
    %broadcast_in_dim3A_290 = vector.broadcast %broadcast_in_dim3A_289 : f32 to vector<16xf32>
    %swap3A_291 = arith.constant 6 : i32
    %swap3A_292 = arith.index_cast %swap3A_291 : i32 to index
    %swap3A_293 = arith.constant 0 : index
    %swap3A_294 = tpu.vector_load %arg11[%swap3A_292, %swap3A_293] {strides = array<i32>} : memref<8x128xf32, #tpu.memory_space<vmem>>, vector<16xf32>,
    tpu.vector_store %arg11[%swap3A_292, %swap3A_293], %broadcast_in_dim3A_290 {strides = array<i32>} : memref<8x128xf32, #tpu.memory_space<vmem>>, vector<16xf32>,
    %broadcast_in_dim3A_295 = arith.constant 0.000000e+00 : f32
    %broadcast_in_dim3A_296 = vector.broadcast %broadcast_in_dim3A_295 : f32 to vector<16xf32>
    %swap3A_297 = arith.constant 6 : i32
    %swap3A_298 = arith.index_cast %swap3A_297 : i32 to index
    %swap3A_299 = arith.constant 16 : index
    %swap3A_300 = tpu.vector_load %arg11[%swap3A_298, %swap3A_299] {strides = array<i32>} : memref<8x128xf32, #tpu.memory_space<vmem>>, vector<16xf32>,
    tpu.vector_store %arg11[%swap3A_298, %swap3A_299], %broadcast_in_dim3A_296 {strides = array<i32>} : memref<8x128xf32, #tpu.memory_space<vmem>>, vector<16xf32>,
    %broadcast_in_dim3A_301 = arith.constant 0.000000e+00 : f32
    %broadcast_in_dim3A_302 = vector.broadcast %broadcast_in_dim3A_301 : f32 to vector<16xf32>
    %swap3A_303 = arith.constant 6 : i32
    %swap3A_304 = arith.index_cast %swap3A_303 : i32 to index
    %swap3A_305 = arith.constant 32 : index
    %swap3A_306 = tpu.vector_load %arg11[%swap3A_304, %swap3A_305] {strides = array<i32>} : memref<8x128xf32, #tpu.memory_space<vmem>>, vector<16xf32>,
    tpu.vector_store %arg11[%swap3A_304, %swap3A_305], %broadcast_in_dim3A_302 {strides = array<i32>} : memref<8x128xf32, #tpu.memory_space<vmem>>, vector<16xf32>,
    %broadcast_in_dim3A_307 = arith.constant 0.000000e+00 : f32
    %broadcast_in_dim3A_308 = vector.broadcast %broadcast_in_dim3A_307 : f32 to vector<16xf32>
    %swap3A_309 = arith.constant 6 : i32
    %swap3A_310 = arith.index_cast %swap3A_309 : i32 to index
    %swap3A_311 = arith.constant 48 : index
    %swap3A_312 = tpu.vector_load %arg11[%swap3A_310, %swap3A_311] {strides = array<i32>} : memref<8x128xf32, #tpu.memory_space<vmem>>, vector<16xf32>,
    tpu.vector_store %arg11[%swap3A_310, %swap3A_311], %broadcast_in_dim3A_308 {strides = array<i32>} : memref<8x128xf32, #tpu.memory_space<vmem>>, vector<16xf32>,
    %broadcast_in_dim3A_313 = arith.constant 0.000000e+00 : f32
    %broadcast_in_dim3A_314 = vector.broadcast %broadcast_in_dim3A_313 : f32 to vector<16xf32>
    %swap3A_315 = arith.constant 6 : i32
    %swap3A_316 = arith.index_cast %swap3A_315 : i32 to index
    %swap3A_317 = arith.constant 64 : index
    %swap3A_318 = tpu.vector_load %arg11[%swap3A_316, %swap3A_317] {strides = array<i32>} : memref<8x128xf32, #tpu.memory_space<vmem>>, vector<16xf32>,
    tpu.vector_store %arg11[%swap3A_316, %swap3A_317], %broadcast_in_dim3A_314 {strides = array<i32>} : memref<8x128xf32, #tpu.memory_space<vmem>>, vector<16xf32>,
    %broadcast_in_dim3A_319 = arith.constant 0.000000e+00 : f32
    %broadcast_in_dim3A_320 = vector.broadcast %broadcast_in_dim3A_319 : f32 to vector<16xf32>
    %swap3A_321 = arith.constant 6 : i32
    %swap3A_322 = arith.index_cast %swap3A_321 : i32 to index
    %swap3A_323 = arith.constant 80 : index
    %swap3A_324 = tpu.vector_load %arg11[%swap3A_322, %swap3A_323] {strides = array<i32>} : memref<8x128xf32, #tpu.memory_space<vmem>>, vector<16xf32>,
    tpu.vector_store %arg11[%swap3A_322, %swap3A_323], %broadcast_in_dim3A_320 {strides = array<i32>} : memref<8x128xf32, #tpu.memory_space<vmem>>, vector<16xf32>,
    %broadcast_in_dim3A_325 = arith.constant 0.000000e+00 : f32
    %broadcast_in_dim3A_326 = vector.broadcast %broadcast_in_dim3A_325 : f32 to vector<16xf32>
    %swap3A_327 = arith.constant 6 : i32
    %swap3A_328 = arith.index_cast %swap3A_327 : i32 to index
    %swap3A_329 = arith.constant 96 : index
    %swap3A_330 = tpu.vector_load %arg11[%swap3A_328, %swap3A_329] {strides = array<i32>} : memref<8x128xf32, #tpu.memory_space<vmem>>, vector<16xf32>,
    tpu.vector_store %arg11[%swap3A_328, %swap3A_329], %broadcast_in_dim3A_326 {strides = array<i32>} : memref<8x128xf32, #tpu.memory_space<vmem>>, vector<16xf32>,
    %broadcast_in_dim3A_331 = arith.constant 0.000000e+00 : f32
    %broadcast_in_dim3A_332 = vector.broadcast %broadcast_in_dim3A_331 : f32 to vector<16xf32>
    %swap3A_333 = arith.constant 6 : i32
    %swap3A_334 = arith.index_cast %swap3A_333 : i32 to index
    %swap3A_335 = arith.constant 112 : index
    %swap3A_336 = tpu.vector_load %arg11[%swap3A_334, %swap3A_335] {strides = array<i32>} : memref<8x128xf32, #tpu.memory_space<vmem>>, vector<16xf32>,
    tpu.vector_store %arg11[%swap3A_334, %swap3A_335], %broadcast_in_dim3A_332 {strides = array<i32>} : memref<8x128xf32, #tpu.memory_space<vmem>>, vector<16xf32>,
    %broadcast_in_dim3A_337 = arith.constant 0.000000e+00 : f32
    %broadcast_in_dim3A_338 = vector.broadcast %broadcast_in_dim3A_337 : f32 to vector<16xf32>
    %swap3A_339 = arith.constant 7 : i32
    %swap3A_340 = arith.index_cast %swap3A_339 : i32 to index
    %swap3A_341 = arith.constant 0 : index
    %swap3A_342 = tpu.vector_load %arg11[%swap3A_340, %swap3A_341] {strides = array<i32>} : memref<8x128xf32, #tpu.memory_space<vmem>>, vector<16xf32>,
    tpu.vector_store %arg11[%swap3A_340, %swap3A_341], %broadcast_in_dim3A_338 {strides = array<i32>} : memref<8x128xf32, #tpu.memory_space<vmem>>, vector<16xf32>,
    %broadcast_in_dim3A_343 = arith.constant 0.000000e+00 : f32
    %broadcast_in_dim3A_344 = vector.broadcast %broadcast_in_dim3A_343 : f32 to vector<16xf32>
    %swap3A_345 = arith.constant 7 : i32
    %swap3A_346 = arith.index_cast %swap3A_345 : i32 to index
    %swap3A_347 = arith.constant 16 : index
    %swap3A_348 = tpu.vector_load %arg11[%swap3A_346, %swap3A_347] {strides = array<i32>} : memref<8x128xf32, #tpu.memory_space<vmem>>, vector<16xf32>,
    tpu.vector_store %arg11[%swap3A_346, %swap3A_347], %broadcast_in_dim3A_344 {strides = array<i32>} : memref<8x128xf32, #tpu.memory_space<vmem>>, vector<16xf32>,
    %broadcast_in_dim3A_349 = arith.constant 0.000000e+00 : f32
    %broadcast_in_dim3A_350 = vector.broadcast %broadcast_in_dim3A_349 : f32 to vector<16xf32>
    %swap3A_351 = arith.constant 7 : i32
    %swap3A_352 = arith.index_cast %swap3A_351 : i32 to index
    %swap3A_353 = arith.constant 32 : index
    %swap3A_354 = tpu.vector_load %arg11[%swap3A_352, %swap3A_353] {strides = array<i32>} : memref<8x128xf32, #tpu.memory_space<vmem>>, vector<16xf32>,
    tpu.vector_store %arg11[%swap3A_352, %swap3A_353], %broadcast_in_dim3A_350 {strides = array<i32>} : memref<8x128xf32, #tpu.memory_space<vmem>>, vector<16xf32>,
    %broadcast_in_dim3A_355 = arith.constant 0.000000e+00 : f32
    %broadcast_in_dim3A_356 = vector.broadcast %broadcast_in_dim3A_355 : f32 to vector<16xf32>
    %swap3A_357 = arith.constant 7 : i32
    %swap3A_358 = arith.index_cast %swap3A_357 : i32 to index
    %swap3A_359 = arith.constant 48 : index
    %swap3A_360 = tpu.vector_load %arg11[%swap3A_358, %swap3A_359] {strides = array<i32>} : memref<8x128xf32, #tpu.memory_space<vmem>>, vector<16xf32>,
    tpu.vector_store %arg11[%swap3A_358, %swap3A_359], %broadcast_in_dim3A_356 {strides = array<i32>} : memref<8x128xf32, #tpu.memory_space<vmem>>, vector<16xf32>,
    %broadcast_in_dim3A_361 = arith.constant 0.000000e+00 : f32
    %broadcast_in_dim3A_362 = vector.broadcast %broadcast_in_dim3A_361 : f32 to vector<16xf32>
    %swap3A_363 = arith.constant 7 : i32
    %swap3A_364 = arith.index_cast %swap3A_363 : i32 to index
    %swap3A_365 = arith.constant 64 : index
    %swap3A_366 = tpu.vector_load %arg11[%swap3A_364, %swap3A_365] {strides = array<i32>} : memref<8x128xf32, #tpu.memory_space<vmem>>, vector<16xf32>,
    tpu.vector_store %arg11[%swap3A_364, %swap3A_365], %broadcast_in_dim3A_362 {strides = array<i32>} : memref<8x128xf32, #tpu.memory_space<vmem>>, vector<16xf32>,
    %broadcast_in_dim3A_367 = arith.constant 0.000000e+00 : f32
    %broadcast_in_dim3A_368 = vector.broadcast %broadcast_in_dim3A_367 : f32 to vector<16xf32>
    %swap3A_369 = arith.constant 7 : i32
    %swap3A_370 = arith.index_cast %swap3A_369 : i32 to index
    %swap3A_371 = arith.constant 80 : index
    %swap3A_372 = tpu.vector_load %arg11[%swap3A_370, %swap3A_371] {strides = array<i32>} : memref<8x128xf32, #tpu.memory_space<vmem>>, vector<16xf32>,
    tpu.vector_store %arg11[%swap3A_370, %swap3A_371], %broadcast_in_dim3A_368 {strides = array<i32>} : memref<8x128xf32, #tpu.memory_space<vmem>>, vector<16xf32>,
    %broadcast_in_dim3A_373 = arith.constant 0.000000e+00 : f32
    %broadcast_in_dim3A_374 = vector.broadcast %broadcast_in_dim3A_373 : f32 to vector<16xf32>
    %swap3A_375 = arith.constant 7 : i32
    %swap3A_376 = arith.index_cast %swap3A_375 : i32 to index
    %swap3A_377 = arith.constant 96 : index
    %swap3A_378 = tpu.vector_load %arg11[%swap3A_376, %swap3A_377] {strides = array<i32>} : memref<8x128xf32, #tpu.memory_space<vmem>>, vector<16xf32>,
    tpu.vector_store %arg11[%swap3A_376, %swap3A_377], %broadcast_in_dim3A_374 {strides = array<i32>} : memref<8x128xf32, #tpu.memory_space<vmem>>, vector<16xf32>,
    %broadcast_in_dim3A_379 = arith.constant 0.000000e+00 : f32
    %broadcast_in_dim3A_380 = vector.broadcast %broadcast_in_dim3A_379 : f32 to vector<16xf32>
    %swap3A_381 = arith.constant 7 : i32
    %swap3A_382 = arith.index_cast %swap3A_381 : i32 to index
    %swap3A_383 = arith.constant 112 : index
    %swap3A_384 = tpu.vector_load %arg11[%swap3A_382, %swap3A_383] {strides = array<i32>} : memref<8x128xf32, #tpu.memory_space<vmem>>, vector<16xf32>,
    tpu.vector_store %arg11[%swap3A_382, %swap3A_383], %broadcast_in_dim3A_380 {strides = array<i32>} : memref<8x128xf32, #tpu.memory_space<vmem>>, vector<16xf32>,
    %scan3A = arith.constant 0 : i32
    %scan3A_385 = arith.constant 79 : i32
    %scan3A_386 = arith.addi %scan3A, %scan3A_385 : i32
    %scan3A_387 = arith.constant 1 : i32
    scf.for %scan3A_395 = %scan3A to %scan3A_386 step %scan3A_387  : i32 {
      %mul3A_396 = arith.constant 1 : i32
      %mul3A_397 = arith.muli %scan3A_395, %mul3A_396 : i32
      %add3A_398 = arith.constant 0 : i32
      %add3A_399 = arith.addi %add3A_398, %mul3A_397 : i32
      %mul3A_400 = arith.constant 8 : i32
      %mul3A_401 = arith.muli %add3A_399, %mul3A_400 : i32
      %add3A_402 = arith.addi %mul3A_2, %mul3A_401 : i32
      "tpu.region"() ({
        %run_scoped3A = tpu.sem_alloc : memref<!tpu.dma_semaphore, #tpu.memory_space<semaphore_mem>>
        %dma_start3A = arith.constant 0 : i32
        %dma_start3A_403 = tpu.memref_slice %arg12[%add3A_402, %dma_start3A] : memref<10112x128xf32, #tpu.memory_space<vmem_shared>> -> memref<8x128xf32, #tpu.memory_space<vmem_shared>>
        %dma_start3A_404 = arith.constant 0 : i32
        %dma_start3A_405 = tpu.memref_slice %arg12[%add3A_402, %dma_start3A_404] : memref<10112x128xf32, #tpu.memory_space<vmem_shared>> -> memref<8x128xf32, #tpu.memory_space<vmem_shared>>
        tpu.enqueue_dma source(%arg11 : memref<8x128xf32, #tpu.memory_space<vmem>>) target(%dma_start3A_405 : memref<8x128xf32, #tpu.memory_space<vmem_shared>>) target_semaphore(%run_scoped3A : memref<!tpu.dma_semaphore, #tpu.memory_space<semaphore_mem>>)
        %dma_wait3A = arith.constant 0 : i32
        %dma_wait3A_406 = tpu.memref_slice %arg12[%add3A_402, %dma_wait3A] : memref<10112x128xf32, #tpu.memory_space<vmem_shared>> -> memref<8x128xf32, #tpu.memory_space<vmem_shared>>
        %dma_wait3A_407 = arith.constant 0 : i32
        %dma_wait3A_408 = tpu.memref_slice %arg12[%add3A_402, %dma_wait3A_407] : memref<10112x128xf32, #tpu.memory_space<vmem_shared>> -> memref<8x128xf32, #tpu.memory_space<vmem_shared>>
        tpu.wait_dma2 semaphore(%run_scoped3A : memref<!tpu.dma_semaphore, #tpu.memory_space<semaphore_mem>>) src(%arg11 : memref<8x128xf32, #tpu.memory_space<vmem>>) dst(%dma_wait3A_408 : memref<8x128xf32, #tpu.memory_space<vmem_shared>>)
        tpu.yield
      }) : () -> ()
    }
    %scan3A_388 = arith.constant 79 : i32
    %barrier3A = arith.constant 0 : index
    tpu.barrier barrier_id(%barrier3A)
    %scan3A_389 = arith.constant 0 : i32
    %scan3A_390 = arith.constant 125 : i32
    %scan3A_391 = arith.addi %scan3A_389, %scan3A_390 : i32
    %scan3A_392 = arith.constant 1 : i32
    scf.for %scan3A_395 = %scan3A_389 to %scan3A_391 step %scan3A_392  : i32 {
      %mul3A_396 = arith.constant 1 : i32
      %mul3A_397 = arith.muli %scan3A_395, %mul3A_396 : i32
      %add3A_398 = arith.constant 0 : i32
      %add3A_399 = arith.addi %add3A_398, %mul3A_397 : i32
      %mul3A_400 = arith.constant 10000 : i32
      %mul3A_401 = arith.muli %add3A, %mul3A_400 : i32
      %mul3A_402 = arith.constant 80 : i32
      %mul3A_403 = arith.muli %add3A_399, %mul3A_402 : i32
      %add3A_404 = arith.addi %mul3A_401, %mul3A_403 : i32
      "tpu.region"() ({
        %run_scoped3A = tpu.sem_alloc : memref<!tpu.dma_semaphore, #tpu.memory_space<semaphore_mem>>
        %dma_start3A_414 = tpu.memref_slice %arg2[%add3A_404] : memref<320000xi32, #tpu.memory_space<hbm>> -> memref<80xi32, #tpu.memory_space<hbm>>
        %dma_start3A_415 = tpu.memref_slice %arg2[%add3A_404] : memref<320000xi32, #tpu.memory_space<hbm>> -> memref<80xi32, #tpu.memory_space<hbm>>
        tpu.enqueue_dma source(%dma_start3A_415 : memref<80xi32, #tpu.memory_space<hbm>>) target(%arg7 : memref<80xi32, #tpu.memory_space<vmem>>) target_semaphore(%run_scoped3A : memref<!tpu.dma_semaphore, #tpu.memory_space<semaphore_mem>>)
        %dma_wait3A_416 = tpu.memref_slice %arg2[%add3A_404] : memref<320000xi32, #tpu.memory_space<hbm>> -> memref<80xi32, #tpu.memory_space<hbm>>
        %dma_wait3A_417 = tpu.memref_slice %arg2[%add3A_404] : memref<320000xi32, #tpu.memory_space<hbm>> -> memref<80xi32, #tpu.memory_space<hbm>>
        tpu.wait_dma2 semaphore(%run_scoped3A : memref<!tpu.dma_semaphore, #tpu.memory_space<semaphore_mem>>) src(%dma_wait3A_417 : memref<80xi32, #tpu.memory_space<hbm>>) dst(%arg7 : memref<80xi32, #tpu.memory_space<vmem>>)
        tpu.yield
      }) : () -> ()
      "tpu.region"() ({
        %run_scoped3A = tpu.sem_alloc : memref<!tpu.dma_semaphore, #tpu.memory_space<semaphore_mem>>
        %dma_start3A_414 = tpu.memref_slice %arg3[%add3A_404] : memref<320000xi32, #tpu.memory_space<hbm>> -> memref<80xi32, #tpu.memory_space<hbm>>
        %dma_start3A_415 = tpu.memref_slice %arg3[%add3A_404] : memref<320000xi32, #tpu.memory_space<hbm>> -> memref<80xi32, #tpu.memory_space<hbm>>
        tpu.enqueue_dma source(%dma_start3A_415 : memref<80xi32, #tpu.memory_space<hbm>>) target(%arg8 : memref<80xi32, #tpu.memory_space<vmem>>) target_semaphore(%run_scoped3A : memref<!tpu.dma_semaphore, #tpu.memory_space<semaphore_mem>>)
        %dma_wait3A_416 = tpu.memref_slice %arg3[%add3A_404] : memref<320000xi32, #tpu.memory_space<hbm>> -> memref<80xi32, #tpu.memory_space<hbm>>
        %dma_wait3A_417 = tpu.memref_slice %arg3[%add3A_404] : memref<320000xi32, #tpu.memory_space<hbm>> -> memref<80xi32, #tpu.memory_space<hbm>>
        tpu.wait_dma2 semaphore(%run_scoped3A : memref<!tpu.dma_semaphore, #tpu.memory_space<semaphore_mem>>) src(%dma_wait3A_417 : memref<80xi32, #tpu.memory_space<hbm>>) dst(%arg8 : memref<80xi32, #tpu.memory_space<vmem>>)
        tpu.yield
      }) : () -> ()
      "tpu.region"() ({
        %run_scoped3A = tpu.sem_alloc : memref<!tpu.dma_semaphore, #tpu.memory_space<semaphore_mem>>
        %dma_start3A_414 = tpu.memref_slice %arg4[%add3A_404] : memref<320000xf32, #tpu.memory_space<hbm>> -> memref<80xf32, #tpu.memory_space<hbm>>
        %dma_start3A_415 = tpu.memref_slice %arg4[%add3A_404] : memref<320000xf32, #tpu.memory_space<hbm>> -> memref<80xf32, #tpu.memory_space<hbm>>
        tpu.enqueue_dma source(%dma_start3A_415 : memref<80xf32, #tpu.memory_space<hbm>>) target(%arg9 : memref<80xf32, #tpu.memory_space<vmem>>) target_semaphore(%run_scoped3A : memref<!tpu.dma_semaphore, #tpu.memory_space<semaphore_mem>>)
        %dma_wait3A_416 = tpu.memref_slice %arg4[%add3A_404] : memref<320000xf32, #tpu.memory_space<hbm>> -> memref<80xf32, #tpu.memory_space<hbm>>
        %dma_wait3A_417 = tpu.memref_slice %arg4[%add3A_404] : memref<320000xf32, #tpu.memory_space<hbm>> -> memref<80xf32, #tpu.memory_space<hbm>>
        tpu.wait_dma2 semaphore(%run_scoped3A : memref<!tpu.dma_semaphore, #tpu.memory_space<semaphore_mem>>) src(%dma_wait3A_417 : memref<80xf32, #tpu.memory_space<hbm>>) dst(%arg9 : memref<80xf32, #tpu.memory_space<vmem>>)
        tpu.yield
      }) : () -> ()
      %dma_start3A = arith.constant 0 : i32
      %dma_start3A_405 = arith.constant 0 : i32
      %dma_start3A_406 = tpu.memref_slice %arg5[%dma_start3A, %dma_start3A_405] : memref<10000x128xf32, #tpu.memory_space<hbm>> -> memref<10000x128xf32, #tpu.memory_space<hbm>>
      tpu.enqueue_indirect_dma source(%dma_start3A_406 : memref<10000x128xf32, #tpu.memory_space<hbm>>) target(%arg10 : memref<80x128xf32, #tpu.memory_space<vmem>>) offsets(%arg7 : memref<80xi32, #tpu.memory_space<vmem>>) semaphore(%arg13 : memref<!tpu.dma_semaphore, #tpu.memory_space<semaphore_mem>>)
      %dma_wait3A = arith.constant 0 : i32
      %dma_wait3A_407 = arith.constant 0 : i32
      %dma_wait3A_408 = tpu.memref_slice %arg5[%dma_wait3A, %dma_wait3A_407] : memref<10000x128xf32, #tpu.memory_space<hbm>> -> memref<10000x128xf32, #tpu.memory_space<hbm>>
      tpu.wait_indirect_dma semaphore(%arg13 : memref<!tpu.dma_semaphore, #tpu.memory_space<semaphore_mem>>) src(%dma_wait3A_408 : memref<10000x128xf32, #tpu.memory_space<hbm>>) dst(%arg10 : memref<80x128xf32, #tpu.memory_space<vmem>>)
      %scan3A_409 = arith.constant 0 : i32
      %scan3A_410 = arith.constant 80 : i32
      %scan3A_411 = arith.addi %scan3A_409, %scan3A_410 : i32
      %scan3A_412 = arith.constant 8 : i32
      scf.for %scan3A_414 = %scan3A_409 to %scan3A_411 step %scan3A_412  : i32 {
        %mul3A_415 = arith.constant 1 : i32
        %mul3A_416 = arith.muli %scan3A_414, %mul3A_415 : i32
        %add3A_417 = arith.constant 0 : i32
        %add3A_418 = arith.addi %add3A_417, %mul3A_416 : i32
        %broadcast_in_dim3A_419 = vector.broadcast %add3A_418 : i32 to vector<16xi32>
        %gather3A = tpu.vector_load_idx %arg9[%broadcast_in_dim3A_419] : memref<80xf32, #tpu.memory_space<vmem>>[vector<16xi32>], vector<16xf32>,
        %get3A = arith.index_cast %add3A_418 : i32 to index
        %get3A_420 = arith.constant 0 : index
        %get3A_421 = tpu.vector_load %arg10[%get3A, %get3A_420] {strides = array<i32>} : memref<80x128xf32, #tpu.memory_space<vmem>>, vector<16xf32>,
        %mul3A_422 = arith.mulf %get3A_421, %gather3A : vector<16xf32>
        %swap3A_423 = arith.index_cast %add3A_418 : i32 to index
        %swap3A_424 = arith.constant 0 : index
        %swap3A_425 = tpu.vector_load %arg10[%swap3A_423, %swap3A_424] {strides = array<i32>} : memref<80x128xf32, #tpu.memory_space<vmem>>, vector<16xf32>,
        tpu.vector_store %arg10[%swap3A_423, %swap3A_424], %mul3A_422 {strides = array<i32>} : memref<80x128xf32, #tpu.memory_space<vmem>>, vector<16xf32>,
        %get3A_426 = arith.index_cast %add3A_418 : i32 to index
        %get3A_427 = arith.constant 16 : index
        %get3A_428 = tpu.vector_load %arg10[%get3A_426, %get3A_427] {strides = array<i32>} : memref<80x128xf32, #tpu.memory_space<vmem>>, vector<16xf32>,
        %mul3A_429 = arith.mulf %get3A_428, %gather3A : vector<16xf32>
        %swap3A_430 = arith.index_cast %add3A_418 : i32 to index
        %swap3A_431 = arith.constant 16 : index
        %swap3A_432 = tpu.vector_load %arg10[%swap3A_430, %swap3A_431] {strides = array<i32>} : memref<80x128xf32, #tpu.memory_space<vmem>>, vector<16xf32>,
        tpu.vector_store %arg10[%swap3A_430, %swap3A_431], %mul3A_429 {strides = array<i32>} : memref<80x128xf32, #tpu.memory_space<vmem>>, vector<16xf32>,
        %get3A_433 = arith.index_cast %add3A_418 : i32 to index
        %get3A_434 = arith.constant 32 : index
        %get3A_435 = tpu.vector_load %arg10[%get3A_433, %get3A_434] {strides = array<i32>} : memref<80x128xf32, #tpu.memory_space<vmem>>, vector<16xf32>,
        %mul3A_436 = arith.mulf %get3A_435, %gather3A : vector<16xf32>
        %swap3A_437 = arith.index_cast %add3A_418 : i32 to index
        %swap3A_438 = arith.constant 32 : index
        %swap3A_439 = tpu.vector_load %arg10[%swap3A_437, %swap3A_438] {strides = array<i32>} : memref<80x128xf32, #tpu.memory_space<vmem>>, vector<16xf32>,
        tpu.vector_store %arg10[%swap3A_437, %swap3A_438], %mul3A_436 {strides = array<i32>} : memref<80x128xf32, #tpu.memory_space<vmem>>, vector<16xf32>,
        %get3A_440 = arith.index_cast %add3A_418 : i32 to index
        %get3A_441 = arith.constant 48 : index
        %get3A_442 = tpu.vector_load %arg10[%get3A_440, %get3A_441] {strides = array<i32>} : memref<80x128xf32, #tpu.memory_space<vmem>>, vector<16xf32>,
        %mul3A_443 = arith.mulf %get3A_442, %gather3A : vector<16xf32>
        %swap3A_444 = arith.index_cast %add3A_418 : i32 to index
        %swap3A_445 = arith.constant 48 : index
        %swap3A_446 = tpu.vector_load %arg10[%swap3A_444, %swap3A_445] {strides = array<i32>} : memref<80x128xf32, #tpu.memory_space<vmem>>, vector<16xf32>,
        tpu.vector_store %arg10[%swap3A_444, %swap3A_445], %mul3A_443 {strides = array<i32>} : memref<80x128xf32, #tpu.memory_space<vmem>>, vector<16xf32>,
        %get3A_447 = arith.index_cast %add3A_418 : i32 to index
        %get3A_448 = arith.constant 64 : index
        %get3A_449 = tpu.vector_load %arg10[%get3A_447, %get3A_448] {strides = array<i32>} : memref<80x128xf32, #tpu.memory_space<vmem>>, vector<16xf32>,
        %mul3A_450 = arith.mulf %get3A_449, %gather3A : vector<16xf32>
        %swap3A_451 = arith.index_cast %add3A_418 : i32 to index
        %swap3A_452 = arith.constant 64 : index
        %swap3A_453 = tpu.vector_load %arg10[%swap3A_451, %swap3A_452] {strides = array<i32>} : memref<80x128xf32, #tpu.memory_space<vmem>>, vector<16xf32>,
        tpu.vector_store %arg10[%swap3A_451, %swap3A_452], %mul3A_450 {strides = array<i32>} : memref<80x128xf32, #tpu.memory_space<vmem>>, vector<16xf32>,
        %get3A_454 = arith.index_cast %add3A_418 : i32 to index
        %get3A_455 = arith.constant 80 : index
        %get3A_456 = tpu.vector_load %arg10[%get3A_454, %get3A_455] {strides = array<i32>} : memref<80x128xf32, #tpu.memory_space<vmem>>, vector<16xf32>,
        %mul3A_457 = arith.mulf %get3A_456, %gather3A : vector<16xf32>
        %swap3A_458 = arith.index_cast %add3A_418 : i32 to index
        %swap3A_459 = arith.constant 80 : index
        %swap3A_460 = tpu.vector_load %arg10[%swap3A_458, %swap3A_459] {strides = array<i32>} : memref<80x128xf32, #tpu.memory_space<vmem>>, vector<16xf32>,
        tpu.vector_store %arg10[%swap3A_458, %swap3A_459], %mul3A_457 {strides = array<i32>} : memref<80x128xf32, #tpu.memory_space<vmem>>, vector<16xf32>,
        %get3A_461 = arith.index_cast %add3A_418 : i32 to index
        %get3A_462 = arith.constant 96 : index
        %get3A_463 = tpu.vector_load %arg10[%get3A_461, %get3A_462] {strides = array<i32>} : memref<80x128xf32, #tpu.memory_space<vmem>>, vector<16xf32>,
        %mul3A_464 = arith.mulf %get3A_463, %gather3A : vector<16xf32>
        %swap3A_465 = arith.index_cast %add3A_418 : i32 to index
        %swap3A_466 = arith.constant 96 : index
        %swap3A_467 = tpu.vector_load %arg10[%swap3A_465, %swap3A_466] {strides = array<i32>} : memref<80x128xf32, #tpu.memory_space<vmem>>, vector<16xf32>,
        tpu.vector_store %arg10[%swap3A_465, %swap3A_466], %mul3A_464 {strides = array<i32>} : memref<80x128xf32, #tpu.memory_space<vmem>>, vector<16xf32>,
        %get3A_468 = arith.index_cast %add3A_418 : i32 to index
        %get3A_469 = arith.constant 112 : index
        %get3A_470 = tpu.vector_load %arg10[%get3A_468, %get3A_469] {strides = array<i32>} : memref<80x128xf32, #tpu.memory_space<vmem>>, vector<16xf32>,
        %mul3A_471 = arith.mulf %get3A_470, %gather3A : vector<16xf32>
        %swap3A_472 = arith.index_cast %add3A_418 : i32 to index
        %swap3A_473 = arith.constant 112 : index
        %swap3A_474 = tpu.vector_load %arg10[%swap3A_472, %swap3A_473] {strides = array<i32>} : memref<80x128xf32, #tpu.memory_space<vmem>>, vector<16xf32>,
        tpu.vector_store %arg10[%swap3A_472, %swap3A_473], %mul3A_471 {strides = array<i32>} : memref<80x128xf32, #tpu.memory_space<vmem>>, vector<16xf32>,
        %scan3A_475 = arith.constant 1 : i32
        %scan3A_476 = arith.addi %scan3A_414, %scan3A_475 : i32
        %mul3A_477 = arith.constant 1 : i32
        %mul3A_478 = arith.muli %scan3A_476, %mul3A_477 : i32
        %add3A_479 = arith.constant 0 : i32
        %add3A_480 = arith.addi %add3A_479, %mul3A_478 : i32
        %broadcast_in_dim3A_481 = vector.broadcast %add3A_480 : i32 to vector<16xi32>
        %gather3A_482 = tpu.vector_load_idx %arg9[%broadcast_in_dim3A_481] : memref<80xf32, #tpu.memory_space<vmem>>[vector<16xi32>], vector<16xf32>,
        %get3A_483 = arith.index_cast %add3A_480 : i32 to index
        %get3A_484 = arith.constant 0 : index
        %get3A_485 = tpu.vector_load %arg10[%get3A_483, %get3A_484] {strides = array<i32>} : memref<80x128xf32, #tpu.memory_space<vmem>>, vector<16xf32>,
        %mul3A_486 = arith.mulf %get3A_485, %gather3A_482 : vector<16xf32>
        %swap3A_487 = arith.index_cast %add3A_480 : i32 to index
        %swap3A_488 = arith.constant 0 : index
        %swap3A_489 = tpu.vector_load %arg10[%swap3A_487, %swap3A_488] {strides = array<i32>} : memref<80x128xf32, #tpu.memory_space<vmem>>, vector<16xf32>,
        tpu.vector_store %arg10[%swap3A_487, %swap3A_488], %mul3A_486 {strides = array<i32>} : memref<80x128xf32, #tpu.memory_space<vmem>>, vector<16xf32>,
        %get3A_490 = arith.index_cast %add3A_480 : i32 to index
        %get3A_491 = arith.constant 16 : index
        %get3A_492 = tpu.vector_load %arg10[%get3A_490, %get3A_491] {strides = array<i32>} : memref<80x128xf32, #tpu.memory_space<vmem>>, vector<16xf32>,
        %mul3A_493 = arith.mulf %get3A_492, %gather3A_482 : vector<16xf32>
        %swap3A_494 = arith.index_cast %add3A_480 : i32 to index
        %swap3A_495 = arith.constant 16 : index
        %swap3A_496 = tpu.vector_load %arg10[%swap3A_494, %swap3A_495] {strides = array<i32>} : memref<80x128xf32, #tpu.memory_space<vmem>>, vector<16xf32>,
        tpu.vector_store %arg10[%swap3A_494, %swap3A_495], %mul3A_493 {strides = array<i32>} : memref<80x128xf32, #tpu.memory_space<vmem>>, vector<16xf32>,
        %get3A_497 = arith.index_cast %add3A_480 : i32 to index
        %get3A_498 = arith.constant 32 : index
        %get3A_499 = tpu.vector_load %arg10[%get3A_497, %get3A_498] {strides = array<i32>} : memref<80x128xf32, #tpu.memory_space<vmem>>, vector<16xf32>,
        %mul3A_500 = arith.mulf %get3A_499, %gather3A_482 : vector<16xf32>
        %swap3A_501 = arith.index_cast %add3A_480 : i32 to index
        %swap3A_502 = arith.constant 32 : index
        %swap3A_503 = tpu.vector_load %arg10[%swap3A_501, %swap3A_502] {strides = array<i32>} : memref<80x128xf32, #tpu.memory_space<vmem>>, vector<16xf32>,
        tpu.vector_store %arg10[%swap3A_501, %swap3A_502], %mul3A_500 {strides = array<i32>} : memref<80x128xf32, #tpu.memory_space<vmem>>, vector<16xf32>,
        %get3A_504 = arith.index_cast %add3A_480 : i32 to index
        %get3A_505 = arith.constant 48 : index
        %get3A_506 = tpu.vector_load %arg10[%get3A_504, %get3A_505] {strides = array<i32>} : memref<80x128xf32, #tpu.memory_space<vmem>>, vector<16xf32>,
        %mul3A_507 = arith.mulf %get3A_506, %gather3A_482 : vector<16xf32>
        %swap3A_508 = arith.index_cast %add3A_480 : i32 to index
        %swap3A_509 = arith.constant 48 : index
        %swap3A_510 = tpu.vector_load %arg10[%swap3A_508, %swap3A_509] {strides = array<i32>} : memref<80x128xf32, #tpu.memory_space<vmem>>, vector<16xf32>,
        tpu.vector_store %arg10[%swap3A_508, %swap3A_509], %mul3A_507 {strides = array<i32>} : memref<80x128xf32, #tpu.memory_space<vmem>>, vector<16xf32>,
        %get3A_511 = arith.index_cast %add3A_480 : i32 to index
        %get3A_512 = arith.constant 64 : index
        %get3A_513 = tpu.vector_load %arg10[%get3A_511, %get3A_512] {strides = array<i32>} : memref<80x128xf32, #tpu.memory_space<vmem>>, vector<16xf32>,
        %mul3A_514 = arith.mulf %get3A_513, %gather3A_482 : vector<16xf32>
        %swap3A_515 = arith.index_cast %add3A_480 : i32 to index
        %swap3A_516 = arith.constant 64 : index
        %swap3A_517 = tpu.vector_load %arg10[%swap3A_515, %swap3A_516] {strides = array<i32>} : memref<80x128xf32, #tpu.memory_space<vmem>>, vector<16xf32>,
        tpu.vector_store %arg10[%swap3A_515, %swap3A_516], %mul3A_514 {strides = array<i32>} : memref<80x128xf32, #tpu.memory_space<vmem>>, vector<16xf32>,
        %get3A_518 = arith.index_cast %add3A_480 : i32 to index
        %get3A_519 = arith.constant 80 : index
        %get3A_520 = tpu.vector_load %arg10[%get3A_518, %get3A_519] {strides = array<i32>} : memref<80x128xf32, #tpu.memory_space<vmem>>, vector<16xf32>,
        %mul3A_521 = arith.mulf %get3A_520, %gather3A_482 : vector<16xf32>
        %swap3A_522 = arith.index_cast %add3A_480 : i32 to index
        %swap3A_523 = arith.constant 80 : index
        %swap3A_524 = tpu.vector_load %arg10[%swap3A_522, %swap3A_523] {strides = array<i32>} : memref<80x128xf32, #tpu.memory_space<vmem>>, vector<16xf32>,
        tpu.vector_store %arg10[%swap3A_522, %swap3A_523], %mul3A_521 {strides = array<i32>} : memref<80x128xf32, #tpu.memory_space<vmem>>, vector<16xf32>,
        %get3A_525 = arith.index_cast %add3A_480 : i32 to index
        %get3A_526 = arith.constant 96 : index
        %get3A_527 = tpu.vector_load %arg10[%get3A_525, %get3A_526] {strides = array<i32>} : memref<80x128xf32, #tpu.memory_space<vmem>>, vector<16xf32>,
        %mul3A_528 = arith.mulf %get3A_527, %gather3A_482 : vector<16xf32>
        %swap3A_529 = arith.index_cast %add3A_480 : i32 to index
        %swap3A_530 = arith.constant 96 : index
        %swap3A_531 = tpu.vector_load %arg10[%swap3A_529, %swap3A_530] {strides = array<i32>} : memref<80x128xf32, #tpu.memory_space<vmem>>, vector<16xf32>,
        tpu.vector_store %arg10[%swap3A_529, %swap3A_530], %mul3A_528 {strides = array<i32>} : memref<80x128xf32, #tpu.memory_space<vmem>>, vector<16xf32>,
        %get3A_532 = arith.index_cast %add3A_480 : i32 to index
        %get3A_533 = arith.constant 112 : index
        %get3A_534 = tpu.vector_load %arg10[%get3A_532, %get3A_533] {strides = array<i32>} : memref<80x128xf32, #tpu.memory_space<vmem>>, vector<16xf32>,
        %mul3A_535 = arith.mulf %get3A_534, %gather3A_482 : vector<16xf32>
        %swap3A_536 = arith.index_cast %add3A_480 : i32 to index
        %swap3A_537 = arith.constant 112 : index
        %swap3A_538 = tpu.vector_load %arg10[%swap3A_536, %swap3A_537] {strides = array<i32>} : memref<80x128xf32, #tpu.memory_space<vmem>>, vector<16xf32>,
        tpu.vector_store %arg10[%swap3A_536, %swap3A_537], %mul3A_535 {strides = array<i32>} : memref<80x128xf32, #tpu.memory_space<vmem>>, vector<16xf32>,
        %scan3A_539 = arith.constant 2 : i32
        %scan3A_540 = arith.addi %scan3A_414, %scan3A_539 : i32
        %mul3A_541 = arith.constant 1 : i32
        %mul3A_542 = arith.muli %scan3A_540, %mul3A_541 : i32
        %add3A_543 = arith.constant 0 : i32
        %add3A_544 = arith.addi %add3A_543, %mul3A_542 : i32
        %broadcast_in_dim3A_545 = vector.broadcast %add3A_544 : i32 to vector<16xi32>
        %gather3A_546 = tpu.vector_load_idx %arg9[%broadcast_in_dim3A_545] : memref<80xf32, #tpu.memory_space<vmem>>[vector<16xi32>], vector<16xf32>,
        %get3A_547 = arith.index_cast %add3A_544 : i32 to index
        %get3A_548 = arith.constant 0 : index
        %get3A_549 = tpu.vector_load %arg10[%get3A_547, %get3A_548] {strides = array<i32>} : memref<80x128xf32, #tpu.memory_space<vmem>>, vector<16xf32>,
        %mul3A_550 = arith.mulf %get3A_549, %gather3A_546 : vector<16xf32>
        %swap3A_551 = arith.index_cast %add3A_544 : i32 to index
        %swap3A_552 = arith.constant 0 : index
        %swap3A_553 = tpu.vector_load %arg10[%swap3A_551, %swap3A_552] {strides = array<i32>} : memref<80x128xf32, #tpu.memory_space<vmem>>, vector<16xf32>,
        tpu.vector_store %arg10[%swap3A_551, %swap3A_552], %mul3A_550 {strides = array<i32>} : memref<80x128xf32, #tpu.memory_space<vmem>>, vector<16xf32>,
        %get3A_554 = arith.index_cast %add3A_544 : i32 to index
        %get3A_555 = arith.constant 16 : index
        %get3A_556 = tpu.vector_load %arg10[%get3A_554, %get3A_555] {strides = array<i32>} : memref<80x128xf32, #tpu.memory_space<vmem>>, vector<16xf32>,
        %mul3A_557 = arith.mulf %get3A_556, %gather3A_546 : vector<16xf32>
        %swap3A_558 = arith.index_cast %add3A_544 : i32 to index
        %swap3A_559 = arith.constant 16 : index
        %swap3A_560 = tpu.vector_load %arg10[%swap3A_558, %swap3A_559] {strides = array<i32>} : memref<80x128xf32, #tpu.memory_space<vmem>>, vector<16xf32>,
        tpu.vector_store %arg10[%swap3A_558, %swap3A_559], %mul3A_557 {strides = array<i32>} : memref<80x128xf32, #tpu.memory_space<vmem>>, vector<16xf32>,
        %get3A_561 = arith.index_cast %add3A_544 : i32 to index
        %get3A_562 = arith.constant 32 : index
        %get3A_563 = tpu.vector_load %arg10[%get3A_561, %get3A_562] {strides = array<i32>} : memref<80x128xf32, #tpu.memory_space<vmem>>, vector<16xf32>,
        %mul3A_564 = arith.mulf %get3A_563, %gather3A_546 : vector<16xf32>
        %swap3A_565 = arith.index_cast %add3A_544 : i32 to index
        %swap3A_566 = arith.constant 32 : index
        %swap3A_567 = tpu.vector_load %arg10[%swap3A_565, %swap3A_566] {strides = array<i32>} : memref<80x128xf32, #tpu.memory_space<vmem>>, vector<16xf32>,
        tpu.vector_store %arg10[%swap3A_565, %swap3A_566], %mul3A_564 {strides = array<i32>} : memref<80x128xf32, #tpu.memory_space<vmem>>, vector<16xf32>,
        %get3A_568 = arith.index_cast %add3A_544 : i32 to index
        %get3A_569 = arith.constant 48 : index
        %get3A_570 = tpu.vector_load %arg10[%get3A_568, %get3A_569] {strides = array<i32>} : memref<80x128xf32, #tpu.memory_space<vmem>>, vector<16xf32>,
        %mul3A_571 = arith.mulf %get3A_570, %gather3A_546 : vector<16xf32>
        %swap3A_572 = arith.index_cast %add3A_544 : i32 to index
        %swap3A_573 = arith.constant 48 : index
        %swap3A_574 = tpu.vector_load %arg10[%swap3A_572, %swap3A_573] {strides = array<i32>} : memref<80x128xf32, #tpu.memory_space<vmem>>, vector<16xf32>,
        tpu.vector_store %arg10[%swap3A_572, %swap3A_573], %mul3A_571 {strides = array<i32>} : memref<80x128xf32, #tpu.memory_space<vmem>>, vector<16xf32>,
        %get3A_575 = arith.index_cast %add3A_544 : i32 to index
        %get3A_576 = arith.constant 64 : index
        %get3A_577 = tpu.vector_load %arg10[%get3A_575, %get3A_576] {strides = array<i32>} : memref<80x128xf32, #tpu.memory_space<vmem>>, vector<16xf32>,
        %mul3A_578 = arith.mulf %get3A_577, %gather3A_546 : vector<16xf32>
        %swap3A_579 = arith.index_cast %add3A_544 : i32 to index
        %swap3A_580 = arith.constant 64 : index
        %swap3A_581 = tpu.vector_load %arg10[%swap3A_579, %swap3A_580] {strides = array<i32>} : memref<80x128xf32, #tpu.memory_space<vmem>>, vector<16xf32>,
        tpu.vector_store %arg10[%swap3A_579, %swap3A_580], %mul3A_578 {strides = array<i32>} : memref<80x128xf32, #tpu.memory_space<vmem>>, vector<16xf32>,
        %get3A_582 = arith.index_cast %add3A_544 : i32 to index
        %get3A_583 = arith.constant 80 : index
        %get3A_584 = tpu.vector_load %arg10[%get3A_582, %get3A_583] {strides = array<i32>} : memref<80x128xf32, #tpu.memory_space<vmem>>, vector<16xf32>,
        %mul3A_585 = arith.mulf %get3A_584, %gather3A_546 : vector<16xf32>
        %swap3A_586 = arith.index_cast %add3A_544 : i32 to index
        %swap3A_587 = arith.constant 80 : index
        %swap3A_588 = tpu.vector_load %arg10[%swap3A_586, %swap3A_587] {strides = array<i32>} : memref<80x128xf32, #tpu.memory_space<vmem>>, vector<16xf32>,
        tpu.vector_store %arg10[%swap3A_586, %swap3A_587], %mul3A_585 {strides = array<i32>} : memref<80x128xf32, #tpu.memory_space<vmem>>, vector<16xf32>,
        %get3A_589 = arith.index_cast %add3A_544 : i32 to index
        %get3A_590 = arith.constant 96 : index
        %get3A_591 = tpu.vector_load %arg10[%get3A_589, %get3A_590] {strides = array<i32>} : memref<80x128xf32, #tpu.memory_space<vmem>>, vector<16xf32>,
        %mul3A_592 = arith.mulf %get3A_591, %gather3A_546 : vector<16xf32>
        %swap3A_593 = arith.index_cast %add3A_544 : i32 to index
        %swap3A_594 = arith.constant 96 : index
        %swap3A_595 = tpu.vector_load %arg10[%swap3A_593, %swap3A_594] {strides = array<i32>} : memref<80x128xf32, #tpu.memory_space<vmem>>, vector<16xf32>,
        tpu.vector_store %arg10[%swap3A_593, %swap3A_594], %mul3A_592 {strides = array<i32>} : memref<80x128xf32, #tpu.memory_space<vmem>>, vector<16xf32>,
        %get3A_596 = arith.index_cast %add3A_544 : i32 to index
        %get3A_597 = arith.constant 112 : index
        %get3A_598 = tpu.vector_load %arg10[%get3A_596, %get3A_597] {strides = array<i32>} : memref<80x128xf32, #tpu.memory_space<vmem>>, vector<16xf32>,
        %mul3A_599 = arith.mulf %get3A_598, %gather3A_546 : vector<16xf32>
        %swap3A_600 = arith.index_cast %add3A_544 : i32 to index
        %swap3A_601 = arith.constant 112 : index
        %swap3A_602 = tpu.vector_load %arg10[%swap3A_600, %swap3A_601] {strides = array<i32>} : memref<80x128xf32, #tpu.memory_space<vmem>>, vector<16xf32>,
        tpu.vector_store %arg10[%swap3A_600, %swap3A_601], %mul3A_599 {strides = array<i32>} : memref<80x128xf32, #tpu.memory_space<vmem>>, vector<16xf32>,
        %scan3A_603 = arith.constant 3 : i32
        %scan3A_604 = arith.addi %scan3A_414, %scan3A_603 : i32
        %mul3A_605 = arith.constant 1 : i32
        %mul3A_606 = arith.muli %scan3A_604, %mul3A_605 : i32
        %add3A_607 = arith.constant 0 : i32
        %add3A_608 = arith.addi %add3A_607, %mul3A_606 : i32
        %broadcast_in_dim3A_609 = vector.broadcast %add3A_608 : i32 to vector<16xi32>
        %gather3A_610 = tpu.vector_load_idx %arg9[%broadcast_in_dim3A_609] : memref<80xf32, #tpu.memory_space<vmem>>[vector<16xi32>], vector<16xf32>,
        %get3A_611 = arith.index_cast %add3A_608 : i32 to index
        %get3A_612 = arith.constant 0 : index
        %get3A_613 = tpu.vector_load %arg10[%get3A_611, %get3A_612] {strides = array<i32>} : memref<80x128xf32, #tpu.memory_space<vmem>>, vector<16xf32>,
        %mul3A_614 = arith.mulf %get3A_613, %gather3A_610 : vector<16xf32>
        %swap3A_615 = arith.index_cast %add3A_608 : i32 to index
        %swap3A_616 = arith.constant 0 : index
        %swap3A_617 = tpu.vector_load %arg10[%swap3A_615, %swap3A_616] {strides = array<i32>} : memref<80x128xf32, #tpu.memory_space<vmem>>, vector<16xf32>,
        tpu.vector_store %arg10[%swap3A_615, %swap3A_616], %mul3A_614 {strides = array<i32>} : memref<80x128xf32, #tpu.memory_space<vmem>>, vector<16xf32>,
        %get3A_618 = arith.index_cast %add3A_608 : i32 to index
        %get3A_619 = arith.constant 16 : index
        %get3A_620 = tpu.vector_load %arg10[%get3A_618, %get3A_619] {strides = array<i32>} : memref<80x128xf32, #tpu.memory_space<vmem>>, vector<16xf32>,
        %mul3A_621 = arith.mulf %get3A_620, %gather3A_610 : vector<16xf32>
        %swap3A_622 = arith.index_cast %add3A_608 : i32 to index
        %swap3A_623 = arith.constant 16 : index
        %swap3A_624 = tpu.vector_load %arg10[%swap3A_622, %swap3A_623] {strides = array<i32>} : memref<80x128xf32, #tpu.memory_space<vmem>>, vector<16xf32>,
        tpu.vector_store %arg10[%swap3A_622, %swap3A_623], %mul3A_621 {strides = array<i32>} : memref<80x128xf32, #tpu.memory_space<vmem>>, vector<16xf32>,
        %get3A_625 = arith.index_cast %add3A_608 : i32 to index
        %get3A_626 = arith.constant 32 : index
        %get3A_627 = tpu.vector_load %arg10[%get3A_625, %get3A_626] {strides = array<i32>} : memref<80x128xf32, #tpu.memory_space<vmem>>, vector<16xf32>,
        %mul3A_628 = arith.mulf %get3A_627, %gather3A_610 : vector<16xf32>
        %swap3A_629 = arith.index_cast %add3A_608 : i32 to index
        %swap3A_630 = arith.constant 32 : index
        %swap3A_631 = tpu.vector_load %arg10[%swap3A_629, %swap3A_630] {strides = array<i32>} : memref<80x128xf32, #tpu.memory_space<vmem>>, vector<16xf32>,
        tpu.vector_store %arg10[%swap3A_629, %swap3A_630], %mul3A_628 {strides = array<i32>} : memref<80x128xf32, #tpu.memory_space<vmem>>, vector<16xf32>,
        %get3A_632 = arith.index_cast %add3A_608 : i32 to index
        %get3A_633 = arith.constant 48 : index
        %get3A_634 = tpu.vector_load %arg10[%get3A_632, %get3A_633] {strides = array<i32>} : memref<80x128xf32, #tpu.memory_space<vmem>>, vector<16xf32>,
        %mul3A_635 = arith.mulf %get3A_634, %gather3A_610 : vector<16xf32>
        %swap3A_636 = arith.index_cast %add3A_608 : i32 to index
        %swap3A_637 = arith.constant 48 : index
        %swap3A_638 = tpu.vector_load %arg10[%swap3A_636, %swap3A_637] {strides = array<i32>} : memref<80x128xf32, #tpu.memory_space<vmem>>, vector<16xf32>,
        tpu.vector_store %arg10[%swap3A_636, %swap3A_637], %mul3A_635 {strides = array<i32>} : memref<80x128xf32, #tpu.memory_space<vmem>>, vector<16xf32>,
        %get3A_639 = arith.index_cast %add3A_608 : i32 to index
        %get3A_640 = arith.constant 64 : index
        %get3A_641 = tpu.vector_load %arg10[%get3A_639, %get3A_640] {strides = array<i32>} : memref<80x128xf32, #tpu.memory_space<vmem>>, vector<16xf32>,
        %mul3A_642 = arith.mulf %get3A_641, %gather3A_610 : vector<16xf32>
        %swap3A_643 = arith.index_cast %add3A_608 : i32 to index
        %swap3A_644 = arith.constant 64 : index
        %swap3A_645 = tpu.vector_load %arg10[%swap3A_643, %swap3A_644] {strides = array<i32>} : memref<80x128xf32, #tpu.memory_space<vmem>>, vector<16xf32>,
        tpu.vector_store %arg10[%swap3A_643, %swap3A_644], %mul3A_642 {strides = array<i32>} : memref<80x128xf32, #tpu.memory_space<vmem>>, vector<16xf32>,
        %get3A_646 = arith.index_cast %add3A_608 : i32 to index
        %get3A_647 = arith.constant 80 : index
        %get3A_648 = tpu.vector_load %arg10[%get3A_646, %get3A_647] {strides = array<i32>} : memref<80x128xf32, #tpu.memory_space<vmem>>, vector<16xf32>,
        %mul3A_649 = arith.mulf %get3A_648, %gather3A_610 : vector<16xf32>
        %swap3A_650 = arith.index_cast %add3A_608 : i32 to index
        %swap3A_651 = arith.constant 80 : index
        %swap3A_652 = tpu.vector_load %arg10[%swap3A_650, %swap3A_651] {strides = array<i32>} : memref<80x128xf32, #tpu.memory_space<vmem>>, vector<16xf32>,
        tpu.vector_store %arg10[%swap3A_650, %swap3A_651], %mul3A_649 {strides = array<i32>} : memref<80x128xf32, #tpu.memory_space<vmem>>, vector<16xf32>,
        %get3A_653 = arith.index_cast %add3A_608 : i32 to index
        %get3A_654 = arith.constant 96 : index
        %get3A_655 = tpu.vector_load %arg10[%get3A_653, %get3A_654] {strides = array<i32>} : memref<80x128xf32, #tpu.memory_space<vmem>>, vector<16xf32>,
        %mul3A_656 = arith.mulf %get3A_655, %gather3A_610 : vector<16xf32>
        %swap3A_657 = arith.index_cast %add3A_608 : i32 to index
        %swap3A_658 = arith.constant 96 : index
        %swap3A_659 = tpu.vector_load %arg10[%swap3A_657, %swap3A_658] {strides = array<i32>} : memref<80x128xf32, #tpu.memory_space<vmem>>, vector<16xf32>,
        tpu.vector_store %arg10[%swap3A_657, %swap3A_658], %mul3A_656 {strides = array<i32>} : memref<80x128xf32, #tpu.memory_space<vmem>>, vector<16xf32>,
        %get3A_660 = arith.index_cast %add3A_608 : i32 to index
        %get3A_661 = arith.constant 112 : index
        %get3A_662 = tpu.vector_load %arg10[%get3A_660, %get3A_661] {strides = array<i32>} : memref<80x128xf32, #tpu.memory_space<vmem>>, vector<16xf32>,
        %mul3A_663 = arith.mulf %get3A_662, %gather3A_610 : vector<16xf32>
        %swap3A_664 = arith.index_cast %add3A_608 : i32 to index
        %swap3A_665 = arith.constant 112 : index
        %swap3A_666 = tpu.vector_load %arg10[%swap3A_664, %swap3A_665] {strides = array<i32>} : memref<80x128xf32, #tpu.memory_space<vmem>>, vector<16xf32>,
        tpu.vector_store %arg10[%swap3A_664, %swap3A_665], %mul3A_663 {strides = array<i32>} : memref<80x128xf32, #tpu.memory_space<vmem>>, vector<16xf32>,
        %scan3A_667 = arith.constant 4 : i32
        %scan3A_668 = arith.addi %scan3A_414, %scan3A_667 : i32
        %mul3A_669 = arith.constant 1 : i32
        %mul3A_670 = arith.muli %scan3A_668, %mul3A_669 : i32
        %add3A_671 = arith.constant 0 : i32
        %add3A_672 = arith.addi %add3A_671, %mul3A_670 : i32
        %broadcast_in_dim3A_673 = vector.broadcast %add3A_672 : i32 to vector<16xi32>
        %gather3A_674 = tpu.vector_load_idx %arg9[%broadcast_in_dim3A_673] : memref<80xf32, #tpu.memory_space<vmem>>[vector<16xi32>], vector<16xf32>,
        %get3A_675 = arith.index_cast %add3A_672 : i32 to index
        %get3A_676 = arith.constant 0 : index
        %get3A_677 = tpu.vector_load %arg10[%get3A_675, %get3A_676] {strides = array<i32>} : memref<80x128xf32, #tpu.memory_space<vmem>>, vector<16xf32>,
        %mul3A_678 = arith.mulf %get3A_677, %gather3A_674 : vector<16xf32>
        %swap3A_679 = arith.index_cast %add3A_672 : i32 to index
        %swap3A_680 = arith.constant 0 : index
        %swap3A_681 = tpu.vector_load %arg10[%swap3A_679, %swap3A_680] {strides = array<i32>} : memref<80x128xf32, #tpu.memory_space<vmem>>, vector<16xf32>,
        tpu.vector_store %arg10[%swap3A_679, %swap3A_680], %mul3A_678 {strides = array<i32>} : memref<80x128xf32, #tpu.memory_space<vmem>>, vector<16xf32>,
        %get3A_682 = arith.index_cast %add3A_672 : i32 to index
        %get3A_683 = arith.constant 16 : index
        %get3A_684 = tpu.vector_load %arg10[%get3A_682, %get3A_683] {strides = array<i32>} : memref<80x128xf32, #tpu.memory_space<vmem>>, vector<16xf32>,
        %mul3A_685 = arith.mulf %get3A_684, %gather3A_674 : vector<16xf32>
        %swap3A_686 = arith.index_cast %add3A_672 : i32 to index
        %swap3A_687 = arith.constant 16 : index
        %swap3A_688 = tpu.vector_load %arg10[%swap3A_686, %swap3A_687] {strides = array<i32>} : memref<80x128xf32, #tpu.memory_space<vmem>>, vector<16xf32>,
        tpu.vector_store %arg10[%swap3A_686, %swap3A_687], %mul3A_685 {strides = array<i32>} : memref<80x128xf32, #tpu.memory_space<vmem>>, vector<16xf32>,
        %get3A_689 = arith.index_cast %add3A_672 : i32 to index
        %get3A_690 = arith.constant 32 : index
        %get3A_691 = tpu.vector_load %arg10[%get3A_689, %get3A_690] {strides = array<i32>} : memref<80x128xf32, #tpu.memory_space<vmem>>, vector<16xf32>,
        %mul3A_692 = arith.mulf %get3A_691, %gather3A_674 : vector<16xf32>
        %swap3A_693 = arith.index_cast %add3A_672 : i32 to index
        %swap3A_694 = arith.constant 32 : index
        %swap3A_695 = tpu.vector_load %arg10[%swap3A_693, %swap3A_694] {strides = array<i32>} : memref<80x128xf32, #tpu.memory_space<vmem>>, vector<16xf32>,
        tpu.vector_store %arg10[%swap3A_693, %swap3A_694], %mul3A_692 {strides = array<i32>} : memref<80x128xf32, #tpu.memory_space<vmem>>, vector<16xf32>,
        %get3A_696 = arith.index_cast %add3A_672 : i32 to index
        %get3A_697 = arith.constant 48 : index
        %get3A_698 = tpu.vector_load %arg10[%get3A_696, %get3A_697] {strides = array<i32>} : memref<80x128xf32, #tpu.memory_space<vmem>>, vector<16xf32>,
        %mul3A_699 = arith.mulf %get3A_698, %gather3A_674 : vector<16xf32>
        %swap3A_700 = arith.index_cast %add3A_672 : i32 to index
        %swap3A_701 = arith.constant 48 : index
        %swap3A_702 = tpu.vector_load %arg10[%swap3A_700, %swap3A_701] {strides = array<i32>} : memref<80x128xf32, #tpu.memory_space<vmem>>, vector<16xf32>,
        tpu.vector_store %arg10[%swap3A_700, %swap3A_701], %mul3A_699 {strides = array<i32>} : memref<80x128xf32, #tpu.memory_space<vmem>>, vector<16xf32>,
        %get3A_703 = arith.index_cast %add3A_672 : i32 to index
        %get3A_704 = arith.constant 64 : index
        %get3A_705 = tpu.vector_load %arg10[%get3A_703, %get3A_704] {strides = array<i32>} : memref<80x128xf32, #tpu.memory_space<vmem>>, vector<16xf32>,
        %mul3A_706 = arith.mulf %get3A_705, %gather3A_674 : vector<16xf32>
        %swap3A_707 = arith.index_cast %add3A_672 : i32 to index
        %swap3A_708 = arith.constant 64 : index
        %swap3A_709 = tpu.vector_load %arg10[%swap3A_707, %swap3A_708] {strides = array<i32>} : memref<80x128xf32, #tpu.memory_space<vmem>>, vector<16xf32>,
        tpu.vector_store %arg10[%swap3A_707, %swap3A_708], %mul3A_706 {strides = array<i32>} : memref<80x128xf32, #tpu.memory_space<vmem>>, vector<16xf32>,
        %get3A_710 = arith.index_cast %add3A_672 : i32 to index
        %get3A_711 = arith.constant 80 : index
        %get3A_712 = tpu.vector_load %arg10[%get3A_710, %get3A_711] {strides = array<i32>} : memref<80x128xf32, #tpu.memory_space<vmem>>, vector<16xf32>,
        %mul3A_713 = arith.mulf %get3A_712, %gather3A_674 : vector<16xf32>
        %swap3A_714 = arith.index_cast %add3A_672 : i32 to index
        %swap3A_715 = arith.constant 80 : index
        %swap3A_716 = tpu.vector_load %arg10[%swap3A_714, %swap3A_715] {strides = array<i32>} : memref<80x128xf32, #tpu.memory_space<vmem>>, vector<16xf32>,
        tpu.vector_store %arg10[%swap3A_714, %swap3A_715], %mul3A_713 {strides = array<i32>} : memref<80x128xf32, #tpu.memory_space<vmem>>, vector<16xf32>,
        %get3A_717 = arith.index_cast %add3A_672 : i32 to index
        %get3A_718 = arith.constant 96 : index
        %get3A_719 = tpu.vector_load %arg10[%get3A_717, %get3A_718] {strides = array<i32>} : memref<80x128xf32, #tpu.memory_space<vmem>>, vector<16xf32>,
        %mul3A_720 = arith.mulf %get3A_719, %gather3A_674 : vector<16xf32>
        %swap3A_721 = arith.index_cast %add3A_672 : i32 to index
        %swap3A_722 = arith.constant 96 : index
        %swap3A_723 = tpu.vector_load %arg10[%swap3A_721, %swap3A_722] {strides = array<i32>} : memref<80x128xf32, #tpu.memory_space<vmem>>, vector<16xf32>,
        tpu.vector_store %arg10[%swap3A_721, %swap3A_722], %mul3A_720 {strides = array<i32>} : memref<80x128xf32, #tpu.memory_space<vmem>>, vector<16xf32>,
        %get3A_724 = arith.index_cast %add3A_672 : i32 to index
        %get3A_725 = arith.constant 112 : index
        %get3A_726 = tpu.vector_load %arg10[%get3A_724, %get3A_725] {strides = array<i32>} : memref<80x128xf32, #tpu.memory_space<vmem>>, vector<16xf32>,
        %mul3A_727 = arith.mulf %get3A_726, %gather3A_674 : vector<16xf32>
        %swap3A_728 = arith.index_cast %add3A_672 : i32 to index
        %swap3A_729 = arith.constant 112 : index
        %swap3A_730 = tpu.vector_load %arg10[%swap3A_728, %swap3A_729] {strides = array<i32>} : memref<80x128xf32, #tpu.memory_space<vmem>>, vector<16xf32>,
        tpu.vector_store %arg10[%swap3A_728, %swap3A_729], %mul3A_727 {strides = array<i32>} : memref<80x128xf32, #tpu.memory_space<vmem>>, vector<16xf32>,
        %scan3A_731 = arith.constant 5 : i32
        %scan3A_732 = arith.addi %scan3A_414, %scan3A_731 : i32
        %mul3A_733 = arith.constant 1 : i32
        %mul3A_734 = arith.muli %scan3A_732, %mul3A_733 : i32
        %add3A_735 = arith.constant 0 : i32
        %add3A_736 = arith.addi %add3A_735, %mul3A_734 : i32
        %broadcast_in_dim3A_737 = vector.broadcast %add3A_736 : i32 to vector<16xi32>
        %gather3A_738 = tpu.vector_load_idx %arg9[%broadcast_in_dim3A_737] : memref<80xf32, #tpu.memory_space<vmem>>[vector<16xi32>], vector<16xf32>,
        %get3A_739 = arith.index_cast %add3A_736 : i32 to index
        %get3A_740 = arith.constant 0 : index
        %get3A_741 = tpu.vector_load %arg10[%get3A_739, %get3A_740] {strides = array<i32>} : memref<80x128xf32, #tpu.memory_space<vmem>>, vector<16xf32>,
        %mul3A_742 = arith.mulf %get3A_741, %gather3A_738 : vector<16xf32>
        %swap3A_743 = arith.index_cast %add3A_736 : i32 to index
        %swap3A_744 = arith.constant 0 : index
        %swap3A_745 = tpu.vector_load %arg10[%swap3A_743, %swap3A_744] {strides = array<i32>} : memref<80x128xf32, #tpu.memory_space<vmem>>, vector<16xf32>,
        tpu.vector_store %arg10[%swap3A_743, %swap3A_744], %mul3A_742 {strides = array<i32>} : memref<80x128xf32, #tpu.memory_space<vmem>>, vector<16xf32>,
        %get3A_746 = arith.index_cast %add3A_736 : i32 to index
        %get3A_747 = arith.constant 16 : index
        %get3A_748 = tpu.vector_load %arg10[%get3A_746, %get3A_747] {strides = array<i32>} : memref<80x128xf32, #tpu.memory_space<vmem>>, vector<16xf32>,
        %mul3A_749 = arith.mulf %get3A_748, %gather3A_738 : vector<16xf32>
        %swap3A_750 = arith.index_cast %add3A_736 : i32 to index
        %swap3A_751 = arith.constant 16 : index
        %swap3A_752 = tpu.vector_load %arg10[%swap3A_750, %swap3A_751] {strides = array<i32>} : memref<80x128xf32, #tpu.memory_space<vmem>>, vector<16xf32>,
        tpu.vector_store %arg10[%swap3A_750, %swap3A_751], %mul3A_749 {strides = array<i32>} : memref<80x128xf32, #tpu.memory_space<vmem>>, vector<16xf32>,
        %get3A_753 = arith.index_cast %add3A_736 : i32 to index
        %get3A_754 = arith.constant 32 : index
        %get3A_755 = tpu.vector_load %arg10[%get3A_753, %get3A_754] {strides = array<i32>} : memref<80x128xf32, #tpu.memory_space<vmem>>, vector<16xf32>,
        %mul3A_756 = arith.mulf %get3A_755, %gather3A_738 : vector<16xf32>
        %swap3A_757 = arith.index_cast %add3A_736 : i32 to index
        %swap3A_758 = arith.constant 32 : index
        %swap3A_759 = tpu.vector_load %arg10[%swap3A_757, %swap3A_758] {strides = array<i32>} : memref<80x128xf32, #tpu.memory_space<vmem>>, vector<16xf32>,
        tpu.vector_store %arg10[%swap3A_757, %swap3A_758], %mul3A_756 {strides = array<i32>} : memref<80x128xf32, #tpu.memory_space<vmem>>, vector<16xf32>,
        %get3A_760 = arith.index_cast %add3A_736 : i32 to index
        %get3A_761 = arith.constant 48 : index
        %get3A_762 = tpu.vector_load %arg10[%get3A_760, %get3A_761] {strides = array<i32>} : memref<80x128xf32, #tpu.memory_space<vmem>>, vector<16xf32>,
        %mul3A_763 = arith.mulf %get3A_762, %gather3A_738 : vector<16xf32>
        %swap3A_764 = arith.index_cast %add3A_736 : i32 to index
        %swap3A_765 = arith.constant 48 : index
        %swap3A_766 = tpu.vector_load %arg10[%swap3A_764, %swap3A_765] {strides = array<i32>} : memref<80x128xf32, #tpu.memory_space<vmem>>, vector<16xf32>,
        tpu.vector_store %arg10[%swap3A_764, %swap3A_765], %mul3A_763 {strides = array<i32>} : memref<80x128xf32, #tpu.memory_space<vmem>>, vector<16xf32>,
        %get3A_767 = arith.index_cast %add3A_736 : i32 to index
        %get3A_768 = arith.constant 64 : index
        %get3A_769 = tpu.vector_load %arg10[%get3A_767, %get3A_768] {strides = array<i32>} : memref<80x128xf32, #tpu.memory_space<vmem>>, vector<16xf32>,
        %mul3A_770 = arith.mulf %get3A_769, %gather3A_738 : vector<16xf32>
        %swap3A_771 = arith.index_cast %add3A_736 : i32 to index
        %swap3A_772 = arith.constant 64 : index
        %swap3A_773 = tpu.vector_load %arg10[%swap3A_771, %swap3A_772] {strides = array<i32>} : memref<80x128xf32, #tpu.memory_space<vmem>>, vector<16xf32>,
        tpu.vector_store %arg10[%swap3A_771, %swap3A_772], %mul3A_770 {strides = array<i32>} : memref<80x128xf32, #tpu.memory_space<vmem>>, vector<16xf32>,
        %get3A_774 = arith.index_cast %add3A_736 : i32 to index
        %get3A_775 = arith.constant 80 : index
        %get3A_776 = tpu.vector_load %arg10[%get3A_774, %get3A_775] {strides = array<i32>} : memref<80x128xf32, #tpu.memory_space<vmem>>, vector<16xf32>,
        %mul3A_777 = arith.mulf %get3A_776, %gather3A_738 : vector<16xf32>
        %swap3A_778 = arith.index_cast %add3A_736 : i32 to index
        %swap3A_779 = arith.constant 80 : index
        %swap3A_780 = tpu.vector_load %arg10[%swap3A_778, %swap3A_779] {strides = array<i32>} : memref<80x128xf32, #tpu.memory_space<vmem>>, vector<16xf32>,
        tpu.vector_store %arg10[%swap3A_778, %swap3A_779], %mul3A_777 {strides = array<i32>} : memref<80x128xf32, #tpu.memory_space<vmem>>, vector<16xf32>,
        %get3A_781 = arith.index_cast %add3A_736 : i32 to index
        %get3A_782 = arith.constant 96 : index
        %get3A_783 = tpu.vector_load %arg10[%get3A_781, %get3A_782] {strides = array<i32>} : memref<80x128xf32, #tpu.memory_space<vmem>>, vector<16xf32>,
        %mul3A_784 = arith.mulf %get3A_783, %gather3A_738 : vector<16xf32>
        %swap3A_785 = arith.index_cast %add3A_736 : i32 to index
        %swap3A_786 = arith.constant 96 : index
        %swap3A_787 = tpu.vector_load %arg10[%swap3A_785, %swap3A_786] {strides = array<i32>} : memref<80x128xf32, #tpu.memory_space<vmem>>, vector<16xf32>,
        tpu.vector_store %arg10[%swap3A_785, %swap3A_786], %mul3A_784 {strides = array<i32>} : memref<80x128xf32, #tpu.memory_space<vmem>>, vector<16xf32>,
        %get3A_788 = arith.index_cast %add3A_736 : i32 to index
        %get3A_789 = arith.constant 112 : index
        %get3A_790 = tpu.vector_load %arg10[%get3A_788, %get3A_789] {strides = array<i32>} : memref<80x128xf32, #tpu.memory_space<vmem>>, vector<16xf32>,
        %mul3A_791 = arith.mulf %get3A_790, %gather3A_738 : vector<16xf32>
        %swap3A_792 = arith.index_cast %add3A_736 : i32 to index
        %swap3A_793 = arith.constant 112 : index
        %swap3A_794 = tpu.vector_load %arg10[%swap3A_792, %swap3A_793] {strides = array<i32>} : memref<80x128xf32, #tpu.memory_space<vmem>>, vector<16xf32>,
        tpu.vector_store %arg10[%swap3A_792, %swap3A_793], %mul3A_791 {strides = array<i32>} : memref<80x128xf32, #tpu.memory_space<vmem>>, vector<16xf32>,
        %scan3A_795 = arith.constant 6 : i32
        %scan3A_796 = arith.addi %scan3A_414, %scan3A_795 : i32
        %mul3A_797 = arith.constant 1 : i32
        %mul3A_798 = arith.muli %scan3A_796, %mul3A_797 : i32
        %add3A_799 = arith.constant 0 : i32
        %add3A_800 = arith.addi %add3A_799, %mul3A_798 : i32
        %broadcast_in_dim3A_801 = vector.broadcast %add3A_800 : i32 to vector<16xi32>
        %gather3A_802 = tpu.vector_load_idx %arg9[%broadcast_in_dim3A_801] : memref<80xf32, #tpu.memory_space<vmem>>[vector<16xi32>], vector<16xf32>,
        %get3A_803 = arith.index_cast %add3A_800 : i32 to index
        %get3A_804 = arith.constant 0 : index
        %get3A_805 = tpu.vector_load %arg10[%get3A_803, %get3A_804] {strides = array<i32>} : memref<80x128xf32, #tpu.memory_space<vmem>>, vector<16xf32>,
        %mul3A_806 = arith.mulf %get3A_805, %gather3A_802 : vector<16xf32>
        %swap3A_807 = arith.index_cast %add3A_800 : i32 to index
        %swap3A_808 = arith.constant 0 : index
        %swap3A_809 = tpu.vector_load %arg10[%swap3A_807, %swap3A_808] {strides = array<i32>} : memref<80x128xf32, #tpu.memory_space<vmem>>, vector<16xf32>,
        tpu.vector_store %arg10[%swap3A_807, %swap3A_808], %mul3A_806 {strides = array<i32>} : memref<80x128xf32, #tpu.memory_space<vmem>>, vector<16xf32>,
        %get3A_810 = arith.index_cast %add3A_800 : i32 to index
        %get3A_811 = arith.constant 16 : index
        %get3A_812 = tpu.vector_load %arg10[%get3A_810, %get3A_811] {strides = array<i32>} : memref<80x128xf32, #tpu.memory_space<vmem>>, vector<16xf32>,
        %mul3A_813 = arith.mulf %get3A_812, %gather3A_802 : vector<16xf32>
        %swap3A_814 = arith.index_cast %add3A_800 : i32 to index
        %swap3A_815 = arith.constant 16 : index
        %swap3A_816 = tpu.vector_load %arg10[%swap3A_814, %swap3A_815] {strides = array<i32>} : memref<80x128xf32, #tpu.memory_space<vmem>>, vector<16xf32>,
        tpu.vector_store %arg10[%swap3A_814, %swap3A_815], %mul3A_813 {strides = array<i32>} : memref<80x128xf32, #tpu.memory_space<vmem>>, vector<16xf32>,
        %get3A_817 = arith.index_cast %add3A_800 : i32 to index
        %get3A_818 = arith.constant 32 : index
        %get3A_819 = tpu.vector_load %arg10[%get3A_817, %get3A_818] {strides = array<i32>} : memref<80x128xf32, #tpu.memory_space<vmem>>, vector<16xf32>,
        %mul3A_820 = arith.mulf %get3A_819, %gather3A_802 : vector<16xf32>
        %swap3A_821 = arith.index_cast %add3A_800 : i32 to index
        %swap3A_822 = arith.constant 32 : index
        %swap3A_823 = tpu.vector_load %arg10[%swap3A_821, %swap3A_822] {strides = array<i32>} : memref<80x128xf32, #tpu.memory_space<vmem>>, vector<16xf32>,
        tpu.vector_store %arg10[%swap3A_821, %swap3A_822], %mul3A_820 {strides = array<i32>} : memref<80x128xf32, #tpu.memory_space<vmem>>, vector<16xf32>,
        %get3A_824 = arith.index_cast %add3A_800 : i32 to index
        %get3A_825 = arith.constant 48 : index
        %get3A_826 = tpu.vector_load %arg10[%get3A_824, %get3A_825] {strides = array<i32>} : memref<80x128xf32, #tpu.memory_space<vmem>>, vector<16xf32>,
        %mul3A_827 = arith.mulf %get3A_826, %gather3A_802 : vector<16xf32>
        %swap3A_828 = arith.index_cast %add3A_800 : i32 to index
        %swap3A_829 = arith.constant 48 : index
        %swap3A_830 = tpu.vector_load %arg10[%swap3A_828, %swap3A_829] {strides = array<i32>} : memref<80x128xf32, #tpu.memory_space<vmem>>, vector<16xf32>,
        tpu.vector_store %arg10[%swap3A_828, %swap3A_829], %mul3A_827 {strides = array<i32>} : memref<80x128xf32, #tpu.memory_space<vmem>>, vector<16xf32>,
        %get3A_831 = arith.index_cast %add3A_800 : i32 to index
        %get3A_832 = arith.constant 64 : index
        %get3A_833 = tpu.vector_load %arg10[%get3A_831, %get3A_832] {strides = array<i32>} : memref<80x128xf32, #tpu.memory_space<vmem>>, vector<16xf32>,
        %mul3A_834 = arith.mulf %get3A_833, %gather3A_802 : vector<16xf32>
        %swap3A_835 = arith.index_cast %add3A_800 : i32 to index
        %swap3A_836 = arith.constant 64 : index
        %swap3A_837 = tpu.vector_load %arg10[%swap3A_835, %swap3A_836] {strides = array<i32>} : memref<80x128xf32, #tpu.memory_space<vmem>>, vector<16xf32>,
        tpu.vector_store %arg10[%swap3A_835, %swap3A_836], %mul3A_834 {strides = array<i32>} : memref<80x128xf32, #tpu.memory_space<vmem>>, vector<16xf32>,
        %get3A_838 = arith.index_cast %add3A_800 : i32 to index
        %get3A_839 = arith.constant 80 : index
        %get3A_840 = tpu.vector_load %arg10[%get3A_838, %get3A_839] {strides = array<i32>} : memref<80x128xf32, #tpu.memory_space<vmem>>, vector<16xf32>,
        %mul3A_841 = arith.mulf %get3A_840, %gather3A_802 : vector<16xf32>
        %swap3A_842 = arith.index_cast %add3A_800 : i32 to index
        %swap3A_843 = arith.constant 80 : index
        %swap3A_844 = tpu.vector_load %arg10[%swap3A_842, %swap3A_843] {strides = array<i32>} : memref<80x128xf32, #tpu.memory_space<vmem>>, vector<16xf32>,
        tpu.vector_store %arg10[%swap3A_842, %swap3A_843], %mul3A_841 {strides = array<i32>} : memref<80x128xf32, #tpu.memory_space<vmem>>, vector<16xf32>,
        %get3A_845 = arith.index_cast %add3A_800 : i32 to index
        %get3A_846 = arith.constant 96 : index
        %get3A_847 = tpu.vector_load %arg10[%get3A_845, %get3A_846] {strides = array<i32>} : memref<80x128xf32, #tpu.memory_space<vmem>>, vector<16xf32>,
        %mul3A_848 = arith.mulf %get3A_847, %gather3A_802 : vector<16xf32>
        %swap3A_849 = arith.index_cast %add3A_800 : i32 to index
        %swap3A_850 = arith.constant 96 : index
        %swap3A_851 = tpu.vector_load %arg10[%swap3A_849, %swap3A_850] {strides = array<i32>} : memref<80x128xf32, #tpu.memory_space<vmem>>, vector<16xf32>,
        tpu.vector_store %arg10[%swap3A_849, %swap3A_850], %mul3A_848 {strides = array<i32>} : memref<80x128xf32, #tpu.memory_space<vmem>>, vector<16xf32>,
        %get3A_852 = arith.index_cast %add3A_800 : i32 to index
        %get3A_853 = arith.constant 112 : index
        %get3A_854 = tpu.vector_load %arg10[%get3A_852, %get3A_853] {strides = array<i32>} : memref<80x128xf32, #tpu.memory_space<vmem>>, vector<16xf32>,
        %mul3A_855 = arith.mulf %get3A_854, %gather3A_802 : vector<16xf32>
        %swap3A_856 = arith.index_cast %add3A_800 : i32 to index
        %swap3A_857 = arith.constant 112 : index
        %swap3A_858 = tpu.vector_load %arg10[%swap3A_856, %swap3A_857] {strides = array<i32>} : memref<80x128xf32, #tpu.memory_space<vmem>>, vector<16xf32>,
        tpu.vector_store %arg10[%swap3A_856, %swap3A_857], %mul3A_855 {strides = array<i32>} : memref<80x128xf32, #tpu.memory_space<vmem>>, vector<16xf32>,
        %scan3A_859 = arith.constant 7 : i32
        %scan3A_860 = arith.addi %scan3A_414, %scan3A_859 : i32
        %mul3A_861 = arith.constant 1 : i32
        %mul3A_862 = arith.muli %scan3A_860, %mul3A_861 : i32
        %add3A_863 = arith.constant 0 : i32
        %add3A_864 = arith.addi %add3A_863, %mul3A_862 : i32
        %broadcast_in_dim3A_865 = vector.broadcast %add3A_864 : i32 to vector<16xi32>
        %gather3A_866 = tpu.vector_load_idx %arg9[%broadcast_in_dim3A_865] : memref<80xf32, #tpu.memory_space<vmem>>[vector<16xi32>], vector<16xf32>,
        %get3A_867 = arith.index_cast %add3A_864 : i32 to index
        %get3A_868 = arith.constant 0 : index
        %get3A_869 = tpu.vector_load %arg10[%get3A_867, %get3A_868] {strides = array<i32>} : memref<80x128xf32, #tpu.memory_space<vmem>>, vector<16xf32>,
        %mul3A_870 = arith.mulf %get3A_869, %gather3A_866 : vector<16xf32>
        %swap3A_871 = arith.index_cast %add3A_864 : i32 to index
        %swap3A_872 = arith.constant 0 : index
        %swap3A_873 = tpu.vector_load %arg10[%swap3A_871, %swap3A_872] {strides = array<i32>} : memref<80x128xf32, #tpu.memory_space<vmem>>, vector<16xf32>,
        tpu.vector_store %arg10[%swap3A_871, %swap3A_872], %mul3A_870 {strides = array<i32>} : memref<80x128xf32, #tpu.memory_space<vmem>>, vector<16xf32>,
        %get3A_874 = arith.index_cast %add3A_864 : i32 to index
        %get3A_875 = arith.constant 16 : index
        %get3A_876 = tpu.vector_load %arg10[%get3A_874, %get3A_875] {strides = array<i32>} : memref<80x128xf32, #tpu.memory_space<vmem>>, vector<16xf32>,
        %mul3A_877 = arith.mulf %get3A_876, %gather3A_866 : vector<16xf32>
        %swap3A_878 = arith.index_cast %add3A_864 : i32 to index
        %swap3A_879 = arith.constant 16 : index
        %swap3A_880 = tpu.vector_load %arg10[%swap3A_878, %swap3A_879] {strides = array<i32>} : memref<80x128xf32, #tpu.memory_space<vmem>>, vector<16xf32>,
        tpu.vector_store %arg10[%swap3A_878, %swap3A_879], %mul3A_877 {strides = array<i32>} : memref<80x128xf32, #tpu.memory_space<vmem>>, vector<16xf32>,
        %get3A_881 = arith.index_cast %add3A_864 : i32 to index
        %get3A_882 = arith.constant 32 : index
        %get3A_883 = tpu.vector_load %arg10[%get3A_881, %get3A_882] {strides = array<i32>} : memref<80x128xf32, #tpu.memory_space<vmem>>, vector<16xf32>,
        %mul3A_884 = arith.mulf %get3A_883, %gather3A_866 : vector<16xf32>
        %swap3A_885 = arith.index_cast %add3A_864 : i32 to index
        %swap3A_886 = arith.constant 32 : index
        %swap3A_887 = tpu.vector_load %arg10[%swap3A_885, %swap3A_886] {strides = array<i32>} : memref<80x128xf32, #tpu.memory_space<vmem>>, vector<16xf32>,
        tpu.vector_store %arg10[%swap3A_885, %swap3A_886], %mul3A_884 {strides = array<i32>} : memref<80x128xf32, #tpu.memory_space<vmem>>, vector<16xf32>,
        %get3A_888 = arith.index_cast %add3A_864 : i32 to index
        %get3A_889 = arith.constant 48 : index
        %get3A_890 = tpu.vector_load %arg10[%get3A_888, %get3A_889] {strides = array<i32>} : memref<80x128xf32, #tpu.memory_space<vmem>>, vector<16xf32>,
        %mul3A_891 = arith.mulf %get3A_890, %gather3A_866 : vector<16xf32>
        %swap3A_892 = arith.index_cast %add3A_864 : i32 to index
        %swap3A_893 = arith.constant 48 : index
        %swap3A_894 = tpu.vector_load %arg10[%swap3A_892, %swap3A_893] {strides = array<i32>} : memref<80x128xf32, #tpu.memory_space<vmem>>, vector<16xf32>,
        tpu.vector_store %arg10[%swap3A_892, %swap3A_893], %mul3A_891 {strides = array<i32>} : memref<80x128xf32, #tpu.memory_space<vmem>>, vector<16xf32>,
        %get3A_895 = arith.index_cast %add3A_864 : i32 to index
        %get3A_896 = arith.constant 64 : index
        %get3A_897 = tpu.vector_load %arg10[%get3A_895, %get3A_896] {strides = array<i32>} : memref<80x128xf32, #tpu.memory_space<vmem>>, vector<16xf32>,
        %mul3A_898 = arith.mulf %get3A_897, %gather3A_866 : vector<16xf32>
        %swap3A_899 = arith.index_cast %add3A_864 : i32 to index
        %swap3A_900 = arith.constant 64 : index
        %swap3A_901 = tpu.vector_load %arg10[%swap3A_899, %swap3A_900] {strides = array<i32>} : memref<80x128xf32, #tpu.memory_space<vmem>>, vector<16xf32>,
        tpu.vector_store %arg10[%swap3A_899, %swap3A_900], %mul3A_898 {strides = array<i32>} : memref<80x128xf32, #tpu.memory_space<vmem>>, vector<16xf32>,
        %get3A_902 = arith.index_cast %add3A_864 : i32 to index
        %get3A_903 = arith.constant 80 : index
        %get3A_904 = tpu.vector_load %arg10[%get3A_902, %get3A_903] {strides = array<i32>} : memref<80x128xf32, #tpu.memory_space<vmem>>, vector<16xf32>,
        %mul3A_905 = arith.mulf %get3A_904, %gather3A_866 : vector<16xf32>
        %swap3A_906 = arith.index_cast %add3A_864 : i32 to index
        %swap3A_907 = arith.constant 80 : index
        %swap3A_908 = tpu.vector_load %arg10[%swap3A_906, %swap3A_907] {strides = array<i32>} : memref<80x128xf32, #tpu.memory_space<vmem>>, vector<16xf32>,
        tpu.vector_store %arg10[%swap3A_906, %swap3A_907], %mul3A_905 {strides = array<i32>} : memref<80x128xf32, #tpu.memory_space<vmem>>, vector<16xf32>,
        %get3A_909 = arith.index_cast %add3A_864 : i32 to index
        %get3A_910 = arith.constant 96 : index
        %get3A_911 = tpu.vector_load %arg10[%get3A_909, %get3A_910] {strides = array<i32>} : memref<80x128xf32, #tpu.memory_space<vmem>>, vector<16xf32>,
        %mul3A_912 = arith.mulf %get3A_911, %gather3A_866 : vector<16xf32>
        %swap3A_913 = arith.index_cast %add3A_864 : i32 to index
        %swap3A_914 = arith.constant 96 : index
        %swap3A_915 = tpu.vector_load %arg10[%swap3A_913, %swap3A_914] {strides = array<i32>} : memref<80x128xf32, #tpu.memory_space<vmem>>, vector<16xf32>,
        tpu.vector_store %arg10[%swap3A_913, %swap3A_914], %mul3A_912 {strides = array<i32>} : memref<80x128xf32, #tpu.memory_space<vmem>>, vector<16xf32>,
        %get3A_916 = arith.index_cast %add3A_864 : i32 to index
        %get3A_917 = arith.constant 112 : index
        %get3A_918 = tpu.vector_load %arg10[%get3A_916, %get3A_917] {strides = array<i32>} : memref<80x128xf32, #tpu.memory_space<vmem>>, vector<16xf32>,
        %mul3A_919 = arith.mulf %get3A_918, %gather3A_866 : vector<16xf32>
        %swap3A_920 = arith.index_cast %add3A_864 : i32 to index
        %swap3A_921 = arith.constant 112 : index
        %swap3A_922 = tpu.vector_load %arg10[%swap3A_920, %swap3A_921] {strides = array<i32>} : memref<80x128xf32, #tpu.memory_space<vmem>>, vector<16xf32>,
        tpu.vector_store %arg10[%swap3A_920, %swap3A_921], %mul3A_919 {strides = array<i32>} : memref<80x128xf32, #tpu.memory_space<vmem>>, vector<16xf32>,
      }
      %scan3A_413 = arith.constant 80 : i32
      "tpu.region"() ({
        %run_scoped3A = tpu.sem_alloc : memref<!tpu.dma_semaphore, #tpu.memory_space<semaphore_mem>>
        %dma_start3A_414 = arith.constant 0 : i32
        %dma_start3A_415 = arith.constant 0 : i32
        %dma_start3A_416 = tpu.memref_slice %arg12[%dma_start3A_414, %dma_start3A_415] : memref<10112x128xf32, #tpu.memory_space<vmem_shared>> -> memref<10112x128xf32, #tpu.memory_space<vmem_shared>>
        tpu.enqueue_indirect_dma source(%arg10 : memref<80x128xf32, #tpu.memory_space<vmem>>) target(%dma_start3A_416 : memref<10112x128xf32, #tpu.memory_space<vmem_shared>>) offsets(%arg8 : memref<80xi32, #tpu.memory_space<vmem>>) semaphore(%run_scoped3A : memref<!tpu.dma_semaphore, #tpu.memory_space<semaphore_mem>>) {add = true}
        %dma_wait3A_417 = arith.constant 0 : i32
        %dma_wait3A_418 = arith.constant 0 : i32
        %dma_wait3A_419 = tpu.memref_slice %arg12[%dma_wait3A_417, %dma_wait3A_418] : memref<10112x128xf32, #tpu.memory_space<vmem_shared>> -> memref<10112x128xf32, #tpu.memory_space<vmem_shared>>
        tpu.wait_indirect_dma semaphore(%run_scoped3A : memref<!tpu.dma_semaphore, #tpu.memory_space<semaphore_mem>>) src(%arg10 : memref<80x128xf32, #tpu.memory_space<vmem>>) dst(%dma_wait3A_419 : memref<10112x128xf32, #tpu.memory_space<vmem_shared>>)
        tpu.yield
      }) : () -> ()
    }
    %scan3A_393 = arith.constant 125 : i32
    %barrier3A_394 = arith.constant 0 : index
    tpu.barrier barrier_id(%barrier3A_394)
    "tpu.region"() ({
      %run_scoped3A = tpu.sem_alloc : memref<!tpu.dma_semaphore, #tpu.memory_space<semaphore_mem>>
      %dma_start3A = arith.constant 0 : i32
      %dma_start3A_395 = tpu.memref_slice %arg6[%arg0, %mul3A_2, %dma_start3A] : memref<2x10112x128xf32, #tpu.memory_space<hbm>> -> memref<1x632x128xf32, #tpu.memory_space<hbm>>
      %dma_start3A_396 = tpu.memref_squeeze %dma_start3A_395 : memref<1x632x128xf32, #tpu.memory_space<hbm>> -> memref<632x128xf32, #tpu.memory_space<hbm>>
      %dma_start3A_397 = arith.constant 0 : i32
      %dma_start3A_398 = tpu.memref_slice %arg12[%mul3A_2, %dma_start3A_397] : memref<10112x128xf32, #tpu.memory_space<vmem_shared>> -> memref<632x128xf32, #tpu.memory_space<vmem_shared>>
      tpu.enqueue_dma source(%dma_start3A_398 : memref<632x128xf32, #tpu.memory_space<vmem_shared>>) target(%dma_start3A_396 : memref<632x128xf32, #tpu.memory_space<hbm>>) target_semaphore(%run_scoped3A : memref<!tpu.dma_semaphore, #tpu.memory_space<semaphore_mem>>)
      %dma_wait3A = arith.constant 0 : i32
      %dma_wait3A_399 = tpu.memref_slice %arg6[%arg0, %mul3A_2, %dma_wait3A] : memref<2x10112x128xf32, #tpu.memory_space<hbm>> -> memref<1x632x128xf32, #tpu.memory_space<hbm>>
      %dma_wait3A_400 = tpu.memref_squeeze %dma_wait3A_399 : memref<1x632x128xf32, #tpu.memory_space<hbm>> -> memref<632x128xf32, #tpu.memory_space<hbm>>
      %dma_wait3A_401 = arith.constant 0 : i32
      %dma_wait3A_402 = tpu.memref_slice %arg12[%mul3A_2, %dma_wait3A_401] : memref<10112x128xf32, #tpu.memory_space<vmem_shared>> -> memref<632x128xf32, #tpu.memory_space<vmem_shared>>
      tpu.wait_dma2 semaphore(%run_scoped3A : memref<!tpu.dma_semaphore, #tpu.memory_space<semaphore_mem>>) src(%dma_wait3A_402 : memref<632x128xf32, #tpu.memory_space<vmem_shared>>) dst(%dma_wait3A_400 : memref<632x128xf32, #tpu.memory_space<hbm>>)
      tpu.yield
    }) : () -> ()
    return
  }
}

#map = affine_map<(d0, d1) -> (0)>
#map1 = affine_map<(d0, d1) -> (0, 0)>
#map2 = affine_map<(d0, d1) -> (0, 0, 0)>
module attributes {stable_mosaic.version = 14 : i64} {
  func.func @body(%arg0: i32, %arg1: i32, %arg2: memref<320000xi32, #tpu.memory_space<hbm>>, %arg3: memref<320000xi32, #tpu.memory_space<hbm>>, %arg4: memref<320000xf32, #tpu.memory_space<hbm>>, %arg5: memref<10000x128xf32, #tpu.memory_space<hbm>>, %arg6: memref<2x10112x128xf32, #tpu.memory_space<hbm>>, %arg7: memref<80xi32, #tpu.memory_space<vmem>>, %arg8: memref<80xi32, #tpu.memory_space<vmem>>, %arg9: memref<80xf32, #tpu.memory_space<vmem>>, %arg10: memref<80x128xf32, #tpu.memory_space<vmem>>, %arg11: memref<8x128xf32, #tpu.memory_space<vmem>>, %arg12: memref<10112x128xf32, #tpu.memory_space<vmem_shared>>, %arg13: memref<!tpu.dma_semaphore, #tpu.memory_space<semaphore_mem>>) attributes {dimension_semantics = [#tpu.dimension_semantics<core_parallel>, #tpu.dimension_semantics<subcore_parallel>], iteration_bounds = array<i64: 2, 16>, scalar_prefetch = 0 : i64, scratch_operands = 7 : i64, tpu.core_type = #tpu.core_type<sc_vector_subcore>, window_params = [{transform_indices = #map}, {transform_indices = #map}, {transform_indices = #map}, {transform_indices = #map1}, {transform_indices = #map2}]} {
    %mul3A = arith.constant 2 : i32
    %mul3A_0 = arith.muli %arg1, %mul3A : i32
    %add3A = arith.addi %mul3A_0, %arg0 : i32
    %mul3A_1 = arith.constant 632 : i32
    %mul3A_2 = arith.muli %arg1, %mul3A_1 : i32
    %broadcast_in_dim3A = arith.constant 0.000000e+00 : f32
    %broadcast_in_dim3A_3 = vector.broadcast %broadcast_in_dim3A : f32 to vector<16xf32>
    %swap3A = arith.constant 0 : i32
    %swap3A_4 = arith.index_cast %swap3A : i32 to index
    %swap3A_5 = arith.constant 0 : index
    %swap3A_6 = tpu.vector_load %arg11[%swap3A_4, %swap3A_5] {strides = array<i32>} : memref<8x128xf32, #tpu.memory_space<vmem>>, vector<16xf32>,
    tpu.vector_store %arg11[%swap3A_4, %swap3A_5], %broadcast_in_dim3A_3 {strides = array<i32>} : memref<8x128xf32, #tpu.memory_space<vmem>>, vector<16xf32>,
    %broadcast_in_dim3A_7 = arith.constant 0.000000e+00 : f32
    %broadcast_in_dim3A_8 = vector.broadcast %broadcast_in_dim3A_7 : f32 to vector<16xf32>
    %swap3A_9 = arith.constant 0 : i32
    %swap3A_10 = arith.index_cast %swap3A_9 : i32 to index
    %swap3A_11 = arith.constant 16 : index
    %swap3A_12 = tpu.vector_load %arg11[%swap3A_10, %swap3A_11] {strides = array<i32>} : memref<8x128xf32, #tpu.memory_space<vmem>>, vector<16xf32>,
    tpu.vector_store %arg11[%swap3A_10, %swap3A_11], %broadcast_in_dim3A_8 {strides = array<i32>} : memref<8x128xf32, #tpu.memory_space<vmem>>, vector<16xf32>,
    %broadcast_in_dim3A_13 = arith.constant 0.000000e+00 : f32
    %broadcast_in_dim3A_14 = vector.broadcast %broadcast_in_dim3A_13 : f32 to vector<16xf32>
    %swap3A_15 = arith.constant 0 : i32
    %swap3A_16 = arith.index_cast %swap3A_15 : i32 to index
    %swap3A_17 = arith.constant 32 : index
    %swap3A_18 = tpu.vector_load %arg11[%swap3A_16, %swap3A_17] {strides = array<i32>} : memref<8x128xf32, #tpu.memory_space<vmem>>, vector<16xf32>,
    tpu.vector_store %arg11[%swap3A_16, %swap3A_17], %broadcast_in_dim3A_14 {strides = array<i32>} : memref<8x128xf32, #tpu.memory_space<vmem>>, vector<16xf32>,
    %broadcast_in_dim3A_19 = arith.constant 0.000000e+00 : f32
    %broadcast_in_dim3A_20 = vector.broadcast %broadcast_in_dim3A_19 : f32 to vector<16xf32>
    %swap3A_21 = arith.constant 0 : i32
    %swap3A_22 = arith.index_cast %swap3A_21 : i32 to index
    %swap3A_23 = arith.constant 48 : index
    %swap3A_24 = tpu.vector_load %arg11[%swap3A_22, %swap3A_23] {strides = array<i32>} : memref<8x128xf32, #tpu.memory_space<vmem>>, vector<16xf32>,
    tpu.vector_store %arg11[%swap3A_22, %swap3A_23], %broadcast_in_dim3A_20 {strides = array<i32>} : memref<8x128xf32, #tpu.memory_space<vmem>>, vector<16xf32>,
    %broadcast_in_dim3A_25 = arith.constant 0.000000e+00 : f32
    %broadcast_in_dim3A_26 = vector.broadcast %broadcast_in_dim3A_25 : f32 to vector<16xf32>
    %swap3A_27 = arith.constant 0 : i32
    %swap3A_28 = arith.index_cast %swap3A_27 : i32 to index
    %swap3A_29 = arith.constant 64 : index
    %swap3A_30 = tpu.vector_load %arg11[%swap3A_28, %swap3A_29] {strides = array<i32>} : memref<8x128xf32, #tpu.memory_space<vmem>>, vector<16xf32>,
    tpu.vector_store %arg11[%swap3A_28, %swap3A_29], %broadcast_in_dim3A_26 {strides = array<i32>} : memref<8x128xf32, #tpu.memory_space<vmem>>, vector<16xf32>,
    %broadcast_in_dim3A_31 = arith.constant 0.000000e+00 : f32
    %broadcast_in_dim3A_32 = vector.broadcast %broadcast_in_dim3A_31 : f32 to vector<16xf32>
    %swap3A_33 = arith.constant 0 : i32
    %swap3A_34 = arith.index_cast %swap3A_33 : i32 to index
    %swap3A_35 = arith.constant 80 : index
    %swap3A_36 = tpu.vector_load %arg11[%swap3A_34, %swap3A_35] {strides = array<i32>} : memref<8x128xf32, #tpu.memory_space<vmem>>, vector<16xf32>,
    tpu.vector_store %arg11[%swap3A_34, %swap3A_35], %broadcast_in_dim3A_32 {strides = array<i32>} : memref<8x128xf32, #tpu.memory_space<vmem>>, vector<16xf32>,
    %broadcast_in_dim3A_37 = arith.constant 0.000000e+00 : f32
    %broadcast_in_dim3A_38 = vector.broadcast %broadcast_in_dim3A_37 : f32 to vector<16xf32>
    %swap3A_39 = arith.constant 0 : i32
    %swap3A_40 = arith.index_cast %swap3A_39 : i32 to index
    %swap3A_41 = arith.constant 96 : index
    %swap3A_42 = tpu.vector_load %arg11[%swap3A_40, %swap3A_41] {strides = array<i32>} : memref<8x128xf32, #tpu.memory_space<vmem>>, vector<16xf32>,
    tpu.vector_store %arg11[%swap3A_40, %swap3A_41], %broadcast_in_dim3A_38 {strides = array<i32>} : memref<8x128xf32, #tpu.memory_space<vmem>>, vector<16xf32>,
    %broadcast_in_dim3A_43 = arith.constant 0.000000e+00 : f32
    %broadcast_in_dim3A_44 = vector.broadcast %broadcast_in_dim3A_43 : f32 to vector<16xf32>
    %swap3A_45 = arith.constant 0 : i32
    %swap3A_46 = arith.index_cast %swap3A_45 : i32 to index
    %swap3A_47 = arith.constant 112 : index
    %swap3A_48 = tpu.vector_load %arg11[%swap3A_46, %swap3A_47] {strides = array<i32>} : memref<8x128xf32, #tpu.memory_space<vmem>>, vector<16xf32>,
    tpu.vector_store %arg11[%swap3A_46, %swap3A_47], %broadcast_in_dim3A_44 {strides = array<i32>} : memref<8x128xf32, #tpu.memory_space<vmem>>, vector<16xf32>,
    %broadcast_in_dim3A_49 = arith.constant 0.000000e+00 : f32
    %broadcast_in_dim3A_50 = vector.broadcast %broadcast_in_dim3A_49 : f32 to vector<16xf32>
    %swap3A_51 = arith.constant 1 : i32
    %swap3A_52 = arith.index_cast %swap3A_51 : i32 to index
    %swap3A_53 = arith.constant 0 : index
    %swap3A_54 = tpu.vector_load %arg11[%swap3A_52, %swap3A_53] {strides = array<i32>} : memref<8x128xf32, #tpu.memory_space<vmem>>, vector<16xf32>,
    tpu.vector_store %arg11[%swap3A_52, %swap3A_53], %broadcast_in_dim3A_50 {strides = array<i32>} : memref<8x128xf32, #tpu.memory_space<vmem>>, vector<16xf32>,
    %broadcast_in_dim3A_55 = arith.constant 0.000000e+00 : f32
    %broadcast_in_dim3A_56 = vector.broadcast %broadcast_in_dim3A_55 : f32 to vector<16xf32>
    %swap3A_57 = arith.constant 1 : i32
    %swap3A_58 = arith.index_cast %swap3A_57 : i32 to index
    %swap3A_59 = arith.constant 16 : index
    %swap3A_60 = tpu.vector_load %arg11[%swap3A_58, %swap3A_59] {strides = array<i32>} : memref<8x128xf32, #tpu.memory_space<vmem>>, vector<16xf32>,
    tpu.vector_store %arg11[%swap3A_58, %swap3A_59], %broadcast_in_dim3A_56 {strides = array<i32>} : memref<8x128xf32, #tpu.memory_space<vmem>>, vector<16xf32>,
    %broadcast_in_dim3A_61 = arith.constant 0.000000e+00 : f32
    %broadcast_in_dim3A_62 = vector.broadcast %broadcast_in_dim3A_61 : f32 to vector<16xf32>
    %swap3A_63 = arith.constant 1 : i32
    %swap3A_64 = arith.index_cast %swap3A_63 : i32 to index
    %swap3A_65 = arith.constant 32 : index
    %swap3A_66 = tpu.vector_load %arg11[%swap3A_64, %swap3A_65] {strides = array<i32>} : memref<8x128xf32, #tpu.memory_space<vmem>>, vector<16xf32>,
    tpu.vector_store %arg11[%swap3A_64, %swap3A_65], %broadcast_in_dim3A_62 {strides = array<i32>} : memref<8x128xf32, #tpu.memory_space<vmem>>, vector<16xf32>,
    %broadcast_in_dim3A_67 = arith.constant 0.000000e+00 : f32
    %broadcast_in_dim3A_68 = vector.broadcast %broadcast_in_dim3A_67 : f32 to vector<16xf32>
    %swap3A_69 = arith.constant 1 : i32
    %swap3A_70 = arith.index_cast %swap3A_69 : i32 to index
    %swap3A_71 = arith.constant 48 : index
    %swap3A_72 = tpu.vector_load %arg11[%swap3A_70, %swap3A_71] {strides = array<i32>} : memref<8x128xf32, #tpu.memory_space<vmem>>, vector<16xf32>,
    tpu.vector_store %arg11[%swap3A_70, %swap3A_71], %broadcast_in_dim3A_68 {strides = array<i32>} : memref<8x128xf32, #tpu.memory_space<vmem>>, vector<16xf32>,
    %broadcast_in_dim3A_73 = arith.constant 0.000000e+00 : f32
    %broadcast_in_dim3A_74 = vector.broadcast %broadcast_in_dim3A_73 : f32 to vector<16xf32>
    %swap3A_75 = arith.constant 1 : i32
    %swap3A_76 = arith.index_cast %swap3A_75 : i32 to index
    %swap3A_77 = arith.constant 64 : index
    %swap3A_78 = tpu.vector_load %arg11[%swap3A_76, %swap3A_77] {strides = array<i32>} : memref<8x128xf32, #tpu.memory_space<vmem>>, vector<16xf32>,
    tpu.vector_store %arg11[%swap3A_76, %swap3A_77], %broadcast_in_dim3A_74 {strides = array<i32>} : memref<8x128xf32, #tpu.memory_space<vmem>>, vector<16xf32>,
    %broadcast_in_dim3A_79 = arith.constant 0.000000e+00 : f32
    %broadcast_in_dim3A_80 = vector.broadcast %broadcast_in_dim3A_79 : f32 to vector<16xf32>
    %swap3A_81 = arith.constant 1 : i32
    %swap3A_82 = arith.index_cast %swap3A_81 : i32 to index
    %swap3A_83 = arith.constant 80 : index
    %swap3A_84 = tpu.vector_load %arg11[%swap3A_82, %swap3A_83] {strides = array<i32>} : memref<8x128xf32, #tpu.memory_space<vmem>>, vector<16xf32>,
    tpu.vector_store %arg11[%swap3A_82, %swap3A_83], %broadcast_in_dim3A_80 {strides = array<i32>} : memref<8x128xf32, #tpu.memory_space<vmem>>, vector<16xf32>,
    %broadcast_in_dim3A_85 = arith.constant 0.000000e+00 : f32
    %broadcast_in_dim3A_86 = vector.broadcast %broadcast_in_dim3A_85 : f32 to vector<16xf32>
    %swap3A_87 = arith.constant 1 : i32
    %swap3A_88 = arith.index_cast %swap3A_87 : i32 to index
    %swap3A_89 = arith.constant 96 : index
    %swap3A_90 = tpu.vector_load %arg11[%swap3A_88, %swap3A_89] {strides = array<i32>} : memref<8x128xf32, #tpu.memory_space<vmem>>, vector<16xf32>,
    tpu.vector_store %arg11[%swap3A_88, %swap3A_89], %broadcast_in_dim3A_86 {strides = array<i32>} : memref<8x128xf32, #tpu.memory_space<vmem>>, vector<16xf32>,
    %broadcast_in_dim3A_91 = arith.constant 0.000000e+00 : f32
    %broadcast_in_dim3A_92 = vector.broadcast %broadcast_in_dim3A_91 : f32 to vector<16xf32>
    %swap3A_93 = arith.constant 1 : i32
    %swap3A_94 = arith.index_cast %swap3A_93 : i32 to index
    %swap3A_95 = arith.constant 112 : index
    %swap3A_96 = tpu.vector_load %arg11[%swap3A_94, %swap3A_95] {strides = array<i32>} : memref<8x128xf32, #tpu.memory_space<vmem>>, vector<16xf32>,
    tpu.vector_store %arg11[%swap3A_94, %swap3A_95], %broadcast_in_dim3A_92 {strides = array<i32>} : memref<8x128xf32, #tpu.memory_space<vmem>>, vector<16xf32>,
    %broadcast_in_dim3A_97 = arith.constant 0.000000e+00 : f32
    %broadcast_in_dim3A_98 = vector.broadcast %broadcast_in_dim3A_97 : f32 to vector<16xf32>
    %swap3A_99 = arith.constant 2 : i32
    %swap3A_100 = arith.index_cast %swap3A_99 : i32 to index
    %swap3A_101 = arith.constant 0 : index
    %swap3A_102 = tpu.vector_load %arg11[%swap3A_100, %swap3A_101] {strides = array<i32>} : memref<8x128xf32, #tpu.memory_space<vmem>>, vector<16xf32>,
    tpu.vector_store %arg11[%swap3A_100, %swap3A_101], %broadcast_in_dim3A_98 {strides = array<i32>} : memref<8x128xf32, #tpu.memory_space<vmem>>, vector<16xf32>,
    %broadcast_in_dim3A_103 = arith.constant 0.000000e+00 : f32
    %broadcast_in_dim3A_104 = vector.broadcast %broadcast_in_dim3A_103 : f32 to vector<16xf32>
    %swap3A_105 = arith.constant 2 : i32
    %swap3A_106 = arith.index_cast %swap3A_105 : i32 to index
    %swap3A_107 = arith.constant 16 : index
    %swap3A_108 = tpu.vector_load %arg11[%swap3A_106, %swap3A_107] {strides = array<i32>} : memref<8x128xf32, #tpu.memory_space<vmem>>, vector<16xf32>,
    tpu.vector_store %arg11[%swap3A_106, %swap3A_107], %broadcast_in_dim3A_104 {strides = array<i32>} : memref<8x128xf32, #tpu.memory_space<vmem>>, vector<16xf32>,
    %broadcast_in_dim3A_109 = arith.constant 0.000000e+00 : f32
    %broadcast_in_dim3A_110 = vector.broadcast %broadcast_in_dim3A_109 : f32 to vector<16xf32>
    %swap3A_111 = arith.constant 2 : i32
    %swap3A_112 = arith.index_cast %swap3A_111 : i32 to index
    %swap3A_113 = arith.constant 32 : index
    %swap3A_114 = tpu.vector_load %arg11[%swap3A_112, %swap3A_113] {strides = array<i32>} : memref<8x128xf32, #tpu.memory_space<vmem>>, vector<16xf32>,
    tpu.vector_store %arg11[%swap3A_112, %swap3A_113], %broadcast_in_dim3A_110 {strides = array<i32>} : memref<8x128xf32, #tpu.memory_space<vmem>>, vector<16xf32>,
    %broadcast_in_dim3A_115 = arith.constant 0.000000e+00 : f32
    %broadcast_in_dim3A_116 = vector.broadcast %broadcast_in_dim3A_115 : f32 to vector<16xf32>
    %swap3A_117 = arith.constant 2 : i32
    %swap3A_118 = arith.index_cast %swap3A_117 : i32 to index
    %swap3A_119 = arith.constant 48 : index
    %swap3A_120 = tpu.vector_load %arg11[%swap3A_118, %swap3A_119] {strides = array<i32>} : memref<8x128xf32, #tpu.memory_space<vmem>>, vector<16xf32>,
    tpu.vector_store %arg11[%swap3A_118, %swap3A_119], %broadcast_in_dim3A_116 {strides = array<i32>} : memref<8x128xf32, #tpu.memory_space<vmem>>, vector<16xf32>,
    %broadcast_in_dim3A_121 = arith.constant 0.000000e+00 : f32
    %broadcast_in_dim3A_122 = vector.broadcast %broadcast_in_dim3A_121 : f32 to vector<16xf32>
    %swap3A_123 = arith.constant 2 : i32
    %swap3A_124 = arith.index_cast %swap3A_123 : i32 to index
    %swap3A_125 = arith.constant 64 : index
    %swap3A_126 = tpu.vector_load %arg11[%swap3A_124, %swap3A_125] {strides = array<i32>} : memref<8x128xf32, #tpu.memory_space<vmem>>, vector<16xf32>,
    tpu.vector_store %arg11[%swap3A_124, %swap3A_125], %broadcast_in_dim3A_122 {strides = array<i32>} : memref<8x128xf32, #tpu.memory_space<vmem>>, vector<16xf32>,
    %broadcast_in_dim3A_127 = arith.constant 0.000000e+00 : f32
    %broadcast_in_dim3A_128 = vector.broadcast %broadcast_in_dim3A_127 : f32 to vector<16xf32>
    %swap3A_129 = arith.constant 2 : i32
    %swap3A_130 = arith.index_cast %swap3A_129 : i32 to index
    %swap3A_131 = arith.constant 80 : index
    %swap3A_132 = tpu.vector_load %arg11[%swap3A_130, %swap3A_131] {strides = array<i32>} : memref<8x128xf32, #tpu.memory_space<vmem>>, vector<16xf32>,
    tpu.vector_store %arg11[%swap3A_130, %swap3A_131], %broadcast_in_dim3A_128 {strides = array<i32>} : memref<8x128xf32, #tpu.memory_space<vmem>>, vector<16xf32>,
    %broadcast_in_dim3A_133 = arith.constant 0.000000e+00 : f32
    %broadcast_in_dim3A_134 = vector.broadcast %broadcast_in_dim3A_133 : f32 to vector<16xf32>
    %swap3A_135 = arith.constant 2 : i32
    %swap3A_136 = arith.index_cast %swap3A_135 : i32 to index
    %swap3A_137 = arith.constant 96 : index
    %swap3A_138 = tpu.vector_load %arg11[%swap3A_136, %swap3A_137] {strides = array<i32>} : memref<8x128xf32, #tpu.memory_space<vmem>>, vector<16xf32>,
    tpu.vector_store %arg11[%swap3A_136, %swap3A_137], %broadcast_in_dim3A_134 {strides = array<i32>} : memref<8x128xf32, #tpu.memory_space<vmem>>, vector<16xf32>,
    %broadcast_in_dim3A_139 = arith.constant 0.000000e+00 : f32
    %broadcast_in_dim3A_140 = vector.broadcast %broadcast_in_dim3A_139 : f32 to vector<16xf32>
    %swap3A_141 = arith.constant 2 : i32
    %swap3A_142 = arith.index_cast %swap3A_141 : i32 to index
    %swap3A_143 = arith.constant 112 : index
    %swap3A_144 = tpu.vector_load %arg11[%swap3A_142, %swap3A_143] {strides = array<i32>} : memref<8x128xf32, #tpu.memory_space<vmem>>, vector<16xf32>,
    tpu.vector_store %arg11[%swap3A_142, %swap3A_143], %broadcast_in_dim3A_140 {strides = array<i32>} : memref<8x128xf32, #tpu.memory_space<vmem>>, vector<16xf32>,
    %broadcast_in_dim3A_145 = arith.constant 0.000000e+00 : f32
    %broadcast_in_dim3A_146 = vector.broadcast %broadcast_in_dim3A_145 : f32 to vector<16xf32>
    %swap3A_147 = arith.constant 3 : i32
    %swap3A_148 = arith.index_cast %swap3A_147 : i32 to index
    %swap3A_149 = arith.constant 0 : index
    %swap3A_150 = tpu.vector_load %arg11[%swap3A_148, %swap3A_149] {strides = array<i32>} : memref<8x128xf32, #tpu.memory_space<vmem>>, vector<16xf32>,
    tpu.vector_store %arg11[%swap3A_148, %swap3A_149], %broadcast_in_dim3A_146 {strides = array<i32>} : memref<8x128xf32, #tpu.memory_space<vmem>>, vector<16xf32>,
    %broadcast_in_dim3A_151 = arith.constant 0.000000e+00 : f32
    %broadcast_in_dim3A_152 = vector.broadcast %broadcast_in_dim3A_151 : f32 to vector<16xf32>
    %swap3A_153 = arith.constant 3 : i32
    %swap3A_154 = arith.index_cast %swap3A_153 : i32 to index
    %swap3A_155 = arith.constant 16 : index
    %swap3A_156 = tpu.vector_load %arg11[%swap3A_154, %swap3A_155] {strides = array<i32>} : memref<8x128xf32, #tpu.memory_space<vmem>>, vector<16xf32>,
    tpu.vector_store %arg11[%swap3A_154, %swap3A_155], %broadcast_in_dim3A_152 {strides = array<i32>} : memref<8x128xf32, #tpu.memory_space<vmem>>, vector<16xf32>,
    %broadcast_in_dim3A_157 = arith.constant 0.000000e+00 : f32
    %broadcast_in_dim3A_158 = vector.broadcast %broadcast_in_dim3A_157 : f32 to vector<16xf32>
    %swap3A_159 = arith.constant 3 : i32
    %swap3A_160 = arith.index_cast %swap3A_159 : i32 to index
    %swap3A_161 = arith.constant 32 : index
    %swap3A_162 = tpu.vector_load %arg11[%swap3A_160, %swap3A_161] {strides = array<i32>} : memref<8x128xf32, #tpu.memory_space<vmem>>, vector<16xf32>,
    tpu.vector_store %arg11[%swap3A_160, %swap3A_161], %broadcast_in_dim3A_158 {strides = array<i32>} : memref<8x128xf32, #tpu.memory_space<vmem>>, vector<16xf32>,
    %broadcast_in_dim3A_163 = arith.constant 0.000000e+00 : f32
    %broadcast_in_dim3A_164 = vector.broadcast %broadcast_in_dim3A_163 : f32 to vector<16xf32>
    %swap3A_165 = arith.constant 3 : i32
    %swap3A_166 = arith.index_cast %swap3A_165 : i32 to index
    %swap3A_167 = arith.constant 48 : index
    %swap3A_168 = tpu.vector_load %arg11[%swap3A_166, %swap3A_167] {strides = array<i32>} : memref<8x128xf32, #tpu.memory_space<vmem>>, vector<16xf32>,
    tpu.vector_store %arg11[%swap3A_166, %swap3A_167], %broadcast_in_dim3A_164 {strides = array<i32>} : memref<8x128xf32, #tpu.memory_space<vmem>>, vector<16xf32>,
    %broadcast_in_dim3A_169 = arith.constant 0.000000e+00 : f32
    %broadcast_in_dim3A_170 = vector.broadcast %broadcast_in_dim3A_169 : f32 to vector<16xf32>
    %swap3A_171 = arith.constant 3 : i32
    %swap3A_172 = arith.index_cast %swap3A_171 : i32 to index
    %swap3A_173 = arith.constant 64 : index
    %swap3A_174 = tpu.vector_load %arg11[%swap3A_172, %swap3A_173] {strides = array<i32>} : memref<8x128xf32, #tpu.memory_space<vmem>>, vector<16xf32>,
    tpu.vector_store %arg11[%swap3A_172, %swap3A_173], %broadcast_in_dim3A_170 {strides = array<i32>} : memref<8x128xf32, #tpu.memory_space<vmem>>, vector<16xf32>,
    %broadcast_in_dim3A_175 = arith.constant 0.000000e+00 : f32
    %broadcast_in_dim3A_176 = vector.broadcast %broadcast_in_dim3A_175 : f32 to vector<16xf32>
    %swap3A_177 = arith.constant 3 : i32
    %swap3A_178 = arith.index_cast %swap3A_177 : i32 to index
    %swap3A_179 = arith.constant 80 : index
    %swap3A_180 = tpu.vector_load %arg11[%swap3A_178, %swap3A_179] {strides = array<i32>} : memref<8x128xf32, #tpu.memory_space<vmem>>, vector<16xf32>,
    tpu.vector_store %arg11[%swap3A_178, %swap3A_179], %broadcast_in_dim3A_176 {strides = array<i32>} : memref<8x128xf32, #tpu.memory_space<vmem>>, vector<16xf32>,
    %broadcast_in_dim3A_181 = arith.constant 0.000000e+00 : f32
    %broadcast_in_dim3A_182 = vector.broadcast %broadcast_in_dim3A_181 : f32 to vector<16xf32>
    %swap3A_183 = arith.constant 3 : i32
    %swap3A_184 = arith.index_cast %swap3A_183 : i32 to index
    %swap3A_185 = arith.constant 96 : index
    %swap3A_186 = tpu.vector_load %arg11[%swap3A_184, %swap3A_185] {strides = array<i32>} : memref<8x128xf32, #tpu.memory_space<vmem>>, vector<16xf32>,
    tpu.vector_store %arg11[%swap3A_184, %swap3A_185], %broadcast_in_dim3A_182 {strides = array<i32>} : memref<8x128xf32, #tpu.memory_space<vmem>>, vector<16xf32>,
    %broadcast_in_dim3A_187 = arith.constant 0.000000e+00 : f32
    %broadcast_in_dim3A_188 = vector.broadcast %broadcast_in_dim3A_187 : f32 to vector<16xf32>
    %swap3A_189 = arith.constant 3 : i32
    %swap3A_190 = arith.index_cast %swap3A_189 : i32 to index
    %swap3A_191 = arith.constant 112 : index
    %swap3A_192 = tpu.vector_load %arg11[%swap3A_190, %swap3A_191] {strides = array<i32>} : memref<8x128xf32, #tpu.memory_space<vmem>>, vector<16xf32>,
    tpu.vector_store %arg11[%swap3A_190, %swap3A_191], %broadcast_in_dim3A_188 {strides = array<i32>} : memref<8x128xf32, #tpu.memory_space<vmem>>, vector<16xf32>,
    %broadcast_in_dim3A_193 = arith.constant 0.000000e+00 : f32
    %broadcast_in_dim3A_194 = vector.broadcast %broadcast_in_dim3A_193 : f32 to vector<16xf32>
    %swap3A_195 = arith.constant 4 : i32
    %swap3A_196 = arith.index_cast %swap3A_195 : i32 to index
    %swap3A_197 = arith.constant 0 : index
    %swap3A_198 = tpu.vector_load %arg11[%swap3A_196, %swap3A_197] {strides = array<i32>} : memref<8x128xf32, #tpu.memory_space<vmem>>, vector<16xf32>,
    tpu.vector_store %arg11[%swap3A_196, %swap3A_197], %broadcast_in_dim3A_194 {strides = array<i32>} : memref<8x128xf32, #tpu.memory_space<vmem>>, vector<16xf32>,
    %broadcast_in_dim3A_199 = arith.constant 0.000000e+00 : f32
    %broadcast_in_dim3A_200 = vector.broadcast %broadcast_in_dim3A_199 : f32 to vector<16xf32>
    %swap3A_201 = arith.constant 4 : i32
    %swap3A_202 = arith.index_cast %swap3A_201 : i32 to index
    %swap3A_203 = arith.constant 16 : index
    %swap3A_204 = tpu.vector_load %arg11[%swap3A_202, %swap3A_203] {strides = array<i32>} : memref<8x128xf32, #tpu.memory_space<vmem>>, vector<16xf32>,
    tpu.vector_store %arg11[%swap3A_202, %swap3A_203], %broadcast_in_dim3A_200 {strides = array<i32>} : memref<8x128xf32, #tpu.memory_space<vmem>>, vector<16xf32>,
    %broadcast_in_dim3A_205 = arith.constant 0.000000e+00 : f32
    %broadcast_in_dim3A_206 = vector.broadcast %broadcast_in_dim3A_205 : f32 to vector<16xf32>
    %swap3A_207 = arith.constant 4 : i32
    %swap3A_208 = arith.index_cast %swap3A_207 : i32 to index
    %swap3A_209 = arith.constant 32 : index
    %swap3A_210 = tpu.vector_load %arg11[%swap3A_208, %swap3A_209] {strides = array<i32>} : memref<8x128xf32, #tpu.memory_space<vmem>>, vector<16xf32>,
    tpu.vector_store %arg11[%swap3A_208, %swap3A_209], %broadcast_in_dim3A_206 {strides = array<i32>} : memref<8x128xf32, #tpu.memory_space<vmem>>, vector<16xf32>,
    %broadcast_in_dim3A_211 = arith.constant 0.000000e+00 : f32
    %broadcast_in_dim3A_212 = vector.broadcast %broadcast_in_dim3A_211 : f32 to vector<16xf32>
    %swap3A_213 = arith.constant 4 : i32
    %swap3A_214 = arith.index_cast %swap3A_213 : i32 to index
    %swap3A_215 = arith.constant 48 : index
    %swap3A_216 = tpu.vector_load %arg11[%swap3A_214, %swap3A_215] {strides = array<i32>} : memref<8x128xf32, #tpu.memory_space<vmem>>, vector<16xf32>,
    tpu.vector_store %arg11[%swap3A_214, %swap3A_215], %broadcast_in_dim3A_212 {strides = array<i32>} : memref<8x128xf32, #tpu.memory_space<vmem>>, vector<16xf32>,
    %broadcast_in_dim3A_217 = arith.constant 0.000000e+00 : f32
    %broadcast_in_dim3A_218 = vector.broadcast %broadcast_in_dim3A_217 : f32 to vector<16xf32>
    %swap3A_219 = arith.constant 4 : i32
    %swap3A_220 = arith.index_cast %swap3A_219 : i32 to index
    %swap3A_221 = arith.constant 64 : index
    %swap3A_222 = tpu.vector_load %arg11[%swap3A_220, %swap3A_221] {strides = array<i32>} : memref<8x128xf32, #tpu.memory_space<vmem>>, vector<16xf32>,
    tpu.vector_store %arg11[%swap3A_220, %swap3A_221], %broadcast_in_dim3A_218 {strides = array<i32>} : memref<8x128xf32, #tpu.memory_space<vmem>>, vector<16xf32>,
    %broadcast_in_dim3A_223 = arith.constant 0.000000e+00 : f32
    %broadcast_in_dim3A_224 = vector.broadcast %broadcast_in_dim3A_223 : f32 to vector<16xf32>
    %swap3A_225 = arith.constant 4 : i32
    %swap3A_226 = arith.index_cast %swap3A_225 : i32 to index
    %swap3A_227 = arith.constant 80 : index
    %swap3A_228 = tpu.vector_load %arg11[%swap3A_226, %swap3A_227] {strides = array<i32>} : memref<8x128xf32, #tpu.memory_space<vmem>>, vector<16xf32>,
    tpu.vector_store %arg11[%swap3A_226, %swap3A_227], %broadcast_in_dim3A_224 {strides = array<i32>} : memref<8x128xf32, #tpu.memory_space<vmem>>, vector<16xf32>,
    %broadcast_in_dim3A_229 = arith.constant 0.000000e+00 : f32
    %broadcast_in_dim3A_230 = vector.broadcast %broadcast_in_dim3A_229 : f32 to vector<16xf32>
    %swap3A_231 = arith.constant 4 : i32
    %swap3A_232 = arith.index_cast %swap3A_231 : i32 to index
    %swap3A_233 = arith.constant 96 : index
    %swap3A_234 = tpu.vector_load %arg11[%swap3A_232, %swap3A_233] {strides = array<i32>} : memref<8x128xf32, #tpu.memory_space<vmem>>, vector<16xf32>,
    tpu.vector_store %arg11[%swap3A_232, %swap3A_233], %broadcast_in_dim3A_230 {strides = array<i32>} : memref<8x128xf32, #tpu.memory_space<vmem>>, vector<16xf32>,
    %broadcast_in_dim3A_235 = arith.constant 0.000000e+00 : f32
    %broadcast_in_dim3A_236 = vector.broadcast %broadcast_in_dim3A_235 : f32 to vector<16xf32>
    %swap3A_237 = arith.constant 4 : i32
    %swap3A_238 = arith.index_cast %swap3A_237 : i32 to index
    %swap3A_239 = arith.constant 112 : index
    %swap3A_240 = tpu.vector_load %arg11[%swap3A_238, %swap3A_239] {strides = array<i32>} : memref<8x128xf32, #tpu.memory_space<vmem>>, vector<16xf32>,
    tpu.vector_store %arg11[%swap3A_238, %swap3A_239], %broadcast_in_dim3A_236 {strides = array<i32>} : memref<8x128xf32, #tpu.memory_space<vmem>>, vector<16xf32>,
    %broadcast_in_dim3A_241 = arith.constant 0.000000e+00 : f32
    %broadcast_in_dim3A_242 = vector.broadcast %broadcast_in_dim3A_241 : f32 to vector<16xf32>
    %swap3A_243 = arith.constant 5 : i32
    %swap3A_244 = arith.index_cast %swap3A_243 : i32 to index
    %swap3A_245 = arith.constant 0 : index
    %swap3A_246 = tpu.vector_load %arg11[%swap3A_244, %swap3A_245] {strides = array<i32>} : memref<8x128xf32, #tpu.memory_space<vmem>>, vector<16xf32>,
    tpu.vector_store %arg11[%swap3A_244, %swap3A_245], %broadcast_in_dim3A_242 {strides = array<i32>} : memref<8x128xf32, #tpu.memory_space<vmem>>, vector<16xf32>,
    %broadcast_in_dim3A_247 = arith.constant 0.000000e+00 : f32
    %broadcast_in_dim3A_248 = vector.broadcast %broadcast_in_dim3A_247 : f32 to vector<16xf32>
    %swap3A_249 = arith.constant 5 : i32
    %swap3A_250 = arith.index_cast %swap3A_249 : i32 to index
    %swap3A_251 = arith.constant 16 : index
    %swap3A_252 = tpu.vector_load %arg11[%swap3A_250, %swap3A_251] {strides = array<i32>} : memref<8x128xf32, #tpu.memory_space<vmem>>, vector<16xf32>,
    tpu.vector_store %arg11[%swap3A_250, %swap3A_251], %broadcast_in_dim3A_248 {strides = array<i32>} : memref<8x128xf32, #tpu.memory_space<vmem>>, vector<16xf32>,
    %broadcast_in_dim3A_253 = arith.constant 0.000000e+00 : f32
    %broadcast_in_dim3A_254 = vector.broadcast %broadcast_in_dim3A_253 : f32 to vector<16xf32>
    %swap3A_255 = arith.constant 5 : i32
    %swap3A_256 = arith.index_cast %swap3A_255 : i32 to index
    %swap3A_257 = arith.constant 32 : index
    %swap3A_258 = tpu.vector_load %arg11[%swap3A_256, %swap3A_257] {strides = array<i32>} : memref<8x128xf32, #tpu.memory_space<vmem>>, vector<16xf32>,
    tpu.vector_store %arg11[%swap3A_256, %swap3A_257], %broadcast_in_dim3A_254 {strides = array<i32>} : memref<8x128xf32, #tpu.memory_space<vmem>>, vector<16xf32>,
    %broadcast_in_dim3A_259 = arith.constant 0.000000e+00 : f32
    %broadcast_in_dim3A_260 = vector.broadcast %broadcast_in_dim3A_259 : f32 to vector<16xf32>
    %swap3A_261 = arith.constant 5 : i32
    %swap3A_262 = arith.index_cast %swap3A_261 : i32 to index
    %swap3A_263 = arith.constant 48 : index
    %swap3A_264 = tpu.vector_load %arg11[%swap3A_262, %swap3A_263] {strides = array<i32>} : memref<8x128xf32, #tpu.memory_space<vmem>>, vector<16xf32>,
    tpu.vector_store %arg11[%swap3A_262, %swap3A_263], %broadcast_in_dim3A_260 {strides = array<i32>} : memref<8x128xf32, #tpu.memory_space<vmem>>, vector<16xf32>,
    %broadcast_in_dim3A_265 = arith.constant 0.000000e+00 : f32
    %broadcast_in_dim3A_266 = vector.broadcast %broadcast_in_dim3A_265 : f32 to vector<16xf32>
    %swap3A_267 = arith.constant 5 : i32
    %swap3A_268 = arith.index_cast %swap3A_267 : i32 to index
    %swap3A_269 = arith.constant 64 : index
    %swap3A_270 = tpu.vector_load %arg11[%swap3A_268, %swap3A_269] {strides = array<i32>} : memref<8x128xf32, #tpu.memory_space<vmem>>, vector<16xf32>,
    tpu.vector_store %arg11[%swap3A_268, %swap3A_269], %broadcast_in_dim3A_266 {strides = array<i32>} : memref<8x128xf32, #tpu.memory_space<vmem>>, vector<16xf32>,
    %broadcast_in_dim3A_271 = arith.constant 0.000000e+00 : f32
    %broadcast_in_dim3A_272 = vector.broadcast %broadcast_in_dim3A_271 : f32 to vector<16xf32>
    %swap3A_273 = arith.constant 5 : i32
    %swap3A_274 = arith.index_cast %swap3A_273 : i32 to index
    %swap3A_275 = arith.constant 80 : index
    %swap3A_276 = tpu.vector_load %arg11[%swap3A_274, %swap3A_275] {strides = array<i32>} : memref<8x128xf32, #tpu.memory_space<vmem>>, vector<16xf32>,
    tpu.vector_store %arg11[%swap3A_274, %swap3A_275], %broadcast_in_dim3A_272 {strides = array<i32>} : memref<8x128xf32, #tpu.memory_space<vmem>>, vector<16xf32>,
    %broadcast_in_dim3A_277 = arith.constant 0.000000e+00 : f32
    %broadcast_in_dim3A_278 = vector.broadcast %broadcast_in_dim3A_277 : f32 to vector<16xf32>
    %swap3A_279 = arith.constant 5 : i32
    %swap3A_280 = arith.index_cast %swap3A_279 : i32 to index
    %swap3A_281 = arith.constant 96 : index
    %swap3A_282 = tpu.vector_load %arg11[%swap3A_280, %swap3A_281] {strides = array<i32>} : memref<8x128xf32, #tpu.memory_space<vmem>>, vector<16xf32>,
    tpu.vector_store %arg11[%swap3A_280, %swap3A_281], %broadcast_in_dim3A_278 {strides = array<i32>} : memref<8x128xf32, #tpu.memory_space<vmem>>, vector<16xf32>,
    %broadcast_in_dim3A_283 = arith.constant 0.000000e+00 : f32
    %broadcast_in_dim3A_284 = vector.broadcast %broadcast_in_dim3A_283 : f32 to vector<16xf32>
    %swap3A_285 = arith.constant 5 : i32
    %swap3A_286 = arith.index_cast %swap3A_285 : i32 to index
    %swap3A_287 = arith.constant 112 : index
    %swap3A_288 = tpu.vector_load %arg11[%swap3A_286, %swap3A_287] {strides = array<i32>} : memref<8x128xf32, #tpu.memory_space<vmem>>, vector<16xf32>,
    tpu.vector_store %arg11[%swap3A_286, %swap3A_287], %broadcast_in_dim3A_284 {strides = array<i32>} : memref<8x128xf32, #tpu.memory_space<vmem>>, vector<16xf32>,
    %broadcast_in_dim3A_289 = arith.constant 0.000000e+00 : f32
    %broadcast_in_dim3A_290 = vector.broadcast %broadcast_in_dim3A_289 : f32 to vector<16xf32>
    %swap3A_291 = arith.constant 6 : i32
    %swap3A_292 = arith.index_cast %swap3A_291 : i32 to index
    %swap3A_293 = arith.constant 0 : index
    %swap3A_294 = tpu.vector_load %arg11[%swap3A_292, %swap3A_293] {strides = array<i32>} : memref<8x128xf32, #tpu.memory_space<vmem>>, vector<16xf32>,
    tpu.vector_store %arg11[%swap3A_292, %swap3A_293], %broadcast_in_dim3A_290 {strides = array<i32>} : memref<8x128xf32, #tpu.memory_space<vmem>>, vector<16xf32>,
    %broadcast_in_dim3A_295 = arith.constant 0.000000e+00 : f32
    %broadcast_in_dim3A_296 = vector.broadcast %broadcast_in_dim3A_295 : f32 to vector<16xf32>
    %swap3A_297 = arith.constant 6 : i32
    %swap3A_298 = arith.index_cast %swap3A_297 : i32 to index
    %swap3A_299 = arith.constant 16 : index
    %swap3A_300 = tpu.vector_load %arg11[%swap3A_298, %swap3A_299] {strides = array<i32>} : memref<8x128xf32, #tpu.memory_space<vmem>>, vector<16xf32>,
    tpu.vector_store %arg11[%swap3A_298, %swap3A_299], %broadcast_in_dim3A_296 {strides = array<i32>} : memref<8x128xf32, #tpu.memory_space<vmem>>, vector<16xf32>,
    %broadcast_in_dim3A_301 = arith.constant 0.000000e+00 : f32
    %broadcast_in_dim3A_302 = vector.broadcast %broadcast_in_dim3A_301 : f32 to vector<16xf32>
    %swap3A_303 = arith.constant 6 : i32
    %swap3A_304 = arith.index_cast %swap3A_303 : i32 to index
    %swap3A_305 = arith.constant 32 : index
    %swap3A_306 = tpu.vector_load %arg11[%swap3A_304, %swap3A_305] {strides = array<i32>} : memref<8x128xf32, #tpu.memory_space<vmem>>, vector<16xf32>,
    tpu.vector_store %arg11[%swap3A_304, %swap3A_305], %broadcast_in_dim3A_302 {strides = array<i32>} : memref<8x128xf32, #tpu.memory_space<vmem>>, vector<16xf32>,
    %broadcast_in_dim3A_307 = arith.constant 0.000000e+00 : f32
    %broadcast_in_dim3A_308 = vector.broadcast %broadcast_in_dim3A_307 : f32 to vector<16xf32>
    %swap3A_309 = arith.constant 6 : i32
    %swap3A_310 = arith.index_cast %swap3A_309 : i32 to index
    %swap3A_311 = arith.constant 48 : index
    %swap3A_312 = tpu.vector_load %arg11[%swap3A_310, %swap3A_311] {strides = array<i32>} : memref<8x128xf32, #tpu.memory_space<vmem>>, vector<16xf32>,
    tpu.vector_store %arg11[%swap3A_310, %swap3A_311], %broadcast_in_dim3A_308 {strides = array<i32>} : memref<8x128xf32, #tpu.memory_space<vmem>>, vector<16xf32>,
    %broadcast_in_dim3A_313 = arith.constant 0.000000e+00 : f32
    %broadcast_in_dim3A_314 = vector.broadcast %broadcast_in_dim3A_313 : f32 to vector<16xf32>
    %swap3A_315 = arith.constant 6 : i32
    %swap3A_316 = arith.index_cast %swap3A_315 : i32 to index
    %swap3A_317 = arith.constant 64 : index
    %swap3A_318 = tpu.vector_load %arg11[%swap3A_316, %swap3A_317] {strides = array<i32>} : memref<8x128xf32, #tpu.memory_space<vmem>>, vector<16xf32>,
    tpu.vector_store %arg11[%swap3A_316, %swap3A_317], %broadcast_in_dim3A_314 {strides = array<i32>} : memref<8x128xf32, #tpu.memory_space<vmem>>, vector<16xf32>,
    %broadcast_in_dim3A_319 = arith.constant 0.000000e+00 : f32
    %broadcast_in_dim3A_320 = vector.broadcast %broadcast_in_dim3A_319 : f32 to vector<16xf32>
    %swap3A_321 = arith.constant 6 : i32
    %swap3A_322 = arith.index_cast %swap3A_321 : i32 to index
    %swap3A_323 = arith.constant 80 : index
    %swap3A_324 = tpu.vector_load %arg11[%swap3A_322, %swap3A_323] {strides = array<i32>} : memref<8x128xf32, #tpu.memory_space<vmem>>, vector<16xf32>,
    tpu.vector_store %arg11[%swap3A_322, %swap3A_323], %broadcast_in_dim3A_320 {strides = array<i32>} : memref<8x128xf32, #tpu.memory_space<vmem>>, vector<16xf32>,
    %broadcast_in_dim3A_325 = arith.constant 0.000000e+00 : f32
    %broadcast_in_dim3A_326 = vector.broadcast %broadcast_in_dim3A_325 : f32 to vector<16xf32>
    %swap3A_327 = arith.constant 6 : i32
    %swap3A_328 = arith.index_cast %swap3A_327 : i32 to index
    %swap3A_329 = arith.constant 96 : index
    %swap3A_330 = tpu.vector_load %arg11[%swap3A_328, %swap3A_329] {strides = array<i32>} : memref<8x128xf32, #tpu.memory_space<vmem>>, vector<16xf32>,
    tpu.vector_store %arg11[%swap3A_328, %swap3A_329], %broadcast_in_dim3A_326 {strides = array<i32>} : memref<8x128xf32, #tpu.memory_space<vmem>>, vector<16xf32>,
    %broadcast_in_dim3A_331 = arith.constant 0.000000e+00 : f32
    %broadcast_in_dim3A_332 = vector.broadcast %broadcast_in_dim3A_331 : f32 to vector<16xf32>
    %swap3A_333 = arith.constant 6 : i32
    %swap3A_334 = arith.index_cast %swap3A_333 : i32 to index
    %swap3A_335 = arith.constant 112 : index
    %swap3A_336 = tpu.vector_load %arg11[%swap3A_334, %swap3A_335] {strides = array<i32>} : memref<8x128xf32, #tpu.memory_space<vmem>>, vector<16xf32>,
    tpu.vector_store %arg11[%swap3A_334, %swap3A_335], %broadcast_in_dim3A_332 {strides = array<i32>} : memref<8x128xf32, #tpu.memory_space<vmem>>, vector<16xf32>,
    %broadcast_in_dim3A_337 = arith.constant 0.000000e+00 : f32
    %broadcast_in_dim3A_338 = vector.broadcast %broadcast_in_dim3A_337 : f32 to vector<16xf32>
    %swap3A_339 = arith.constant 7 : i32
    %swap3A_340 = arith.index_cast %swap3A_339 : i32 to index
    %swap3A_341 = arith.constant 0 : index
    %swap3A_342 = tpu.vector_load %arg11[%swap3A_340, %swap3A_341] {strides = array<i32>} : memref<8x128xf32, #tpu.memory_space<vmem>>, vector<16xf32>,
    tpu.vector_store %arg11[%swap3A_340, %swap3A_341], %broadcast_in_dim3A_338 {strides = array<i32>} : memref<8x128xf32, #tpu.memory_space<vmem>>, vector<16xf32>,
    %broadcast_in_dim3A_343 = arith.constant 0.000000e+00 : f32
    %broadcast_in_dim3A_344 = vector.broadcast %broadcast_in_dim3A_343 : f32 to vector<16xf32>
    %swap3A_345 = arith.constant 7 : i32
    %swap3A_346 = arith.index_cast %swap3A_345 : i32 to index
    %swap3A_347 = arith.constant 16 : index
    %swap3A_348 = tpu.vector_load %arg11[%swap3A_346, %swap3A_347] {strides = array<i32>} : memref<8x128xf32, #tpu.memory_space<vmem>>, vector<16xf32>,
    tpu.vector_store %arg11[%swap3A_346, %swap3A_347], %broadcast_in_dim3A_344 {strides = array<i32>} : memref<8x128xf32, #tpu.memory_space<vmem>>, vector<16xf32>,
    %broadcast_in_dim3A_349 = arith.constant 0.000000e+00 : f32
    %broadcast_in_dim3A_350 = vector.broadcast %broadcast_in_dim3A_349 : f32 to vector<16xf32>
    %swap3A_351 = arith.constant 7 : i32
    %swap3A_352 = arith.index_cast %swap3A_351 : i32 to index
    %swap3A_353 = arith.constant 32 : index
    %swap3A_354 = tpu.vector_load %arg11[%swap3A_352, %swap3A_353] {strides = array<i32>} : memref<8x128xf32, #tpu.memory_space<vmem>>, vector<16xf32>,
    tpu.vector_store %arg11[%swap3A_352, %swap3A_353], %broadcast_in_dim3A_350 {strides = array<i32>} : memref<8x128xf32, #tpu.memory_space<vmem>>, vector<16xf32>,
    %broadcast_in_dim3A_355 = arith.constant 0.000000e+00 : f32
    %broadcast_in_dim3A_356 = vector.broadcast %broadcast_in_dim3A_355 : f32 to vector<16xf32>
    %swap3A_357 = arith.constant 7 : i32
    %swap3A_358 = arith.index_cast %swap3A_357 : i32 to index
    %swap3A_359 = arith.constant 48 : index
    %swap3A_360 = tpu.vector_load %arg11[%swap3A_358, %swap3A_359] {strides = array<i32>} : memref<8x128xf32, #tpu.memory_space<vmem>>, vector<16xf32>,
    tpu.vector_store %arg11[%swap3A_358, %swap3A_359], %broadcast_in_dim3A_356 {strides = array<i32>} : memref<8x128xf32, #tpu.memory_space<vmem>>, vector<16xf32>,
    %broadcast_in_dim3A_361 = arith.constant 0.000000e+00 : f32
    %broadcast_in_dim3A_362 = vector.broadcast %broadcast_in_dim3A_361 : f32 to vector<16xf32>
    %swap3A_363 = arith.constant 7 : i32
    %swap3A_364 = arith.index_cast %swap3A_363 : i32 to index
    %swap3A_365 = arith.constant 64 : index
    %swap3A_366 = tpu.vector_load %arg11[%swap3A_364, %swap3A_365] {strides = array<i32>} : memref<8x128xf32, #tpu.memory_space<vmem>>, vector<16xf32>,
    tpu.vector_store %arg11[%swap3A_364, %swap3A_365], %broadcast_in_dim3A_362 {strides = array<i32>} : memref<8x128xf32, #tpu.memory_space<vmem>>, vector<16xf32>,
    %broadcast_in_dim3A_367 = arith.constant 0.000000e+00 : f32
    %broadcast_in_dim3A_368 = vector.broadcast %broadcast_in_dim3A_367 : f32 to vector<16xf32>
    %swap3A_369 = arith.constant 7 : i32
    %swap3A_370 = arith.index_cast %swap3A_369 : i32 to index
    %swap3A_371 = arith.constant 80 : index
    %swap3A_372 = tpu.vector_load %arg11[%swap3A_370, %swap3A_371] {strides = array<i32>} : memref<8x128xf32, #tpu.memory_space<vmem>>, vector<16xf32>,
    tpu.vector_store %arg11[%swap3A_370, %swap3A_371], %broadcast_in_dim3A_368 {strides = array<i32>} : memref<8x128xf32, #tpu.memory_space<vmem>>, vector<16xf32>,
    %broadcast_in_dim3A_373 = arith.constant 0.000000e+00 : f32
    %broadcast_in_dim3A_374 = vector.broadcast %broadcast_in_dim3A_373 : f32 to vector<16xf32>
    %swap3A_375 = arith.constant 7 : i32
    %swap3A_376 = arith.index_cast %swap3A_375 : i32 to index
    %swap3A_377 = arith.constant 96 : index
    %swap3A_378 = tpu.vector_load %arg11[%swap3A_376, %swap3A_377] {strides = array<i32>} : memref<8x128xf32, #tpu.memory_space<vmem>>, vector<16xf32>,
    tpu.vector_store %arg11[%swap3A_376, %swap3A_377], %broadcast_in_dim3A_374 {strides = array<i32>} : memref<8x128xf32, #tpu.memory_space<vmem>>, vector<16xf32>,
    %broadcast_in_dim3A_379 = arith.constant 0.000000e+00 : f32
    %broadcast_in_dim3A_380 = vector.broadcast %broadcast_in_dim3A_379 : f32 to vector<16xf32>
    %swap3A_381 = arith.constant 7 : i32
    %swap3A_382 = arith.index_cast %swap3A_381 : i32 to index
    %swap3A_383 = arith.constant 112 : index
    %swap3A_384 = tpu.vector_load %arg11[%swap3A_382, %swap3A_383] {strides = array<i32>} : memref<8x128xf32, #tpu.memory_space<vmem>>, vector<16xf32>,
    tpu.vector_store %arg11[%swap3A_382, %swap3A_383], %broadcast_in_dim3A_380 {strides = array<i32>} : memref<8x128xf32, #tpu.memory_space<vmem>>, vector<16xf32>,
    %scan3A = arith.constant 0 : i32
    %scan3A_385 = arith.constant 79 : i32
    %scan3A_386 = arith.addi %scan3A, %scan3A_385 : i32
    %scan3A_387 = arith.constant 1 : i32
    scf.for %scan3A_395 = %scan3A to %scan3A_386 step %scan3A_387  : i32 {
      %mul3A_396 = arith.constant 1 : i32
      %mul3A_397 = arith.muli %scan3A_395, %mul3A_396 : i32
      %add3A_398 = arith.constant 0 : i32
      %add3A_399 = arith.addi %add3A_398, %mul3A_397 : i32
      %mul3A_400 = arith.constant 8 : i32
      %mul3A_401 = arith.muli %add3A_399, %mul3A_400 : i32
      %add3A_402 = arith.addi %mul3A_2, %mul3A_401 : i32
      "tpu.region"() ({
        %run_scoped3A = tpu.sem_alloc : memref<!tpu.dma_semaphore, #tpu.memory_space<semaphore_mem>>
        %dma_start3A = arith.constant 0 : i32
        %dma_start3A_403 = tpu.memref_slice %arg12[%add3A_402, %dma_start3A] : memref<10112x128xf32, #tpu.memory_space<vmem_shared>> -> memref<8x128xf32, #tpu.memory_space<vmem_shared>>
        %dma_start3A_404 = arith.constant 0 : i32
        %dma_start3A_405 = tpu.memref_slice %arg12[%add3A_402, %dma_start3A_404] : memref<10112x128xf32, #tpu.memory_space<vmem_shared>> -> memref<8x128xf32, #tpu.memory_space<vmem_shared>>
        tpu.enqueue_dma source(%arg11 : memref<8x128xf32, #tpu.memory_space<vmem>>) target(%dma_start3A_405 : memref<8x128xf32, #tpu.memory_space<vmem_shared>>) target_semaphore(%run_scoped3A : memref<!tpu.dma_semaphore, #tpu.memory_space<semaphore_mem>>)
        %dma_wait3A = arith.constant 0 : i32
        %dma_wait3A_406 = tpu.memref_slice %arg12[%add3A_402, %dma_wait3A] : memref<10112x128xf32, #tpu.memory_space<vmem_shared>> -> memref<8x128xf32, #tpu.memory_space<vmem_shared>>
        %dma_wait3A_407 = arith.constant 0 : i32
        %dma_wait3A_408 = tpu.memref_slice %arg12[%add3A_402, %dma_wait3A_407] : memref<10112x128xf32, #tpu.memory_space<vmem_shared>> -> memref<8x128xf32, #tpu.memory_space<vmem_shared>>
        tpu.wait_dma2 semaphore(%run_scoped3A : memref<!tpu.dma_semaphore, #tpu.memory_space<semaphore_mem>>) src(%arg11 : memref<8x128xf32, #tpu.memory_space<vmem>>) dst(%dma_wait3A_408 : memref<8x128xf32, #tpu.memory_space<vmem_shared>>)
        tpu.yield
      }) : () -> ()
    }
    %scan3A_388 = arith.constant 79 : i32
    %barrier3A = arith.constant 0 : index
    tpu.barrier barrier_id(%barrier3A)
    %scan3A_389 = arith.constant 0 : i32
    %scan3A_390 = arith.constant 125 : i32
    %scan3A_391 = arith.addi %scan3A_389, %scan3A_390 : i32
    %scan3A_392 = arith.constant 1 : i32
    scf.for %scan3A_395 = %scan3A_389 to %scan3A_391 step %scan3A_392  : i32 {
      %mul3A_396 = arith.constant 1 : i32
      %mul3A_397 = arith.muli %scan3A_395, %mul3A_396 : i32
      %add3A_398 = arith.constant 0 : i32
      %add3A_399 = arith.addi %add3A_398, %mul3A_397 : i32
      %mul3A_400 = arith.constant 10000 : i32
      %mul3A_401 = arith.muli %add3A, %mul3A_400 : i32
      %mul3A_402 = arith.constant 80 : i32
      %mul3A_403 = arith.muli %add3A_399, %mul3A_402 : i32
      %add3A_404 = arith.addi %mul3A_401, %mul3A_403 : i32
      "tpu.region"() ({
        %run_scoped3A = tpu.sem_alloc : memref<!tpu.dma_semaphore, #tpu.memory_space<semaphore_mem>>
        %dma_start3A_414 = tpu.memref_slice %arg2[%add3A_404] : memref<320000xi32, #tpu.memory_space<hbm>> -> memref<80xi32, #tpu.memory_space<hbm>>
        %dma_start3A_415 = tpu.memref_slice %arg2[%add3A_404] : memref<320000xi32, #tpu.memory_space<hbm>> -> memref<80xi32, #tpu.memory_space<hbm>>
        tpu.enqueue_dma source(%dma_start3A_415 : memref<80xi32, #tpu.memory_space<hbm>>) target(%arg7 : memref<80xi32, #tpu.memory_space<vmem>>) target_semaphore(%run_scoped3A : memref<!tpu.dma_semaphore, #tpu.memory_space<semaphore_mem>>)
        %dma_wait3A_416 = tpu.memref_slice %arg2[%add3A_404] : memref<320000xi32, #tpu.memory_space<hbm>> -> memref<80xi32, #tpu.memory_space<hbm>>
        %dma_wait3A_417 = tpu.memref_slice %arg2[%add3A_404] : memref<320000xi32, #tpu.memory_space<hbm>> -> memref<80xi32, #tpu.memory_space<hbm>>
        tpu.wait_dma2 semaphore(%run_scoped3A : memref<!tpu.dma_semaphore, #tpu.memory_space<semaphore_mem>>) src(%dma_wait3A_417 : memref<80xi32, #tpu.memory_space<hbm>>) dst(%arg7 : memref<80xi32, #tpu.memory_space<vmem>>)
        tpu.yield
      }) : () -> ()
      "tpu.region"() ({
        %run_scoped3A = tpu.sem_alloc : memref<!tpu.dma_semaphore, #tpu.memory_space<semaphore_mem>>
        %dma_start3A_414 = tpu.memref_slice %arg3[%add3A_404] : memref<320000xi32, #tpu.memory_space<hbm>> -> memref<80xi32, #tpu.memory_space<hbm>>
        %dma_start3A_415 = tpu.memref_slice %arg3[%add3A_404] : memref<320000xi32, #tpu.memory_space<hbm>> -> memref<80xi32, #tpu.memory_space<hbm>>
        tpu.enqueue_dma source(%dma_start3A_415 : memref<80xi32, #tpu.memory_space<hbm>>) target(%arg8 : memref<80xi32, #tpu.memory_space<vmem>>) target_semaphore(%run_scoped3A : memref<!tpu.dma_semaphore, #tpu.memory_space<semaphore_mem>>)
        %dma_wait3A_416 = tpu.memref_slice %arg3[%add3A_404] : memref<320000xi32, #tpu.memory_space<hbm>> -> memref<80xi32, #tpu.memory_space<hbm>>
        %dma_wait3A_417 = tpu.memref_slice %arg3[%add3A_404] : memref<320000xi32, #tpu.memory_space<hbm>> -> memref<80xi32, #tpu.memory_space<hbm>>
        tpu.wait_dma2 semaphore(%run_scoped3A : memref<!tpu.dma_semaphore, #tpu.memory_space<semaphore_mem>>) src(%dma_wait3A_417 : memref<80xi32, #tpu.memory_space<hbm>>) dst(%arg8 : memref<80xi32, #tpu.memory_space<vmem>>)
        tpu.yield
      }) : () -> ()
      "tpu.region"() ({
        %run_scoped3A = tpu.sem_alloc : memref<!tpu.dma_semaphore, #tpu.memory_space<semaphore_mem>>
        %dma_start3A_414 = tpu.memref_slice %arg4[%add3A_404] : memref<320000xf32, #tpu.memory_space<hbm>> -> memref<80xf32, #tpu.memory_space<hbm>>
        %dma_start3A_415 = tpu.memref_slice %arg4[%add3A_404] : memref<320000xf32, #tpu.memory_space<hbm>> -> memref<80xf32, #tpu.memory_space<hbm>>
        tpu.enqueue_dma source(%dma_start3A_415 : memref<80xf32, #tpu.memory_space<hbm>>) target(%arg9 : memref<80xf32, #tpu.memory_space<vmem>>) target_semaphore(%run_scoped3A : memref<!tpu.dma_semaphore, #tpu.memory_space<semaphore_mem>>)
        %dma_wait3A_416 = tpu.memref_slice %arg4[%add3A_404] : memref<320000xf32, #tpu.memory_space<hbm>> -> memref<80xf32, #tpu.memory_space<hbm>>
        %dma_wait3A_417 = tpu.memref_slice %arg4[%add3A_404] : memref<320000xf32, #tpu.memory_space<hbm>> -> memref<80xf32, #tpu.memory_space<hbm>>
        tpu.wait_dma2 semaphore(%run_scoped3A : memref<!tpu.dma_semaphore, #tpu.memory_space<semaphore_mem>>) src(%dma_wait3A_417 : memref<80xf32, #tpu.memory_space<hbm>>) dst(%arg9 : memref<80xf32, #tpu.memory_space<vmem>>)
        tpu.yield
      }) : () -> ()
      %dma_start3A = arith.constant 0 : i32
      %dma_start3A_405 = arith.constant 0 : i32
      %dma_start3A_406 = tpu.memref_slice %arg5[%dma_start3A, %dma_start3A_405] : memref<10000x128xf32, #tpu.memory_space<hbm>> -> memref<10000x128xf32, #tpu.memory_space<hbm>>
      tpu.enqueue_indirect_dma source(%dma_start3A_406 : memref<10000x128xf32, #tpu.memory_space<hbm>>) target(%arg10 : memref<80x128xf32, #tpu.memory_space<vmem>>) offsets(%arg7 : memref<80xi32, #tpu.memory_space<vmem>>) semaphore(%arg13 : memref<!tpu.dma_semaphore, #tpu.memory_space<semaphore_mem>>)
      %dma_wait3A = arith.constant 0 : i32
      %dma_wait3A_407 = arith.constant 0 : i32
      %dma_wait3A_408 = tpu.memref_slice %arg5[%dma_wait3A, %dma_wait3A_407] : memref<10000x128xf32, #tpu.memory_space<hbm>> -> memref<10000x128xf32, #tpu.memory_space<hbm>>
      tpu.wait_indirect_dma semaphore(%arg13 : memref<!tpu.dma_semaphore, #tpu.memory_space<semaphore_mem>>) src(%dma_wait3A_408 : memref<10000x128xf32, #tpu.memory_space<hbm>>) dst(%arg10 : memref<80x128xf32, #tpu.memory_space<vmem>>)
      %scan3A_409 = arith.constant 0 : i32
      %scan3A_410 = arith.constant 80 : i32
      %scan3A_411 = arith.addi %scan3A_409, %scan3A_410 : i32
      %scan3A_412 = arith.constant 8 : i32
      scf.for %scan3A_414 = %scan3A_409 to %scan3A_411 step %scan3A_412  : i32 {
        %mul3A_415 = arith.constant 1 : i32
        %mul3A_416 = arith.muli %scan3A_414, %mul3A_415 : i32
        %add3A_417 = arith.constant 0 : i32
        %add3A_418 = arith.addi %add3A_417, %mul3A_416 : i32
        %broadcast_in_dim3A_419 = vector.broadcast %add3A_418 : i32 to vector<16xi32>
        %gather3A = tpu.vector_load_idx %arg9[%broadcast_in_dim3A_419] : memref<80xf32, #tpu.memory_space<vmem>>[vector<16xi32>], vector<16xf32>,
        %get3A = arith.index_cast %add3A_418 : i32 to index
        %get3A_420 = arith.constant 0 : index
        %get3A_421 = tpu.vector_load %arg10[%get3A, %get3A_420] {strides = array<i32>} : memref<80x128xf32, #tpu.memory_space<vmem>>, vector<16xf32>,
        %mul3A_422 = arith.mulf %get3A_421, %gather3A : vector<16xf32>
        %swap3A_423 = arith.index_cast %add3A_418 : i32 to index
        %swap3A_424 = arith.constant 0 : index
        %swap3A_425 = tpu.vector_load %arg10[%swap3A_423, %swap3A_424] {strides = array<i32>} : memref<80x128xf32, #tpu.memory_space<vmem>>, vector<16xf32>,
        tpu.vector_store %arg10[%swap3A_423, %swap3A_424], %mul3A_422 {strides = array<i32>} : memref<80x128xf32, #tpu.memory_space<vmem>>, vector<16xf32>,
        %get3A_426 = arith.index_cast %add3A_418 : i32 to index
        %get3A_427 = arith.constant 16 : index
        %get3A_428 = tpu.vector_load %arg10[%get3A_426, %get3A_427] {strides = array<i32>} : memref<80x128xf32, #tpu.memory_space<vmem>>, vector<16xf32>,
        %mul3A_429 = arith.mulf %get3A_428, %gather3A : vector<16xf32>
        %swap3A_430 = arith.index_cast %add3A_418 : i32 to index
        %swap3A_431 = arith.constant 16 : index
        %swap3A_432 = tpu.vector_load %arg10[%swap3A_430, %swap3A_431] {strides = array<i32>} : memref<80x128xf32, #tpu.memory_space<vmem>>, vector<16xf32>,
        tpu.vector_store %arg10[%swap3A_430, %swap3A_431], %mul3A_429 {strides = array<i32>} : memref<80x128xf32, #tpu.memory_space<vmem>>, vector<16xf32>,
        %get3A_433 = arith.index_cast %add3A_418 : i32 to index
        %get3A_434 = arith.constant 32 : index
        %get3A_435 = tpu.vector_load %arg10[%get3A_433, %get3A_434] {strides = array<i32>} : memref<80x128xf32, #tpu.memory_space<vmem>>, vector<16xf32>,
        %mul3A_436 = arith.mulf %get3A_435, %gather3A : vector<16xf32>
        %swap3A_437 = arith.index_cast %add3A_418 : i32 to index
        %swap3A_438 = arith.constant 32 : index
        %swap3A_439 = tpu.vector_load %arg10[%swap3A_437, %swap3A_438] {strides = array<i32>} : memref<80x128xf32, #tpu.memory_space<vmem>>, vector<16xf32>,
        tpu.vector_store %arg10[%swap3A_437, %swap3A_438], %mul3A_436 {strides = array<i32>} : memref<80x128xf32, #tpu.memory_space<vmem>>, vector<16xf32>,
        %get3A_440 = arith.index_cast %add3A_418 : i32 to index
        %get3A_441 = arith.constant 48 : index
        %get3A_442 = tpu.vector_load %arg10[%get3A_440, %get3A_441] {strides = array<i32>} : memref<80x128xf32, #tpu.memory_space<vmem>>, vector<16xf32>,
        %mul3A_443 = arith.mulf %get3A_442, %gather3A : vector<16xf32>
        %swap3A_444 = arith.index_cast %add3A_418 : i32 to index
        %swap3A_445 = arith.constant 48 : index
        %swap3A_446 = tpu.vector_load %arg10[%swap3A_444, %swap3A_445] {strides = array<i32>} : memref<80x128xf32, #tpu.memory_space<vmem>>, vector<16xf32>,
        tpu.vector_store %arg10[%swap3A_444, %swap3A_445], %mul3A_443 {strides = array<i32>} : memref<80x128xf32, #tpu.memory_space<vmem>>, vector<16xf32>,
        %get3A_447 = arith.index_cast %add3A_418 : i32 to index
        %get3A_448 = arith.constant 64 : index
        %get3A_449 = tpu.vector_load %arg10[%get3A_447, %get3A_448] {strides = array<i32>} : memref<80x128xf32, #tpu.memory_space<vmem>>, vector<16xf32>,
        %mul3A_450 = arith.mulf %get3A_449, %gather3A : vector<16xf32>
        %swap3A_451 = arith.index_cast %add3A_418 : i32 to index
        %swap3A_452 = arith.constant 64 : index
        %swap3A_453 = tpu.vector_load %arg10[%swap3A_451, %swap3A_452] {strides = array<i32>} : memref<80x128xf32, #tpu.memory_space<vmem>>, vector<16xf32>,
        tpu.vector_store %arg10[%swap3A_451, %swap3A_452], %mul3A_450 {strides = array<i32>} : memref<80x128xf32, #tpu.memory_space<vmem>>, vector<16xf32>,
        %get3A_454 = arith.index_cast %add3A_418 : i32 to index
        %get3A_455 = arith.constant 80 : index
        %get3A_456 = tpu.vector_load %arg10[%get3A_454, %get3A_455] {strides = array<i32>} : memref<80x128xf32, #tpu.memory_space<vmem>>, vector<16xf32>,
        %mul3A_457 = arith.mulf %get3A_456, %gather3A : vector<16xf32>
        %swap3A_458 = arith.index_cast %add3A_418 : i32 to index
        %swap3A_459 = arith.constant 80 : index
        %swap3A_460 = tpu.vector_load %arg10[%swap3A_458, %swap3A_459] {strides = array<i32>} : memref<80x128xf32, #tpu.memory_space<vmem>>, vector<16xf32>,
        tpu.vector_store %arg10[%swap3A_458, %swap3A_459], %mul3A_457 {strides = array<i32>} : memref<80x128xf32, #tpu.memory_space<vmem>>, vector<16xf32>,
        %get3A_461 = arith.index_cast %add3A_418 : i32 to index
        %get3A_462 = arith.constant 96 : index
        %get3A_463 = tpu.vector_load %arg10[%get3A_461, %get3A_462] {strides = array<i32>} : memref<80x128xf32, #tpu.memory_space<vmem>>, vector<16xf32>,
        %mul3A_464 = arith.mulf %get3A_463, %gather3A : vector<16xf32>
        %swap3A_465 = arith.index_cast %add3A_418 : i32 to index
        %swap3A_466 = arith.constant 96 : index
        %swap3A_467 = tpu.vector_load %arg10[%swap3A_465, %swap3A_466] {strides = array<i32>} : memref<80x128xf32, #tpu.memory_space<vmem>>, vector<16xf32>,
        tpu.vector_store %arg10[%swap3A_465, %swap3A_466], %mul3A_464 {strides = array<i32>} : memref<80x128xf32, #tpu.memory_space<vmem>>, vector<16xf32>,
        %get3A_468 = arith.index_cast %add3A_418 : i32 to index
        %get3A_469 = arith.constant 112 : index
        %get3A_470 = tpu.vector_load %arg10[%get3A_468, %get3A_469] {strides = array<i32>} : memref<80x128xf32, #tpu.memory_space<vmem>>, vector<16xf32>,
        %mul3A_471 = arith.mulf %get3A_470, %gather3A : vector<16xf32>
        %swap3A_472 = arith.index_cast %add3A_418 : i32 to index
        %swap3A_473 = arith.constant 112 : index
        %swap3A_474 = tpu.vector_load %arg10[%swap3A_472, %swap3A_473] {strides = array<i32>} : memref<80x128xf32, #tpu.memory_space<vmem>>, vector<16xf32>,
        tpu.vector_store %arg10[%swap3A_472, %swap3A_473], %mul3A_471 {strides = array<i32>} : memref<80x128xf32, #tpu.memory_space<vmem>>, vector<16xf32>,
        %scan3A_475 = arith.constant 1 : i32
        %scan3A_476 = arith.addi %scan3A_414, %scan3A_475 : i32
        %mul3A_477 = arith.constant 1 : i32
        %mul3A_478 = arith.muli %scan3A_476, %mul3A_477 : i32
        %add3A_479 = arith.constant 0 : i32
        %add3A_480 = arith.addi %add3A_479, %mul3A_478 : i32
        %broadcast_in_dim3A_481 = vector.broadcast %add3A_480 : i32 to vector<16xi32>
        %gather3A_482 = tpu.vector_load_idx %arg9[%broadcast_in_dim3A_481] : memref<80xf32, #tpu.memory_space<vmem>>[vector<16xi32>], vector<16xf32>,
        %get3A_483 = arith.index_cast %add3A_480 : i32 to index
        %get3A_484 = arith.constant 0 : index
        %get3A_485 = tpu.vector_load %arg10[%get3A_483, %get3A_484] {strides = array<i32>} : memref<80x128xf32, #tpu.memory_space<vmem>>, vector<16xf32>,
        %mul3A_486 = arith.mulf %get3A_485, %gather3A_482 : vector<16xf32>
        %swap3A_487 = arith.index_cast %add3A_480 : i32 to index
        %swap3A_488 = arith.constant 0 : index
        %swap3A_489 = tpu.vector_load %arg10[%swap3A_487, %swap3A_488] {strides = array<i32>} : memref<80x128xf32, #tpu.memory_space<vmem>>, vector<16xf32>,
        tpu.vector_store %arg10[%swap3A_487, %swap3A_488], %mul3A_486 {strides = array<i32>} : memref<80x128xf32, #tpu.memory_space<vmem>>, vector<16xf32>,
        %get3A_490 = arith.index_cast %add3A_480 : i32 to index
        %get3A_491 = arith.constant 16 : index
        %get3A_492 = tpu.vector_load %arg10[%get3A_490, %get3A_491] {strides = array<i32>} : memref<80x128xf32, #tpu.memory_space<vmem>>, vector<16xf32>,
        %mul3A_493 = arith.mulf %get3A_492, %gather3A_482 : vector<16xf32>
        %swap3A_494 = arith.index_cast %add3A_480 : i32 to index
        %swap3A_495 = arith.constant 16 : index
        %swap3A_496 = tpu.vector_load %arg10[%swap3A_494, %swap3A_495] {strides = array<i32>} : memref<80x128xf32, #tpu.memory_space<vmem>>, vector<16xf32>,
        tpu.vector_store %arg10[%swap3A_494, %swap3A_495], %mul3A_493 {strides = array<i32>} : memref<80x128xf32, #tpu.memory_space<vmem>>, vector<16xf32>,
        %get3A_497 = arith.index_cast %add3A_480 : i32 to index
        %get3A_498 = arith.constant 32 : index
        %get3A_499 = tpu.vector_load %arg10[%get3A_497, %get3A_498] {strides = array<i32>} : memref<80x128xf32, #tpu.memory_space<vmem>>, vector<16xf32>,
        %mul3A_500 = arith.mulf %get3A_499, %gather3A_482 : vector<16xf32>
        %swap3A_501 = arith.index_cast %add3A_480 : i32 to index
        %swap3A_502 = arith.constant 32 : index
        %swap3A_503 = tpu.vector_load %arg10[%swap3A_501, %swap3A_502] {strides = array<i32>} : memref<80x128xf32, #tpu.memory_space<vmem>>, vector<16xf32>,
        tpu.vector_store %arg10[%swap3A_501, %swap3A_502], %mul3A_500 {strides = array<i32>} : memref<80x128xf32, #tpu.memory_space<vmem>>, vector<16xf32>,
        %get3A_504 = arith.index_cast %add3A_480 : i32 to index
        %get3A_505 = arith.constant 48 : index
        %get3A_506 = tpu.vector_load %arg10[%get3A_504, %get3A_505] {strides = array<i32>} : memref<80x128xf32, #tpu.memory_space<vmem>>, vector<16xf32>,
        %mul3A_507 = arith.mulf %get3A_506, %gather3A_482 : vector<16xf32>
        %swap3A_508 = arith.index_cast %add3A_480 : i32 to index
        %swap3A_509 = arith.constant 48 : index
        %swap3A_510 = tpu.vector_load %arg10[%swap3A_508, %swap3A_509] {strides = array<i32>} : memref<80x128xf32, #tpu.memory_space<vmem>>, vector<16xf32>,
        tpu.vector_store %arg10[%swap3A_508, %swap3A_509], %mul3A_507 {strides = array<i32>} : memref<80x128xf32, #tpu.memory_space<vmem>>, vector<16xf32>,
        %get3A_511 = arith.index_cast %add3A_480 : i32 to index
        %get3A_512 = arith.constant 64 : index
        %get3A_513 = tpu.vector_load %arg10[%get3A_511, %get3A_512] {strides = array<i32>} : memref<80x128xf32, #tpu.memory_space<vmem>>, vector<16xf32>,
        %mul3A_514 = arith.mulf %get3A_513, %gather3A_482 : vector<16xf32>
        %swap3A_515 = arith.index_cast %add3A_480 : i32 to index
        %swap3A_516 = arith.constant 64 : index
        %swap3A_517 = tpu.vector_load %arg10[%swap3A_515, %swap3A_516] {strides = array<i32>} : memref<80x128xf32, #tpu.memory_space<vmem>>, vector<16xf32>,
        tpu.vector_store %arg10[%swap3A_515, %swap3A_516], %mul3A_514 {strides = array<i32>} : memref<80x128xf32, #tpu.memory_space<vmem>>, vector<16xf32>,
        %get3A_518 = arith.index_cast %add3A_480 : i32 to index
        %get3A_519 = arith.constant 80 : index
        %get3A_520 = tpu.vector_load %arg10[%get3A_518, %get3A_519] {strides = array<i32>} : memref<80x128xf32, #tpu.memory_space<vmem>>, vector<16xf32>,
        %mul3A_521 = arith.mulf %get3A_520, %gather3A_482 : vector<16xf32>
        %swap3A_522 = arith.index_cast %add3A_480 : i32 to index
        %swap3A_523 = arith.constant 80 : index
        %swap3A_524 = tpu.vector_load %arg10[%swap3A_522, %swap3A_523] {strides = array<i32>} : memref<80x128xf32, #tpu.memory_space<vmem>>, vector<16xf32>,
        tpu.vector_store %arg10[%swap3A_522, %swap3A_523], %mul3A_521 {strides = array<i32>} : memref<80x128xf32, #tpu.memory_space<vmem>>, vector<16xf32>,
        %get3A_525 = arith.index_cast %add3A_480 : i32 to index
        %get3A_526 = arith.constant 96 : index
        %get3A_527 = tpu.vector_load %arg10[%get3A_525, %get3A_526] {strides = array<i32>} : memref<80x128xf32, #tpu.memory_space<vmem>>, vector<16xf32>,
        %mul3A_528 = arith.mulf %get3A_527, %gather3A_482 : vector<16xf32>
        %swap3A_529 = arith.index_cast %add3A_480 : i32 to index
        %swap3A_530 = arith.constant 96 : index
        %swap3A_531 = tpu.vector_load %arg10[%swap3A_529, %swap3A_530] {strides = array<i32>} : memref<80x128xf32, #tpu.memory_space<vmem>>, vector<16xf32>,
        tpu.vector_store %arg10[%swap3A_529, %swap3A_530], %mul3A_528 {strides = array<i32>} : memref<80x128xf32, #tpu.memory_space<vmem>>, vector<16xf32>,
        %get3A_532 = arith.index_cast %add3A_480 : i32 to index
        %get3A_533 = arith.constant 112 : index
        %get3A_534 = tpu.vector_load %arg10[%get3A_532, %get3A_533] {strides = array<i32>} : memref<80x128xf32, #tpu.memory_space<vmem>>, vector<16xf32>,
        %mul3A_535 = arith.mulf %get3A_534, %gather3A_482 : vector<16xf32>
        %swap3A_536 = arith.index_cast %add3A_480 : i32 to index
        %swap3A_537 = arith.constant 112 : index
        %swap3A_538 = tpu.vector_load %arg10[%swap3A_536, %swap3A_537] {strides = array<i32>} : memref<80x128xf32, #tpu.memory_space<vmem>>, vector<16xf32>,
        tpu.vector_store %arg10[%swap3A_536, %swap3A_537], %mul3A_535 {strides = array<i32>} : memref<80x128xf32, #tpu.memory_space<vmem>>, vector<16xf32>,
        %scan3A_539 = arith.constant 2 : i32
        %scan3A_540 = arith.addi %scan3A_414, %scan3A_539 : i32
        %mul3A_541 = arith.constant 1 : i32
        %mul3A_542 = arith.muli %scan3A_540, %mul3A_541 : i32
        %add3A_543 = arith.constant 0 : i32
        %add3A_544 = arith.addi %add3A_543, %mul3A_542 : i32
        %broadcast_in_dim3A_545 = vector.broadcast %add3A_544 : i32 to vector<16xi32>
        %gather3A_546 = tpu.vector_load_idx %arg9[%broadcast_in_dim3A_545] : memref<80xf32, #tpu.memory_space<vmem>>[vector<16xi32>], vector<16xf32>,
        %get3A_547 = arith.index_cast %add3A_544 : i32 to index
        %get3A_548 = arith.constant 0 : index
        %get3A_549 = tpu.vector_load %arg10[%get3A_547, %get3A_548] {strides = array<i32>} : memref<80x128xf32, #tpu.memory_space<vmem>>, vector<16xf32>,
        %mul3A_550 = arith.mulf %get3A_549, %gather3A_546 : vector<16xf32>
        %swap3A_551 = arith.index_cast %add3A_544 : i32 to index
        %swap3A_552 = arith.constant 0 : index
        %swap3A_553 = tpu.vector_load %arg10[%swap3A_551, %swap3A_552] {strides = array<i32>} : memref<80x128xf32, #tpu.memory_space<vmem>>, vector<16xf32>,
        tpu.vector_store %arg10[%swap3A_551, %swap3A_552], %mul3A_550 {strides = array<i32>} : memref<80x128xf32, #tpu.memory_space<vmem>>, vector<16xf32>,
        %get3A_554 = arith.index_cast %add3A_544 : i32 to index
        %get3A_555 = arith.constant 16 : index
        %get3A_556 = tpu.vector_load %arg10[%get3A_554, %get3A_555] {strides = array<i32>} : memref<80x128xf32, #tpu.memory_space<vmem>>, vector<16xf32>,
        %mul3A_557 = arith.mulf %get3A_556, %gather3A_546 : vector<16xf32>
        %swap3A_558 = arith.index_cast %add3A_544 : i32 to index
        %swap3A_559 = arith.constant 16 : index
        %swap3A_560 = tpu.vector_load %arg10[%swap3A_558, %swap3A_559] {strides = array<i32>} : memref<80x128xf32, #tpu.memory_space<vmem>>, vector<16xf32>,
        tpu.vector_store %arg10[%swap3A_558, %swap3A_559], %mul3A_557 {strides = array<i32>} : memref<80x128xf32, #tpu.memory_space<vmem>>, vector<16xf32>,
        %get3A_561 = arith.index_cast %add3A_544 : i32 to index
        %get3A_562 = arith.constant 32 : index
        %get3A_563 = tpu.vector_load %arg10[%get3A_561, %get3A_562] {strides = array<i32>} : memref<80x128xf32, #tpu.memory_space<vmem>>, vector<16xf32>,
        %mul3A_564 = arith.mulf %get3A_563, %gather3A_546 : vector<16xf32>
        %swap3A_565 = arith.index_cast %add3A_544 : i32 to index
        %swap3A_566 = arith.constant 32 : index
        %swap3A_567 = tpu.vector_load %arg10[%swap3A_565, %swap3A_566] {strides = array<i32>} : memref<80x128xf32, #tpu.memory_space<vmem>>, vector<16xf32>,
        tpu.vector_store %arg10[%swap3A_565, %swap3A_566], %mul3A_564 {strides = array<i32>} : memref<80x128xf32, #tpu.memory_space<vmem>>, vector<16xf32>,
        %get3A_568 = arith.index_cast %add3A_544 : i32 to index
        %get3A_569 = arith.constant 48 : index
        %get3A_570 = tpu.vector_load %arg10[%get3A_568, %get3A_569] {strides = array<i32>} : memref<80x128xf32, #tpu.memory_space<vmem>>, vector<16xf32>,
        %mul3A_571 = arith.mulf %get3A_570, %gather3A_546 : vector<16xf32>
        %swap3A_572 = arith.index_cast %add3A_544 : i32 to index
        %swap3A_573 = arith.constant 48 : index
        %swap3A_574 = tpu.vector_load %arg10[%swap3A_572, %swap3A_573] {strides = array<i32>} : memref<80x128xf32, #tpu.memory_space<vmem>>, vector<16xf32>,
        tpu.vector_store %arg10[%swap3A_572, %swap3A_573], %mul3A_571 {strides = array<i32>} : memref<80x128xf32, #tpu.memory_space<vmem>>, vector<16xf32>,
        %get3A_575 = arith.index_cast %add3A_544 : i32 to index
        %get3A_576 = arith.constant 64 : index
        %get3A_577 = tpu.vector_load %arg10[%get3A_575, %get3A_576] {strides = array<i32>} : memref<80x128xf32, #tpu.memory_space<vmem>>, vector<16xf32>,
        %mul3A_578 = arith.mulf %get3A_577, %gather3A_546 : vector<16xf32>
        %swap3A_579 = arith.index_cast %add3A_544 : i32 to index
        %swap3A_580 = arith.constant 64 : index
        %swap3A_581 = tpu.vector_load %arg10[%swap3A_579, %swap3A_580] {strides = array<i32>} : memref<80x128xf32, #tpu.memory_space<vmem>>, vector<16xf32>,
        tpu.vector_store %arg10[%swap3A_579, %swap3A_580], %mul3A_578 {strides = array<i32>} : memref<80x128xf32, #tpu.memory_space<vmem>>, vector<16xf32>,
        %get3A_582 = arith.index_cast %add3A_544 : i32 to index
        %get3A_583 = arith.constant 80 : index
        %get3A_584 = tpu.vector_load %arg10[%get3A_582, %get3A_583] {strides = array<i32>} : memref<80x128xf32, #tpu.memory_space<vmem>>, vector<16xf32>,
        %mul3A_585 = arith.mulf %get3A_584, %gather3A_546 : vector<16xf32>
        %swap3A_586 = arith.index_cast %add3A_544 : i32 to index
        %swap3A_587 = arith.constant 80 : index
        %swap3A_588 = tpu.vector_load %arg10[%swap3A_586, %swap3A_587] {strides = array<i32>} : memref<80x128xf32, #tpu.memory_space<vmem>>, vector<16xf32>,
        tpu.vector_store %arg10[%swap3A_586, %swap3A_587], %mul3A_585 {strides = array<i32>} : memref<80x128xf32, #tpu.memory_space<vmem>>, vector<16xf32>,
        %get3A_589 = arith.index_cast %add3A_544 : i32 to index
        %get3A_590 = arith.constant 96 : index
        %get3A_591 = tpu.vector_load %arg10[%get3A_589, %get3A_590] {strides = array<i32>} : memref<80x128xf32, #tpu.memory_space<vmem>>, vector<16xf32>,
        %mul3A_592 = arith.mulf %get3A_591, %gather3A_546 : vector<16xf32>
        %swap3A_593 = arith.index_cast %add3A_544 : i32 to index
        %swap3A_594 = arith.constant 96 : index
        %swap3A_595 = tpu.vector_load %arg10[%swap3A_593, %swap3A_594] {strides = array<i32>} : memref<80x128xf32, #tpu.memory_space<vmem>>, vector<16xf32>,
        tpu.vector_store %arg10[%swap3A_593, %swap3A_594], %mul3A_592 {strides = array<i32>} : memref<80x128xf32, #tpu.memory_space<vmem>>, vector<16xf32>,
        %get3A_596 = arith.index_cast %add3A_544 : i32 to index
        %get3A_597 = arith.constant 112 : index
        %get3A_598 = tpu.vector_load %arg10[%get3A_596, %get3A_597] {strides = array<i32>} : memref<80x128xf32, #tpu.memory_space<vmem>>, vector<16xf32>,
        %mul3A_599 = arith.mulf %get3A_598, %gather3A_546 : vector<16xf32>
        %swap3A_600 = arith.index_cast %add3A_544 : i32 to index
        %swap3A_601 = arith.constant 112 : index
        %swap3A_602 = tpu.vector_load %arg10[%swap3A_600, %swap3A_601] {strides = array<i32>} : memref<80x128xf32, #tpu.memory_space<vmem>>, vector<16xf32>,
        tpu.vector_store %arg10[%swap3A_600, %swap3A_601], %mul3A_599 {strides = array<i32>} : memref<80x128xf32, #tpu.memory_space<vmem>>, vector<16xf32>,
        %scan3A_603 = arith.constant 3 : i32
        %scan3A_604 = arith.addi %scan3A_414, %scan3A_603 : i32
        %mul3A_605 = arith.constant 1 : i32
        %mul3A_606 = arith.muli %scan3A_604, %mul3A_605 : i32
        %add3A_607 = arith.constant 0 : i32
        %add3A_608 = arith.addi %add3A_607, %mul3A_606 : i32
        %broadcast_in_dim3A_609 = vector.broadcast %add3A_608 : i32 to vector<16xi32>
        %gather3A_610 = tpu.vector_load_idx %arg9[%broadcast_in_dim3A_609] : memref<80xf32, #tpu.memory_space<vmem>>[vector<16xi32>], vector<16xf32>,
        %get3A_611 = arith.index_cast %add3A_608 : i32 to index
        %get3A_612 = arith.constant 0 : index
        %get3A_613 = tpu.vector_load %arg10[%get3A_611, %get3A_612] {strides = array<i32>} : memref<80x128xf32, #tpu.memory_space<vmem>>, vector<16xf32>,
        %mul3A_614 = arith.mulf %get3A_613, %gather3A_610 : vector<16xf32>
        %swap3A_615 = arith.index_cast %add3A_608 : i32 to index
        %swap3A_616 = arith.constant 0 : index
        %swap3A_617 = tpu.vector_load %arg10[%swap3A_615, %swap3A_616] {strides = array<i32>} : memref<80x128xf32, #tpu.memory_space<vmem>>, vector<16xf32>,
        tpu.vector_store %arg10[%swap3A_615, %swap3A_616], %mul3A_614 {strides = array<i32>} : memref<80x128xf32, #tpu.memory_space<vmem>>, vector<16xf32>,
        %get3A_618 = arith.index_cast %add3A_608 : i32 to index
        %get3A_619 = arith.constant 16 : index
        %get3A_620 = tpu.vector_load %arg10[%get3A_618, %get3A_619] {strides = array<i32>} : memref<80x128xf32, #tpu.memory_space<vmem>>, vector<16xf32>,
        %mul3A_621 = arith.mulf %get3A_620, %gather3A_610 : vector<16xf32>
        %swap3A_622 = arith.index_cast %add3A_608 : i32 to index
        %swap3A_623 = arith.constant 16 : index
        %swap3A_624 = tpu.vector_load %arg10[%swap3A_622, %swap3A_623] {strides = array<i32>} : memref<80x128xf32, #tpu.memory_space<vmem>>, vector<16xf32>,
        tpu.vector_store %arg10[%swap3A_622, %swap3A_623], %mul3A_621 {strides = array<i32>} : memref<80x128xf32, #tpu.memory_space<vmem>>, vector<16xf32>,
        %get3A_625 = arith.index_cast %add3A_608 : i32 to index
        %get3A_626 = arith.constant 32 : index
        %get3A_627 = tpu.vector_load %arg10[%get3A_625, %get3A_626] {strides = array<i32>} : memref<80x128xf32, #tpu.memory_space<vmem>>, vector<16xf32>,
        %mul3A_628 = arith.mulf %get3A_627, %gather3A_610 : vector<16xf32>
        %swap3A_629 = arith.index_cast %add3A_608 : i32 to index
        %swap3A_630 = arith.constant 32 : index
        %swap3A_631 = tpu.vector_load %arg10[%swap3A_629, %swap3A_630] {strides = array<i32>} : memref<80x128xf32, #tpu.memory_space<vmem>>, vector<16xf32>,
        tpu.vector_store %arg10[%swap3A_629, %swap3A_630], %mul3A_628 {strides = array<i32>} : memref<80x128xf32, #tpu.memory_space<vmem>>, vector<16xf32>,
        %get3A_632 = arith.index_cast %add3A_608 : i32 to index
        %get3A_633 = arith.constant 48 : index
        %get3A_634 = tpu.vector_load %arg10[%get3A_632, %get3A_633] {strides = array<i32>} : memref<80x128xf32, #tpu.memory_space<vmem>>, vector<16xf32>,
        %mul3A_635 = arith.mulf %get3A_634, %gather3A_610 : vector<16xf32>
        %swap3A_636 = arith.index_cast %add3A_608 : i32 to index
        %swap3A_637 = arith.constant 48 : index
        %swap3A_638 = tpu.vector_load %arg10[%swap3A_636, %swap3A_637] {strides = array<i32>} : memref<80x128xf32, #tpu.memory_space<vmem>>, vector<16xf32>,
        tpu.vector_store %arg10[%swap3A_636, %swap3A_637], %mul3A_635 {strides = array<i32>} : memref<80x128xf32, #tpu.memory_space<vmem>>, vector<16xf32>,
        %get3A_639 = arith.index_cast %add3A_608 : i32 to index
        %get3A_640 = arith.constant 64 : index
        %get3A_641 = tpu.vector_load %arg10[%get3A_639, %get3A_640] {strides = array<i32>} : memref<80x128xf32, #tpu.memory_space<vmem>>, vector<16xf32>,
        %mul3A_642 = arith.mulf %get3A_641, %gather3A_610 : vector<16xf32>
        %swap3A_643 = arith.index_cast %add3A_608 : i32 to index
        %swap3A_644 = arith.constant 64 : index
        %swap3A_645 = tpu.vector_load %arg10[%swap3A_643, %swap3A_644] {strides = array<i32>} : memref<80x128xf32, #tpu.memory_space<vmem>>, vector<16xf32>,
        tpu.vector_store %arg10[%swap3A_643, %swap3A_644], %mul3A_642 {strides = array<i32>} : memref<80x128xf32, #tpu.memory_space<vmem>>, vector<16xf32>,
        %get3A_646 = arith.index_cast %add3A_608 : i32 to index
        %get3A_647 = arith.constant 80 : index
        %get3A_648 = tpu.vector_load %arg10[%get3A_646, %get3A_647] {strides = array<i32>} : memref<80x128xf32, #tpu.memory_space<vmem>>, vector<16xf32>,
        %mul3A_649 = arith.mulf %get3A_648, %gather3A_610 : vector<16xf32>
        %swap3A_650 = arith.index_cast %add3A_608 : i32 to index
        %swap3A_651 = arith.constant 80 : index
        %swap3A_652 = tpu.vector_load %arg10[%swap3A_650, %swap3A_651] {strides = array<i32>} : memref<80x128xf32, #tpu.memory_space<vmem>>, vector<16xf32>,
        tpu.vector_store %arg10[%swap3A_650, %swap3A_651], %mul3A_649 {strides = array<i32>} : memref<80x128xf32, #tpu.memory_space<vmem>>, vector<16xf32>,
        %get3A_653 = arith.index_cast %add3A_608 : i32 to index
        %get3A_654 = arith.constant 96 : index
        %get3A_655 = tpu.vector_load %arg10[%get3A_653, %get3A_654] {strides = array<i32>} : memref<80x128xf32, #tpu.memory_space<vmem>>, vector<16xf32>,
        %mul3A_656 = arith.mulf %get3A_655, %gather3A_610 : vector<16xf32>
        %swap3A_657 = arith.index_cast %add3A_608 : i32 to index
        %swap3A_658 = arith.constant 96 : index
        %swap3A_659 = tpu.vector_load %arg10[%swap3A_657, %swap3A_658] {strides = array<i32>} : memref<80x128xf32, #tpu.memory_space<vmem>>, vector<16xf32>,
        tpu.vector_store %arg10[%swap3A_657, %swap3A_658], %mul3A_656 {strides = array<i32>} : memref<80x128xf32, #tpu.memory_space<vmem>>, vector<16xf32>,
        %get3A_660 = arith.index_cast %add3A_608 : i32 to index
        %get3A_661 = arith.constant 112 : index
        %get3A_662 = tpu.vector_load %arg10[%get3A_660, %get3A_661] {strides = array<i32>} : memref<80x128xf32, #tpu.memory_space<vmem>>, vector<16xf32>,
        %mul3A_663 = arith.mulf %get3A_662, %gather3A_610 : vector<16xf32>
        %swap3A_664 = arith.index_cast %add3A_608 : i32 to index
        %swap3A_665 = arith.constant 112 : index
        %swap3A_666 = tpu.vector_load %arg10[%swap3A_664, %swap3A_665] {strides = array<i32>} : memref<80x128xf32, #tpu.memory_space<vmem>>, vector<16xf32>,
        tpu.vector_store %arg10[%swap3A_664, %swap3A_665], %mul3A_663 {strides = array<i32>} : memref<80x128xf32, #tpu.memory_space<vmem>>, vector<16xf32>,
        %scan3A_667 = arith.constant 4 : i32
        %scan3A_668 = arith.addi %scan3A_414, %scan3A_667 : i32
        %mul3A_669 = arith.constant 1 : i32
        %mul3A_670 = arith.muli %scan3A_668, %mul3A_669 : i32
        %add3A_671 = arith.constant 0 : i32
        %add3A_672 = arith.addi %add3A_671, %mul3A_670 : i32
        %broadcast_in_dim3A_673 = vector.broadcast %add3A_672 : i32 to vector<16xi32>
        %gather3A_674 = tpu.vector_load_idx %arg9[%broadcast_in_dim3A_673] : memref<80xf32, #tpu.memory_space<vmem>>[vector<16xi32>], vector<16xf32>,
        %get3A_675 = arith.index_cast %add3A_672 : i32 to index
        %get3A_676 = arith.constant 0 : index
        %get3A_677 = tpu.vector_load %arg10[%get3A_675, %get3A_676] {strides = array<i32>} : memref<80x128xf32, #tpu.memory_space<vmem>>, vector<16xf32>,
        %mul3A_678 = arith.mulf %get3A_677, %gather3A_674 : vector<16xf32>
        %swap3A_679 = arith.index_cast %add3A_672 : i32 to index
        %swap3A_680 = arith.constant 0 : index
        %swap3A_681 = tpu.vector_load %arg10[%swap3A_679, %swap3A_680] {strides = array<i32>} : memref<80x128xf32, #tpu.memory_space<vmem>>, vector<16xf32>,
        tpu.vector_store %arg10[%swap3A_679, %swap3A_680], %mul3A_678 {strides = array<i32>} : memref<80x128xf32, #tpu.memory_space<vmem>>, vector<16xf32>,
        %get3A_682 = arith.index_cast %add3A_672 : i32 to index
        %get3A_683 = arith.constant 16 : index
        %get3A_684 = tpu.vector_load %arg10[%get3A_682, %get3A_683] {strides = array<i32>} : memref<80x128xf32, #tpu.memory_space<vmem>>, vector<16xf32>,
        %mul3A_685 = arith.mulf %get3A_684, %gather3A_674 : vector<16xf32>
        %swap3A_686 = arith.index_cast %add3A_672 : i32 to index
        %swap3A_687 = arith.constant 16 : index
        %swap3A_688 = tpu.vector_load %arg10[%swap3A_686, %swap3A_687] {strides = array<i32>} : memref<80x128xf32, #tpu.memory_space<vmem>>, vector<16xf32>,
        tpu.vector_store %arg10[%swap3A_686, %swap3A_687], %mul3A_685 {strides = array<i32>} : memref<80x128xf32, #tpu.memory_space<vmem>>, vector<16xf32>,
        %get3A_689 = arith.index_cast %add3A_672 : i32 to index
        %get3A_690 = arith.constant 32 : index
        %get3A_691 = tpu.vector_load %arg10[%get3A_689, %get3A_690] {strides = array<i32>} : memref<80x128xf32, #tpu.memory_space<vmem>>, vector<16xf32>,
        %mul3A_692 = arith.mulf %get3A_691, %gather3A_674 : vector<16xf32>
        %swap3A_693 = arith.index_cast %add3A_672 : i32 to index
        %swap3A_694 = arith.constant 32 : index
        %swap3A_695 = tpu.vector_load %arg10[%swap3A_693, %swap3A_694] {strides = array<i32>} : memref<80x128xf32, #tpu.memory_space<vmem>>, vector<16xf32>,
        tpu.vector_store %arg10[%swap3A_693, %swap3A_694], %mul3A_692 {strides = array<i32>} : memref<80x128xf32, #tpu.memory_space<vmem>>, vector<16xf32>,
        %get3A_696 = arith.index_cast %add3A_672 : i32 to index
        %get3A_697 = arith.constant 48 : index
        %get3A_698 = tpu.vector_load %arg10[%get3A_696, %get3A_697] {strides = array<i32>} : memref<80x128xf32, #tpu.memory_space<vmem>>, vector<16xf32>,
        %mul3A_699 = arith.mulf %get3A_698, %gather3A_674 : vector<16xf32>
        %swap3A_700 = arith.index_cast %add3A_672 : i32 to index
        %swap3A_701 = arith.constant 48 : index
        %swap3A_702 = tpu.vector_load %arg10[%swap3A_700, %swap3A_701] {strides = array<i32>} : memref<80x128xf32, #tpu.memory_space<vmem>>, vector<16xf32>,
        tpu.vector_store %arg10[%swap3A_700, %swap3A_701], %mul3A_699 {strides = array<i32>} : memref<80x128xf32, #tpu.memory_space<vmem>>, vector<16xf32>,
        %get3A_703 = arith.index_cast %add3A_672 : i32 to index
        %get3A_704 = arith.constant 64 : index
        %get3A_705 = tpu.vector_load %arg10[%get3A_703, %get3A_704] {strides = array<i32>} : memref<80x128xf32, #tpu.memory_space<vmem>>, vector<16xf32>,
        %mul3A_706 = arith.mulf %get3A_705, %gather3A_674 : vector<16xf32>
        %swap3A_707 = arith.index_cast %add3A_672 : i32 to index
        %swap3A_708 = arith.constant 64 : index
        %swap3A_709 = tpu.vector_load %arg10[%swap3A_707, %swap3A_708] {strides = array<i32>} : memref<80x128xf32, #tpu.memory_space<vmem>>, vector<16xf32>,
        tpu.vector_store %arg10[%swap3A_707, %swap3A_708], %mul3A_706 {strides = array<i32>} : memref<80x128xf32, #tpu.memory_space<vmem>>, vector<16xf32>,
        %get3A_710 = arith.index_cast %add3A_672 : i32 to index
        %get3A_711 = arith.constant 80 : index
        %get3A_712 = tpu.vector_load %arg10[%get3A_710, %get3A_711] {strides = array<i32>} : memref<80x128xf32, #tpu.memory_space<vmem>>, vector<16xf32>,
        %mul3A_713 = arith.mulf %get3A_712, %gather3A_674 : vector<16xf32>
        %swap3A_714 = arith.index_cast %add3A_672 : i32 to index
        %swap3A_715 = arith.constant 80 : index
        %swap3A_716 = tpu.vector_load %arg10[%swap3A_714, %swap3A_715] {strides = array<i32>} : memref<80x128xf32, #tpu.memory_space<vmem>>, vector<16xf32>,
        tpu.vector_store %arg10[%swap3A_714, %swap3A_715], %mul3A_713 {strides = array<i32>} : memref<80x128xf32, #tpu.memory_space<vmem>>, vector<16xf32>,
        %get3A_717 = arith.index_cast %add3A_672 : i32 to index
        %get3A_718 = arith.constant 96 : index
        %get3A_719 = tpu.vector_load %arg10[%get3A_717, %get3A_718] {strides = array<i32>} : memref<80x128xf32, #tpu.memory_space<vmem>>, vector<16xf32>,
        %mul3A_720 = arith.mulf %get3A_719, %gather3A_674 : vector<16xf32>
        %swap3A_721 = arith.index_cast %add3A_672 : i32 to index
        %swap3A_722 = arith.constant 96 : index
        %swap3A_723 = tpu.vector_load %arg10[%swap3A_721, %swap3A_722] {strides = array<i32>} : memref<80x128xf32, #tpu.memory_space<vmem>>, vector<16xf32>,
        tpu.vector_store %arg10[%swap3A_721, %swap3A_722], %mul3A_720 {strides = array<i32>} : memref<80x128xf32, #tpu.memory_space<vmem>>, vector<16xf32>,
        %get3A_724 = arith.index_cast %add3A_672 : i32 to index
        %get3A_725 = arith.constant 112 : index
        %get3A_726 = tpu.vector_load %arg10[%get3A_724, %get3A_725] {strides = array<i32>} : memref<80x128xf32, #tpu.memory_space<vmem>>, vector<16xf32>,
        %mul3A_727 = arith.mulf %get3A_726, %gather3A_674 : vector<16xf32>
        %swap3A_728 = arith.index_cast %add3A_672 : i32 to index
        %swap3A_729 = arith.constant 112 : index
        %swap3A_730 = tpu.vector_load %arg10[%swap3A_728, %swap3A_729] {strides = array<i32>} : memref<80x128xf32, #tpu.memory_space<vmem>>, vector<16xf32>,
        tpu.vector_store %arg10[%swap3A_728, %swap3A_729], %mul3A_727 {strides = array<i32>} : memref<80x128xf32, #tpu.memory_space<vmem>>, vector<16xf32>,
        %scan3A_731 = arith.constant 5 : i32
        %scan3A_732 = arith.addi %scan3A_414, %scan3A_731 : i32
        %mul3A_733 = arith.constant 1 : i32
        %mul3A_734 = arith.muli %scan3A_732, %mul3A_733 : i32
        %add3A_735 = arith.constant 0 : i32
        %add3A_736 = arith.addi %add3A_735, %mul3A_734 : i32
        %broadcast_in_dim3A_737 = vector.broadcast %add3A_736 : i32 to vector<16xi32>
        %gather3A_738 = tpu.vector_load_idx %arg9[%broadcast_in_dim3A_737] : memref<80xf32, #tpu.memory_space<vmem>>[vector<16xi32>], vector<16xf32>,
        %get3A_739 = arith.index_cast %add3A_736 : i32 to index
        %get3A_740 = arith.constant 0 : index
        %get3A_741 = tpu.vector_load %arg10[%get3A_739, %get3A_740] {strides = array<i32>} : memref<80x128xf32, #tpu.memory_space<vmem>>, vector<16xf32>,
        %mul3A_742 = arith.mulf %get3A_741, %gather3A_738 : vector<16xf32>
        %swap3A_743 = arith.index_cast %add3A_736 : i32 to index
        %swap3A_744 = arith.constant 0 : index
        %swap3A_745 = tpu.vector_load %arg10[%swap3A_743, %swap3A_744] {strides = array<i32>} : memref<80x128xf32, #tpu.memory_space<vmem>>, vector<16xf32>,
        tpu.vector_store %arg10[%swap3A_743, %swap3A_744], %mul3A_742 {strides = array<i32>} : memref<80x128xf32, #tpu.memory_space<vmem>>, vector<16xf32>,
        %get3A_746 = arith.index_cast %add3A_736 : i32 to index
        %get3A_747 = arith.constant 16 : index
        %get3A_748 = tpu.vector_load %arg10[%get3A_746, %get3A_747] {strides = array<i32>} : memref<80x128xf32, #tpu.memory_space<vmem>>, vector<16xf32>,
        %mul3A_749 = arith.mulf %get3A_748, %gather3A_738 : vector<16xf32>
        %swap3A_750 = arith.index_cast %add3A_736 : i32 to index
        %swap3A_751 = arith.constant 16 : index
        %swap3A_752 = tpu.vector_load %arg10[%swap3A_750, %swap3A_751] {strides = array<i32>} : memref<80x128xf32, #tpu.memory_space<vmem>>, vector<16xf32>,
        tpu.vector_store %arg10[%swap3A_750, %swap3A_751], %mul3A_749 {strides = array<i32>} : memref<80x128xf32, #tpu.memory_space<vmem>>, vector<16xf32>,
        %get3A_753 = arith.index_cast %add3A_736 : i32 to index
        %get3A_754 = arith.constant 32 : index
        %get3A_755 = tpu.vector_load %arg10[%get3A_753, %get3A_754] {strides = array<i32>} : memref<80x128xf32, #tpu.memory_space<vmem>>, vector<16xf32>,
        %mul3A_756 = arith.mulf %get3A_755, %gather3A_738 : vector<16xf32>
        %swap3A_757 = arith.index_cast %add3A_736 : i32 to index
        %swap3A_758 = arith.constant 32 : index
        %swap3A_759 = tpu.vector_load %arg10[%swap3A_757, %swap3A_758] {strides = array<i32>} : memref<80x128xf32, #tpu.memory_space<vmem>>, vector<16xf32>,
        tpu.vector_store %arg10[%swap3A_757, %swap3A_758], %mul3A_756 {strides = array<i32>} : memref<80x128xf32, #tpu.memory_space<vmem>>, vector<16xf32>,
        %get3A_760 = arith.index_cast %add3A_736 : i32 to index
        %get3A_761 = arith.constant 48 : index
        %get3A_762 = tpu.vector_load %arg10[%get3A_760, %get3A_761] {strides = array<i32>} : memref<80x128xf32, #tpu.memory_space<vmem>>, vector<16xf32>,
        %mul3A_763 = arith.mulf %get3A_762, %gather3A_738 : vector<16xf32>
        %swap3A_764 = arith.index_cast %add3A_736 : i32 to index
        %swap3A_765 = arith.constant 48 : index
        %swap3A_766 = tpu.vector_load %arg10[%swap3A_764, %swap3A_765] {strides = array<i32>} : memref<80x128xf32, #tpu.memory_space<vmem>>, vector<16xf32>,
        tpu.vector_store %arg10[%swap3A_764, %swap3A_765], %mul3A_763 {strides = array<i32>} : memref<80x128xf32, #tpu.memory_space<vmem>>, vector<16xf32>,
        %get3A_767 = arith.index_cast %add3A_736 : i32 to index
        %get3A_768 = arith.constant 64 : index
        %get3A_769 = tpu.vector_load %arg10[%get3A_767, %get3A_768] {strides = array<i32>} : memref<80x128xf32, #tpu.memory_space<vmem>>, vector<16xf32>,
        %mul3A_770 = arith.mulf %get3A_769, %gather3A_738 : vector<16xf32>
        %swap3A_771 = arith.index_cast %add3A_736 : i32 to index
        %swap3A_772 = arith.constant 64 : index
        %swap3A_773 = tpu.vector_load %arg10[%swap3A_771, %swap3A_772] {strides = array<i32>} : memref<80x128xf32, #tpu.memory_space<vmem>>, vector<16xf32>,
        tpu.vector_store %arg10[%swap3A_771, %swap3A_772], %mul3A_770 {strides = array<i32>} : memref<80x128xf32, #tpu.memory_space<vmem>>, vector<16xf32>,
        %get3A_774 = arith.index_cast %add3A_736 : i32 to index
        %get3A_775 = arith.constant 80 : index
        %get3A_776 = tpu.vector_load %arg10[%get3A_774, %get3A_775] {strides = array<i32>} : memref<80x128xf32, #tpu.memory_space<vmem>>, vector<16xf32>,
        %mul3A_777 = arith.mulf %get3A_776, %gather3A_738 : vector<16xf32>
        %swap3A_778 = arith.index_cast %add3A_736 : i32 to index
        %swap3A_779 = arith.constant 80 : index
        %swap3A_780 = tpu.vector_load %arg10[%swap3A_778, %swap3A_779] {strides = array<i32>} : memref<80x128xf32, #tpu.memory_space<vmem>>, vector<16xf32>,
        tpu.vector_store %arg10[%swap3A_778, %swap3A_779], %mul3A_777 {strides = array<i32>} : memref<80x128xf32, #tpu.memory_space<vmem>>, vector<16xf32>,
        %get3A_781 = arith.index_cast %add3A_736 : i32 to index
        %get3A_782 = arith.constant 96 : index
        %get3A_783 = tpu.vector_load %arg10[%get3A_781, %get3A_782] {strides = array<i32>} : memref<80x128xf32, #tpu.memory_space<vmem>>, vector<16xf32>,
        %mul3A_784 = arith.mulf %get3A_783, %gather3A_738 : vector<16xf32>
        %swap3A_785 = arith.index_cast %add3A_736 : i32 to index
        %swap3A_786 = arith.constant 96 : index
        %swap3A_787 = tpu.vector_load %arg10[%swap3A_785, %swap3A_786] {strides = array<i32>} : memref<80x128xf32, #tpu.memory_space<vmem>>, vector<16xf32>,
        tpu.vector_store %arg10[%swap3A_785, %swap3A_786], %mul3A_784 {strides = array<i32>} : memref<80x128xf32, #tpu.memory_space<vmem>>, vector<16xf32>,
        %get3A_788 = arith.index_cast %add3A_736 : i32 to index
        %get3A_789 = arith.constant 112 : index
        %get3A_790 = tpu.vector_load %arg10[%get3A_788, %get3A_789] {strides = array<i32>} : memref<80x128xf32, #tpu.memory_space<vmem>>, vector<16xf32>,
        %mul3A_791 = arith.mulf %get3A_790, %gather3A_738 : vector<16xf32>
        %swap3A_792 = arith.index_cast %add3A_736 : i32 to index
        %swap3A_793 = arith.constant 112 : index
        %swap3A_794 = tpu.vector_load %arg10[%swap3A_792, %swap3A_793] {strides = array<i32>} : memref<80x128xf32, #tpu.memory_space<vmem>>, vector<16xf32>,
        tpu.vector_store %arg10[%swap3A_792, %swap3A_793], %mul3A_791 {strides = array<i32>} : memref<80x128xf32, #tpu.memory_space<vmem>>, vector<16xf32>,
        %scan3A_795 = arith.constant 6 : i32
        %scan3A_796 = arith.addi %scan3A_414, %scan3A_795 : i32
        %mul3A_797 = arith.constant 1 : i32
        %mul3A_798 = arith.muli %scan3A_796, %mul3A_797 : i32
        %add3A_799 = arith.constant 0 : i32
        %add3A_800 = arith.addi %add3A_799, %mul3A_798 : i32
        %broadcast_in_dim3A_801 = vector.broadcast %add3A_800 : i32 to vector<16xi32>
        %gather3A_802 = tpu.vector_load_idx %arg9[%broadcast_in_dim3A_801] : memref<80xf32, #tpu.memory_space<vmem>>[vector<16xi32>], vector<16xf32>,
        %get3A_803 = arith.index_cast %add3A_800 : i32 to index
        %get3A_804 = arith.constant 0 : index
        %get3A_805 = tpu.vector_load %arg10[%get3A_803, %get3A_804] {strides = array<i32>} : memref<80x128xf32, #tpu.memory_space<vmem>>, vector<16xf32>,
        %mul3A_806 = arith.mulf %get3A_805, %gather3A_802 : vector<16xf32>
        %swap3A_807 = arith.index_cast %add3A_800 : i32 to index
        %swap3A_808 = arith.constant 0 : index
        %swap3A_809 = tpu.vector_load %arg10[%swap3A_807, %swap3A_808] {strides = array<i32>} : memref<80x128xf32, #tpu.memory_space<vmem>>, vector<16xf32>,
        tpu.vector_store %arg10[%swap3A_807, %swap3A_808], %mul3A_806 {strides = array<i32>} : memref<80x128xf32, #tpu.memory_space<vmem>>, vector<16xf32>,
        %get3A_810 = arith.index_cast %add3A_800 : i32 to index
        %get3A_811 = arith.constant 16 : index
        %get3A_812 = tpu.vector_load %arg10[%get3A_810, %get3A_811] {strides = array<i32>} : memref<80x128xf32, #tpu.memory_space<vmem>>, vector<16xf32>,
        %mul3A_813 = arith.mulf %get3A_812, %gather3A_802 : vector<16xf32>
        %swap3A_814 = arith.index_cast %add3A_800 : i32 to index
        %swap3A_815 = arith.constant 16 : index
        %swap3A_816 = tpu.vector_load %arg10[%swap3A_814, %swap3A_815] {strides = array<i32>} : memref<80x128xf32, #tpu.memory_space<vmem>>, vector<16xf32>,
        tpu.vector_store %arg10[%swap3A_814, %swap3A_815], %mul3A_813 {strides = array<i32>} : memref<80x128xf32, #tpu.memory_space<vmem>>, vector<16xf32>,
        %get3A_817 = arith.index_cast %add3A_800 : i32 to index
        %get3A_818 = arith.constant 32 : index
        %get3A_819 = tpu.vector_load %arg10[%get3A_817, %get3A_818] {strides = array<i32>} : memref<80x128xf32, #tpu.memory_space<vmem>>, vector<16xf32>,
        %mul3A_820 = arith.mulf %get3A_819, %gather3A_802 : vector<16xf32>
        %swap3A_821 = arith.index_cast %add3A_800 : i32 to index
        %swap3A_822 = arith.constant 32 : index
        %swap3A_823 = tpu.vector_load %arg10[%swap3A_821, %swap3A_822] {strides = array<i32>} : memref<80x128xf32, #tpu.memory_space<vmem>>, vector<16xf32>,
        tpu.vector_store %arg10[%swap3A_821, %swap3A_822], %mul3A_820 {strides = array<i32>} : memref<80x128xf32, #tpu.memory_space<vmem>>, vector<16xf32>,
        %get3A_824 = arith.index_cast %add3A_800 : i32 to index
        %get3A_825 = arith.constant 48 : index
        %get3A_826 = tpu.vector_load %arg10[%get3A_824, %get3A_825] {strides = array<i32>} : memref<80x128xf32, #tpu.memory_space<vmem>>, vector<16xf32>,
        %mul3A_827 = arith.mulf %get3A_826, %gather3A_802 : vector<16xf32>
        %swap3A_828 = arith.index_cast %add3A_800 : i32 to index
        %swap3A_829 = arith.constant 48 : index
        %swap3A_830 = tpu.vector_load %arg10[%swap3A_828, %swap3A_829] {strides = array<i32>} : memref<80x128xf32, #tpu.memory_space<vmem>>, vector<16xf32>,
        tpu.vector_store %arg10[%swap3A_828, %swap3A_829], %mul3A_827 {strides = array<i32>} : memref<80x128xf32, #tpu.memory_space<vmem>>, vector<16xf32>,
        %get3A_831 = arith.index_cast %add3A_800 : i32 to index
        %get3A_832 = arith.constant 64 : index
        %get3A_833 = tpu.vector_load %arg10[%get3A_831, %get3A_832] {strides = array<i32>} : memref<80x128xf32, #tpu.memory_space<vmem>>, vector<16xf32>,
        %mul3A_834 = arith.mulf %get3A_833, %gather3A_802 : vector<16xf32>
        %swap3A_835 = arith.index_cast %add3A_800 : i32 to index
        %swap3A_836 = arith.constant 64 : index
        %swap3A_837 = tpu.vector_load %arg10[%swap3A_835, %swap3A_836] {strides = array<i32>} : memref<80x128xf32, #tpu.memory_space<vmem>>, vector<16xf32>,
        tpu.vector_store %arg10[%swap3A_835, %swap3A_836], %mul3A_834 {strides = array<i32>} : memref<80x128xf32, #tpu.memory_space<vmem>>, vector<16xf32>,
        %get3A_838 = arith.index_cast %add3A_800 : i32 to index
        %get3A_839 = arith.constant 80 : index
        %get3A_840 = tpu.vector_load %arg10[%get3A_838, %get3A_839] {strides = array<i32>} : memref<80x128xf32, #tpu.memory_space<vmem>>, vector<16xf32>,
        %mul3A_841 = arith.mulf %get3A_840, %gather3A_802 : vector<16xf32>
        %swap3A_842 = arith.index_cast %add3A_800 : i32 to index
        %swap3A_843 = arith.constant 80 : index
        %swap3A_844 = tpu.vector_load %arg10[%swap3A_842, %swap3A_843] {strides = array<i32>} : memref<80x128xf32, #tpu.memory_space<vmem>>, vector<16xf32>,
        tpu.vector_store %arg10[%swap3A_842, %swap3A_843], %mul3A_841 {strides = array<i32>} : memref<80x128xf32, #tpu.memory_space<vmem>>, vector<16xf32>,
        %get3A_845 = arith.index_cast %add3A_800 : i32 to index
        %get3A_846 = arith.constant 96 : index
        %get3A_847 = tpu.vector_load %arg10[%get3A_845, %get3A_846] {strides = array<i32>} : memref<80x128xf32, #tpu.memory_space<vmem>>, vector<16xf32>,
        %mul3A_848 = arith.mulf %get3A_847, %gather3A_802 : vector<16xf32>
        %swap3A_849 = arith.index_cast %add3A_800 : i32 to index
        %swap3A_850 = arith.constant 96 : index
        %swap3A_851 = tpu.vector_load %arg10[%swap3A_849, %swap3A_850] {strides = array<i32>} : memref<80x128xf32, #tpu.memory_space<vmem>>, vector<16xf32>,
        tpu.vector_store %arg10[%swap3A_849, %swap3A_850], %mul3A_848 {strides = array<i32>} : memref<80x128xf32, #tpu.memory_space<vmem>>, vector<16xf32>,
        %get3A_852 = arith.index_cast %add3A_800 : i32 to index
        %get3A_853 = arith.constant 112 : index
        %get3A_854 = tpu.vector_load %arg10[%get3A_852, %get3A_853] {strides = array<i32>} : memref<80x128xf32, #tpu.memory_space<vmem>>, vector<16xf32>,
        %mul3A_855 = arith.mulf %get3A_854, %gather3A_802 : vector<16xf32>
        %swap3A_856 = arith.index_cast %add3A_800 : i32 to index
        %swap3A_857 = arith.constant 112 : index
        %swap3A_858 = tpu.vector_load %arg10[%swap3A_856, %swap3A_857] {strides = array<i32>} : memref<80x128xf32, #tpu.memory_space<vmem>>, vector<16xf32>,
        tpu.vector_store %arg10[%swap3A_856, %swap3A_857], %mul3A_855 {strides = array<i32>} : memref<80x128xf32, #tpu.memory_space<vmem>>, vector<16xf32>,
        %scan3A_859 = arith.constant 7 : i32
        %scan3A_860 = arith.addi %scan3A_414, %scan3A_859 : i32
        %mul3A_861 = arith.constant 1 : i32
        %mul3A_862 = arith.muli %scan3A_860, %mul3A_861 : i32
        %add3A_863 = arith.constant 0 : i32
        %add3A_864 = arith.addi %add3A_863, %mul3A_862 : i32
        %broadcast_in_dim3A_865 = vector.broadcast %add3A_864 : i32 to vector<16xi32>
        %gather3A_866 = tpu.vector_load_idx %arg9[%broadcast_in_dim3A_865] : memref<80xf32, #tpu.memory_space<vmem>>[vector<16xi32>], vector<16xf32>,
        %get3A_867 = arith.index_cast %add3A_864 : i32 to index
        %get3A_868 = arith.constant 0 : index
        %get3A_869 = tpu.vector_load %arg10[%get3A_867, %get3A_868] {strides = array<i32>} : memref<80x128xf32, #tpu.memory_space<vmem>>, vector<16xf32>,
        %mul3A_870 = arith.mulf %get3A_869, %gather3A_866 : vector<16xf32>
        %swap3A_871 = arith.index_cast %add3A_864 : i32 to index
        %swap3A_872 = arith.constant 0 : index
        %swap3A_873 = tpu.vector_load %arg10[%swap3A_871, %swap3A_872] {strides = array<i32>} : memref<80x128xf32, #tpu.memory_space<vmem>>, vector<16xf32>,
        tpu.vector_store %arg10[%swap3A_871, %swap3A_872], %mul3A_870 {strides = array<i32>} : memref<80x128xf32, #tpu.memory_space<vmem>>, vector<16xf32>,
        %get3A_874 = arith.index_cast %add3A_864 : i32 to index
        %get3A_875 = arith.constant 16 : index
        %get3A_876 = tpu.vector_load %arg10[%get3A_874, %get3A_875] {strides = array<i32>} : memref<80x128xf32, #tpu.memory_space<vmem>>, vector<16xf32>,
        %mul3A_877 = arith.mulf %get3A_876, %gather3A_866 : vector<16xf32>
        %swap3A_878 = arith.index_cast %add3A_864 : i32 to index
        %swap3A_879 = arith.constant 16 : index
        %swap3A_880 = tpu.vector_load %arg10[%swap3A_878, %swap3A_879] {strides = array<i32>} : memref<80x128xf32, #tpu.memory_space<vmem>>, vector<16xf32>,
        tpu.vector_store %arg10[%swap3A_878, %swap3A_879], %mul3A_877 {strides = array<i32>} : memref<80x128xf32, #tpu.memory_space<vmem>>, vector<16xf32>,
        %get3A_881 = arith.index_cast %add3A_864 : i32 to index
        %get3A_882 = arith.constant 32 : index
        %get3A_883 = tpu.vector_load %arg10[%get3A_881, %get3A_882] {strides = array<i32>} : memref<80x128xf32, #tpu.memory_space<vmem>>, vector<16xf32>,
        %mul3A_884 = arith.mulf %get3A_883, %gather3A_866 : vector<16xf32>
        %swap3A_885 = arith.index_cast %add3A_864 : i32 to index
        %swap3A_886 = arith.constant 32 : index
        %swap3A_887 = tpu.vector_load %arg10[%swap3A_885, %swap3A_886] {strides = array<i32>} : memref<80x128xf32, #tpu.memory_space<vmem>>, vector<16xf32>,
        tpu.vector_store %arg10[%swap3A_885, %swap3A_886], %mul3A_884 {strides = array<i32>} : memref<80x128xf32, #tpu.memory_space<vmem>>, vector<16xf32>,
        %get3A_888 = arith.index_cast %add3A_864 : i32 to index
        %get3A_889 = arith.constant 48 : index
        %get3A_890 = tpu.vector_load %arg10[%get3A_888, %get3A_889] {strides = array<i32>} : memref<80x128xf32, #tpu.memory_space<vmem>>, vector<16xf32>,
        %mul3A_891 = arith.mulf %get3A_890, %gather3A_866 : vector<16xf32>
        %swap3A_892 = arith.index_cast %add3A_864 : i32 to index
        %swap3A_893 = arith.constant 48 : index
        %swap3A_894 = tpu.vector_load %arg10[%swap3A_892, %swap3A_893] {strides = array<i32>} : memref<80x128xf32, #tpu.memory_space<vmem>>, vector<16xf32>,
        tpu.vector_store %arg10[%swap3A_892, %swap3A_893], %mul3A_891 {strides = array<i32>} : memref<80x128xf32, #tpu.memory_space<vmem>>, vector<16xf32>,
        %get3A_895 = arith.index_cast %add3A_864 : i32 to index
        %get3A_896 = arith.constant 64 : index
        %get3A_897 = tpu.vector_load %arg10[%get3A_895, %get3A_896] {strides = array<i32>} : memref<80x128xf32, #tpu.memory_space<vmem>>, vector<16xf32>,
        %mul3A_898 = arith.mulf %get3A_897, %gather3A_866 : vector<16xf32>
        %swap3A_899 = arith.index_cast %add3A_864 : i32 to index
        %swap3A_900 = arith.constant 64 : index
        %swap3A_901 = tpu.vector_load %arg10[%swap3A_899, %swap3A_900] {strides = array<i32>} : memref<80x128xf32, #tpu.memory_space<vmem>>, vector<16xf32>,
        tpu.vector_store %arg10[%swap3A_899, %swap3A_900], %mul3A_898 {strides = array<i32>} : memref<80x128xf32, #tpu.memory_space<vmem>>, vector<16xf32>,
        %get3A_902 = arith.index_cast %add3A_864 : i32 to index
        %get3A_903 = arith.constant 80 : index
        %get3A_904 = tpu.vector_load %arg10[%get3A_902, %get3A_903] {strides = array<i32>} : memref<80x128xf32, #tpu.memory_space<vmem>>, vector<16xf32>,
        %mul3A_905 = arith.mulf %get3A_904, %gather3A_866 : vector<16xf32>
        %swap3A_906 = arith.index_cast %add3A_864 : i32 to index
        %swap3A_907 = arith.constant 80 : index
        %swap3A_908 = tpu.vector_load %arg10[%swap3A_906, %swap3A_907] {strides = array<i32>} : memref<80x128xf32, #tpu.memory_space<vmem>>, vector<16xf32>,
        tpu.vector_store %arg10[%swap3A_906, %swap3A_907], %mul3A_905 {strides = array<i32>} : memref<80x128xf32, #tpu.memory_space<vmem>>, vector<16xf32>,
        %get3A_909 = arith.index_cast %add3A_864 : i32 to index
        %get3A_910 = arith.constant 96 : index
        %get3A_911 = tpu.vector_load %arg10[%get3A_909, %get3A_910] {strides = array<i32>} : memref<80x128xf32, #tpu.memory_space<vmem>>, vector<16xf32>,
        %mul3A_912 = arith.mulf %get3A_911, %gather3A_866 : vector<16xf32>
        %swap3A_913 = arith.index_cast %add3A_864 : i32 to index
        %swap3A_914 = arith.constant 96 : index
        %swap3A_915 = tpu.vector_load %arg10[%swap3A_913, %swap3A_914] {strides = array<i32>} : memref<80x128xf32, #tpu.memory_space<vmem>>, vector<16xf32>,
        tpu.vector_store %arg10[%swap3A_913, %swap3A_914], %mul3A_912 {strides = array<i32>} : memref<80x128xf32, #tpu.memory_space<vmem>>, vector<16xf32>,
        %get3A_916 = arith.index_cast %add3A_864 : i32 to index
        %get3A_917 = arith.constant 112 : index
        %get3A_918 = tpu.vector_load %arg10[%get3A_916, %get3A_917] {strides = array<i32>} : memref<80x128xf32, #tpu.memory_space<vmem>>, vector<16xf32>,
        %mul3A_919 = arith.mulf %get3A_918, %gather3A_866 : vector<16xf32>
        %swap3A_920 = arith.index_cast %add3A_864 : i32 to index
        %swap3A_921 = arith.constant 112 : index
        %swap3A_922 = tpu.vector_load %arg10[%swap3A_920, %swap3A_921] {strides = array<i32>} : memref<80x128xf32, #tpu.memory_space<vmem>>, vector<16xf32>,
        tpu.vector_store %arg10[%swap3A_920, %swap3A_921], %mul3A_919 {strides = array<i32>} : memref<80x128xf32, #tpu.memory_space<vmem>>, vector<16xf32>,
      }
      %scan3A_413 = arith.constant 80 : i32
      "tpu.region"() ({
        %run_scoped3A = tpu.sem_alloc : memref<!tpu.dma_semaphore, #tpu.memory_space<semaphore_mem>>
        %dma_start3A_414 = arith.constant 0 : i32
        %dma_start3A_415 = arith.constant 0 : i32
        %dma_start3A_416 = tpu.memref_slice %arg12[%dma_start3A_414, %dma_start3A_415] : memref<10112x128xf32, #tpu.memory_space<vmem_shared>> -> memref<10112x128xf32, #tpu.memory_space<vmem_shared>>
        tpu.enqueue_indirect_dma source(%arg10 : memref<80x128xf32, #tpu.memory_space<vmem>>) target(%dma_start3A_416 : memref<10112x128xf32, #tpu.memory_space<vmem_shared>>) offsets(%arg8 : memref<80xi32, #tpu.memory_space<vmem>>) semaphore(%run_scoped3A : memref<!tpu.dma_semaphore, #tpu.memory_space<semaphore_mem>>) {add = true}
        %dma_wait3A_417 = arith.constant 0 : i32
        %dma_wait3A_418 = arith.constant 0 : i32
        %dma_wait3A_419 = tpu.memref_slice %arg12[%dma_wait3A_417, %dma_wait3A_418] : memref<10112x128xf32, #tpu.memory_space<vmem_shared>> -> memref<10112x128xf32, #tpu.memory_space<vmem_shared>>
        tpu.wait_indirect_dma semaphore(%run_scoped3A : memref<!tpu.dma_semaphore, #tpu.memory_space<semaphore_mem>>) src(%arg10 : memref<80x128xf32, #tpu.memory_space<vmem>>) dst(%dma_wait3A_419 : memref<10112x128xf32, #tpu.memory_space<vmem_shared>>)
        tpu.yield
      }) : () -> ()
    }
    %scan3A_393 = arith.constant 125 : i32
    %barrier3A_394 = arith.constant 0 : index
    tpu.barrier barrier_id(%barrier3A_394)
    "tpu.region"() ({
      %run_scoped3A = tpu.sem_alloc : memref<!tpu.dma_semaphore, #tpu.memory_space<semaphore_mem>>
      %dma_start3A = arith.constant 0 : i32
      %dma_start3A_395 = tpu.memref_slice %arg6[%arg0, %mul3A_2, %dma_start3A] : memref<2x10112x128xf32, #tpu.memory_space<hbm>> -> memref<1x632x128xf32, #tpu.memory_space<hbm>>
      %dma_start3A_396 = tpu.memref_squeeze %dma_start3A_395 : memref<1x632x128xf32, #tpu.memory_space<hbm>> -> memref<632x128xf32, #tpu.memory_space<hbm>>
      %dma_start3A_397 = arith.constant 0 : i32
      %dma_start3A_398 = tpu.memref_slice %arg12[%mul3A_2, %dma_start3A_397] : memref<10112x128xf32, #tpu.memory_space<vmem_shared>> -> memref<632x128xf32, #tpu.memory_space<vmem_shared>>
      tpu.enqueue_dma source(%dma_start3A_398 : memref<632x128xf32, #tpu.memory_space<vmem_shared>>) target(%dma_start3A_396 : memref<632x128xf32, #tpu.memory_space<hbm>>) target_semaphore(%run_scoped3A : memref<!tpu.dma_semaphore, #tpu.memory_space<semaphore_mem>>)
      %dma_wait3A = arith.constant 0 : i32
      %dma_wait3A_399 = tpu.memref_slice %arg6[%arg0, %mul3A_2, %dma_wait3A] : memref<2x10112x128xf32, #tpu.memory_space<hbm>> -> memref<1x632x128xf32, #tpu.memory_space<hbm>>
      %dma_wait3A_400 = tpu.memref_squeeze %dma_wait3A_399 : memref<1x632x128xf32, #tpu.memory_space<hbm>> -> memref<632x128xf32, #tpu.memory_space<hbm>>
      %dma_wait3A_401 = arith.constant 0 : i32
      %dma_wait3A_402 = tpu.memref_slice %arg12[%mul3A_2, %dma_wait3A_401] : memref<10112x128xf32, #tpu.memory_space<vmem_shared>> -> memref<632x128xf32, #tpu.memory_space<vmem_shared>>
      tpu.wait_dma2 semaphore(%run_scoped3A : memref<!tpu.dma_semaphore, #tpu.memory_space<semaphore_mem>>) src(%dma_wait3A_402 : memref<632x128xf32, #tpu.memory_space<vmem_shared>>) dst(%dma_wait3A_400 : memref<632x128xf32, #tpu.memory_space<hbm>>)
      tpu.yield
    }) : () -> ()
    return
  }
}

module attributes {stable_mosaic.version = 14 : i64} {
  func.func @body(%arg0: memref<2x10112x128xf32, #tpu.memory_space<vmem>>, %arg1: memref<10000x1xf32, #tpu.memory_space<vmem>>, %arg2: memref<128xf32, #tpu.memory_space<vmem>>, %arg3: memref<128x128xf32, #tpu.memory_space<vmem>>, %arg4: memref<10000x128xf32, #tpu.memory_space<vmem>>) attributes {dimension_semantics = [], scalar_prefetch = 0 : i64, scratch_operands = 0 : i64, tpu.core_type = #tpu.core_type<tc>} {
    %get3A = arith.constant 0 : index
    %get3A_0 = arith.constant 0 : index
    %get3A_1 = vector.load %arg1[%get3A, %get3A_0] : memref<10000x1xf32, #tpu.memory_space<vmem>>, vector<10000x1xf32>
    %get3A_2 = arith.constant 0 : index
    %get3A_3 = arith.constant 0 : index
    %get3A_4 = arith.constant 0 : index
    %get3A_5 = vector.load %arg0[%get3A_2, %get3A_3, %get3A_4] : memref<2x10112x128xf32, #tpu.memory_space<vmem>>, vector<1x10112x128xf32>
    %get3A_6 = vector.shape_cast %get3A_5 : vector<1x10112x128xf32> to vector<10112x128xf32>
    %get3A_7 = arith.constant 1 : index
    %get3A_8 = arith.constant 0 : index
    %get3A_9 = arith.constant 0 : index
    %get3A_10 = vector.load %arg0[%get3A_7, %get3A_8, %get3A_9] : memref<2x10112x128xf32, #tpu.memory_space<vmem>>, vector<1x10112x128xf32>
    %get3A_11 = vector.shape_cast %get3A_10 : vector<1x10112x128xf32> to vector<10112x128xf32>
    %add3A = arith.addf %get3A_6, %get3A_11 : vector<10112x128xf32>
    %slice3A = vector.extract_strided_slice %add3A {offsets = [0, 0], sizes = [10000, 128], strides = [1, 1]} : vector<10112x128xf32> to vector<10000x128xf32>
    %mul3A = vector.broadcast %get3A_1 : vector<10000x1xf32> to vector<10000x128xf32>
    %mul3A_12 = arith.mulf %slice3A, %mul3A : vector<10000x128xf32>
    %get3A_13 = arith.constant 0 : index
    %get3A_14 = vector.load %arg2[%get3A_13] : memref<128xf32, #tpu.memory_space<vmem>>, vector<128xf32>
    %broadcast_in_dim3A = vector.shape_cast %get3A_14 : vector<128xf32> to vector<1x128xf32>
    %add3A_15 = vector.broadcast %broadcast_in_dim3A : vector<1x128xf32> to vector<10000x128xf32>
    %add3A_16 = arith.addf %mul3A_12, %add3A_15 : vector<10000x128xf32>
    %get3A_17 = arith.constant 0 : index
    %get3A_18 = arith.constant 0 : index
    %get3A_19 = vector.load %arg3[%get3A_17, %get3A_18] : memref<128x128xf32, #tpu.memory_space<vmem>>, vector<128x128xf32>
    %dot_general3A = arith.constant dense<0.000000e+00> : vector<10000x128xf32>
    %dot_general3A_20 = tpu.matmul %add3A_16, %get3A_19, %dot_general3A {dimension_numbers = #tpu.dot_dimension_numbers<[1], [0], [0], [1], [0, 0, 1, 1], [], []>, transpose_lhs_hint = false} : vector<10000x128xf32>, vector<128x128xf32>, vector<10000x128xf32> -> vector<10000x128xf32>
    %mul3A_21 = vector.broadcast %get3A_1 : vector<10000x1xf32> to vector<10000x128xf32>
    %mul3A_22 = arith.mulf %dot_general3A_20, %mul3A_21 : vector<10000x128xf32>
    %swap3A = arith.constant 0 : index
    %swap3A_23 = arith.constant 0 : index
    %swap3A_24 = vector.load %arg4[%swap3A, %swap3A_23] : memref<10000x128xf32, #tpu.memory_space<vmem>>, vector<10000x128xf32>
    tpu.vector_store %arg4[%swap3A, %swap3A_23], %mul3A_22 {strides = array<i32>} : memref<10000x128xf32, #tpu.memory_space<vmem>>, vector<10000x128xf32>,
    return
  }
}

module attributes {stable_mosaic.version = 14 : i64} {
  func.func @body(%arg0: memref<10000x128xf32, #tpu.memory_space<vmem>>, %arg1: memref<128x128xf32, #tpu.memory_space<vmem>>, %arg2: memref<2x10112x128xf32, #tpu.memory_space<vmem>>, %arg3: memref<10000x128xf32, #tpu.memory_space<vmem>>, %arg4: memref<10000x1xf32, #tpu.memory_space<vmem>>) attributes {dimension_semantics = [], scalar_prefetch = 0 : i64, scratch_operands = 0 : i64, tpu.core_type = #tpu.core_type<tc>} {
    %get3A = arith.constant 0 : index
    %get3A_0 = arith.constant 0 : index
    %get3A_1 = arith.constant 0 : index
    %get3A_2 = vector.load %arg2[%get3A, %get3A_0, %get3A_1] : memref<2x10112x128xf32, #tpu.memory_space<vmem>>, vector<1x10112x128xf32>
    %get3A_3 = vector.shape_cast %get3A_2 : vector<1x10112x128xf32> to vector<10112x128xf32>
    %get3A_4 = arith.constant 1 : index
    %get3A_5 = arith.constant 0 : index
    %get3A_6 = arith.constant 0 : index
    %get3A_7 = vector.load %arg2[%get3A_4, %get3A_5, %get3A_6] : memref<2x10112x128xf32, #tpu.memory_space<vmem>>, vector<1x10112x128xf32>
    %get3A_8 = vector.shape_cast %get3A_7 : vector<1x10112x128xf32> to vector<10112x128xf32>
    %add3A = arith.addf %get3A_3, %get3A_8 : vector<10112x128xf32>
    %slice3A = vector.extract_strided_slice %add3A {offsets = [0, 0], sizes = [10000, 1], strides = [1, 1]} : vector<10112x128xf32> to vector<10000x1xf32>
    %gt3A = arith.constant 0.000000e+00 : f32
    %gt3A_9 = vector.broadcast %gt3A : f32 to vector<10000x1xf32>
    %gt3A_10 = arith.cmpf ogt, %slice3A, %gt3A_9 : vector<10000x1xf32>
    %rsqrt3A = math.rsqrt %slice3A : vector<10000x1xf32>
    %jit3A = arith.constant 0.000000e+00 : f32
    %broadcast_in_dim3A = vector.broadcast %jit3A : f32 to vector<10000x1xf32>
    %select_n3A = arith.select %gt3A_10, %rsqrt3A, %broadcast_in_dim3A : vector<10000x1xi1>, vector<10000x1xf32>
    %swap3A = arith.constant 0 : index
    %swap3A_11 = arith.constant 0 : index
    %swap3A_12 = vector.load %arg4[%swap3A, %swap3A_11] : memref<10000x1xf32, #tpu.memory_space<vmem>>, vector<10000x1xf32>
    tpu.vector_store %arg4[%swap3A, %swap3A_11], %select_n3A {strides = array<i32>} : memref<10000x1xf32, #tpu.memory_space<vmem>>, vector<10000x1xf32>,
    %get3A_13 = arith.constant 0 : index
    %get3A_14 = arith.constant 0 : index
    %get3A_15 = vector.load %arg0[%get3A_13, %get3A_14] : memref<10000x128xf32, #tpu.memory_space<vmem>>, vector<10000x128xf32>
    %get3A_16 = arith.constant 0 : index
    %get3A_17 = arith.constant 0 : index
    %get3A_18 = vector.load %arg1[%get3A_16, %get3A_17] : memref<128x128xf32, #tpu.memory_space<vmem>>, vector<128x128xf32>
    %dot_general3A = arith.constant dense<0.000000e+00> : vector<10000x128xf32>
    %dot_general3A_19 = tpu.matmul %get3A_15, %get3A_18, %dot_general3A {dimension_numbers = #tpu.dot_dimension_numbers<[1], [0], [0], [1], [0, 0, 1, 1], [], []>, transpose_lhs_hint = false} : vector<10000x128xf32>, vector<128x128xf32>, vector<10000x128xf32> -> vector<10000x128xf32>
    %mul3A = vector.broadcast %select_n3A : vector<10000x1xf32> to vector<10000x128xf32>
    %mul3A_20 = arith.mulf %dot_general3A_19, %mul3A : vector<10000x128xf32>
    %swap3A_21 = arith.constant 0 : index
    %swap3A_22 = arith.constant 0 : index
    %swap3A_23 = vector.load %arg3[%swap3A_21, %swap3A_22] : memref<10000x128xf32, #tpu.memory_space<vmem>>, vector<10000x128xf32>
    tpu.vector_store %arg3[%swap3A_21, %swap3A_22], %mul3A_20 {strides = array<i32>} : memref<10000x128xf32, #tpu.memory_space<vmem>>, vector<10000x128xf32>,
    return
  }
}

module attributes {stable_mosaic.version = 14 : i64} {
  func.func @body(%arg0: memref<2x10112x128xf32, #tpu.memory_space<vmem>>, %arg1: memref<10000x1xf32, #tpu.memory_space<vmem>>, %arg2: memref<128xf32, #tpu.memory_space<vmem>>, %arg3: memref<10000x128xf32, #tpu.memory_space<vmem>>) attributes {dimension_semantics = [], scalar_prefetch = 0 : i64, scratch_operands = 0 : i64, tpu.core_type = #tpu.core_type<tc>} {
    %get3A = arith.constant 0 : index
    %get3A_0 = arith.constant 0 : index
    %get3A_1 = arith.constant 0 : index
    %get3A_2 = vector.load %arg0[%get3A, %get3A_0, %get3A_1] : memref<2x10112x128xf32, #tpu.memory_space<vmem>>, vector<1x10112x128xf32>
    %get3A_3 = vector.shape_cast %get3A_2 : vector<1x10112x128xf32> to vector<10112x128xf32>
    %get3A_4 = arith.constant 1 : index
    %get3A_5 = arith.constant 0 : index
    %get3A_6 = arith.constant 0 : index
    %get3A_7 = vector.load %arg0[%get3A_4, %get3A_5, %get3A_6] : memref<2x10112x128xf32, #tpu.memory_space<vmem>>, vector<1x10112x128xf32>
    %get3A_8 = vector.shape_cast %get3A_7 : vector<1x10112x128xf32> to vector<10112x128xf32>
    %add3A = arith.addf %get3A_3, %get3A_8 : vector<10112x128xf32>
    %slice3A = vector.extract_strided_slice %add3A {offsets = [0, 0], sizes = [10000, 128], strides = [1, 1]} : vector<10112x128xf32> to vector<10000x128xf32>
    %get3A_9 = arith.constant 0 : index
    %get3A_10 = arith.constant 0 : index
    %get3A_11 = vector.load %arg1[%get3A_9, %get3A_10] : memref<10000x1xf32, #tpu.memory_space<vmem>>, vector<10000x1xf32>
    %mul3A = vector.broadcast %get3A_11 : vector<10000x1xf32> to vector<10000x128xf32>
    %mul3A_12 = arith.mulf %slice3A, %mul3A : vector<10000x128xf32>
    %get3A_13 = arith.constant 0 : index
    %get3A_14 = vector.load %arg2[%get3A_13] : memref<128xf32, #tpu.memory_space<vmem>>, vector<128xf32>
    %broadcast_in_dim3A = vector.shape_cast %get3A_14 : vector<128xf32> to vector<1x128xf32>
    %add3A_15 = vector.broadcast %broadcast_in_dim3A : vector<1x128xf32> to vector<10000x128xf32>
    %add3A_16 = arith.addf %mul3A_12, %add3A_15 : vector<10000x128xf32>
    %max3A = arith.constant 0.000000e+00 : f32
    %max3A_17 = vector.broadcast %max3A : f32 to vector<10000x128xf32>
    %max3A_18 = arith.maximumf %add3A_16, %max3A_17 : vector<10000x128xf32>
    %swap3A = arith.constant 0 : index
    %swap3A_19 = arith.constant 0 : index
    %swap3A_20 = vector.load %arg3[%swap3A, %swap3A_19] : memref<10000x128xf32, #tpu.memory_space<vmem>>, vector<10000x128xf32>
    tpu.vector_store %arg3[%swap3A, %swap3A_19], %max3A_18 {strides = array<i32>} : memref<10000x128xf32, #tpu.memory_space<vmem>>, vector<10000x128xf32>,
    return
  }
}

</mosaic_0001>

<sc_bundles>
// kernel: kernel.11.cloned.1.call-start
scs
__scs_entry_jumppad:
0x0: {  	(pc) =	sbr.rel $0x88, $3  }
0x1: {  	(tag) =	ssettag $0x0;
	lr =	simm.s32 $0x1  }
0x2: {  	[smem:$0x3F9A] =	sst lr;
	_ =	strace $0xD0000000  }
0x3: {  	_ = 	snop  }
0x4: {  	_ = 	snop  }
0x5: {  	_ = 	snop  }
0x6: {  	_ = 	snop  }
0x7: {  	_ = 	snop  }
__scs_overlays_trampoline_lowered:
0x8: {  	[smem:$0x3FA9] =	sst s0  }
0x9: {  	[smem:$0x3FAA] =	sst s1  }
0xa: {  	[smem:$0x3FAB] =	sst s2  }
0xb: {  	[smem:$0x3FAC] =	sst s3  }
0xc: {  	[smem:$0x3FAD] =	sst s4  }
0xd: {  	[smem:$0x3FAE] =	sst s5  }
0xe: {  	[smem:$0x3FAF] =	sst s6  }
0xf: {  	[smem:$0x3FB0] =	sst s7  }
0x10: {  	[smem:$0x3FB1] =	sst s8  }
0x11: {  	[smem:$0x3FB2] =	sst s9;
	s0 =	simm.s32 @!p0 $0x0  }
0x12: {  	s1 =	sld [smem:$0x3F98];
	s0 =	simm.s32 @p0 $0x1  }
0x13: {  	[smem:$0x3FB3] =	sst s0;
	s0 =	simm.s32 @!p1 $0x0  }
0x14: {  	s2 =	sld [smem:$0x3F97];
	s0 =	simm.s32 @p1 $0x1  }
0x15: {  	[smem:$0x3FB4] =	sst s0;
	s0 =	simm.s32 @!p2 $0x0  }
0x16: {  	s3 =	sld [smem:$0x3FDB];
	s0 =	simm.s32 @p2 $0x1  }
0x17: {  	s4 =	simm.s32 $0x1BF5;
	[smem:$0x3FB6] =	sst s0  }
0x18: {  	s0 =	sld [smem:$0x3F99];
	_ =	swait.ge [sflag:s4], $0x0  }
0x19: {  	s7 =	sld [smem:$0x3F9A]  }
0x1a: {  	s8 =	sadd.s32 $0xFFFFE003, lr  }
0x1b: {  	s9 =	sadd.s32 $0xFFFFFEF7, lr;
	s5 =	simm.s32 $0xFFFFFFFF;
	p2 =	slt.u32 s8, $0xFFFFF086  }
0x1c: {  	p1 =	slt.u32 s9, $0xF7A;
	s5 =	simm.s32 @!p2 $0x0  }
0x1d: {  	s5 =	simm.s32 @p1 $0x1;
	p0 =	seq.s32 s7, s2  }
0x1e: {  	s7 =	smul.u32 @!p0 $0xF7A, s2;
	p2 =	seq.s32 @!p0 s5, $0x0  }
0x1f: {  	s9 =	smul.u32 $0xF7A, s1;
	s8 =	simm.s32 @!p0 $0x1BF5;
	p2 =	por !p2, p0  }
0x20: {  	[sflag:s8] =	ssyncset.s32 @!p0 $0xFFFFF086;
	s6 =	sadd.s32 @!p0 s3, s7;
	s7 =	simm.s32 @!p0 $0x108  }
0x21: {  	s3 =	sadd.s32 s3, s9;
	s6 =	sadd.s32 @!p0 $0x88, s6;
	s7 =	simm.s32 @p2 $0x1082  }
0x22: {  	[simem:s7], [sflag:s8] =	dma.local @!p0 [hbm:s6], $0xF7A  }
0x23: {  	s9 =	sor.u32 $0xD0000000, s2;
	s6 =	simm.s32 $0x108;
	_ =	swait.ge @!p0 [sflag:s8], $0x0  }
0x24: {  	s3 =	sadd.s32 $0x88, s3;
	s6 =	simm.s32 @!p1 $0x1082;
	[sflag:s4] =	ssyncset.s32 $0xFFFFF086  }
0x25: {  	[simem:s6], [sflag:s4] =	dma.local [hbm:s3], $0xF7A  }
0x26: {  	[smem:$0x3F9A] =	sst s1;
	(tag) =	ssettag s2;
	_ =	strace s9  }
0x27: {  	s1 =	sld [smem:$0x3FAA]  }
0x28: {  	s2 =	sld [smem:$0x3FAB]  }
0x29: {  	s4 =	sld [smem:$0x3FAD]  }
0x2a: {  	p0 =	seq.s32 s5, $0x0;
	s5 =	sld [smem:$0x3FAE]  }
0x2b: {  	s6 =	sld [smem:$0x3FAF]  }
0x2c: {  	s7 =	sld [smem:$0x3FB0]  }
0x2d: {  	s3 =	simm.s32 $0x108;
	s8 =	sld [smem:$0x3FB1]  }
0x2e: {  	s3 =	simm.s32 @!p0 $0x1082;
	s9 =	sld [smem:$0x3FB2]  }
0x2f: {  	lr =	sadd.s32 s0, s3;
	s0 =	sld [smem:$0x3FA9]  }
0x30: {  	s3 =	sld [smem:$0x3FAC]  }
0x31: {  	[smem:$0x3FB5] =	sst s10  }
0x32: {  	s10 =	sld [smem:$0x3FB3];
	_ =	sdelay $0x3  }
0x33: {  	p0 =	seq.s32 s10, $0x1;
	s10 =	sld [smem:$0x3FB5];
	_ =	sdelay $0x3  }
0x34: {  	[smem:$0x3FB5] =	sst s10  }
0x35: {  	s10 =	sld [smem:$0x3FB4];
	_ =	sdelay $0x3  }
0x36: {  	p1 =	seq.s32 s10, $0x1;
	s10 =	sld [smem:$0x3FB5];
	_ =	sdelay $0x3  }
0x37: {  	[smem:$0x3FB5] =	sst s10  }
0x38: {  	s10 =	sld [smem:$0x3FB6]  }
0x39: {  	_ = 	snop;
	(pc) =	sbr.ind lr, $3  }
0x3a: {  	_ = 	snop  }
0x3b: {  	_ = 	snop  }
0x3c: {  	p2 =	seq.s32 s10, $0x1;
	s10 =	sld [smem:$0x3FB5]  }
0x3d: {  	_ =	shalt  }
0x3e: {  	_ =	shalt  }
0x3f: {  	_ =	shalt  }
0x40: {  	_ =	shalt  }
0x41: {  	_ =	shalt  }
0x42: {  	_ =	shalt  }
0x43: {  	_ =	shalt  }
0x44: {  	_ =	shalt  }
0x45: {  	_ =	shalt  }
0x46: {  	_ =	shalt  }
0x47: {  	_ =	shalt  }
0x48: {  	_ =	shalt  }
0x49: {  	_ =	shalt  }
0x4a: {  	_ =	shalt  }
0x4b: {  	_ =	shalt  }
0x4c: {  	_ =	shalt  }
0x4d: {  	_ =	shalt  }
0x4e: {  	_ =	shalt  }
0x4f: {  	_ =	shalt  }
0x50: {  	_ =	shalt  }
0x51: {  	_ =	shalt  }
0x52: {  	_ =	shalt  }
0x53: {  	_ =	shalt  }
0x54: {  	_ =	shalt  }
0x55: {  	_ =	shalt  }
0x56: {  	_ =	shalt  }
0x57: {  	_ =	shalt  }
0x58: {  	_ =	shalt  }
0x59: {  	_ =	shalt  }
0x5a: {  	_ =	shalt  }
0x5b: {  	_ =	shalt  }
0x5c: {  	_ =	shalt  }
0x5d: {  	_ =	shalt  }
0x5e: {  	_ =	shalt  }
0x5f: {  	_ =	shalt  }
0x60: {  	_ =	shalt  }
0x61: {  	_ =	shalt  }
0x62: {  	_ =	shalt  }
0x63: {  	_ =	shalt  }
0x64: {  	_ =	shalt  }
0x65: {  	_ =	shalt  }
0x66: {  	_ =	shalt  }
0x67: {  	_ =	shalt  }
0x68: {  	_ =	shalt  }
0x69: {  	_ =	shalt  }
0x6a: {  	_ =	shalt  }
0x6b: {  	_ =	shalt  }
0x6c: {  	_ =	shalt  }
0x6d: {  	_ =	shalt  }
0x6e: {  	_ =	shalt  }
0x6f: {  	_ =	shalt  }
0x70: {  	_ =	shalt  }
0x71: {  	_ =	shalt  }
0x72: {  	_ =	shalt  }
0x73: {  	_ =	shalt  }
0x74: {  	_ =	shalt  }
0x75: {  	_ =	shalt  }
0x76: {  	_ =	shalt  }
0x77: {  	_ =	shalt  }
0x78: {  	_ =	shalt  }
0x79: {  	_ =	shalt  }
0x7a: {  	_ =	shalt  }
0x7b: {  	_ =	shalt  }
0x7c: {  	_ =	shalt  }
0x7d: {  	_ =	shalt  }
0x7e: {  	_ =	shalt  }
0x7f: {  	_ =	shalt  }
0x80: {  	_ =	shalt  }
0x81: {  	_ =	shalt  }
0x82: {  	_ =	shalt  }
0x83: {  	_ =	shalt  }
0x84: {  	_ =	shalt  }
0x85: {  	_ =	shalt  }
0x86: {  	_ =	shalt  }
0x87: {  	_ =	shalt  }
.Lfunc_end0:
.L_simem_size_0:
called_computation.1_lowered:
.L_overlay_start_0:
0x88: {  	s2 =	sld [smem:$0x3FD9]  }
0x89: {  	s3 =	sld [smem:$0x3FFE];
	_ =	sdelay $0x1  }
0x8a: {  	s1 =	srdreg.scid  }
0x8b: {  	s0 =	sand.u32 $0x1, s1  }
0x8c: {  	s17 =	sshll.u32 s0, $0xA;
	s2 =	sadd.s32 s3, s2  }
0x8d: {  	s2 =	sadd.s32 s2, s17  }
0x8e: {  	[smem:$0x3FC1] =	sst s2  }
0x8f: {  	_ = 	snop  }
0x90: {  	s2 =	sld [smem:$0x3FC7]  }
0x91: {  	s18 =	sld [smem:$0x3FD0];
	(tm) =	ssettm $0x1  }
0x92: {  	s4 =	sld [smem:$0x3FFB];
	_ =	sdelay $0x3  }
0x93: {  	_ =	strace s4  }
0x94: {  	s4 =	sld [smem:$0x3FFC];
	_ =	sdelay $0x3  }
0x95: {  	_ =	strace s4  }
0x96: {  	s4 =	sld [smem:$0x3FFD];
	_ =	sdelay $0x3  }
0x97: {  	_ =	strace s4  }
0x98: {  	_ =	strace $0x8FFFFFFF  }
0x99: {  	s19 =	sld [smem:$0x3FDB];
	_ =	sdelay $0x1  }
0x9a: {  	s5 =	simm.s32 $_scs_section_size  }
0x9b: {  	s6 =	simm.s32 $_size__tile_overlayer_lowered;
	s7 =	simm.s32 $_tile_overlayer_lowered  }
0x9c: {  	s22 =	simm.s32 $0x1BFF;
	s21 =	sshll.u32 s7, $0x1;
	s4 =	sadd.s32 s5, s19  }
0x9d: {  	s8 =	simm.s32 $0x0;
	s20 =	sshll.u32 s6, $0x1;
	s6 =	sadd.s32 s21, s4  }
0x9e: {  	[timem:s8], [sflag:s22] =	dma.local [hbm:s6], s20  }
0x9f: {  	_ =	swait.ge [sflag:s22], s20  }
0xa0: {  	s5 =	ssub.s32 $0x0, s20;
	[sflag:s22] =	ssyncset.done $0x0  }
0xa1: {  	[sflag:s22] =	ssyncadd.s32 s5;
	_ =	sdelay $0x1  }
0xa2: {  	s23 =	simm.s32 $0x1B8B  }
0xa3: {  	_ =	swait.ge [sflag:s23], $0x1  }
0xa4: {  	[sflag:s23] =	ssyncset.done $0x0  }
0xa5: {  	s25 =	simm.s32 $0x1B8E;
	s24 =	sld [smem:$0x3FFE];
	[sflag:s23] =	ssyncadd.s32 $0xFFFFFFFF  }
0xa6: {  	s26 =	simm.s32 $execute0_lowered;
	[smem:$0x3FD2] =	sst s25  }
0xa7: {  	s6 =	sshll.u32 s26, $0x1;
	_ =	strace $0x80000049;
	[dreg:$0x1] =	wrdreg $0xFFFFFFFF  }
0xa8: {  	s28 =	simm.s32 $_size_execute0_lowered;
	s4 =	sadd.s32 s4, s6;
	[dreg:$0x0] =	wrdreg $0x0  }
0xa9: {  	s6 =	sshll.u32 s28, $0x1;
	[dreg:$0x2] =	wrdreg s4  }
0xaa: {  	[dreg:$0x3] =	wrdreg s6  }
0xab: {  	[dreg:$0x4] =	wrdreg $0xC0  }
0xac: {  	_ =	task [dreg:s8], $0x5FFFF  }
0xad: {  	[dreg:$0x1] =	wrdreg $0xFFFFFFFF  }
0xae: {  	[dreg:$0x0] =	wrdreg $0x60  }
0xaf: {  	[dreg:$0x2] =	wrdreg s24  }
0xb0: {  	[dreg:$0x3] =	wrdreg s2  }
0xb1: {  	[dreg:$0x4] =	wrdreg s18  }
0xb2: {  	[dreg:$0x5] =	wrdreg $0x2D800  }
0xb3: {  	[dreg:$0x6] =	wrdreg $0x9  }
0xb4: {  	_ =	task.clear_ibuf [dreg:s8], $0x7FFFF;
	_ =	strace $0x90000049  }
0xb5: {  	s29 =	simm.s32 $0x9;
	_ =	strace $0x8000004B  }
0xb6: {  	_ =	swait.ge [sflag:s29], $0x1  }
0xb7: {  	[sflag:s29] =	ssyncadd.s32 $0xFFFFFFFF  }
0xb8: {  	_ =	strace $0x9000004B  }
0xb9: {  	_ =	sfence  }
0xba: {  	s30 =	sld [smem:$0x0];
	_ =	sdelay $0x2  }
0xbb: {  	s31 =	sshll.u32 s1, $0xD;
	s1 =	sshrl.u32 s1, $0x2  }
0xbc: {  	s3 =	sand.u32 $0x4000, s31;
	s1 =	sadd.s32 s1, s30  }
0xbd: {  	s0 =	sor.u32 s3, s0;
	s1 =	sshll.u32 s1, $0x11  }
0xbe: {  	s0 =	sor.u32 s1, s0  }
0xbf: {  	s0 =	sadd.s32 $0x8F2B, s0  }
0xc0: {  	[sflag:s0] =	ssyncadd.remote.s32 $0x1  }
0xc1: {  	_ =	sfence.sel $0xFFFF  }
0xc2: {  	[dreg:$0x0] =	wrdreg $0xFFFFFFFF;
	(pc) =	sbr.abs _section_cstart, $3  }
0xc3: {  	[dreg:$0x1] =	wrdreg $0xFFFFFFFF  }
0xc4: {  	_ =	task.clear_ibuf [dreg:s8], $0x2FFFF;
	_ =	strace $0x9FFFFFFF  }
0xc5: {  	(tm) =	ssettm $0x7FFFFFFF  }
tec
execute0_lowered:
.L_overlay_start_1:
0x0: {  	(tag) =	ssettag $0x1  }
0x1: {  	s8 =	rddreg [dreg:$0x0]  }
0x2: {  	s0 =	rddreg [dreg:$0x1]  }
0x3: {  	s3 =	rddreg [dreg:$0x2];
	s1 =	srdreg.scid  }
0x4: {  	s4 =	rddreg [dreg:$0x3];
	s2 =	stileid.u32  }
0x5: {  	s5 =	simm.s32 $0x0;
	s14 =	simm.s32 $0x80;
	s15 =	simm.s32 $0x100  }
0x6: {  	s16 =	simm.s32 $0x50;
	s17 =	simm.s32 $0x180;
	s18 =	simm.s32 $0x1  }
0x7: {  	s9 =	sand.u32 $0x1, s1;
	s1 =	rddreg [dreg:$0x4];
	s10 =	smul.u32 $0x13C00, s2  }
0x8: {  	[smem:$0x7FF] =	sst s5;
	s6 =	sadd.s32 $0xBC00, s8;
	s11 =	smul.u32 $0x4F000, s2  }
0x9: {  	s12 =	sshll.u32 s2, $0x1;
	s19 =	sshll.u32 s2, $0x6;
	s7 =	smul.u32 $0x13C000, s9  }
0xa: {  	_ =	strace $0x8000004A;
	s30 =	ssub.s32 $0x2, s9;
	s9 =	sor.u32 s9, s12  }
0xb: {  	s12 =	simm.s32 $0x2980;
	s19 =	sor.u32 $0x1C02, s19;
	s13 =	sshrl.u32 s30, $0x1  }
0xc: {  	s11 =	sshrl.u32 s11, $0x2;
	s9 =	smul.u32 $0x2710, s9;
	s10 =	sadd.s32 s10, s7  }
0xd: {  	s7 =	sadd.s32 $0x1E00, s8;
	s31 =	ssub.s32 s30, s13;
	s10 =	sshrl.u32 s10, $0x3  }
0xe: {  	s13 =	simm.s32 $0x2;
	s10 =	sadd.s32 s10, s8;
	s8 =	sadd.s32 s11, s4  }
0xf: {  	v0 =	vimm.f32 $0.0e+00;
	s11 =	smax.u32 s31, $0x1;
	s10 =	sadd.s32 $0x15A00, s10;
	s20 =	sshrl.u32 s8, $0x3  }
.LBB2_1:
0x10: {  	[tilespmem:$0x2980] =	vst v0  }
0x11: {  	[tilespmem:$0x2990] =	vst v0  }
0x12: {  	[tilespmem:$0x29A0] =	vst v0  }
0x13: {  	[tilespmem:$0x29B0] =	vst v0  }
0x14: {  	[tilespmem:$0x29C0] =	vst v0  }
0x15: {  	[tilespmem:$0x29D0] =	vst v0  }
0x16: {  	[tilespmem:$0x29E0] =	vst v0  }
0x17: {  	[tilespmem:$0x29F0] =	vst v0  }
0x18: {  	[tilespmem:$0x2A00] =	vst v0  }
0x19: {  	[tilespmem:$0x2A10] =	vst v0  }
0x1a: {  	[tilespmem:$0x2A20] =	vst v0  }
0x1b: {  	[tilespmem:$0x2A30] =	vst v0  }
0x1c: {  	[tilespmem:$0x2A40] =	vst v0  }
0x1d: {  	[tilespmem:$0x2A50] =	vst v0  }
0x1e: {  	[tilespmem:$0x2A60] =	vst v0  }
0x1f: {  	[tilespmem:$0x2A70] =	vst v0  }
0x20: {  	[tilespmem:$0x2A80] =	vst v0  }
0x21: {  	[tilespmem:$0x2A90] =	vst v0  }
0x22: {  	[tilespmem:$0x2AA0] =	vst v0  }
0x23: {  	[tilespmem:$0x2AB0] =	vst v0  }
0x24: {  	[tilespmem:$0x2AC0] =	vst v0  }
0x25: {  	[tilespmem:$0x2AD0] =	vst v0  }
0x26: {  	[tilespmem:$0x2AE0] =	vst v0  }
0x27: {  	[tilespmem:$0x2AF0] =	vst v0  }
0x28: {  	[tilespmem:$0x2B00] =	vst v0  }
0x29: {  	[tilespmem:$0x2B10] =	vst v0  }
0x2a: {  	[tilespmem:$0x2B20] =	vst v0  }
0x2b: {  	[tilespmem:$0x2B30] =	vst v0  }
0x2c: {  	[tilespmem:$0x2B40] =	vst v0  }
0x2d: {  	[tilespmem:$0x2B50] =	vst v0  }
0x2e: {  	[tilespmem:$0x2B60] =	vst v0  }
0x2f: {  	[tilespmem:$0x2B70] =	vst v0  }
0x30: {  	[tilespmem:$0x2B80] =	vst v0  }
0x31: {  	[tilespmem:$0x2B90] =	vst v0  }
0x32: {  	[tilespmem:$0x2BA0] =	vst v0  }
0x33: {  	[tilespmem:$0x2BB0] =	vst v0  }
0x34: {  	[tilespmem:$0x2BC0] =	vst v0  }
0x35: {  	[tilespmem:$0x2BD0] =	vst v0  }
0x36: {  	[tilespmem:$0x2BE0] =	vst v0  }
0x37: {  	[tilespmem:$0x2BF0] =	vst v0  }
0x38: {  	[tilespmem:$0x2C00] =	vst v0  }
0x39: {  	[tilespmem:$0x2C10] =	vst v0  }
0x3a: {  	[tilespmem:$0x2C20] =	vst v0  }
0x3b: {  	[tilespmem:$0x2C30] =	vst v0  }
0x3c: {  	[tilespmem:$0x2C40] =	vst v0  }
0x3d: {  	[tilespmem:$0x2C50] =	vst v0  }
0x3e: {  	[tilespmem:$0x2C60] =	vst v0  }
0x3f: {  	[tilespmem:$0x2C70] =	vst v0  }
0x40: {  	[tilespmem:$0x2C80] =	vst v0  }
0x41: {  	[tilespmem:$0x2C90] =	vst v0  }
0x42: {  	[tilespmem:$0x2CA0] =	vst v0  }
0x43: {  	[tilespmem:$0x2CB0] =	vst v0  }
0x44: {  	[tilespmem:$0x2CC0] =	vst v0  }
0x45: {  	[tilespmem:$0x2CD0] =	vst v0  }
0x46: {  	[tilespmem:$0x2CE0] =	vst v0  }
0x47: {  	[tilespmem:$0x2CF0] =	vst v0  }
0x48: {  	[tilespmem:$0x2D00] =	vst v0  }
0x49: {  	[tilespmem:$0x2D10] =	vst v0  }
0x4a: {  	[tilespmem:$0x2D20] =	vst v0  }
0x4b: {  	[tilespmem:$0x2D30] =	vst v0  }
0x4c: {  	[tilespmem:$0x2D40] =	vst v0  }
0x4d: {  	[tilespmem:$0x2D50] =	vst v0  }
0x4e: {  	[tilespmem:$0x2D60] =	vst v0  }
0x4f: {  	[tilespmem:$0x2D70] =	vst v0;
	s21 =	sadd.s32 $0x0, s8  }
0x50: {  	[spmem:s21] =	stream.linear.scatter [tilespmem:s12], [sflag:$0x2], $0x400, $0x38;
	[tilespmem:$0x16980] =	vst v63  }
0x51: {  	s21 =	simm.s32 $0x1000;
	_ =	swait.ge [sflag:s13], $0x400  }
.LBB2_2:
0x52: {  	s22 =	sshra.s32 s21, $0x2;
	[sflag:s13] =	ssyncset.done $0x0;
	p0 =	sne.s32 s21, $0x4E000  }
.Ltmp0:
0x53: {  	s22 =	sadd.s32 s22, s8;
	[sflag:s13] =	ssyncadd.s32 $0xFFFFFC00;
	(pc) =	sbr.rel @p0 .LBB2_2-.Ltmp0, $3  }
0x54: {  	[spmem:s22] =	stream.linear.scatter [tilespmem:s12], [sflag:$0x2], $0x400, $0x38;
	[tilespmem:$0x16980] =	vst v63  }
0x55: {  	s21 =	sadd.s32 $0x1000, s21;
	_ =	sdelay $0x1  }
0x56: {  	_ =	swait.ge [sflag:s13], $0x400  }
0x57: {  	[sflag:s13] =	ssyncset.done $0x0  }
0x58: {  	[sflag:s13] =	ssyncadd.s32 $0xFFFFFC00  }
0x59: {  	s21 =	simm.s32 $0x0;
	s22 =	simm.s32 $0x0;
	[bflag:$0x0] =	sbarrier.arrive $0xFFFF  }
.LBB2_4:
0x5a: {  	s23 =	smul.u32 $0x50, s22;
	_ =	sdelay $0x1  }
0x5b: {  	s23 =	sadd.s32 s9, s23  }
0x5c: {  	s23 =	sshrl.u32 s23, $0x3  }
0x5d: {  	s24 =	sadd.s32 s6, s23  }
0x5e: {  	[tilespmem:s21], [sflag:$0x2] =	stream.linear.gather [hbm4b:s24+s21], $0x50, $0x38;
	[tilespmem:$0x16980] =	vst v63  }
0x5f: {  	_ =	swait.ge [sflag:s13], $0x50  }
0x60: {  	[sflag:s13] =	ssyncset.done $0x0  }
0x61: {  	s26 =	sadd.s32 s7, s23;
	[sflag:s13] =	ssyncadd.s32 $0xFFFFFFB0  }
0x62: {  	[tilespmem:s14], [sflag:$0x2] =	stream.linear.gather [hbm4b:s26+s21], $0x50, $0x38;
	[tilespmem:$0x16980] =	vst v63  }
0x63: {  	_ =	swait.ge [sflag:s13], $0x50  }
0x64: {  	[sflag:s13] =	ssyncset.done $0x0  }
0x65: {  	s23 =	sadd.s32 s0, s23;
	[sflag:s13] =	ssyncadd.s32 $0xFFFFFFB0  }
0x66: {  	[tilespmem:s15], [sflag:$0x2] =	stream.linear.gather [hbm4b:s23+s21], $0x50, $0x38;
	[tilespmem:$0x16980] =	vst v63  }
0x67: {  	v1 =	vmov s21;
	_ =	swait.ge [sflag:s13], $0x50  }
0x68: {  	v1 =	vand.u32 $0xFFFFFFF8, v1;
	[sflag:s13] =	ssyncset.done $0x0  }
0x69: {  	v1 =	vbroadcast v1, $0x0;
	[sflag:s13] =	ssyncadd.s32 $0xFFFFFFB0  }
0x6a: {  	[tilespmem:s17], [sflag:$0x1] =	stream.indirect.gather [hbm4b:s3+s16], $0x80, s21, s16, $0xb8;
	[tilespmem:$0x16980] =	vst v63  }
0x6b: {  	_ =	swait.ge [sflag:s18], $0x2800  }
0x6c: {  	[sflag:s18] =	ssyncset.done $0x0  }
0x6d: {  	s23 =	simm.s32 $0x380;
	[sflag:s18] =	ssyncadd.s32 $0xFFFFD800  }
0x6e: {  	v3 =	vld [tilespmem:s23+$0xFFFFFE70]  }
0x6f: {  	v1 =	vld.idx.msk [tilespmem:v1+s15+$0x0], $0xffff  }
0x70: {  	v4 =	vld [tilespmem:s23+$0xFFFFFE00]  }
0x71: {  	v5 =	vld [tilespmem:s23+$0xFFFFFE20]  }
0x72: {  	v6 =	vld [tilespmem:s23+$0xFFFFFE30]  }
0x73: {  	v2 =	vld [tilespmem:s23+$0xFFFFFE50]  }
0x74: {  	v8 =	vld [tilespmem:s23+$0xFFFFFE10];
	v3 =	vmul.f32 v3, v1  }
0x75: {  	s28 =	simm.s32 $0x1;
	v7 =	vld [tilespmem:s23+$0xFFFFFE60];
	v4 =	vmul.f32 v4, v1  }
0x76: {  	v9 =	vld [tilespmem:s23+$0xFFFFFE40];
	v5 =	vmul.f32 v5, v1;
	[tilespmem:s23+$0xFFFFFE70] =	vst v3;
	v3 =	vmov s28  }
0x77: {  	v6 =	vmul.f32 v6, v1;
	[tilespmem:s23+$0xFFFFFE00] =	vst v4;
	v3 =	vand.u32 $0xFFFFFFF9, v3  }
0x78: {  	v2 =	vmul.f32 v2, v1;
	[tilespmem:s23+$0xFFFFFE20] =	vst v5;
	v3 =	vbroadcast v3, $0x0  }
0x79: {  	v4 =	vmul.f32 v8, v1;
	[tilespmem:s23+$0xFFFFFE30] =	vst v6  }
0x7a: {  	v5 =	vmul.f32 v7, v1;
	[tilespmem:s23+$0xFFFFFE50] =	vst v2  }
0x7b: {  	v1 =	vmul.f32 v9, v1;
	[tilespmem:s23+$0xFFFFFE10] =	vst v4  }
0x7c: {  	[tilespmem:s23+$0xFFFFFE60] =	vst v5  }
0x7d: {  	[tilespmem:s23+$0xFFFFFE40] =	vst v1  }
0x7e: {  	v1 =	vld.idx.msk [tilespmem:v3+s15+$0x0], $0xffff  }
0x7f: {  	v3 =	vld [tilespmem:s23+$0xFFFFFE90]  }
0x80: {  	v4 =	vld [tilespmem:s23+$0xFFFFFEC0]  }
0x81: {  	v5 =	vld [tilespmem:s23+$0xFFFFFE80]  }
0x82: {  	v6 =	vld [tilespmem:s23+$0xFFFFFED0]  }
0x83: {  	v2 =	vld [tilespmem:s23+$0xFFFFFEF0]  }
0x84: {  	v7 =	vld [tilespmem:s23+$0xFFFFFEE0];
	v3 =	vmul.f32 v3, v1  }
0x85: {  	s29 =	simm.s32 $0x2;
	v8 =	vld [tilespmem:s23+$0xFFFFFEB0];
	v4 =	vmul.f32 v4, v1  }
0x86: {  	v9 =	vld [tilespmem:s23+$0xFFFFFEA0];
	v5 =	vmul.f32 v5, v1;
	[tilespmem:s23+$0xFFFFFE90] =	vst v3;
	v3 =	vmov s29  }
0x87: {  	v6 =	vmul.f32 v6, v1;
	[tilespmem:s23+$0xFFFFFEC0] =	vst v4;
	v3 =	vand.u32 $0xFFFFFFFA, v3  }
0x88: {  	v2 =	vmul.f32 v2, v1;
	[tilespmem:s23+$0xFFFFFE80] =	vst v5;
	v3 =	vbroadcast v3, $0x0  }
0x89: {  	v4 =	vmul.f32 v7, v1;
	[tilespmem:s23+$0xFFFFFED0] =	vst v6  }
0x8a: {  	v5 =	vmul.f32 v8, v1;
	[tilespmem:s23+$0xFFFFFEF0] =	vst v2  }
0x8b: {  	v1 =	vmul.f32 v9, v1;
	[tilespmem:s23+$0xFFFFFEE0] =	vst v4  }
0x8c: {  	[tilespmem:s23+$0xFFFFFEB0] =	vst v5  }
0x8d: {  	v2 =	vld [tilespmem:s23+$0xFFFFFF00];
	[tilespmem:s23+$0xFFFFFEA0] =	vst v1  }
0x8e: {  	v1 =	vld.idx.msk [tilespmem:v3+s15+$0x0], $0xffff  }
0x8f: {  	v3 =	vld [tilespmem:s23+$0xFFFFFF60]  }
0x90: {  	v4 =	vld [tilespmem:s23+$0xFFFFFF10]  }
0x91: {  	v5 =	vld [tilespmem:s23+$0xFFFFFF50]  }
0x92: {  	v6 =	vld [tilespmem:s23+$0xFFFFFF70]  }
0x93: {  	v7 =	vld [tilespmem:s23+$0xFFFFFF20];
	v2 =	vmul.f32 v2, v1  }
0x94: {  	s30 =	simm.s32 $0x3;
	v8 =	vld [tilespmem:s23+$0xFFFFFF30];
	v3 =	vmul.f32 v3, v1  }
0x95: {  	v9 =	vld [tilespmem:s23+$0xFFFFFF40];
	v4 =	vmul.f32 v4, v1;
	[tilespmem:s23+$0xFFFFFF00] =	vst v2;
	v2 =	vmov s30  }
0x96: {  	v5 =	vmul.f32 v5, v1;
	[tilespmem:s23+$0xFFFFFF60] =	vst v3;
	v2 =	vand.u32 $0xFFFFFFFB, v2  }
0x97: {  	v3 =	vmul.f32 v6, v1;
	[tilespmem:s23+$0xFFFFFF10] =	vst v4;
	v2 =	vbroadcast v2, $0x0  }
0x98: {  	v4 =	vmul.f32 v7, v1;
	[tilespmem:s23+$0xFFFFFF50] =	vst v5  }
0x99: {  	v5 =	vmul.f32 v8, v1;
	[tilespmem:s23+$0xFFFFFF70] =	vst v3  }
0x9a: {  	v1 =	vmul.f32 v9, v1;
	[tilespmem:s23+$0xFFFFFF20] =	vst v4  }
0x9b: {  	[tilespmem:s23+$0xFFFFFF30] =	vst v5  }
0x9c: {  	[tilespmem:s23+$0xFFFFFF40] =	vst v1  }
0x9d: {  	v1 =	vld.idx.msk [tilespmem:v2+s15+$0x0], $0xffff  }
0x9e: {  	v2 =	vld [tilespmem:s23+$0xFFFFFFB0]  }
0x9f: {  	v4 =	vld [tilespmem:s23+$0xFFFFFFE0]  }
0xa0: {  	v5 =	vld [tilespmem:s23+$0xFFFFFF80]  }
0xa1: {  	v6 =	vld [tilespmem:s23+$0xFFFFFFD0]  }
0xa2: {  	v3 =	vld [tilespmem:s23+$0xFFFFFFF0]  }
0xa3: {  	v8 =	vld [tilespmem:s23+$0xFFFFFFA0];
	v2 =	vmul.f32 v2, v1  }
0xa4: {  	s31 =	simm.s32 $0x4;
	v7 =	vld [tilespmem:s23+$0xFFFFFF90];
	v4 =	vmul.f32 v4, v1  }
0xa5: {  	v9 =	vld [tilespmem:s23+$0xFFFFFFC0];
	v5 =	vmul.f32 v5, v1;
	[tilespmem:s23+$0xFFFFFFB0] =	vst v2;
	v2 =	vmov s31  }
0xa6: {  	v6 =	vmul.f32 v6, v1;
	[tilespmem:s23+$0xFFFFFFE0] =	vst v4;
	v2 =	vand.u32 $0xFFFFFFFC, v2  }
0xa7: {  	v3 =	vmul.f32 v3, v1;
	[tilespmem:s23+$0xFFFFFF80] =	vst v5;
	v2 =	vbroadcast v2, $0x0  }
0xa8: {  	v10 =	vld [tilespmem:s23+$0x40];
	v4 =	vmul.f32 v8, v1;
	[tilespmem:s23+$0xFFFFFFD0] =	vst v6  }
0xa9: {  	v5 =	vmul.f32 v7, v1;
	[tilespmem:s23+$0xFFFFFFF0] =	vst v3;
	v8 =	vld [tilespmem:s23+$0x0]  }
0xaa: {  	v3 =	vmul.f32 v9, v1;
	v1 =	vld [tilespmem:s23+$0x70];
	[tilespmem:s23+$0xFFFFFFA0] =	vst v4  }
0xab: {  	v7 =	vld [tilespmem:s23+$0x20];
	[tilespmem:s23+$0xFFFFFF90] =	vst v5  }
0xac: {  	v6 =	vld [tilespmem:s23+$0x30];
	[tilespmem:s23+$0xFFFFFFC0] =	vst v3  }
0xad: {  	v2 =	vld.idx.msk [tilespmem:v2+s15+$0x0], $0xffff  }
0xae: {  	v3 =	vld [tilespmem:s23+$0x50]  }
0xaf: {  	v5 =	vld [tilespmem:s23+$0x10]  }
0xb0: {  	v4 =	vld [tilespmem:s23+$0x60];
	_ =	sdelay $0x1  }
0xb1: {  	s25 =	simm.s32 $0x0;
	s24 =	simm.s32 $0x380;
	s26 =	simm.s32 $0x8;
	v9 =	vmul.f32 v8, v2;
	v8 =	vmul.f32 v10, v2  }
.LBB2_5:
0xb2: {  	p0 =	slt.u32 s26, $0x48;
	v7 =	vmul.f32 v7, v2;
	v6 =	vmul.f32 v6, v2;
	s28 =	sadd.s32 $0x5, s25;
	s23 =	sadd.s32 $0x400, s23  }
0xb3: {  	v3 =	vmul.f32 v3, v2;
	[tilespmem:s24+$0x0] =	vst v9;
	v5 =	vmul.f32 v5, v2;
	v9 =	vmov s28;
	s28 =	smov.u32 s26;
	s26 =	sadd.s32 $0x8, s26  }
0xb4: {  	v1 =	vmul.f32 v1, v2;
	[tilespmem:s24+$0x40] =	vst v8;
	v4 =	vmul.f32 v4, v2;
	v2 =	vand.u32 $0xFFFFFFFD, v9  }
0xb5: {  	[tilespmem:s24+$0x20] =	vst v7;
	v2 =	vbroadcast v2, $0x0  }
0xb6: {  	[tilespmem:s24+$0x50] =	vst v3  }
0xb7: {  	[tilespmem:s24+$0x70] =	vst v1;
	v1 =	vld [tilespmem:s24+$0xA0]  }
0xb8: {  	[tilespmem:s24+$0x30] =	vst v6;
	v3 =	vld [tilespmem:s24+$0x80]  }
0xb9: {  	[tilespmem:s24+$0x60] =	vst v4;
	v4 =	vld [tilespmem:s24+$0xD0]  }
0xba: {  	[tilespmem:s24+$0x10] =	vst v5;
	v5 =	vld [tilespmem:s24+$0xF0]  }
0xbb: {  	v2 =	vld.idx.msk [tilespmem:v2+s15+$0x0], $0xffff  }
0xbc: {  	v6 =	vld [tilespmem:s24+$0xC0]  }
0xbd: {  	v7 =	vld [tilespmem:s24+$0xB0]  }
0xbe: {  	v8 =	vld [tilespmem:s24+$0x90]  }
0xbf: {  	v9 =	vld [tilespmem:s24+$0xE0];
	_ =	sdelay $0x1  }
0xc0: {  	v3 =	vmul.f32 v3, v2;
	v6 =	vmul.f32 v6, v2  }
0xc1: {  	s29 =	sadd.s32 $0x6, s25;
	v1 =	vmul.f32 v1, v2;
	v7 =	vmul.f32 v7, v2  }
0xc2: {  	v4 =	vmul.f32 v4, v2;
	[tilespmem:s24+$0x80] =	vst v3;
	v3 =	vmul.f32 v8, v2;
	v8 =	vmov s29  }
0xc3: {  	[tilespmem:s24+$0xA0] =	vst v1;
	v1 =	vmul.f32 v9, v2;
	v2 =	vmul.f32 v5, v2;
	v5 =	vand.u32 $0xFFFFFFFE, v8  }
0xc4: {  	[tilespmem:s24+$0xD0] =	vst v4;
	v4 =	vbroadcast v5, $0x0  }
0xc5: {  	[tilespmem:s24+$0xC0] =	vst v6  }
0xc6: {  	[tilespmem:s24+$0xF0] =	vst v2;
	v2 =	vld [tilespmem:s24+$0x120]  }
0xc7: {  	[tilespmem:s24+$0xB0] =	vst v7;
	v5 =	vld [tilespmem:s24+$0x100]  }
0xc8: {  	[tilespmem:s24+$0x90] =	vst v3;
	v3 =	vld [tilespmem:s24+$0x140]  }
0xc9: {  	[tilespmem:s24+$0xE0] =	vst v1;
	v1 =	vld [tilespmem:s24+$0x130]  }
0xca: {  	v4 =	vld.idx.msk [tilespmem:v4+s15+$0x0], $0xffff  }
0xcb: {  	v6 =	vld [tilespmem:s24+$0x110]  }
0xcc: {  	v7 =	vld [tilespmem:s24+$0x160]  }
0xcd: {  	v8 =	vld [tilespmem:s24+$0x150]  }
0xce: {  	v9 =	vld [tilespmem:s24+$0x170];
	_ =	sdelay $0x1  }
0xcf: {  	v5 =	vmul.f32 v5, v4;
	v6 =	vmul.f32 v6, v4  }
0xd0: {  	v2 =	vmul.f32 v2, v4;
	v1 =	vmul.f32 v1, v4  }
0xd1: {  	v3 =	vmul.f32 v3, v4;
	[tilespmem:s24+$0x100] =	vst v5;
	v5 =	vmul.f32 v8, v4  }
0xd2: {  	[tilespmem:s24+$0x120] =	vst v2;
	v2 =	vmul.f32 v7, v4;
	v4 =	vmul.f32 v9, v4  }
0xd3: {  	s29 =	sadd.s32 $0x7, s25;
	s25 =	smov.u32 s28;
	[tilespmem:s24+$0x130] =	vst v1  }
0xd4: {  	v1 =	vmov s29;
	[tilespmem:s24+$0x140] =	vst v3  }
0xd5: {  	[tilespmem:s24+$0x160] =	vst v2;
	v2 =	vld [tilespmem:s24+$0x180]  }
0xd6: {  	[tilespmem:s24+$0x110] =	vst v6;
	v3 =	vld [tilespmem:s24+$0x1D0]  }
0xd7: {  	[tilespmem:s24+$0x150] =	vst v5;
	v5 =	vld [tilespmem:s24+$0x190]  }
0xd8: {  	[tilespmem:s24+$0x170] =	vst v4;
	v4 =	vld [tilespmem:s24+$0x1F0]  }
0xd9: {  	v1 =	vld.idx.msk [tilespmem:v1+s15+$0x0], $0xffff  }
0xda: {  	v6 =	vld [tilespmem:s24+$0x1B0]  }
0xdb: {  	v7 =	vld [tilespmem:s24+$0x1A0]  }
0xdc: {  	v8 =	vld [tilespmem:s24+$0x1C0]  }
0xdd: {  	v9 =	vld [tilespmem:s24+$0x1E0];
	_ =	sdelay $0x1  }
0xde: {  	v2 =	vmul.f32 v2, v1;
	v5 =	vmul.f32 v5, v1  }
0xdf: {  	v6 =	vmul.f32 v6, v1;
	v7 =	vmul.f32 v7, v1  }
0xe0: {  	v10 =	vmov s25;
	v3 =	vmul.f32 v3, v1;
	[tilespmem:s24+$0x180] =	vst v2;
	v2 =	vmul.f32 v8, v1  }
0xe1: {  	v8 =	vand.u32 $0xFFFFFFF8, v10;
	[tilespmem:s24+$0x190] =	vst v5;
	v5 =	vmul.f32 v9, v1;
	v1 =	vmul.f32 v4, v1  }
0xe2: {  	v4 =	vbroadcast v8, $0x0;
	[tilespmem:s24+$0x1D0] =	vst v3  }
0xe3: {  	[tilespmem:s24+$0x1A0] =	vst v7  }
0xe4: {  	v3 =	vld [tilespmem:s23+$0xFFFFFE50];
	[tilespmem:s24+$0x1F0] =	vst v1  }
0xe5: {  	v1 =	vld [tilespmem:s23+$0xFFFFFE30];
	[tilespmem:s24+$0x1B0] =	vst v6  }
0xe6: {  	v6 =	vld [tilespmem:s23+$0xFFFFFE60];
	[tilespmem:s24+$0x1E0] =	vst v5  }
0xe7: {  	v5 =	vld [tilespmem:s23+$0xFFFFFE70];
	[tilespmem:s24+$0x1C0] =	vst v2;
	s24 =	smov.u32 s23  }
0xe8: {  	v2 =	vld.idx.msk [tilespmem:v4+s15+$0x0], $0xffff  }
0xe9: {  	v4 =	vld [tilespmem:s23+$0xFFFFFE00]  }
0xea: {  	v7 =	vld [tilespmem:s23+$0xFFFFFE20]  }
0xeb: {  	v8 =	vld [tilespmem:s23+$0xFFFFFE10]  }
0xec: {  	v9 =	vld [tilespmem:s23+$0xFFFFFE40];
	_ =	sdelay $0x1  }
0xed: {  	v5 =	vmul.f32 v5, v2;
	v4 =	vmul.f32 v4, v2  }
0xee: {  	s28 =	sadd.s32 $0x1, s25;
	v6 =	vmul.f32 v6, v2;
	v7 =	vmul.f32 v7, v2  }
0xef: {  	v1 =	vmul.f32 v1, v2;
	v8 =	vmul.f32 v8, v2;
	[tilespmem:s23+$0xFFFFFE70] =	vst v5;
	v5 =	vmov s28  }
0xf0: {  	[tilespmem:s23+$0xFFFFFE00] =	vst v4;
	v4 =	vmul.f32 v9, v2;
	v2 =	vmul.f32 v3, v2;
	v3 =	vand.u32 $0xFFFFFFF9, v5  }
0xf1: {  	[tilespmem:s23+$0xFFFFFE20] =	vst v7;
	v3 =	vbroadcast v3, $0x0  }
0xf2: {  	[tilespmem:s23+$0xFFFFFE30] =	vst v1  }
0xf3: {  	[tilespmem:s23+$0xFFFFFE50] =	vst v2;
	v1 =	vld [tilespmem:s23+$0xFFFFFEF0]  }
0xf4: {  	[tilespmem:s23+$0xFFFFFE10] =	vst v8;
	v2 =	vld [tilespmem:s23+$0xFFFFFED0]  }
0xf5: {  	[tilespmem:s23+$0xFFFFFE60] =	vst v6;
	v5 =	vld [tilespmem:s23+$0xFFFFFEB0]  }
0xf6: {  	[tilespmem:s23+$0xFFFFFE40] =	vst v4;
	v4 =	vld [tilespmem:s23+$0xFFFFFEC0]  }
0xf7: {  	v3 =	vld.idx.msk [tilespmem:v3+s15+$0x0], $0xffff  }
0xf8: {  	v6 =	vld [tilespmem:s23+$0xFFFFFE90]  }
0xf9: {  	v7 =	vld [tilespmem:s23+$0xFFFFFE80]  }
0xfa: {  	v8 =	vld [tilespmem:s23+$0xFFFFFEA0]  }
0xfb: {  	v9 =	vld [tilespmem:s23+$0xFFFFFEE0];
	_ =	sdelay $0x1  }
0xfc: {  	v4 =	vmul.f32 v4, v3;
	v6 =	vmul.f32 v6, v3  }
0xfd: {  	s28 =	sadd.s32 $0x2, s25;
	v5 =	vmul.f32 v5, v3;
	v7 =	vmul.f32 v7, v3  }
0xfe: {  	v2 =	vmul.f32 v2, v3;
	[tilespmem:s23+$0xFFFFFE90] =	vst v6;
	v6 =	vmul.f32 v8, v3;
	v8 =	vmov s28  }
0xff: {  	v1 =	vmul.f32 v1, v3;
	[tilespmem:s23+$0xFFFFFEC0] =	vst v4;
	v4 =	vmul.f32 v9, v3;
	v3 =	vand.u32 $0xFFFFFFFA, v8  }
0x100: {  	[tilespmem:s23+$0xFFFFFE80] =	vst v7;
	v3 =	vbroadcast v3, $0x0  }
0x101: {  	[tilespmem:s23+$0xFFFFFED0] =	vst v2  }
0x102: {  	[tilespmem:s23+$0xFFFFFEE0] =	vst v4;
	v2 =	vld [tilespmem:s23+$0xFFFFFF70]  }
0x103: {  	[tilespmem:s23+$0xFFFFFEB0] =	vst v5;
	v4 =	vld [tilespmem:s23+$0xFFFFFF50]  }
0x104: {  	[tilespmem:s23+$0xFFFFFEF0] =	vst v1;
	v1 =	vld [tilespmem:s23+$0xFFFFFF20]  }
0x105: {  	[tilespmem:s23+$0xFFFFFEA0] =	vst v6;
	v5 =	vld [tilespmem:s23+$0xFFFFFF60]  }
0x106: {  	v3 =	vld.idx.msk [tilespmem:v3+s15+$0x0], $0xffff  }
0x107: {  	v6 =	vld [tilespmem:s23+$0xFFFFFF00]  }
0x108: {  	v7 =	vld [tilespmem:s23+$0xFFFFFF10]  }
0x109: {  	v8 =	vld [tilespmem:s23+$0xFFFFFF40]  }
0x10a: {  	v9 =	vld [tilespmem:s23+$0xFFFFFF30];
	_ =	sdelay $0x1  }
0x10b: {  	v5 =	vmul.f32 v5, v3;
	v6 =	vmul.f32 v6, v3  }
0x10c: {  	s28 =	sadd.s32 $0x3, s25;
	v1 =	vmul.f32 v1, v3;
	v7 =	vmul.f32 v7, v3  }
0x10d: {  	v4 =	vmul.f32 v4, v3;
	[tilespmem:s23+$0xFFFFFF00] =	vst v6;
	v6 =	vmul.f32 v8, v3;
	v8 =	vmov s28  }
0x10e: {  	v2 =	vmul.f32 v2, v3;
	v9 =	vmul.f32 v9, v3;
	[tilespmem:s23+$0xFFFFFF60] =	vst v5;
	v3 =	vand.u32 $0xFFFFFFFB, v8  }
0x10f: {  	[tilespmem:s23+$0xFFFFFF10] =	vst v7;
	v3 =	vbroadcast v3, $0x0  }
0x110: {  	[tilespmem:s23+$0xFFFFFF50] =	vst v4  }
0x111: {  	[tilespmem:s23+$0xFFFFFF70] =	vst v2;
	v2 =	vld [tilespmem:s23+$0xFFFFFFF0]  }
0x112: {  	[tilespmem:s23+$0xFFFFFF20] =	vst v1;
	v1 =	vld [tilespmem:s23+$0xFFFFFFD0]  }
0x113: {  	[tilespmem:s23+$0xFFFFFF30] =	vst v9;
	v4 =	vld [tilespmem:s23+$0xFFFFFF90]  }
0x114: {  	[tilespmem:s23+$0xFFFFFF40] =	vst v6;
	v5 =	vld [tilespmem:s23+$0xFFFFFFE0]  }
0x115: {  	v3 =	vld.idx.msk [tilespmem:v3+s15+$0x0], $0xffff  }
0x116: {  	v6 =	vld [tilespmem:s23+$0xFFFFFFB0]  }
0x117: {  	v7 =	vld [tilespmem:s23+$0xFFFFFF80]  }
0x118: {  	v8 =	vld [tilespmem:s23+$0xFFFFFFC0]  }
0x119: {  	v9 =	vld [tilespmem:s23+$0xFFFFFFA0];
	_ =	sdelay $0x1  }
0x11a: {  	v5 =	vmul.f32 v5, v3;
	v6 =	vmul.f32 v6, v3  }
0x11b: {  	s28 =	sadd.s32 $0x4, s25;
	v4 =	vmul.f32 v4, v3;
	v7 =	vmul.f32 v7, v3  }
0x11c: {  	v1 =	vmul.f32 v1, v3;
	[tilespmem:s23+$0xFFFFFFB0] =	vst v6;
	v6 =	vmul.f32 v8, v3;
	v8 =	vmov s28  }
0x11d: {  	v2 =	vmul.f32 v2, v3;
	v9 =	vmul.f32 v9, v3;
	[tilespmem:s23+$0xFFFFFFE0] =	vst v5;
	v3 =	vand.u32 $0xFFFFFFFC, v8  }
0x11e: {  	[tilespmem:s23+$0xFFFFFF80] =	vst v7;
	v5 =	vbroadcast v3, $0x0  }
0x11f: {  	[tilespmem:s23+$0xFFFFFFD0] =	vst v1  }
0x120: {  	[tilespmem:s23+$0xFFFFFFF0] =	vst v2;
	v8 =	vld [tilespmem:s23+$0x0]  }
0x121: {  	[tilespmem:s23+$0xFFFFFFA0] =	vst v9;
	v1 =	vld [tilespmem:s23+$0x70]  }
0x122: {  	[tilespmem:s23+$0xFFFFFF90] =	vst v4;
	v3 =	vld [tilespmem:s23+$0x50]  }
0x123: {  	[tilespmem:s23+$0xFFFFFFC0] =	vst v6;
	v7 =	vld [tilespmem:s23+$0x20]  }
0x124: {  	v2 =	vld.idx.msk [tilespmem:v5+s15+$0x0], $0xffff  }
0x125: {  	v10 =	vld [tilespmem:s23+$0x40]  }
.Ltmp1:
0x126: {  	v6 =	vld [tilespmem:s23+$0x30];
	(pc) =	sbr.rel @p0 .LBB2_5-.Ltmp1, $3  }
0x127: {  	v5 =	vld [tilespmem:s23+$0x10]  }
0x128: {  	v4 =	vld [tilespmem:s23+$0x60];
	_ =	sdelay $0x1  }
0x129: {  	v9 =	vmul.f32 v8, v2;
	v8 =	vmul.f32 v10, v2  }
0x12a: {  	s23 =	sadd.s32 $0x5, s25  }
0x12b: {  	v7 =	vmul.f32 v7, v2;
	[tilespmem:s24+$0x0] =	vst v9;
	v37 =	vmov s23  }
0x12c: {  	v3 =	vmul.f32 v3, v2;
	[tilespmem:s24+$0x40] =	vst v8;
	v38 =	vand.u32 $0xFFFFFFFD, v37  }
0x12d: {  	v1 =	vmul.f32 v1, v2;
	[tilespmem:s24+$0x20] =	vst v7;
	v39 =	vbroadcast v38, $0x0  }
0x12e: {  	v6 =	vmul.f32 v6, v2;
	[tilespmem:s24+$0x50] =	vst v3  }
0x12f: {  	v3 =	vmul.f32 v4, v2;
	[tilespmem:s24+$0x70] =	vst v1  }
0x130: {  	v1 =	vmul.f32 v5, v2;
	[tilespmem:s24+$0x30] =	vst v6  }
0x131: {  	[tilespmem:s24+$0x60] =	vst v3  }
0x132: {  	v2 =	vld [tilespmem:s24+$0x80];
	[tilespmem:s24+$0x10] =	vst v1  }
0x133: {  	v1 =	vld.idx.msk [tilespmem:v39+s15+$0x0], $0xffff  }
0x134: {  	v3 =	vld [tilespmem:s24+$0xA0]  }
0x135: {  	v40 =	vld [tilespmem:s24+$0xD0]  }
0x136: {  	v41 =	vld [tilespmem:s24+$0xC0]  }
0x137: {  	v42 =	vld [tilespmem:s24+$0xF0]  }
0x138: {  	v44 =	vld [tilespmem:s24+$0x90];
	v2 =	vmul.f32 v2, v1  }
0x139: {  	v43 =	vld [tilespmem:s24+$0xB0];
	s30 =	sadd.s32 $0x6, s25;
	v3 =	vmul.f32 v3, v1  }
0x13a: {  	v45 =	vld [tilespmem:s24+$0xE0];
	v46 =	vmov s30;
	[tilespmem:s24+$0x80] =	vst v2;
	v2 =	vmul.f32 v40, v1  }
0x13b: {  	v5 =	vmul.f32 v41, v1;
	[tilespmem:s24+$0xA0] =	vst v3;
	v3 =	vand.u32 $0xFFFFFFFE, v46  }
0x13c: {  	v47 =	vmul.f32 v42, v1;
	[tilespmem:s24+$0xD0] =	vst v2;
	v2 =	vbroadcast v3, $0x0  }
0x13d: {  	v48 =	vmul.f32 v44, v1;
	[tilespmem:s24+$0xC0] =	vst v5  }
0x13e: {  	[tilespmem:s24+$0xF0] =	vst v47;
	v3 =	vmul.f32 v43, v1  }
0x13f: {  	[tilespmem:s24+$0x90] =	vst v48;
	v1 =	vmul.f32 v45, v1  }
0x140: {  	[tilespmem:s24+$0xB0] =	vst v3  }
0x141: {  	v3 =	vld [tilespmem:s24+$0x100];
	[tilespmem:s24+$0xE0] =	vst v1  }
0x142: {  	v1 =	vld.idx.msk [tilespmem:v2+s15+$0x0], $0xffff  }
0x143: {  	v2 =	vld [tilespmem:s24+$0x120]  }
0x144: {  	v49 =	vld [tilespmem:s24+$0x130]  }
0x145: {  	v50 =	vld [tilespmem:s24+$0x140]  }
0x146: {  	v52 =	vld [tilespmem:s24+$0x110]  }
0x147: {  	v53 =	vld [tilespmem:s24+$0x150];
	v3 =	vmul.f32 v3, v1  }
0x148: {  	v51 =	vld [tilespmem:s24+$0x160];
	v2 =	vmul.f32 v2, v1  }
0x149: {  	v54 =	vld [tilespmem:s24+$0x170];
	v4 =	vmul.f32 v49, v1;
	[tilespmem:s24+$0x100] =	vst v3  }
0x14a: {  	v3 =	vmul.f32 v50, v1;
	[tilespmem:s24+$0x120] =	vst v2  }
0x14b: {  	s31 =	sadd.s32 $0x7, s25;
	v55 =	vmul.f32 v52, v1;
	[tilespmem:s24+$0x130] =	vst v4  }
0x14c: {  	v56 =	vmul.f32 v53, v1;
	[tilespmem:s24+$0x140] =	vst v3;
	v3 =	vmov s31  }
0x14d: {  	v2 =	vmul.f32 v51, v1;
	[tilespmem:s24+$0x110] =	vst v55  }
0x14e: {  	v1 =	vmul.f32 v54, v1;
	[tilespmem:s24+$0x150] =	vst v56  }
0x14f: {  	[tilespmem:s24+$0x160] =	vst v2  }
0x150: {  	v2 =	vld [tilespmem:s24+$0x180];
	[tilespmem:s24+$0x170] =	vst v1  }
0x151: {  	v1 =	vld.idx.msk [tilespmem:v3+s15+$0x0], $0xffff  }
0x152: {  	v57 =	vld [tilespmem:s24+$0x190]  }
0x153: {  	v59 =	vld [tilespmem:s24+$0x1F0]  }
0x154: {  	v3 =	vld [tilespmem:s24+$0x1D0]  }
0x155: {  	v58 =	vld [tilespmem:s24+$0x1A0]  }
0x156: {  	v60 =	vld [tilespmem:s24+$0x1B0];
	v2 =	vmul.f32 v2, v1  }
0x157: {  	v61 =	vld [tilespmem:s24+$0x1E0];
	v4 =	vmul.f32 v57, v1  }
0x158: {  	v62 =	vld [tilespmem:s24+$0x1C0];
	v63 =	vmul.f32 v59, v1;
	[tilespmem:s24+$0x180] =	vst v2  }
0x159: {  	v2 =	vmul.f32 v3, v1;
	[tilespmem:s24+$0x190] =	vst v4  }
0x15a: {  	v3 =	vmul.f32 v58, v1;
	[tilespmem:s24+$0x1F0] =	vst v63  }
0x15b: {  	[tilespmem:s24+$0x1D0] =	vst v2;
	v2 =	vmul.f32 v60, v1  }
0x15c: {  	[tilespmem:s24+$0x1A0] =	vst v3;
	v3 =	vmul.f32 v61, v1  }
0x15d: {  	s22 =	sadd.s32 $0x1, s22;
	v1 =	vmul.f32 v62, v1;
	[tilespmem:s24+$0x1B0] =	vst v2  }
0x15e: {  	p0 =	sne.s32 s22, $0x7D;
	[tilespmem:s24+$0x1E0] =	vst v3  }
.Ltmp2:
0x15f: {  	[tilespmem:s24+$0x1C0] =	vst v1;
	(pc) =	sbr.rel @p0 .LBB2_4-.Ltmp2, $4  }
0x160: {  	[spmem:s4] =	stream.indirect.scatter.add.f32 [tilespmem:s17], [sflag:$0x2], $0x80, s14, s16, $0xb8;
	[tilespmem:$0x16980] =	vst v63  }
0x161: {  	_ =	swait.ge [sflag:s13], $0x2800  }
0x162: {  	[sflag:s13] =	ssyncset.done $0x0  }
0x163: {  	[sflag:s13] =	ssyncadd.s32 $0xFFFFD800  }
0x164: {  	s5 =	sadd.s32 $0x1, s5  }
0x165: {  	p0 =	sne.s32 s5, s11  }
.Ltmp3:
0x166: {  	[bflag:$0x0] =	sbarrier.arrive $0xFFFF;
	(pc) =	sbr.rel @p0 .LBB2_1-.Ltmp3, $4  }
0x167: {  	[hbm:s10], [sflag:s19] =	dma.local [spmem:s20], $0x2780  }
0x168: {  	_ =	swait.ge [sflag:s13], $0x2780  }
0x169: {  	[sflag:s13] =	ssyncset.done $0x0  }
0x16a: {  	[sflag:s13] =	ssyncadd.s32 $0xFFFFD880  }
0x16b: {  	_ =	sfence.sel $0x180000  }
0x16c: {  	[bflag:$0x0] =	sbarrier.arrive $0xFFFF  }
0x16d: {  	p0 =	sne.s32 s2, $0x0;
	_ =	strace $0x9000004A  }
0x16e: {  	s0 =	sadd.s32 @!p0 $0x100000, s1;
	[bflag:$0x2] =	sbarrier.arrive $0xFFFF  }
0x16f: {  	[sflag:s0] =	ssyncadd.tile.s32 @!p0 $0x1;
	_ =	shalt  }
.Lfunc_end2:
_tile_overlayer_lowered:
.L_overlay_start_2:
0x170: {  	(tag) =	ssettag $0x2  }
0x171: {  	s0 =	rddreg [dreg:$0x0];
	s2 =	stileid.u32  }
0x172: {  	s1 =	rddreg [dreg:$0x1];
	p0 =	sne.s32 s2, $0x0  }
0x173: {  	s3 =	rddreg [dreg:$0x2];
	[bflag:$0x3] =	sbarrier.arrive $0xFFFF;
	s2 =	simm.s32 @!p0 $0x1C02  }
0x174: {  	[timem:s3], [sflag:s2] =	dma.local @!p0 [hbm:s0], s1  }
0x175: {  	s0 =	simm.s32 @!p0 $0x2  }
0x176: {  	_ =	swait.ge @!p0 [sflag:s0], s1  }
0x177: {  	s1 =	ssub.s32 @!p0 $0x0, s1;
	[sflag:s0] =	ssyncset.done @!p0 $0x0  }
0x178: {  	[sflag:s0] =	ssyncadd.s32 @!p0 s1  }
0x179: {  	[bflag:$0x3] =	sbarrier.arrive $0xFFFF  }
0x17a: {  	_ =	shalt  }

// kernel: kernel.14.cloned.1.call-start
scs
__scs_entry_jumppad:
0x0: {  	(pc) =	sbr.rel $0x88, $3  }
0x1: {  	(tag) =	ssettag $0x0;
	lr =	simm.s32 $0x1  }
0x2: {  	[smem:$0x3F9A] =	sst lr;
	_ =	strace $0xD0000000  }
0x3: {  	_ = 	snop  }
0x4: {  	_ = 	snop  }
0x5: {  	_ = 	snop  }
0x6: {  	_ = 	snop  }
0x7: {  	_ = 	snop  }
__scs_overlays_trampoline_lowered:
0x8: {  	[smem:$0x3FA9] =	sst s0  }
0x9: {  	[smem:$0x3FAA] =	sst s1  }
0xa: {  	[smem:$0x3FAB] =	sst s2  }
0xb: {  	[smem:$0x3FAC] =	sst s3  }
0xc: {  	[smem:$0x3FAD] =	sst s4  }
0xd: {  	[smem:$0x3FAE] =	sst s5  }
0xe: {  	[smem:$0x3FAF] =	sst s6  }
0xf: {  	[smem:$0x3FB0] =	sst s7  }
0x10: {  	[smem:$0x3FB1] =	sst s8  }
0x11: {  	[smem:$0x3FB2] =	sst s9;
	s0 =	simm.s32 @!p0 $0x0  }
0x12: {  	s1 =	sld [smem:$0x3F98];
	s0 =	simm.s32 @p0 $0x1  }
0x13: {  	[smem:$0x3FB3] =	sst s0;
	s0 =	simm.s32 @!p1 $0x0  }
0x14: {  	s2 =	sld [smem:$0x3F97];
	s0 =	simm.s32 @p1 $0x1  }
0x15: {  	[smem:$0x3FB4] =	sst s0;
	s0 =	simm.s32 @!p2 $0x0  }
0x16: {  	s3 =	sld [smem:$0x3FDB];
	s0 =	simm.s32 @p2 $0x1  }
0x17: {  	s4 =	simm.s32 $0x1BF5;
	[smem:$0x3FB6] =	sst s0  }
0x18: {  	s0 =	sld [smem:$0x3F99];
	_ =	swait.ge [sflag:s4], $0x0  }
0x19: {  	s7 =	sld [smem:$0x3F9A]  }
0x1a: {  	s8 =	sadd.s32 $0xFFFFE003, lr  }
0x1b: {  	s9 =	sadd.s32 $0xFFFFFEF7, lr;
	s5 =	simm.s32 $0xFFFFFFFF;
	p2 =	slt.u32 s8, $0xFFFFF086  }
0x1c: {  	p1 =	slt.u32 s9, $0xF7A;
	s5 =	simm.s32 @!p2 $0x0  }
0x1d: {  	s5 =	simm.s32 @p1 $0x1;
	p0 =	seq.s32 s7, s2  }
0x1e: {  	s7 =	smul.u32 @!p0 $0xF7A, s2;
	p2 =	seq.s32 @!p0 s5, $0x0  }
0x1f: {  	s9 =	smul.u32 $0xF7A, s1;
	s8 =	simm.s32 @!p0 $0x1BF5;
	p2 =	por !p2, p0  }
0x20: {  	[sflag:s8] =	ssyncset.s32 @!p0 $0xFFFFF086;
	s6 =	sadd.s32 @!p0 s3, s7;
	s7 =	simm.s32 @!p0 $0x108  }
0x21: {  	s3 =	sadd.s32 s3, s9;
	s6 =	sadd.s32 @!p0 $0x88, s6;
	s7 =	simm.s32 @p2 $0x1082  }
0x22: {  	[simem:s7], [sflag:s8] =	dma.local @!p0 [hbm:s6], $0xF7A  }
0x23: {  	s9 =	sor.u32 $0xD0000000, s2;
	s6 =	simm.s32 $0x108;
	_ =	swait.ge @!p0 [sflag:s8], $0x0  }
0x24: {  	s3 =	sadd.s32 $0x88, s3;
	s6 =	simm.s32 @!p1 $0x1082;
	[sflag:s4] =	ssyncset.s32 $0xFFFFF086  }
0x25: {  	[simem:s6], [sflag:s4] =	dma.local [hbm:s3], $0xF7A  }
0x26: {  	[smem:$0x3F9A] =	sst s1;
	(tag) =	ssettag s2;
	_ =	strace s9  }
0x27: {  	s1 =	sld [smem:$0x3FAA]  }
0x28: {  	s2 =	sld [smem:$0x3FAB]  }
0x29: {  	s4 =	sld [smem:$0x3FAD]  }
0x2a: {  	p0 =	seq.s32 s5, $0x0;
	s5 =	sld [smem:$0x3FAE]  }
0x2b: {  	s6 =	sld [smem:$0x3FAF]  }
0x2c: {  	s7 =	sld [smem:$0x3FB0]  }
0x2d: {  	s3 =	simm.s32 $0x108;
	s8 =	sld [smem:$0x3FB1]  }
0x2e: {  	s3 =	simm.s32 @!p0 $0x1082;
	s9 =	sld [smem:$0x3FB2]  }
0x2f: {  	lr =	sadd.s32 s0, s3;
	s0 =	sld [smem:$0x3FA9]  }
0x30: {  	s3 =	sld [smem:$0x3FAC]  }
0x31: {  	[smem:$0x3FB5] =	sst s10  }
0x32: {  	s10 =	sld [smem:$0x3FB3];
	_ =	sdelay $0x3  }
0x33: {  	p0 =	seq.s32 s10, $0x1;
	s10 =	sld [smem:$0x3FB5];
	_ =	sdelay $0x3  }
0x34: {  	[smem:$0x3FB5] =	sst s10  }
0x35: {  	s10 =	sld [smem:$0x3FB4];
	_ =	sdelay $0x3  }
0x36: {  	p1 =	seq.s32 s10, $0x1;
	s10 =	sld [smem:$0x3FB5];
	_ =	sdelay $0x3  }
0x37: {  	[smem:$0x3FB5] =	sst s10  }
0x38: {  	s10 =	sld [smem:$0x3FB6]  }
0x39: {  	_ = 	snop;
	(pc) =	sbr.ind lr, $3  }
0x3a: {  	_ = 	snop  }
0x3b: {  	_ = 	snop  }
0x3c: {  	p2 =	seq.s32 s10, $0x1;
	s10 =	sld [smem:$0x3FB5]  }
0x3d: {  	_ =	shalt  }
0x3e: {  	_ =	shalt  }
0x3f: {  	_ =	shalt  }
0x40: {  	_ =	shalt  }
0x41: {  	_ =	shalt  }
0x42: {  	_ =	shalt  }
0x43: {  	_ =	shalt  }
0x44: {  	_ =	shalt  }
0x45: {  	_ =	shalt  }
0x46: {  	_ =	shalt  }
0x47: {  	_ =	shalt  }
0x48: {  	_ =	shalt  }
0x49: {  	_ =	shalt  }
0x4a: {  	_ =	shalt  }
0x4b: {  	_ =	shalt  }
0x4c: {  	_ =	shalt  }
0x4d: {  	_ =	shalt  }
0x4e: {  	_ =	shalt  }
0x4f: {  	_ =	shalt  }
0x50: {  	_ =	shalt  }
0x51: {  	_ =	shalt  }
0x52: {  	_ =	shalt  }
0x53: {  	_ =	shalt  }
0x54: {  	_ =	shalt  }
0x55: {  	_ =	shalt  }
0x56: {  	_ =	shalt  }
0x57: {  	_ =	shalt  }
0x58: {  	_ =	shalt  }
0x59: {  	_ =	shalt  }
0x5a: {  	_ =	shalt  }
0x5b: {  	_ =	shalt  }
0x5c: {  	_ =	shalt  }
0x5d: {  	_ =	shalt  }
0x5e: {  	_ =	shalt  }
0x5f: {  	_ =	shalt  }
0x60: {  	_ =	shalt  }
0x61: {  	_ =	shalt  }
0x62: {  	_ =	shalt  }
0x63: {  	_ =	shalt  }
0x64: {  	_ =	shalt  }
0x65: {  	_ =	shalt  }
0x66: {  	_ =	shalt  }
0x67: {  	_ =	shalt  }
0x68: {  	_ =	shalt  }
0x69: {  	_ =	shalt  }
0x6a: {  	_ =	shalt  }
0x6b: {  	_ =	shalt  }
0x6c: {  	_ =	shalt  }
0x6d: {  	_ =	shalt  }
0x6e: {  	_ =	shalt  }
0x6f: {  	_ =	shalt  }
0x70: {  	_ =	shalt  }
0x71: {  	_ =	shalt  }
0x72: {  	_ =	shalt  }
0x73: {  	_ =	shalt  }
0x74: {  	_ =	shalt  }
0x75: {  	_ =	shalt  }
0x76: {  	_ =	shalt  }
0x77: {  	_ =	shalt  }
0x78: {  	_ =	shalt  }
0x79: {  	_ =	shalt  }
0x7a: {  	_ =	shalt  }
0x7b: {  	_ =	shalt  }
0x7c: {  	_ =	shalt  }
0x7d: {  	_ =	shalt  }
0x7e: {  	_ =	shalt  }
0x7f: {  	_ =	shalt  }
0x80: {  	_ =	shalt  }
0x81: {  	_ =	shalt  }
0x82: {  	_ =	shalt  }
0x83: {  	_ =	shalt  }
0x84: {  	_ =	shalt  }
0x85: {  	_ =	shalt  }
0x86: {  	_ =	shalt  }
0x87: {  	_ =	shalt  }
.Lfunc_end0:
.L_simem_size_0:
called_computation.2_lowered:
.L_overlay_start_0:
0x88: {  	s2 =	sld [smem:$0x3FD9]  }
0x89: {  	s3 =	sld [smem:$0x3FFE];
	_ =	sdelay $0x1  }
0x8a: {  	s1 =	srdreg.scid  }
0x8b: {  	s0 =	sand.u32 $0x1, s1  }
0x8c: {  	s17 =	sshll.u32 s0, $0xA;
	s2 =	sadd.s32 s3, s2  }
0x8d: {  	s2 =	sadd.s32 s2, s17  }
0x8e: {  	[smem:$0x3FC1] =	sst s2  }
0x8f: {  	_ = 	snop  }
0x90: {  	s2 =	sld [smem:$0x3FC7]  }
0x91: {  	s18 =	sld [smem:$0x3FD0];
	(tm) =	ssettm $0x1  }
0x92: {  	s4 =	sld [smem:$0x3FFB];
	_ =	sdelay $0x3  }
0x93: {  	_ =	strace s4  }
0x94: {  	s4 =	sld [smem:$0x3FFC];
	_ =	sdelay $0x3  }
0x95: {  	_ =	strace s4  }
0x96: {  	s4 =	sld [smem:$0x3FFD];
	_ =	sdelay $0x3  }
0x97: {  	_ =	strace s4  }
0x98: {  	_ =	strace $0x8FFFFFFF  }
0x99: {  	s19 =	sld [smem:$0x3FDB];
	_ =	sdelay $0x1  }
0x9a: {  	s5 =	simm.s32 $_scs_section_size  }
0x9b: {  	s6 =	simm.s32 $_size__tile_overlayer_lowered;
	s7 =	simm.s32 $_tile_overlayer_lowered  }
0x9c: {  	s22 =	simm.s32 $0x1BFF;
	s21 =	sshll.u32 s7, $0x1;
	s4 =	sadd.s32 s5, s19  }
0x9d: {  	s8 =	simm.s32 $0x0;
	s20 =	sshll.u32 s6, $0x1;
	s6 =	sadd.s32 s21, s4  }
0x9e: {  	[timem:s8], [sflag:s22] =	dma.local [hbm:s6], s20  }
0x9f: {  	_ =	swait.ge [sflag:s22], s20  }
0xa0: {  	s5 =	ssub.s32 $0x0, s20;
	[sflag:s22] =	ssyncset.done $0x0  }
0xa1: {  	[sflag:s22] =	ssyncadd.s32 s5;
	_ =	sdelay $0x1  }
0xa2: {  	s23 =	simm.s32 $0x1B8B  }
0xa3: {  	_ =	swait.ge [sflag:s23], $0x1  }
0xa4: {  	[sflag:s23] =	ssyncset.done $0x0  }
0xa5: {  	s25 =	simm.s32 $0x1B8E;
	s24 =	sld [smem:$0x3FFE];
	[sflag:s23] =	ssyncadd.s32 $0xFFFFFFFF  }
0xa6: {  	s26 =	simm.s32 $execute0_lowered;
	[smem:$0x3FD2] =	sst s25  }
0xa7: {  	s6 =	sshll.u32 s26, $0x1;
	_ =	strace $0x8000004C;
	[dreg:$0x1] =	wrdreg $0xFFFFFFFF  }
0xa8: {  	s28 =	simm.s32 $_size_execute0_lowered;
	s4 =	sadd.s32 s4, s6;
	[dreg:$0x0] =	wrdreg $0x0  }
0xa9: {  	s6 =	sshll.u32 s28, $0x1;
	[dreg:$0x2] =	wrdreg s4  }
0xaa: {  	[dreg:$0x3] =	wrdreg s6  }
0xab: {  	[dreg:$0x4] =	wrdreg $0xC0  }
0xac: {  	_ =	task [dreg:s8], $0x5FFFF  }
0xad: {  	[dreg:$0x1] =	wrdreg $0xFFFFFFFF  }
0xae: {  	[dreg:$0x0] =	wrdreg $0x60  }
0xaf: {  	[dreg:$0x2] =	wrdreg s24  }
0xb0: {  	[dreg:$0x3] =	wrdreg s2  }
0xb1: {  	[dreg:$0x4] =	wrdreg s18  }
0xb2: {  	[dreg:$0x5] =	wrdreg $0x2D800  }
0xb3: {  	[dreg:$0x6] =	wrdreg $0x9  }
0xb4: {  	_ =	task.clear_ibuf [dreg:s8], $0x7FFFF;
	_ =	strace $0x9000004C  }
0xb5: {  	s29 =	simm.s32 $0x9;
	_ =	strace $0x8000004E  }
0xb6: {  	_ =	swait.ge [sflag:s29], $0x1  }
0xb7: {  	[sflag:s29] =	ssyncadd.s32 $0xFFFFFFFF  }
0xb8: {  	_ =	strace $0x9000004E  }
0xb9: {  	_ =	sfence  }
0xba: {  	s30 =	sld [smem:$0x0];
	_ =	sdelay $0x2  }
0xbb: {  	s31 =	sshll.u32 s1, $0xD;
	s1 =	sshrl.u32 s1, $0x2  }
0xbc: {  	s3 =	sand.u32 $0x4000, s31;
	s1 =	sadd.s32 s1, s30  }
0xbd: {  	s0 =	sor.u32 s3, s0;
	s1 =	sshll.u32 s1, $0x11  }
0xbe: {  	s0 =	sor.u32 s1, s0  }
0xbf: {  	s0 =	sadd.s32 $0x8F2B, s0  }
0xc0: {  	[sflag:s0] =	ssyncadd.remote.s32 $0x1  }
0xc1: {  	_ =	sfence.sel $0xFFFF  }
0xc2: {  	[dreg:$0x0] =	wrdreg $0xFFFFFFFF;
	(pc) =	sbr.abs _section_cstart, $3  }
0xc3: {  	[dreg:$0x1] =	wrdreg $0xFFFFFFFF  }
0xc4: {  	_ =	task.clear_ibuf [dreg:s8], $0x2FFFF;
	_ =	strace $0x9FFFFFFF  }
0xc5: {  	(tm) =	ssettm $0x7FFFFFFF  }
tec
execute0_lowered:
.L_overlay_start_1:
0x0: {  	(tag) =	ssettag $0x1  }
0x1: {  	s8 =	rddreg [dreg:$0x0]  }
0x2: {  	s0 =	rddreg [dreg:$0x1]  }
0x3: {  	s3 =	rddreg [dreg:$0x2];
	s1 =	srdreg.scid  }
0x4: {  	s4 =	rddreg [dreg:$0x3];
	s2 =	stileid.u32  }
0x5: {  	s5 =	simm.s32 $0x0;
	s14 =	simm.s32 $0x80;
	s15 =	simm.s32 $0x100  }
0x6: {  	s16 =	simm.s32 $0x50;
	s17 =	simm.s32 $0x180;
	s18 =	simm.s32 $0x1  }
0x7: {  	s9 =	sand.u32 $0x1, s1;
	s1 =	rddreg [dreg:$0x4];
	s10 =	smul.u32 $0x13C00, s2  }
0x8: {  	[smem:$0x7FF] =	sst s5;
	s6 =	sadd.s32 $0xBC00, s8;
	s11 =	smul.u32 $0x4F000, s2  }
0x9: {  	s12 =	sshll.u32 s2, $0x1;
	s19 =	sshll.u32 s2, $0x6;
	s7 =	smul.u32 $0x13C000, s9  }
0xa: {  	_ =	strace $0x8000004D;
	s30 =	ssub.s32 $0x2, s9;
	s9 =	sor.u32 s9, s12  }
0xb: {  	s12 =	simm.s32 $0x2980;
	s19 =	sor.u32 $0x1C02, s19;
	s13 =	sshrl.u32 s30, $0x1  }
0xc: {  	s11 =	sshrl.u32 s11, $0x2;
	s9 =	smul.u32 $0x2710, s9;
	s10 =	sadd.s32 s10, s7  }
0xd: {  	s7 =	sadd.s32 $0x1E00, s8;
	s31 =	ssub.s32 s30, s13;
	s10 =	sshrl.u32 s10, $0x3  }
0xe: {  	s13 =	simm.s32 $0x2;
	s10 =	sadd.s32 s10, s8;
	s8 =	sadd.s32 s11, s4  }
0xf: {  	v0 =	vimm.f32 $0.0e+00;
	s11 =	smax.u32 s31, $0x1;
	s10 =	sadd.s32 $0x15A00, s10;
	s20 =	sshrl.u32 s8, $0x3  }
.LBB2_1:
0x10: {  	[tilespmem:$0x2980] =	vst v0  }
0x11: {  	[tilespmem:$0x2990] =	vst v0  }
0x12: {  	[tilespmem:$0x29A0] =	vst v0  }
0x13: {  	[tilespmem:$0x29B0] =	vst v0  }
0x14: {  	[tilespmem:$0x29C0] =	vst v0  }
0x15: {  	[tilespmem:$0x29D0] =	vst v0  }
0x16: {  	[tilespmem:$0x29E0] =	vst v0  }
0x17: {  	[tilespmem:$0x29F0] =	vst v0  }
0x18: {  	[tilespmem:$0x2A00] =	vst v0  }
0x19: {  	[tilespmem:$0x2A10] =	vst v0  }
0x1a: {  	[tilespmem:$0x2A20] =	vst v0  }
0x1b: {  	[tilespmem:$0x2A30] =	vst v0  }
0x1c: {  	[tilespmem:$0x2A40] =	vst v0  }
0x1d: {  	[tilespmem:$0x2A50] =	vst v0  }
0x1e: {  	[tilespmem:$0x2A60] =	vst v0  }
0x1f: {  	[tilespmem:$0x2A70] =	vst v0  }
0x20: {  	[tilespmem:$0x2A80] =	vst v0  }
0x21: {  	[tilespmem:$0x2A90] =	vst v0  }
0x22: {  	[tilespmem:$0x2AA0] =	vst v0  }
0x23: {  	[tilespmem:$0x2AB0] =	vst v0  }
0x24: {  	[tilespmem:$0x2AC0] =	vst v0  }
0x25: {  	[tilespmem:$0x2AD0] =	vst v0  }
0x26: {  	[tilespmem:$0x2AE0] =	vst v0  }
0x27: {  	[tilespmem:$0x2AF0] =	vst v0  }
0x28: {  	[tilespmem:$0x2B00] =	vst v0  }
0x29: {  	[tilespmem:$0x2B10] =	vst v0  }
0x2a: {  	[tilespmem:$0x2B20] =	vst v0  }
0x2b: {  	[tilespmem:$0x2B30] =	vst v0  }
0x2c: {  	[tilespmem:$0x2B40] =	vst v0  }
0x2d: {  	[tilespmem:$0x2B50] =	vst v0  }
0x2e: {  	[tilespmem:$0x2B60] =	vst v0  }
0x2f: {  	[tilespmem:$0x2B70] =	vst v0  }
0x30: {  	[tilespmem:$0x2B80] =	vst v0  }
0x31: {  	[tilespmem:$0x2B90] =	vst v0  }
0x32: {  	[tilespmem:$0x2BA0] =	vst v0  }
0x33: {  	[tilespmem:$0x2BB0] =	vst v0  }
0x34: {  	[tilespmem:$0x2BC0] =	vst v0  }
0x35: {  	[tilespmem:$0x2BD0] =	vst v0  }
0x36: {  	[tilespmem:$0x2BE0] =	vst v0  }
0x37: {  	[tilespmem:$0x2BF0] =	vst v0  }
0x38: {  	[tilespmem:$0x2C00] =	vst v0  }
0x39: {  	[tilespmem:$0x2C10] =	vst v0  }
0x3a: {  	[tilespmem:$0x2C20] =	vst v0  }
0x3b: {  	[tilespmem:$0x2C30] =	vst v0  }
0x3c: {  	[tilespmem:$0x2C40] =	vst v0  }
0x3d: {  	[tilespmem:$0x2C50] =	vst v0  }
0x3e: {  	[tilespmem:$0x2C60] =	vst v0  }
0x3f: {  	[tilespmem:$0x2C70] =	vst v0  }
0x40: {  	[tilespmem:$0x2C80] =	vst v0  }
0x41: {  	[tilespmem:$0x2C90] =	vst v0  }
0x42: {  	[tilespmem:$0x2CA0] =	vst v0  }
0x43: {  	[tilespmem:$0x2CB0] =	vst v0  }
0x44: {  	[tilespmem:$0x2CC0] =	vst v0  }
0x45: {  	[tilespmem:$0x2CD0] =	vst v0  }
0x46: {  	[tilespmem:$0x2CE0] =	vst v0  }
0x47: {  	[tilespmem:$0x2CF0] =	vst v0  }
0x48: {  	[tilespmem:$0x2D00] =	vst v0  }
0x49: {  	[tilespmem:$0x2D10] =	vst v0  }
0x4a: {  	[tilespmem:$0x2D20] =	vst v0  }
0x4b: {  	[tilespmem:$0x2D30] =	vst v0  }
0x4c: {  	[tilespmem:$0x2D40] =	vst v0  }
0x4d: {  	[tilespmem:$0x2D50] =	vst v0  }
0x4e: {  	[tilespmem:$0x2D60] =	vst v0  }
0x4f: {  	[tilespmem:$0x2D70] =	vst v0;
	s21 =	sadd.s32 $0x0, s8  }
0x50: {  	[spmem:s21] =	stream.linear.scatter [tilespmem:s12], [sflag:$0x2], $0x400, $0x38;
	[tilespmem:$0x16980] =	vst v63  }
0x51: {  	s21 =	simm.s32 $0x1000;
	_ =	swait.ge [sflag:s13], $0x400  }
.LBB2_2:
0x52: {  	s22 =	sshra.s32 s21, $0x2;
	[sflag:s13] =	ssyncset.done $0x0;
	p0 =	sne.s32 s21, $0x4E000  }
.Ltmp0:
0x53: {  	s22 =	sadd.s32 s22, s8;
	[sflag:s13] =	ssyncadd.s32 $0xFFFFFC00;
	(pc) =	sbr.rel @p0 .LBB2_2-.Ltmp0, $3  }
0x54: {  	[spmem:s22] =	stream.linear.scatter [tilespmem:s12], [sflag:$0x2], $0x400, $0x38;
	[tilespmem:$0x16980] =	vst v63  }
0x55: {  	s21 =	sadd.s32 $0x1000, s21;
	_ =	sdelay $0x1  }
0x56: {  	_ =	swait.ge [sflag:s13], $0x400  }
0x57: {  	[sflag:s13] =	ssyncset.done $0x0  }
0x58: {  	[sflag:s13] =	ssyncadd.s32 $0xFFFFFC00  }
0x59: {  	s21 =	simm.s32 $0x0;
	s22 =	simm.s32 $0x0;
	[bflag:$0x0] =	sbarrier.arrive $0xFFFF  }
.LBB2_4:
0x5a: {  	s23 =	smul.u32 $0x50, s22;
	_ =	sdelay $0x1  }
0x5b: {  	s23 =	sadd.s32 s9, s23  }
0x5c: {  	s23 =	sshrl.u32 s23, $0x3  }
0x5d: {  	s24 =	sadd.s32 s6, s23  }
0x5e: {  	[tilespmem:s21], [sflag:$0x2] =	stream.linear.gather [hbm4b:s24+s21], $0x50, $0x38;
	[tilespmem:$0x16980] =	vst v63  }
0x5f: {  	_ =	swait.ge [sflag:s13], $0x50  }
0x60: {  	[sflag:s13] =	ssyncset.done $0x0  }
0x61: {  	s26 =	sadd.s32 s7, s23;
	[sflag:s13] =	ssyncadd.s32 $0xFFFFFFB0  }
0x62: {  	[tilespmem:s14], [sflag:$0x2] =	stream.linear.gather [hbm4b:s26+s21], $0x50, $0x38;
	[tilespmem:$0x16980] =	vst v63  }
0x63: {  	_ =	swait.ge [sflag:s13], $0x50  }
0x64: {  	[sflag:s13] =	ssyncset.done $0x0  }
0x65: {  	s23 =	sadd.s32 s0, s23;
	[sflag:s13] =	ssyncadd.s32 $0xFFFFFFB0  }
0x66: {  	[tilespmem:s15], [sflag:$0x2] =	stream.linear.gather [hbm4b:s23+s21], $0x50, $0x38;
	[tilespmem:$0x16980] =	vst v63  }
0x67: {  	v1 =	vmov s21;
	_ =	swait.ge [sflag:s13], $0x50  }
0x68: {  	v1 =	vand.u32 $0xFFFFFFF8, v1;
	[sflag:s13] =	ssyncset.done $0x0  }
0x69: {  	v1 =	vbroadcast v1, $0x0;
	[sflag:s13] =	ssyncadd.s32 $0xFFFFFFB0  }
0x6a: {  	[tilespmem:s17], [sflag:$0x1] =	stream.indirect.gather [hbm4b:s3+s16], $0x80, s21, s16, $0xb8;
	[tilespmem:$0x16980] =	vst v63  }
0x6b: {  	_ =	swait.ge [sflag:s18], $0x2800  }
0x6c: {  	[sflag:s18] =	ssyncset.done $0x0  }
0x6d: {  	s23 =	simm.s32 $0x380;
	[sflag:s18] =	ssyncadd.s32 $0xFFFFD800  }
0x6e: {  	v3 =	vld [tilespmem:s23+$0xFFFFFE70]  }
0x6f: {  	v1 =	vld.idx.msk [tilespmem:v1+s15+$0x0], $0xffff  }
0x70: {  	v4 =	vld [tilespmem:s23+$0xFFFFFE00]  }
0x71: {  	v5 =	vld [tilespmem:s23+$0xFFFFFE20]  }
0x72: {  	v6 =	vld [tilespmem:s23+$0xFFFFFE30]  }
0x73: {  	v2 =	vld [tilespmem:s23+$0xFFFFFE50]  }
0x74: {  	v8 =	vld [tilespmem:s23+$0xFFFFFE10];
	v3 =	vmul.f32 v3, v1  }
0x75: {  	s28 =	simm.s32 $0x1;
	v7 =	vld [tilespmem:s23+$0xFFFFFE60];
	v4 =	vmul.f32 v4, v1  }
0x76: {  	v9 =	vld [tilespmem:s23+$0xFFFFFE40];
	v5 =	vmul.f32 v5, v1;
	[tilespmem:s23+$0xFFFFFE70] =	vst v3;
	v3 =	vmov s28  }
0x77: {  	v6 =	vmul.f32 v6, v1;
	[tilespmem:s23+$0xFFFFFE00] =	vst v4;
	v3 =	vand.u32 $0xFFFFFFF9, v3  }
0x78: {  	v2 =	vmul.f32 v2, v1;
	[tilespmem:s23+$0xFFFFFE20] =	vst v5;
	v3 =	vbroadcast v3, $0x0  }
0x79: {  	v4 =	vmul.f32 v8, v1;
	[tilespmem:s23+$0xFFFFFE30] =	vst v6  }
0x7a: {  	v5 =	vmul.f32 v7, v1;
	[tilespmem:s23+$0xFFFFFE50] =	vst v2  }
0x7b: {  	v1 =	vmul.f32 v9, v1;
	[tilespmem:s23+$0xFFFFFE10] =	vst v4  }
0x7c: {  	[tilespmem:s23+$0xFFFFFE60] =	vst v5  }
0x7d: {  	[tilespmem:s23+$0xFFFFFE40] =	vst v1  }
0x7e: {  	v1 =	vld.idx.msk [tilespmem:v3+s15+$0x0], $0xffff  }
0x7f: {  	v3 =	vld [tilespmem:s23+$0xFFFFFE90]  }
0x80: {  	v4 =	vld [tilespmem:s23+$0xFFFFFEC0]  }
0x81: {  	v5 =	vld [tilespmem:s23+$0xFFFFFE80]  }
0x82: {  	v6 =	vld [tilespmem:s23+$0xFFFFFED0]  }
0x83: {  	v2 =	vld [tilespmem:s23+$0xFFFFFEF0]  }
0x84: {  	v7 =	vld [tilespmem:s23+$0xFFFFFEE0];
	v3 =	vmul.f32 v3, v1  }
0x85: {  	s29 =	simm.s32 $0x2;
	v8 =	vld [tilespmem:s23+$0xFFFFFEB0];
	v4 =	vmul.f32 v4, v1  }
0x86: {  	v9 =	vld [tilespmem:s23+$0xFFFFFEA0];
	v5 =	vmul.f32 v5, v1;
	[tilespmem:s23+$0xFFFFFE90] =	vst v3;
	v3 =	vmov s29  }
0x87: {  	v6 =	vmul.f32 v6, v1;
	[tilespmem:s23+$0xFFFFFEC0] =	vst v4;
	v3 =	vand.u32 $0xFFFFFFFA, v3  }
0x88: {  	v2 =	vmul.f32 v2, v1;
	[tilespmem:s23+$0xFFFFFE80] =	vst v5;
	v3 =	vbroadcast v3, $0x0  }
0x89: {  	v4 =	vmul.f32 v7, v1;
	[tilespmem:s23+$0xFFFFFED0] =	vst v6  }
0x8a: {  	v5 =	vmul.f32 v8, v1;
	[tilespmem:s23+$0xFFFFFEF0] =	vst v2  }
0x8b: {  	v1 =	vmul.f32 v9, v1;
	[tilespmem:s23+$0xFFFFFEE0] =	vst v4  }
0x8c: {  	[tilespmem:s23+$0xFFFFFEB0] =	vst v5  }
0x8d: {  	v2 =	vld [tilespmem:s23+$0xFFFFFF00];
	[tilespmem:s23+$0xFFFFFEA0] =	vst v1  }
0x8e: {  	v1 =	vld.idx.msk [tilespmem:v3+s15+$0x0], $0xffff  }
0x8f: {  	v3 =	vld [tilespmem:s23+$0xFFFFFF60]  }
0x90: {  	v4 =	vld [tilespmem:s23+$0xFFFFFF10]  }
0x91: {  	v5 =	vld [tilespmem:s23+$0xFFFFFF50]  }
0x92: {  	v6 =	vld [tilespmem:s23+$0xFFFFFF70]  }
0x93: {  	v7 =	vld [tilespmem:s23+$0xFFFFFF20];
	v2 =	vmul.f32 v2, v1  }
0x94: {  	s30 =	simm.s32 $0x3;
	v8 =	vld [tilespmem:s23+$0xFFFFFF30];
	v3 =	vmul.f32 v3, v1  }
0x95: {  	v9 =	vld [tilespmem:s23+$0xFFFFFF40];
	v4 =	vmul.f32 v4, v1;
	[tilespmem:s23+$0xFFFFFF00] =	vst v2;
	v2 =	vmov s30  }
0x96: {  	v5 =	vmul.f32 v5, v1;
	[tilespmem:s23+$0xFFFFFF60] =	vst v3;
	v2 =	vand.u32 $0xFFFFFFFB, v2  }
0x97: {  	v3 =	vmul.f32 v6, v1;
	[tilespmem:s23+$0xFFFFFF10] =	vst v4;
	v2 =	vbroadcast v2, $0x0  }
0x98: {  	v4 =	vmul.f32 v7, v1;
	[tilespmem:s23+$0xFFFFFF50] =	vst v5  }
0x99: {  	v5 =	vmul.f32 v8, v1;
	[tilespmem:s23+$0xFFFFFF70] =	vst v3  }
0x9a: {  	v1 =	vmul.f32 v9, v1;
	[tilespmem:s23+$0xFFFFFF20] =	vst v4  }
0x9b: {  	[tilespmem:s23+$0xFFFFFF30] =	vst v5  }
0x9c: {  	[tilespmem:s23+$0xFFFFFF40] =	vst v1  }
0x9d: {  	v1 =	vld.idx.msk [tilespmem:v2+s15+$0x0], $0xffff  }
0x9e: {  	v2 =	vld [tilespmem:s23+$0xFFFFFFB0]  }
0x9f: {  	v4 =	vld [tilespmem:s23+$0xFFFFFFE0]  }
0xa0: {  	v5 =	vld [tilespmem:s23+$0xFFFFFF80]  }
0xa1: {  	v6 =	vld [tilespmem:s23+$0xFFFFFFD0]  }
0xa2: {  	v3 =	vld [tilespmem:s23+$0xFFFFFFF0]  }
0xa3: {  	v8 =	vld [tilespmem:s23+$0xFFFFFFA0];
	v2 =	vmul.f32 v2, v1  }
0xa4: {  	s31 =	simm.s32 $0x4;
	v7 =	vld [tilespmem:s23+$0xFFFFFF90];
	v4 =	vmul.f32 v4, v1  }
0xa5: {  	v9 =	vld [tilespmem:s23+$0xFFFFFFC0];
	v5 =	vmul.f32 v5, v1;
	[tilespmem:s23+$0xFFFFFFB0] =	vst v2;
	v2 =	vmov s31  }
0xa6: {  	v6 =	vmul.f32 v6, v1;
	[tilespmem:s23+$0xFFFFFFE0] =	vst v4;
	v2 =	vand.u32 $0xFFFFFFFC, v2  }
0xa7: {  	v3 =	vmul.f32 v3, v1;
	[tilespmem:s23+$0xFFFFFF80] =	vst v5;
	v2 =	vbroadcast v2, $0x0  }
0xa8: {  	v10 =	vld [tilespmem:s23+$0x40];
	v4 =	vmul.f32 v8, v1;
	[tilespmem:s23+$0xFFFFFFD0] =	vst v6  }
0xa9: {  	v5 =	vmul.f32 v7, v1;
	[tilespmem:s23+$0xFFFFFFF0] =	vst v3;
	v8 =	vld [tilespmem:s23+$0x0]  }
0xaa: {  	v3 =	vmul.f32 v9, v1;
	v1 =	vld [tilespmem:s23+$0x70];
	[tilespmem:s23+$0xFFFFFFA0] =	vst v4  }
0xab: {  	v7 =	vld [tilespmem:s23+$0x20];
	[tilespmem:s23+$0xFFFFFF90] =	vst v5  }
0xac: {  	v6 =	vld [tilespmem:s23+$0x30];
	[tilespmem:s23+$0xFFFFFFC0] =	vst v3  }
0xad: {  	v2 =	vld.idx.msk [tilespmem:v2+s15+$0x0], $0xffff  }
0xae: {  	v3 =	vld [tilespmem:s23+$0x50]  }
0xaf: {  	v5 =	vld [tilespmem:s23+$0x10]  }
0xb0: {  	v4 =	vld [tilespmem:s23+$0x60];
	_ =	sdelay $0x1  }
0xb1: {  	s25 =	simm.s32 $0x0;
	s24 =	simm.s32 $0x380;
	s26 =	simm.s32 $0x8;
	v9 =	vmul.f32 v8, v2;
	v8 =	vmul.f32 v10, v2  }
.LBB2_5:
0xb2: {  	p0 =	slt.u32 s26, $0x48;
	v7 =	vmul.f32 v7, v2;
	v6 =	vmul.f32 v6, v2;
	s28 =	sadd.s32 $0x5, s25;
	s23 =	sadd.s32 $0x400, s23  }
0xb3: {  	v3 =	vmul.f32 v3, v2;
	[tilespmem:s24+$0x0] =	vst v9;
	v5 =	vmul.f32 v5, v2;
	v9 =	vmov s28;
	s28 =	smov.u32 s26;
	s26 =	sadd.s32 $0x8, s26  }
0xb4: {  	v1 =	vmul.f32 v1, v2;
	[tilespmem:s24+$0x40] =	vst v8;
	v4 =	vmul.f32 v4, v2;
	v2 =	vand.u32 $0xFFFFFFFD, v9  }
0xb5: {  	[tilespmem:s24+$0x20] =	vst v7;
	v2 =	vbroadcast v2, $0x0  }
0xb6: {  	[tilespmem:s24+$0x50] =	vst v3  }
0xb7: {  	[tilespmem:s24+$0x70] =	vst v1;
	v1 =	vld [tilespmem:s24+$0xA0]  }
0xb8: {  	[tilespmem:s24+$0x30] =	vst v6;
	v3 =	vld [tilespmem:s24+$0x80]  }
0xb9: {  	[tilespmem:s24+$0x60] =	vst v4;
	v4 =	vld [tilespmem:s24+$0xD0]  }
0xba: {  	[tilespmem:s24+$0x10] =	vst v5;
	v5 =	vld [tilespmem:s24+$0xF0]  }
0xbb: {  	v2 =	vld.idx.msk [tilespmem:v2+s15+$0x0], $0xffff  }
0xbc: {  	v6 =	vld [tilespmem:s24+$0xC0]  }
0xbd: {  	v7 =	vld [tilespmem:s24+$0xB0]  }
0xbe: {  	v8 =	vld [tilespmem:s24+$0x90]  }
0xbf: {  	v9 =	vld [tilespmem:s24+$0xE0];
	_ =	sdelay $0x1  }
0xc0: {  	v3 =	vmul.f32 v3, v2;
	v6 =	vmul.f32 v6, v2  }
0xc1: {  	s29 =	sadd.s32 $0x6, s25;
	v1 =	vmul.f32 v1, v2;
	v7 =	vmul.f32 v7, v2  }
0xc2: {  	v4 =	vmul.f32 v4, v2;
	[tilespmem:s24+$0x80] =	vst v3;
	v3 =	vmul.f32 v8, v2;
	v8 =	vmov s29  }
0xc3: {  	[tilespmem:s24+$0xA0] =	vst v1;
	v1 =	vmul.f32 v9, v2;
	v2 =	vmul.f32 v5, v2;
	v5 =	vand.u32 $0xFFFFFFFE, v8  }
0xc4: {  	[tilespmem:s24+$0xD0] =	vst v4;
	v4 =	vbroadcast v5, $0x0  }
0xc5: {  	[tilespmem:s24+$0xC0] =	vst v6  }
0xc6: {  	[tilespmem:s24+$0xF0] =	vst v2;
	v2 =	vld [tilespmem:s24+$0x120]  }
0xc7: {  	[tilespmem:s24+$0xB0] =	vst v7;
	v5 =	vld [tilespmem:s24+$0x100]  }
0xc8: {  	[tilespmem:s24+$0x90] =	vst v3;
	v3 =	vld [tilespmem:s24+$0x140]  }
0xc9: {  	[tilespmem:s24+$0xE0] =	vst v1;
	v1 =	vld [tilespmem:s24+$0x130]  }
0xca: {  	v4 =	vld.idx.msk [tilespmem:v4+s15+$0x0], $0xffff  }
0xcb: {  	v6 =	vld [tilespmem:s24+$0x110]  }
0xcc: {  	v7 =	vld [tilespmem:s24+$0x160]  }
0xcd: {  	v8 =	vld [tilespmem:s24+$0x150]  }
0xce: {  	v9 =	vld [tilespmem:s24+$0x170];
	_ =	sdelay $0x1  }
0xcf: {  	v5 =	vmul.f32 v5, v4;
	v6 =	vmul.f32 v6, v4  }
0xd0: {  	v2 =	vmul.f32 v2, v4;
	v1 =	vmul.f32 v1, v4  }
0xd1: {  	v3 =	vmul.f32 v3, v4;
	[tilespmem:s24+$0x100] =	vst v5;
	v5 =	vmul.f32 v8, v4  }
0xd2: {  	[tilespmem:s24+$0x120] =	vst v2;
	v2 =	vmul.f32 v7, v4;
	v4 =	vmul.f32 v9, v4  }
0xd3: {  	s29 =	sadd.s32 $0x7, s25;
	s25 =	smov.u32 s28;
	[tilespmem:s24+$0x130] =	vst v1  }
0xd4: {  	v1 =	vmov s29;
	[tilespmem:s24+$0x140] =	vst v3  }
0xd5: {  	[tilespmem:s24+$0x160] =	vst v2;
	v2 =	vld [tilespmem:s24+$0x180]  }
0xd6: {  	[tilespmem:s24+$0x110] =	vst v6;
	v3 =	vld [tilespmem:s24+$0x1D0]  }
0xd7: {  	[tilespmem:s24+$0x150] =	vst v5;
	v5 =	vld [tilespmem:s24+$0x190]  }
0xd8: {  	[tilespmem:s24+$0x170] =	vst v4;
	v4 =	vld [tilespmem:s24+$0x1F0]  }
0xd9: {  	v1 =	vld.idx.msk [tilespmem:v1+s15+$0x0], $0xffff  }
0xda: {  	v6 =	vld [tilespmem:s24+$0x1B0]  }
0xdb: {  	v7 =	vld [tilespmem:s24+$0x1A0]  }
0xdc: {  	v8 =	vld [tilespmem:s24+$0x1C0]  }
0xdd: {  	v9 =	vld [tilespmem:s24+$0x1E0];
	_ =	sdelay $0x1  }
0xde: {  	v2 =	vmul.f32 v2, v1;
	v5 =	vmul.f32 v5, v1  }
0xdf: {  	v6 =	vmul.f32 v6, v1;
	v7 =	vmul.f32 v7, v1  }
0xe0: {  	v10 =	vmov s25;
	v3 =	vmul.f32 v3, v1;
	[tilespmem:s24+$0x180] =	vst v2;
	v2 =	vmul.f32 v8, v1  }
0xe1: {  	v8 =	vand.u32 $0xFFFFFFF8, v10;
	[tilespmem:s24+$0x190] =	vst v5;
	v5 =	vmul.f32 v9, v1;
	v1 =	vmul.f32 v4, v1  }
0xe2: {  	v4 =	vbroadcast v8, $0x0;
	[tilespmem:s24+$0x1D0] =	vst v3  }
0xe3: {  	[tilespmem:s24+$0x1A0] =	vst v7  }
0xe4: {  	v3 =	vld [tilespmem:s23+$0xFFFFFE50];
	[tilespmem:s24+$0x1F0] =	vst v1  }
0xe5: {  	v1 =	vld [tilespmem:s23+$0xFFFFFE30];
	[tilespmem:s24+$0x1B0] =	vst v6  }
0xe6: {  	v6 =	vld [tilespmem:s23+$0xFFFFFE60];
	[tilespmem:s24+$0x1E0] =	vst v5  }
0xe7: {  	v5 =	vld [tilespmem:s23+$0xFFFFFE70];
	[tilespmem:s24+$0x1C0] =	vst v2;
	s24 =	smov.u32 s23  }
0xe8: {  	v2 =	vld.idx.msk [tilespmem:v4+s15+$0x0], $0xffff  }
0xe9: {  	v4 =	vld [tilespmem:s23+$0xFFFFFE00]  }
0xea: {  	v7 =	vld [tilespmem:s23+$0xFFFFFE20]  }
0xeb: {  	v8 =	vld [tilespmem:s23+$0xFFFFFE10]  }
0xec: {  	v9 =	vld [tilespmem:s23+$0xFFFFFE40];
	_ =	sdelay $0x1  }
0xed: {  	v5 =	vmul.f32 v5, v2;
	v4 =	vmul.f32 v4, v2  }
0xee: {  	s28 =	sadd.s32 $0x1, s25;
	v6 =	vmul.f32 v6, v2;
	v7 =	vmul.f32 v7, v2  }
0xef: {  	v1 =	vmul.f32 v1, v2;
	v8 =	vmul.f32 v8, v2;
	[tilespmem:s23+$0xFFFFFE70] =	vst v5;
	v5 =	vmov s28  }
0xf0: {  	[tilespmem:s23+$0xFFFFFE00] =	vst v4;
	v4 =	vmul.f32 v9, v2;
	v2 =	vmul.f32 v3, v2;
	v3 =	vand.u32 $0xFFFFFFF9, v5  }
0xf1: {  	[tilespmem:s23+$0xFFFFFE20] =	vst v7;
	v3 =	vbroadcast v3, $0x0  }
0xf2: {  	[tilespmem:s23+$0xFFFFFE30] =	vst v1  }
0xf3: {  	[tilespmem:s23+$0xFFFFFE50] =	vst v2;
	v1 =	vld [tilespmem:s23+$0xFFFFFEF0]  }
0xf4: {  	[tilespmem:s23+$0xFFFFFE10] =	vst v8;
	v2 =	vld [tilespmem:s23+$0xFFFFFED0]  }
0xf5: {  	[tilespmem:s23+$0xFFFFFE60] =	vst v6;
	v5 =	vld [tilespmem:s23+$0xFFFFFEB0]  }
0xf6: {  	[tilespmem:s23+$0xFFFFFE40] =	vst v4;
	v4 =	vld [tilespmem:s23+$0xFFFFFEC0]  }
0xf7: {  	v3 =	vld.idx.msk [tilespmem:v3+s15+$0x0], $0xffff  }
0xf8: {  	v6 =	vld [tilespmem:s23+$0xFFFFFE90]  }
0xf9: {  	v7 =	vld [tilespmem:s23+$0xFFFFFE80]  }
0xfa: {  	v8 =	vld [tilespmem:s23+$0xFFFFFEA0]  }
0xfb: {  	v9 =	vld [tilespmem:s23+$0xFFFFFEE0];
	_ =	sdelay $0x1  }
0xfc: {  	v4 =	vmul.f32 v4, v3;
	v6 =	vmul.f32 v6, v3  }
0xfd: {  	s28 =	sadd.s32 $0x2, s25;
	v5 =	vmul.f32 v5, v3;
	v7 =	vmul.f32 v7, v3  }
0xfe: {  	v2 =	vmul.f32 v2, v3;
	[tilespmem:s23+$0xFFFFFE90] =	vst v6;
	v6 =	vmul.f32 v8, v3;
	v8 =	vmov s28  }
0xff: {  	v1 =	vmul.f32 v1, v3;
	[tilespmem:s23+$0xFFFFFEC0] =	vst v4;
	v4 =	vmul.f32 v9, v3;
	v3 =	vand.u32 $0xFFFFFFFA, v8  }
0x100: {  	[tilespmem:s23+$0xFFFFFE80] =	vst v7;
	v3 =	vbroadcast v3, $0x0  }
0x101: {  	[tilespmem:s23+$0xFFFFFED0] =	vst v2  }
0x102: {  	[tilespmem:s23+$0xFFFFFEE0] =	vst v4;
	v2 =	vld [tilespmem:s23+$0xFFFFFF70]  }
0x103: {  	[tilespmem:s23+$0xFFFFFEB0] =	vst v5;
	v4 =	vld [tilespmem:s23+$0xFFFFFF50]  }
0x104: {  	[tilespmem:s23+$0xFFFFFEF0] =	vst v1;
	v1 =	vld [tilespmem:s23+$0xFFFFFF20]  }
0x105: {  	[tilespmem:s23+$0xFFFFFEA0] =	vst v6;
	v5 =	vld [tilespmem:s23+$0xFFFFFF60]  }
0x106: {  	v3 =	vld.idx.msk [tilespmem:v3+s15+$0x0], $0xffff  }
0x107: {  	v6 =	vld [tilespmem:s23+$0xFFFFFF00]  }
0x108: {  	v7 =	vld [tilespmem:s23+$0xFFFFFF10]  }
0x109: {  	v8 =	vld [tilespmem:s23+$0xFFFFFF40]  }
0x10a: {  	v9 =	vld [tilespmem:s23+$0xFFFFFF30];
	_ =	sdelay $0x1  }
0x10b: {  	v5 =	vmul.f32 v5, v3;
	v6 =	vmul.f32 v6, v3  }
0x10c: {  	s28 =	sadd.s32 $0x3, s25;
	v1 =	vmul.f32 v1, v3;
	v7 =	vmul.f32 v7, v3  }
0x10d: {  	v4 =	vmul.f32 v4, v3;
	[tilespmem:s23+$0xFFFFFF00] =	vst v6;
	v6 =	vmul.f32 v8, v3;
	v8 =	vmov s28  }
0x10e: {  	v2 =	vmul.f32 v2, v3;
	v9 =	vmul.f32 v9, v3;
	[tilespmem:s23+$0xFFFFFF60] =	vst v5;
	v3 =	vand.u32 $0xFFFFFFFB, v8  }
0x10f: {  	[tilespmem:s23+$0xFFFFFF10] =	vst v7;
	v3 =	vbroadcast v3, $0x0  }
0x110: {  	[tilespmem:s23+$0xFFFFFF50] =	vst v4  }
0x111: {  	[tilespmem:s23+$0xFFFFFF70] =	vst v2;
	v2 =	vld [tilespmem:s23+$0xFFFFFFF0]  }
0x112: {  	[tilespmem:s23+$0xFFFFFF20] =	vst v1;
	v1 =	vld [tilespmem:s23+$0xFFFFFFD0]  }
0x113: {  	[tilespmem:s23+$0xFFFFFF30] =	vst v9;
	v4 =	vld [tilespmem:s23+$0xFFFFFF90]  }
0x114: {  	[tilespmem:s23+$0xFFFFFF40] =	vst v6;
	v5 =	vld [tilespmem:s23+$0xFFFFFFE0]  }
0x115: {  	v3 =	vld.idx.msk [tilespmem:v3+s15+$0x0], $0xffff  }
0x116: {  	v6 =	vld [tilespmem:s23+$0xFFFFFFB0]  }
0x117: {  	v7 =	vld [tilespmem:s23+$0xFFFFFF80]  }
0x118: {  	v8 =	vld [tilespmem:s23+$0xFFFFFFC0]  }
0x119: {  	v9 =	vld [tilespmem:s23+$0xFFFFFFA0];
	_ =	sdelay $0x1  }
0x11a: {  	v5 =	vmul.f32 v5, v3;
	v6 =	vmul.f32 v6, v3  }
0x11b: {  	s28 =	sadd.s32 $0x4, s25;
	v4 =	vmul.f32 v4, v3;
	v7 =	vmul.f32 v7, v3  }
0x11c: {  	v1 =	vmul.f32 v1, v3;
	[tilespmem:s23+$0xFFFFFFB0] =	vst v6;
	v6 =	vmul.f32 v8, v3;
	v8 =	vmov s28  }
0x11d: {  	v2 =	vmul.f32 v2, v3;
	v9 =	vmul.f32 v9, v3;
	[tilespmem:s23+$0xFFFFFFE0] =	vst v5;
	v3 =	vand.u32 $0xFFFFFFFC, v8  }
0x11e: {  	[tilespmem:s23+$0xFFFFFF80] =	vst v7;
	v5 =	vbroadcast v3, $0x0  }
0x11f: {  	[tilespmem:s23+$0xFFFFFFD0] =	vst v1  }
0x120: {  	[tilespmem:s23+$0xFFFFFFF0] =	vst v2;
	v8 =	vld [tilespmem:s23+$0x0]  }
0x121: {  	[tilespmem:s23+$0xFFFFFFA0] =	vst v9;
	v1 =	vld [tilespmem:s23+$0x70]  }
0x122: {  	[tilespmem:s23+$0xFFFFFF90] =	vst v4;
	v3 =	vld [tilespmem:s23+$0x50]  }
0x123: {  	[tilespmem:s23+$0xFFFFFFC0] =	vst v6;
	v7 =	vld [tilespmem:s23+$0x20]  }
0x124: {  	v2 =	vld.idx.msk [tilespmem:v5+s15+$0x0], $0xffff  }
0x125: {  	v10 =	vld [tilespmem:s23+$0x40]  }
.Ltmp1:
0x126: {  	v6 =	vld [tilespmem:s23+$0x30];
	(pc) =	sbr.rel @p0 .LBB2_5-.Ltmp1, $3  }
0x127: {  	v5 =	vld [tilespmem:s23+$0x10]  }
0x128: {  	v4 =	vld [tilespmem:s23+$0x60];
	_ =	sdelay $0x1  }
0x129: {  	v9 =	vmul.f32 v8, v2;
	v8 =	vmul.f32 v10, v2  }
0x12a: {  	s23 =	sadd.s32 $0x5, s25  }
0x12b: {  	v7 =	vmul.f32 v7, v2;
	[tilespmem:s24+$0x0] =	vst v9;
	v37 =	vmov s23  }
0x12c: {  	v3 =	vmul.f32 v3, v2;
	[tilespmem:s24+$0x40] =	vst v8;
	v38 =	vand.u32 $0xFFFFFFFD, v37  }
0x12d: {  	v1 =	vmul.f32 v1, v2;
	[tilespmem:s24+$0x20] =	vst v7;
	v39 =	vbroadcast v38, $0x0  }
0x12e: {  	v6 =	vmul.f32 v6, v2;
	[tilespmem:s24+$0x50] =	vst v3  }
0x12f: {  	v3 =	vmul.f32 v4, v2;
	[tilespmem:s24+$0x70] =	vst v1  }
0x130: {  	v1 =	vmul.f32 v5, v2;
	[tilespmem:s24+$0x30] =	vst v6  }
0x131: {  	[tilespmem:s24+$0x60] =	vst v3  }
0x132: {  	v2 =	vld [tilespmem:s24+$0x80];
	[tilespmem:s24+$0x10] =	vst v1  }
0x133: {  	v1 =	vld.idx.msk [tilespmem:v39+s15+$0x0], $0xffff  }
0x134: {  	v3 =	vld [tilespmem:s24+$0xA0]  }
0x135: {  	v40 =	vld [tilespmem:s24+$0xD0]  }
0x136: {  	v41 =	vld [tilespmem:s24+$0xC0]  }
0x137: {  	v42 =	vld [tilespmem:s24+$0xF0]  }
0x138: {  	v44 =	vld [tilespmem:s24+$0x90];
	v2 =	vmul.f32 v2, v1  }
0x139: {  	v43 =	vld [tilespmem:s24+$0xB0];
	s30 =	sadd.s32 $0x6, s25;
	v3 =	vmul.f32 v3, v1  }
0x13a: {  	v45 =	vld [tilespmem:s24+$0xE0];
	v46 =	vmov s30;
	[tilespmem:s24+$0x80] =	vst v2;
	v2 =	vmul.f32 v40, v1  }
0x13b: {  	v5 =	vmul.f32 v41, v1;
	[tilespmem:s24+$0xA0] =	vst v3;
	v3 =	vand.u32 $0xFFFFFFFE, v46  }
0x13c: {  	v47 =	vmul.f32 v42, v1;
	[tilespmem:s24+$0xD0] =	vst v2;
	v2 =	vbroadcast v3, $0x0  }
0x13d: {  	v48 =	vmul.f32 v44, v1;
	[tilespmem:s24+$0xC0] =	vst v5  }
0x13e: {  	[tilespmem:s24+$0xF0] =	vst v47;
	v3 =	vmul.f32 v43, v1  }
0x13f: {  	[tilespmem:s24+$0x90] =	vst v48;
	v1 =	vmul.f32 v45, v1  }
0x140: {  	[tilespmem:s24+$0xB0] =	vst v3  }
0x141: {  	v3 =	vld [tilespmem:s24+$0x100];
	[tilespmem:s24+$0xE0] =	vst v1  }
0x142: {  	v1 =	vld.idx.msk [tilespmem:v2+s15+$0x0], $0xffff  }
0x143: {  	v2 =	vld [tilespmem:s24+$0x120]  }
0x144: {  	v49 =	vld [tilespmem:s24+$0x130]  }
0x145: {  	v50 =	vld [tilespmem:s24+$0x140]  }
0x146: {  	v52 =	vld [tilespmem:s24+$0x110]  }
0x147: {  	v53 =	vld [tilespmem:s24+$0x150];
	v3 =	vmul.f32 v3, v1  }
0x148: {  	v51 =	vld [tilespmem:s24+$0x160];
	v2 =	vmul.f32 v2, v1  }
0x149: {  	v54 =	vld [tilespmem:s24+$0x170];
	v4 =	vmul.f32 v49, v1;
	[tilespmem:s24+$0x100] =	vst v3  }
0x14a: {  	v3 =	vmul.f32 v50, v1;
	[tilespmem:s24+$0x120] =	vst v2  }
0x14b: {  	s31 =	sadd.s32 $0x7, s25;
	v55 =	vmul.f32 v52, v1;
	[tilespmem:s24+$0x130] =	vst v4  }
0x14c: {  	v56 =	vmul.f32 v53, v1;
	[tilespmem:s24+$0x140] =	vst v3;
	v3 =	vmov s31  }
0x14d: {  	v2 =	vmul.f32 v51, v1;
	[tilespmem:s24+$0x110] =	vst v55  }
0x14e: {  	v1 =	vmul.f32 v54, v1;
	[tilespmem:s24+$0x150] =	vst v56  }
0x14f: {  	[tilespmem:s24+$0x160] =	vst v2  }
0x150: {  	v2 =	vld [tilespmem:s24+$0x180];
	[tilespmem:s24+$0x170] =	vst v1  }
0x151: {  	v1 =	vld.idx.msk [tilespmem:v3+s15+$0x0], $0xffff  }
0x152: {  	v57 =	vld [tilespmem:s24+$0x190]  }
0x153: {  	v59 =	vld [tilespmem:s24+$0x1F0]  }
0x154: {  	v3 =	vld [tilespmem:s24+$0x1D0]  }
0x155: {  	v58 =	vld [tilespmem:s24+$0x1A0]  }
0x156: {  	v60 =	vld [tilespmem:s24+$0x1B0];
	v2 =	vmul.f32 v2, v1  }
0x157: {  	v61 =	vld [tilespmem:s24+$0x1E0];
	v4 =	vmul.f32 v57, v1  }
0x158: {  	v62 =	vld [tilespmem:s24+$0x1C0];
	v63 =	vmul.f32 v59, v1;
	[tilespmem:s24+$0x180] =	vst v2  }
0x159: {  	v2 =	vmul.f32 v3, v1;
	[tilespmem:s24+$0x190] =	vst v4  }
0x15a: {  	v3 =	vmul.f32 v58, v1;
	[tilespmem:s24+$0x1F0] =	vst v63  }
0x15b: {  	[tilespmem:s24+$0x1D0] =	vst v2;
	v2 =	vmul.f32 v60, v1  }
0x15c: {  	[tilespmem:s24+$0x1A0] =	vst v3;
	v3 =	vmul.f32 v61, v1  }
0x15d: {  	s22 =	sadd.s32 $0x1, s22;
	v1 =	vmul.f32 v62, v1;
	[tilespmem:s24+$0x1B0] =	vst v2  }
0x15e: {  	p0 =	sne.s32 s22, $0x7D;
	[tilespmem:s24+$0x1E0] =	vst v3  }
.Ltmp2:
0x15f: {  	[tilespmem:s24+$0x1C0] =	vst v1;
	(pc) =	sbr.rel @p0 .LBB2_4-.Ltmp2, $4  }
0x160: {  	[spmem:s4] =	stream.indirect.scatter.add.f32 [tilespmem:s17], [sflag:$0x2], $0x80, s14, s16, $0xb8;
	[tilespmem:$0x16980] =	vst v63  }
0x161: {  	_ =	swait.ge [sflag:s13], $0x2800  }
0x162: {  	[sflag:s13] =	ssyncset.done $0x0  }
0x163: {  	[sflag:s13] =	ssyncadd.s32 $0xFFFFD800  }
0x164: {  	s5 =	sadd.s32 $0x1, s5  }
0x165: {  	p0 =	sne.s32 s5, s11  }
.Ltmp3:
0x166: {  	[bflag:$0x0] =	sbarrier.arrive $0xFFFF;
	(pc) =	sbr.rel @p0 .LBB2_1-.Ltmp3, $4  }
0x167: {  	[hbm:s10], [sflag:s19] =	dma.local [spmem:s20], $0x2780  }
0x168: {  	_ =	swait.ge [sflag:s13], $0x2780  }
0x169: {  	[sflag:s13] =	ssyncset.done $0x0  }
0x16a: {  	[sflag:s13] =	ssyncadd.s32 $0xFFFFD880  }
0x16b: {  	_ =	sfence.sel $0x180000  }
0x16c: {  	[bflag:$0x0] =	sbarrier.arrive $0xFFFF  }
0x16d: {  	p0 =	sne.s32 s2, $0x0;
	_ =	strace $0x9000004D  }
0x16e: {  	s0 =	sadd.s32 @!p0 $0x100000, s1;
	[bflag:$0x2] =	sbarrier.arrive $0xFFFF  }
0x16f: {  	[sflag:s0] =	ssyncadd.tile.s32 @!p0 $0x1;
	_ =	shalt  }
.Lfunc_end2:
_tile_overlayer_lowered:
.L_overlay_start_2:
0x170: {  	(tag) =	ssettag $0x2  }
0x171: {  	s0 =	rddreg [dreg:$0x0];
	s2 =	stileid.u32  }
0x172: {  	s1 =	rddreg [dreg:$0x1];
	p0 =	sne.s32 s2, $0x0  }
0x173: {  	s3 =	rddreg [dreg:$0x2];
	[bflag:$0x3] =	sbarrier.arrive $0xFFFF;
	s2 =	simm.s32 @!p0 $0x1C02  }
0x174: {  	[timem:s3], [sflag:s2] =	dma.local @!p0 [hbm:s0], s1  }
0x175: {  	s0 =	simm.s32 @!p0 $0x2  }
0x176: {  	_ =	swait.ge @!p0 [sflag:s0], s1  }
0x177: {  	s1 =	ssub.s32 @!p0 $0x0, s1;
	[sflag:s0] =	ssyncset.done @!p0 $0x0  }
0x178: {  	[sflag:s0] =	ssyncadd.s32 @!p0 s1  }
0x179: {  	[bflag:$0x3] =	sbarrier.arrive $0xFFFF  }
0x17a: {  	_ =	shalt  }

// kernel: kernel.8.cloned.1.call-start
scs
__scs_entry_jumppad:
0x0: {  	(pc) =	sbr.rel $0x88, $3  }
0x1: {  	(tag) =	ssettag $0x0;
	lr =	simm.s32 $0x1  }
0x2: {  	[smem:$0x3F9A] =	sst lr;
	_ =	strace $0xD0000000  }
0x3: {  	_ = 	snop  }
0x4: {  	_ = 	snop  }
0x5: {  	_ = 	snop  }
0x6: {  	_ = 	snop  }
0x7: {  	_ = 	snop  }
__scs_overlays_trampoline_lowered:
0x8: {  	[smem:$0x3FA9] =	sst s0  }
0x9: {  	[smem:$0x3FAA] =	sst s1  }
0xa: {  	[smem:$0x3FAB] =	sst s2  }
0xb: {  	[smem:$0x3FAC] =	sst s3  }
0xc: {  	[smem:$0x3FAD] =	sst s4  }
0xd: {  	[smem:$0x3FAE] =	sst s5  }
0xe: {  	[smem:$0x3FAF] =	sst s6  }
0xf: {  	[smem:$0x3FB0] =	sst s7  }
0x10: {  	[smem:$0x3FB1] =	sst s8  }
0x11: {  	[smem:$0x3FB2] =	sst s9;
	s0 =	simm.s32 @!p0 $0x0  }
0x12: {  	s1 =	sld [smem:$0x3F98];
	s0 =	simm.s32 @p0 $0x1  }
0x13: {  	[smem:$0x3FB3] =	sst s0;
	s0 =	simm.s32 @!p1 $0x0  }
0x14: {  	s2 =	sld [smem:$0x3F97];
	s0 =	simm.s32 @p1 $0x1  }
0x15: {  	[smem:$0x3FB4] =	sst s0;
	s0 =	simm.s32 @!p2 $0x0  }
0x16: {  	s3 =	sld [smem:$0x3FDB];
	s0 =	simm.s32 @p2 $0x1  }
0x17: {  	s4 =	simm.s32 $0x1BF5;
	[smem:$0x3FB6] =	sst s0  }
0x18: {  	s0 =	sld [smem:$0x3F99];
	_ =	swait.ge [sflag:s4], $0x0  }
0x19: {  	s7 =	sld [smem:$0x3F9A]  }
0x1a: {  	s8 =	sadd.s32 $0xFFFFE003, lr  }
0x1b: {  	s9 =	sadd.s32 $0xFFFFFEF7, lr;
	s5 =	simm.s32 $0xFFFFFFFF;
	p2 =	slt.u32 s8, $0xFFFFF086  }
0x1c: {  	p1 =	slt.u32 s9, $0xF7A;
	s5 =	simm.s32 @!p2 $0x0  }
0x1d: {  	s5 =	simm.s32 @p1 $0x1;
	p0 =	seq.s32 s7, s2  }
0x1e: {  	s7 =	smul.u32 @!p0 $0xF7A, s2;
	p2 =	seq.s32 @!p0 s5, $0x0  }
0x1f: {  	s9 =	smul.u32 $0xF7A, s1;
	s8 =	simm.s32 @!p0 $0x1BF5;
	p2 =	por !p2, p0  }
0x20: {  	[sflag:s8] =	ssyncset.s32 @!p0 $0xFFFFF086;
	s6 =	sadd.s32 @!p0 s3, s7;
	s7 =	simm.s32 @!p0 $0x108  }
0x21: {  	s3 =	sadd.s32 s3, s9;
	s6 =	sadd.s32 @!p0 $0x88, s6;
	s7 =	simm.s32 @p2 $0x1082  }
0x22: {  	[simem:s7], [sflag:s8] =	dma.local @!p0 [hbm:s6], $0xF7A  }
0x23: {  	s9 =	sor.u32 $0xD0000000, s2;
	s6 =	simm.s32 $0x108;
	_ =	swait.ge @!p0 [sflag:s8], $0x0  }
0x24: {  	s3 =	sadd.s32 $0x88, s3;
	s6 =	simm.s32 @!p1 $0x1082;
	[sflag:s4] =	ssyncset.s32 $0xFFFFF086  }
0x25: {  	[simem:s6], [sflag:s4] =	dma.local [hbm:s3], $0xF7A  }
0x26: {  	[smem:$0x3F9A] =	sst s1;
	(tag) =	ssettag s2;
	_ =	strace s9  }
0x27: {  	s1 =	sld [smem:$0x3FAA]  }
0x28: {  	s2 =	sld [smem:$0x3FAB]  }
0x29: {  	s4 =	sld [smem:$0x3FAD]  }
0x2a: {  	p0 =	seq.s32 s5, $0x0;
	s5 =	sld [smem:$0x3FAE]  }
0x2b: {  	s6 =	sld [smem:$0x3FAF]  }
0x2c: {  	s7 =	sld [smem:$0x3FB0]  }
0x2d: {  	s3 =	simm.s32 $0x108;
	s8 =	sld [smem:$0x3FB1]  }
0x2e: {  	s3 =	simm.s32 @!p0 $0x1082;
	s9 =	sld [smem:$0x3FB2]  }
0x2f: {  	lr =	sadd.s32 s0, s3;
	s0 =	sld [smem:$0x3FA9]  }
0x30: {  	s3 =	sld [smem:$0x3FAC]  }
0x31: {  	[smem:$0x3FB5] =	sst s10  }
0x32: {  	s10 =	sld [smem:$0x3FB3];
	_ =	sdelay $0x3  }
0x33: {  	p0 =	seq.s32 s10, $0x1;
	s10 =	sld [smem:$0x3FB5];
	_ =	sdelay $0x3  }
0x34: {  	[smem:$0x3FB5] =	sst s10  }
0x35: {  	s10 =	sld [smem:$0x3FB4];
	_ =	sdelay $0x3  }
0x36: {  	p1 =	seq.s32 s10, $0x1;
	s10 =	sld [smem:$0x3FB5];
	_ =	sdelay $0x3  }
0x37: {  	[smem:$0x3FB5] =	sst s10  }
0x38: {  	s10 =	sld [smem:$0x3FB6]  }
0x39: {  	_ = 	snop;
	(pc) =	sbr.ind lr, $3  }
0x3a: {  	_ = 	snop  }
0x3b: {  	_ = 	snop  }
0x3c: {  	p2 =	seq.s32 s10, $0x1;
	s10 =	sld [smem:$0x3FB5]  }
0x3d: {  	_ =	shalt  }
0x3e: {  	_ =	shalt  }
0x3f: {  	_ =	shalt  }
0x40: {  	_ =	shalt  }
0x41: {  	_ =	shalt  }
0x42: {  	_ =	shalt  }
0x43: {  	_ =	shalt  }
0x44: {  	_ =	shalt  }
0x45: {  	_ =	shalt  }
0x46: {  	_ =	shalt  }
0x47: {  	_ =	shalt  }
0x48: {  	_ =	shalt  }
0x49: {  	_ =	shalt  }
0x4a: {  	_ =	shalt  }
0x4b: {  	_ =	shalt  }
0x4c: {  	_ =	shalt  }
0x4d: {  	_ =	shalt  }
0x4e: {  	_ =	shalt  }
0x4f: {  	_ =	shalt  }
0x50: {  	_ =	shalt  }
0x51: {  	_ =	shalt  }
0x52: {  	_ =	shalt  }
0x53: {  	_ =	shalt  }
0x54: {  	_ =	shalt  }
0x55: {  	_ =	shalt  }
0x56: {  	_ =	shalt  }
0x57: {  	_ =	shalt  }
0x58: {  	_ =	shalt  }
0x59: {  	_ =	shalt  }
0x5a: {  	_ =	shalt  }
0x5b: {  	_ =	shalt  }
0x5c: {  	_ =	shalt  }
0x5d: {  	_ =	shalt  }
0x5e: {  	_ =	shalt  }
0x5f: {  	_ =	shalt  }
0x60: {  	_ =	shalt  }
0x61: {  	_ =	shalt  }
0x62: {  	_ =	shalt  }
0x63: {  	_ =	shalt  }
0x64: {  	_ =	shalt  }
0x65: {  	_ =	shalt  }
0x66: {  	_ =	shalt  }
0x67: {  	_ =	shalt  }
0x68: {  	_ =	shalt  }
0x69: {  	_ =	shalt  }
0x6a: {  	_ =	shalt  }
0x6b: {  	_ =	shalt  }
0x6c: {  	_ =	shalt  }
0x6d: {  	_ =	shalt  }
0x6e: {  	_ =	shalt  }
0x6f: {  	_ =	shalt  }
0x70: {  	_ =	shalt  }
0x71: {  	_ =	shalt  }
0x72: {  	_ =	shalt  }
0x73: {  	_ =	shalt  }
0x74: {  	_ =	shalt  }
0x75: {  	_ =	shalt  }
0x76: {  	_ =	shalt  }
0x77: {  	_ =	shalt  }
0x78: {  	_ =	shalt  }
0x79: {  	_ =	shalt  }
0x7a: {  	_ =	shalt  }
0x7b: {  	_ =	shalt  }
0x7c: {  	_ =	shalt  }
0x7d: {  	_ =	shalt  }
0x7e: {  	_ =	shalt  }
0x7f: {  	_ =	shalt  }
0x80: {  	_ =	shalt  }
0x81: {  	_ =	shalt  }
0x82: {  	_ =	shalt  }
0x83: {  	_ =	shalt  }
0x84: {  	_ =	shalt  }
0x85: {  	_ =	shalt  }
0x86: {  	_ =	shalt  }
0x87: {  	_ =	shalt  }
.Lfunc_end0:
.L_simem_size_0:
called_computation_lowered:
.L_overlay_start_0:
0x88: {  	s2 =	sld [smem:$0x3FD9]  }
0x89: {  	s3 =	sld [smem:$0x3FFE];
	_ =	sdelay $0x1  }
0x8a: {  	s1 =	srdreg.scid  }
0x8b: {  	s0 =	sand.u32 $0x1, s1  }
0x8c: {  	s17 =	sshll.u32 s0, $0xA;
	s2 =	sadd.s32 s3, s2  }
0x8d: {  	s2 =	sadd.s32 s2, s17  }
0x8e: {  	[smem:$0x3FC1] =	sst s2  }
0x8f: {  	_ = 	snop  }
0x90: {  	s2 =	sld [smem:$0x3FC7];
	(tm) =	ssettm $0x1  }
0x91: {  	s18 =	sld [smem:$0x3FFB];
	_ =	sdelay $0x3  }
0x92: {  	_ =	strace s18  }
0x93: {  	s3 =	sld [smem:$0x3FFC];
	_ =	sdelay $0x3  }
0x94: {  	_ =	strace s3  }
0x95: {  	s3 =	sld [smem:$0x3FFD];
	_ =	sdelay $0x3  }
0x96: {  	_ =	strace s3  }
0x97: {  	_ =	strace $0x8FFFFFFF  }
0x98: {  	s19 =	sld [smem:$0x3FDB];
	_ =	sdelay $0x1  }
0x99: {  	s4 =	simm.s32 $_scs_section_size  }
0x9a: {  	s5 =	simm.s32 $_size__tile_overlayer_lowered;
	s6 =	simm.s32 $_tile_overlayer_lowered  }
0x9b: {  	s22 =	simm.s32 $0x1BFF;
	s21 =	sshll.u32 s6, $0x1;
	s3 =	sadd.s32 s4, s19  }
0x9c: {  	s7 =	simm.s32 $0x0;
	s20 =	sshll.u32 s5, $0x1;
	s5 =	sadd.s32 s21, s3  }
0x9d: {  	[timem:s7], [sflag:s22] =	dma.local [hbm:s5], s20  }
0x9e: {  	_ =	swait.ge [sflag:s22], s20  }
0x9f: {  	s4 =	ssub.s32 $0x0, s20;
	[sflag:s22] =	ssyncset.done $0x0  }
0xa0: {  	[sflag:s22] =	ssyncadd.s32 s4;
	_ =	sdelay $0x1  }
0xa1: {  	s23 =	simm.s32 $0x1B8B  }
0xa2: {  	_ =	swait.ge [sflag:s23], $0x1  }
0xa3: {  	[sflag:s23] =	ssyncset.done $0x0  }
0xa4: {  	s25 =	simm.s32 $0x1B8E;
	s24 =	sld [smem:$0x3FFE];
	[sflag:s23] =	ssyncadd.s32 $0xFFFFFFFF  }
0xa5: {  	s26 =	simm.s32 $execute0_lowered;
	[smem:$0x3FD2] =	sst s25  }
0xa6: {  	s5 =	sshll.u32 s26, $0x1;
	_ =	strace $0x80000046;
	[dreg:$0x1] =	wrdreg $0xFFFFFFFF  }
0xa7: {  	s28 =	simm.s32 $_size_execute0_lowered;
	s3 =	sadd.s32 s3, s5;
	[dreg:$0x0] =	wrdreg $0x0  }
0xa8: {  	s5 =	sshll.u32 s28, $0x1;
	[dreg:$0x2] =	wrdreg s3  }
0xa9: {  	[dreg:$0x3] =	wrdreg s5  }
0xaa: {  	[dreg:$0x4] =	wrdreg $0xC0  }
0xab: {  	_ =	task [dreg:s7], $0x5FFFF  }
0xac: {  	[dreg:$0x1] =	wrdreg $0xFFFFFFFF  }
0xad: {  	[dreg:$0x0] =	wrdreg $0x60  }
0xae: {  	[dreg:$0x2] =	wrdreg s24  }
0xaf: {  	[dreg:$0x3] =	wrdreg s2  }
0xb0: {  	[dreg:$0x4] =	wrdreg $0x2D000  }
0xb1: {  	[dreg:$0x5] =	wrdreg $0x9  }
0xb2: {  	_ =	task.clear_ibuf [dreg:s7], $0x6FFFF;
	_ =	strace $0x90000046  }
0xb3: {  	s29 =	simm.s32 $0x9;
	_ =	strace $0x80000048  }
0xb4: {  	_ =	swait.ge [sflag:s29], $0x1  }
0xb5: {  	[sflag:s29] =	ssyncadd.s32 $0xFFFFFFFF  }
0xb6: {  	_ =	strace $0x90000048  }
0xb7: {  	_ =	sfence  }
0xb8: {  	s30 =	sld [smem:$0x0];
	_ =	sdelay $0x2  }
0xb9: {  	s31 =	sshll.u32 s1, $0xD;
	s1 =	sshrl.u32 s1, $0x2  }
0xba: {  	s3 =	sand.u32 $0x4000, s31;
	s1 =	sadd.s32 s1, s30  }
0xbb: {  	s0 =	sor.u32 s3, s0;
	s1 =	sshll.u32 s1, $0x11  }
0xbc: {  	s0 =	sor.u32 s1, s0  }
0xbd: {  	s0 =	sadd.s32 $0x8F2B, s0  }
0xbe: {  	[sflag:s0] =	ssyncadd.remote.s32 $0x1  }
0xbf: {  	_ =	sfence.sel $0xFFFF  }
0xc0: {  	[dreg:$0x0] =	wrdreg $0xFFFFFFFF;
	(pc) =	sbr.abs _section_cstart, $3  }
0xc1: {  	[dreg:$0x1] =	wrdreg $0xFFFFFFFF  }
0xc2: {  	_ =	task.clear_ibuf [dreg:s7], $0x2FFFF;
	_ =	strace $0x9FFFFFFF  }
0xc3: {  	(tm) =	ssettm $0x7FFFFFFF  }
tec
execute0_lowered:
.L_overlay_start_1:
0x0: {  	(tag) =	ssettag $0x1  }
0x1: {  	s6 =	rddreg [dreg:$0x0]  }
0x2: {  	s2 =	rddreg [dreg:$0x1];
	s0 =	srdreg.scid  }
0x3: {  	s3 =	rddreg [dreg:$0x2];
	s1 =	stileid.u32  }
0x4: {  	s4 =	simm.s32 $0x0;
	s12 =	simm.s32 $0x80;
	s13 =	simm.s32 $0x50  }
0x5: {  	s14 =	simm.s32 $0x100;
	s7 =	sand.u32 $0x1, s0;
	s0 =	rddreg [dreg:$0x3]  }
0x6: {  	s16 =	simm.s32 $0x0;
	s9 =	smul.u32 $0x13C00, s1;
	[smem:$0x7FF] =	sst s4  }
0x7: {  	s5 =	sadd.s32 $0x1E00, s6;
	s10 =	smul.u32 $0x4F000, s1;
	s11 =	sshll.u32 s1, $0x1  }
0x8: {  	s15 =	sshll.u32 s1, $0x6;
	s8 =	smul.u32 $0x13C000, s7;
	_ =	strace $0x80000047  }
0x9: {  	s29 =	ssub.s32 $0x2, s7;
	s7 =	sor.u32 s7, s11;
	s11 =	simm.s32 $0x1  }
0xa: {  	s15 =	sor.u32 $0x1C01, s15;
	s30 =	sshrl.u32 s29, $0x1;
	s8 =	sadd.s32 s9, s8  }
0xb: {  	s31 =	sshrl.u32 s10, $0x2;
	s7 =	smul.u32 $0x2710, s7;
	s8 =	sshrl.u32 s8, $0x3  }
0xc: {  	v0 =	vimm.f32 $0.0e+00;
	vm0 =	vcmask $0x300;
	s10 =	simm.s32 $0x2900;
	s9 =	ssub.s32 s29, s30;
	s8 =	sadd.s32 s8, s6  }
0xd: {  	v1 =	vsel vm0, $0x3F800000, v0;
	s9 =	smax.u32 s9, $0x1;
	s6 =	sadd.s32 s31, s3;
	s8 =	sadd.s32 $0x15A00, s8  }
.LBB2_1:
0xe: {  	[tilespmem:$0x2900] =	vst v0  }
0xf: {  	[tilespmem:$0x2910] =	vst v0  }
0x10: {  	[tilespmem:$0x2920] =	vst v0  }
0x11: {  	[tilespmem:$0x2930] =	vst v0  }
0x12: {  	[tilespmem:$0x2940] =	vst v0  }
0x13: {  	[tilespmem:$0x2950] =	vst v0  }
0x14: {  	[tilespmem:$0x2960] =	vst v0  }
0x15: {  	[tilespmem:$0x2970] =	vst v0  }
0x16: {  	[tilespmem:$0x2980] =	vst v0  }
0x17: {  	[tilespmem:$0x2990] =	vst v0  }
0x18: {  	[tilespmem:$0x29A0] =	vst v0  }
0x19: {  	[tilespmem:$0x29B0] =	vst v0  }
0x1a: {  	[tilespmem:$0x29C0] =	vst v0  }
0x1b: {  	[tilespmem:$0x29D0] =	vst v0  }
0x1c: {  	[tilespmem:$0x29E0] =	vst v0  }
0x1d: {  	[tilespmem:$0x29F0] =	vst v0  }
0x1e: {  	[tilespmem:$0x2A00] =	vst v0  }
0x1f: {  	[tilespmem:$0x2A10] =	vst v0  }
0x20: {  	[tilespmem:$0x2A20] =	vst v0  }
0x21: {  	[tilespmem:$0x2A30] =	vst v0  }
0x22: {  	[tilespmem:$0x2A40] =	vst v0  }
0x23: {  	[tilespmem:$0x2A50] =	vst v0  }
0x24: {  	[tilespmem:$0x2A60] =	vst v0  }
0x25: {  	[tilespmem:$0x2A70] =	vst v0  }
0x26: {  	[tilespmem:$0x2A80] =	vst v0  }
0x27: {  	[tilespmem:$0x2A90] =	vst v0  }
0x28: {  	[tilespmem:$0x2AA0] =	vst v0  }
0x29: {  	[tilespmem:$0x2AB0] =	vst v0  }
0x2a: {  	[tilespmem:$0x2AC0] =	vst v0  }
0x2b: {  	[tilespmem:$0x2AD0] =	vst v0  }
0x2c: {  	[tilespmem:$0x2AE0] =	vst v0  }
0x2d: {  	[tilespmem:$0x2AF0] =	vst v0  }
0x2e: {  	[tilespmem:$0x2B00] =	vst v0  }
0x2f: {  	[tilespmem:$0x2B10] =	vst v0  }
0x30: {  	[tilespmem:$0x2B20] =	vst v0  }
0x31: {  	[tilespmem:$0x2B30] =	vst v0  }
0x32: {  	[tilespmem:$0x2B40] =	vst v0  }
0x33: {  	[tilespmem:$0x2B50] =	vst v0  }
0x34: {  	[tilespmem:$0x2B60] =	vst v0  }
0x35: {  	[tilespmem:$0x2B70] =	vst v0  }
0x36: {  	[tilespmem:$0x2B80] =	vst v0  }
0x37: {  	[tilespmem:$0x2B90] =	vst v0  }
0x38: {  	[tilespmem:$0x2BA0] =	vst v0  }
0x39: {  	[tilespmem:$0x2BB0] =	vst v0  }
0x3a: {  	[tilespmem:$0x2BC0] =	vst v0  }
0x3b: {  	[tilespmem:$0x2BD0] =	vst v0  }
0x3c: {  	[tilespmem:$0x2BE0] =	vst v0  }
0x3d: {  	[tilespmem:$0x2BF0] =	vst v0  }
0x3e: {  	[tilespmem:$0x2C00] =	vst v0  }
0x3f: {  	[tilespmem:$0x2C10] =	vst v0  }
0x40: {  	[tilespmem:$0x2C20] =	vst v0  }
0x41: {  	[tilespmem:$0x2C30] =	vst v0  }
0x42: {  	[tilespmem:$0x2C40] =	vst v0  }
0x43: {  	[tilespmem:$0x2C50] =	vst v0  }
0x44: {  	[tilespmem:$0x2C60] =	vst v0  }
0x45: {  	[tilespmem:$0x2C70] =	vst v0  }
0x46: {  	[tilespmem:$0x2C80] =	vst v0  }
0x47: {  	[tilespmem:$0x2C90] =	vst v0  }
0x48: {  	[tilespmem:$0x2CA0] =	vst v0  }
0x49: {  	[tilespmem:$0x2CB0] =	vst v0  }
0x4a: {  	[tilespmem:$0x2CC0] =	vst v0  }
0x4b: {  	[tilespmem:$0x2CD0] =	vst v0  }
0x4c: {  	[tilespmem:$0x2CE0] =	vst v0  }
0x4d: {  	[tilespmem:$0x2CF0] =	vst v0;
	s17 =	simm.s32 $0x0;
	s18 =	simm.s32 $0x200  }
.LBB2_2:
0x4e: {  	p0 =	sne.s32 s18, $0x9E00;
	[tilespmem:s17+$0x170] =	vst v0  }
0x4f: {  	[tilespmem:s17+$0x100] =	vst v0  }
0x50: {  	[tilespmem:s17+$0x110] =	vst v0  }
.Ltmp0:
0x51: {  	[tilespmem:s17+$0x120] =	vst v0;
	(pc) =	sbr.rel @p0 .LBB2_2-.Ltmp0, $4  }
0x52: {  	[tilespmem:s17+$0x130] =	vst v0  }
0x53: {  	[tilespmem:s17+$0x140] =	vst v0  }
0x54: {  	[tilespmem:s17+$0x150] =	vst v0  }
0x55: {  	[tilespmem:s17+$0x160] =	vst v0;
	s17 =	sshra.s32 s18, $0x2;
	s18 =	sadd.s32 $0x200, s18  }
0x56: {  	[tilespmem:s17+$0x170] =	vst v0  }
0x57: {  	[tilespmem:s17+$0x100] =	vst v0  }
0x58: {  	[tilespmem:s17+$0x110] =	vst v0  }
0x59: {  	[tilespmem:s17+$0x120] =	vst v0  }
0x5a: {  	[tilespmem:s17+$0x130] =	vst v0  }
0x5b: {  	[tilespmem:s17+$0x140] =	vst v0  }
0x5c: {  	[tilespmem:s17+$0x150] =	vst v0  }
0x5d: {  	[tilespmem:s17+$0x160] =	vst v0;
	s31 =	sadd.s32 $0x0, s6  }
0x5e: {  	[spmem:s31] =	stream.linear.scatter [tilespmem:s10], [sflag:$0x1], $0x400, $0x38;
	[tilespmem:$0x16900] =	vst v63  }
0x5f: {  	s17 =	simm.s32 $0x1000;
	_ =	swait.ge [sflag:s11], $0x400  }
.LBB2_4:
0x60: {  	s18 =	sshra.s32 s17, $0x2;
	[sflag:s11] =	ssyncset.done $0x0;
	p0 =	sne.s32 s17, $0x4E000  }
.Ltmp1:
0x61: {  	s18 =	sadd.s32 s18, s6;
	[sflag:s11] =	ssyncadd.s32 $0xFFFFFC00;
	(pc) =	sbr.rel @p0 .LBB2_4-.Ltmp1, $3  }
0x62: {  	[spmem:s18] =	stream.linear.scatter [tilespmem:s10], [sflag:$0x1], $0x400, $0x38;
	[tilespmem:$0x16900] =	vst v63  }
0x63: {  	s17 =	sadd.s32 $0x1000, s17;
	_ =	sdelay $0x1  }
0x64: {  	_ =	swait.ge [sflag:s11], $0x400  }
0x65: {  	[sflag:s11] =	ssyncset.done $0x0  }
0x66: {  	[sflag:s11] =	ssyncadd.s32 $0xFFFFFC00  }
0x67: {  	s17 =	simm.s32 $0x0;
	s18 =	simm.s32 $0x0;
	[bflag:$0x0] =	sbarrier.arrive $0xFFFF  }
.LBB2_6:
0x68: {  	s19 =	smul.u32 $0x50, s18;
	_ =	sdelay $0x1  }
0x69: {  	s19 =	sadd.s32 s7, s19  }
0x6a: {  	s19 =	sshrl.u32 s19, $0x3  }
0x6b: {  	s20 =	sadd.s32 s5, s19  }
0x6c: {  	v2 =	vmov s17;
	[tilespmem:s17], [sflag:$0x1] =	stream.linear.gather [hbm4b:s20+s17], $0x50, $0x38;
	[tilespmem:$0x16900] =	vst v63  }
0x6d: {  	v2 =	vand.u32 $0xFFFFFFF8, v2;
	_ =	swait.ge [sflag:s11], $0x50  }
0x6e: {  	v2 =	vbroadcast v2, $0x0;
	[sflag:s11] =	ssyncset.done $0x0  }
0x6f: {  	s19 =	sadd.s32 s2, s19;
	[sflag:s11] =	ssyncadd.s32 $0xFFFFFFB0  }
0x70: {  	[tilespmem:s12], [sflag:$0x1] =	stream.linear.gather [hbm4b:s19+s17], $0x50, $0x38;
	[tilespmem:$0x16900] =	vst v63  }
0x71: {  	_ =	swait.ge [sflag:s11], $0x50  }
0x72: {  	[sflag:s11] =	ssyncset.done $0x0  }
0x73: {  	s24 =	simm.s32 $0x1;
	[sflag:s11] =	ssyncadd.s32 $0xFFFFFFB0  }
0x74: {  	v3 =	vmov s24;
	v2 =	vld.idx.msk [tilespmem:v2+s12+$0x0], $0xffff  }
0x75: {  	v3 =	vand.u32 $0xFFFFFFF9, v3  }
0x76: {  	v3 =	vbroadcast v3, $0x0;
	_ =	sdelay $0x2  }
0x77: {  	v2 =	vmul.f32 v1, v2  }
0x78: {  	s19 =	simm.s32 $0x300  }
0x79: {  	s25 =	simm.s32 $0x2;
	[tilespmem:s19+$0xFFFFFE00] =	vst v2  }
0x7a: {  	v2 =	vld.idx.msk [tilespmem:v3+s12+$0x0], $0xffff;
	v3 =	vmov s25  }
0x7b: {  	v3 =	vand.u32 $0xFFFFFFFA, v3  }
0x7c: {  	v3 =	vbroadcast v3, $0x0;
	_ =	sdelay $0x2  }
0x7d: {  	v2 =	vmul.f32 v1, v2;
	_ =	sdelay $0x1  }
0x7e: {  	s26 =	simm.s32 $0x3;
	[tilespmem:s19+$0xFFFFFE80] =	vst v2  }
0x7f: {  	v2 =	vld.idx.msk [tilespmem:v3+s12+$0x0], $0xffff;
	v3 =	vmov s26  }
0x80: {  	v3 =	vand.u32 $0xFFFFFFFB, v3  }
0x81: {  	v3 =	vbroadcast v3, $0x0;
	_ =	sdelay $0x2  }
0x82: {  	v2 =	vmul.f32 v1, v2;
	_ =	sdelay $0x1  }
0x83: {  	s28 =	simm.s32 $0x4;
	[tilespmem:s19+$0xFFFFFF00] =	vst v2  }
0x84: {  	v2 =	vld.idx.msk [tilespmem:v3+s12+$0x0], $0xffff;
	v3 =	vmov s28  }
0x85: {  	v3 =	vand.u32 $0xFFFFFFFC, v3  }
0x86: {  	v3 =	vbroadcast v3, $0x0;
	_ =	sdelay $0x2  }
0x87: {  	v2 =	vmul.f32 v1, v2;
	_ =	sdelay $0x1  }
0x88: {  	s29 =	simm.s32 $0x5;
	[tilespmem:s19+$0xFFFFFF80] =	vst v2  }
0x89: {  	v2 =	vld.idx.msk [tilespmem:v3+s12+$0x0], $0xffff;
	v3 =	vmov s29  }
0x8a: {  	v3 =	vand.u32 $0xFFFFFFFD, v3  }
0x8b: {  	v3 =	vbroadcast v3, $0x0;
	_ =	sdelay $0x2  }
0x8c: {  	v2 =	vmul.f32 v1, v2;
	_ =	sdelay $0x1  }
0x8d: {  	s30 =	simm.s32 $0x6;
	[tilespmem:s19+$0x0] =	vst v2  }
0x8e: {  	v2 =	vld.idx.msk [tilespmem:v3+s12+$0x0], $0xffff;
	v3 =	vmov s30  }
0x8f: {  	v3 =	vand.u32 $0xFFFFFFFE, v3  }
0x90: {  	v3 =	vbroadcast v3, $0x0;
	_ =	sdelay $0x2  }
0x91: {  	v2 =	vmul.f32 v1, v2;
	_ =	sdelay $0x1  }
0x92: {  	[tilespmem:s19+$0x80] =	vst v2  }
0x93: {  	v2 =	vld.idx.msk [tilespmem:v3+s12+$0x0], $0xffff;
	_ =	sdelay $0x1  }
0x94: {  	s31 =	simm.s32 $0x7  }
0x95: {  	v3 =	vmov s31;
	_ =	sdelay $0x1  }
0x96: {  	v2 =	vmul.f32 v1, v2;
	_ =	sdelay $0x1  }
0x97: {  	s20 =	simm.s32 $0x8;
	[tilespmem:s19+$0x100] =	vst v2  }
0x98: {  	s21 =	simm.s32 $0x10;
	v2 =	vld.idx.msk [tilespmem:v3+s12+$0x0], $0xffff;
	v3 =	vmov s20  }
.LBB2_7:
0x99: {  	p0 =	slt.u32 s21, $0x48;
	v3 =	vand.u32 $0xFFFFFFF8, v3  }
0x9a: {  	v3 =	vbroadcast v3, $0x0;
	_ =	sdelay $0x2  }
0x9b: {  	v2 =	vmul.f32 v1, v2;
	_ =	sdelay $0x1  }
0x9c: {  	[tilespmem:s19+$0x180] =	vst v2  }
0x9d: {  	s22 =	sadd.s32 $0x1, s20;
	v2 =	vld.idx.msk [tilespmem:v3+s12+$0x0], $0xffff  }
0x9e: {  	v3 =	vmov s22  }
0x9f: {  	v3 =	vand.u32 $0xFFFFFFF9, v3  }
0xa0: {  	v3 =	vbroadcast v3, $0x0;
	_ =	sdelay $0x2  }
0xa1: {  	v2 =	vmul.f32 v1, v2  }
0xa2: {  	s19 =	sadd.s32 $0x400, s19  }
0xa3: {  	[tilespmem:s19+$0xFFFFFE00] =	vst v2  }
0xa4: {  	s22 =	sadd.s32 $0x2, s20;
	v2 =	vld.idx.msk [tilespmem:v3+s12+$0x0], $0xffff  }
0xa5: {  	v3 =	vmov s22  }
0xa6: {  	v3 =	vand.u32 $0xFFFFFFFA, v3  }
0xa7: {  	v3 =	vbroadcast v3, $0x0;
	_ =	sdelay $0x2  }
0xa8: {  	v2 =	vmul.f32 v1, v2;
	_ =	sdelay $0x1  }
0xa9: {  	[tilespmem:s19+$0xFFFFFE80] =	vst v2  }
0xaa: {  	s22 =	sadd.s32 $0x3, s20;
	v2 =	vld.idx.msk [tilespmem:v3+s12+$0x0], $0xffff  }
0xab: {  	v3 =	vmov s22  }
0xac: {  	v3 =	vand.u32 $0xFFFFFFFB, v3  }
0xad: {  	v3 =	vbroadcast v3, $0x0;
	_ =	sdelay $0x2  }
0xae: {  	v2 =	vmul.f32 v1, v2;
	_ =	sdelay $0x1  }
0xaf: {  	[tilespmem:s19+$0xFFFFFF00] =	vst v2  }
0xb0: {  	s22 =	sadd.s32 $0x4, s20;
	v2 =	vld.idx.msk [tilespmem:v3+s12+$0x0], $0xffff  }
0xb1: {  	v3 =	vmov s22  }
0xb2: {  	v3 =	vand.u32 $0xFFFFFFFC, v3  }
0xb3: {  	v3 =	vbroadcast v3, $0x0;
	_ =	sdelay $0x2  }
0xb4: {  	v2 =	vmul.f32 v1, v2;
	_ =	sdelay $0x1  }
0xb5: {  	[tilespmem:s19+$0xFFFFFF80] =	vst v2  }
0xb6: {  	s22 =	sadd.s32 $0x5, s20;
	v2 =	vld.idx.msk [tilespmem:v3+s12+$0x0], $0xffff  }
0xb7: {  	v3 =	vmov s22  }
0xb8: {  	v3 =	vand.u32 $0xFFFFFFFD, v3  }
0xb9: {  	v3 =	vbroadcast v3, $0x0;
	_ =	sdelay $0x2  }
0xba: {  	v2 =	vmul.f32 v1, v2;
	_ =	sdelay $0x1  }
0xbb: {  	[tilespmem:s19+$0x0] =	vst v2  }
0xbc: {  	s22 =	sadd.s32 $0x6, s20;
	v2 =	vld.idx.msk [tilespmem:v3+s12+$0x0], $0xffff  }
0xbd: {  	v3 =	vmov s22  }
0xbe: {  	v3 =	vand.u32 $0xFFFFFFFE, v3  }
0xbf: {  	v3 =	vbroadcast v3, $0x0;
	_ =	sdelay $0x2  }
0xc0: {  	v2 =	vmul.f32 v1, v2;
	_ =	sdelay $0x1  }
0xc1: {  	[tilespmem:s19+$0x80] =	vst v2  }
0xc2: {  	v2 =	vld.idx.msk [tilespmem:v3+s12+$0x0], $0xffff;
	_ =	sdelay $0x2  }
0xc3: {  	s22 =	sadd.s32 $0x7, s20;
	s20 =	smov.u32 s21  }
0xc4: {  	v3 =	vmov s22;
	_ =	sdelay $0x1  }
.Ltmp2:
0xc5: {  	v2 =	vmul.f32 v1, v2;
	(pc) =	sbr.rel @p0 .LBB2_7-.Ltmp2, $4  }
0xc6: {  	_ = 	snop  }
0xc7: {  	[tilespmem:s19+$0x100] =	vst v2  }
0xc8: {  	v2 =	vld.idx.msk [tilespmem:v3+s12+$0x0], $0xffff  }
0xc9: {  	s21 =	sadd.s32 $0x8, s21;
	v3 =	vmov s20  }
0xca: {  	v3 =	vand.u32 $0xFFFFFFF8, v3  }
0xcb: {  	v3 =	vbroadcast v3, $0x0;
	_ =	sdelay $0x2  }
0xcc: {  	v2 =	vmul.f32 v1, v2;
	_ =	sdelay $0x1  }
0xcd: {  	s21 =	sadd.s32 $0x1, s20;
	[tilespmem:s19+$0x180] =	vst v2  }
0xce: {  	v2 =	vld.idx.msk [tilespmem:v3+s12+$0x0], $0xffff;
	v3 =	vmov s21  }
0xcf: {  	v3 =	vand.u32 $0xFFFFFFF9, v3  }
0xd0: {  	v3 =	vbroadcast v3, $0x0;
	_ =	sdelay $0x2  }
0xd1: {  	v2 =	vmul.f32 v1, v2  }
0xd2: {  	s24 =	sadd.s32 $0x400, s19  }
0xd3: {  	s25 =	sadd.s32 $0x2, s20;
	[tilespmem:s24+$0xFFFFFE00] =	vst v2  }
0xd4: {  	v2 =	vld.idx.msk [tilespmem:v3+s12+$0x0], $0xffff;
	v3 =	vmov s25  }
0xd5: {  	v3 =	vand.u32 $0xFFFFFFFA, v3  }
0xd6: {  	v3 =	vbroadcast v3, $0x0;
	_ =	sdelay $0x2  }
0xd7: {  	v2 =	vmul.f32 v1, v2;
	_ =	sdelay $0x1  }
0xd8: {  	s26 =	sadd.s32 $0x3, s20;
	[tilespmem:s24+$0xFFFFFE80] =	vst v2  }
0xd9: {  	v2 =	vld.idx.msk [tilespmem:v3+s12+$0x0], $0xffff;
	v3 =	vmov s26  }
0xda: {  	v3 =	vand.u32 $0xFFFFFFFB, v3  }
0xdb: {  	v3 =	vbroadcast v3, $0x0;
	_ =	sdelay $0x2  }
0xdc: {  	v2 =	vmul.f32 v1, v2;
	_ =	sdelay $0x1  }
0xdd: {  	s28 =	sadd.s32 $0x4, s20;
	[tilespmem:s24+$0xFFFFFF00] =	vst v2  }
0xde: {  	v2 =	vld.idx.msk [tilespmem:v3+s12+$0x0], $0xffff;
	v3 =	vmov s28  }
0xdf: {  	v3 =	vand.u32 $0xFFFFFFFC, v3  }
0xe0: {  	v3 =	vbroadcast v3, $0x0;
	_ =	sdelay $0x2  }
0xe1: {  	v2 =	vmul.f32 v1, v2;
	_ =	sdelay $0x1  }
0xe2: {  	s29 =	sadd.s32 $0x5, s20;
	[tilespmem:s24+$0xFFFFFF80] =	vst v2  }
0xe3: {  	v2 =	vld.idx.msk [tilespmem:v3+s12+$0x0], $0xffff;
	v3 =	vmov s29  }
0xe4: {  	v3 =	vand.u32 $0xFFFFFFFD, v3  }
0xe5: {  	v3 =	vbroadcast v3, $0x0;
	_ =	sdelay $0x2  }
0xe6: {  	v2 =	vmul.f32 v1, v2;
	_ =	sdelay $0x1  }
0xe7: {  	s30 =	sadd.s32 $0x6, s20;
	[tilespmem:s24+$0x0] =	vst v2  }
0xe8: {  	v2 =	vld.idx.msk [tilespmem:v3+s12+$0x0], $0xffff;
	v3 =	vmov s30  }
0xe9: {  	v3 =	vand.u32 $0xFFFFFFFE, v3  }
0xea: {  	v3 =	vbroadcast v3, $0x0;
	_ =	sdelay $0x2  }
0xeb: {  	v2 =	vmul.f32 v1, v2;
	_ =	sdelay $0x1  }
0xec: {  	[tilespmem:s24+$0x80] =	vst v2  }
0xed: {  	v2 =	vld.idx.msk [tilespmem:v3+s12+$0x0], $0xffff;
	_ =	sdelay $0x1  }
0xee: {  	s31 =	sadd.s32 $0x7, s20  }
0xef: {  	v3 =	vmov s31;
	_ =	sdelay $0x1  }
0xf0: {  	v2 =	vmul.f32 v1, v2;
	_ =	sdelay $0x1  }
0xf1: {  	[tilespmem:s24+$0x100] =	vst v2  }
0xf2: {  	v2 =	vld.idx.msk [tilespmem:v3+s12+$0x0], $0xffff;
	_ =	sdelay $0x4  }
0xf3: {  	s18 =	sadd.s32 $0x1, s18;
	v2 =	vmul.f32 v1, v2  }
0xf4: {  	p0 =	sne.s32 s18, $0x7D  }
.Ltmp3:
0xf5: {  	[tilespmem:s24+$0x180] =	vst v2;
	(pc) =	sbr.rel @p0 .LBB2_6-.Ltmp3, $4  }
0xf6: {  	[spmem:s3] =	stream.indirect.scatter.add.f32 [tilespmem:s14], [sflag:$0x1], $0x80, s4, s13, $0xb8;
	[tilespmem:$0x16900] =	vst v63  }
0xf7: {  	_ =	swait.ge [sflag:s11], $0x2800  }
0xf8: {  	[sflag:s11] =	ssyncset.done $0x0  }
0xf9: {  	[sflag:s11] =	ssyncadd.s32 $0xFFFFD800  }
0xfa: {  	s16 =	sadd.s32 $0x1, s16  }
0xfb: {  	p0 =	sne.s32 s16, s9  }
.Ltmp4:
0xfc: {  	[bflag:$0x0] =	sbarrier.arrive $0xFFFF;
	s17 =	sshrl.u32 s6, $0x3;
	(pc) =	sbr.rel @p0 .LBB2_1-.Ltmp4, $4  }
0xfd: {  	[hbm:s8], [sflag:s15] =	dma.local [spmem:s17], $0x2780  }
0xfe: {  	_ =	swait.ge [sflag:s11], $0x2780  }
0xff: {  	[sflag:s11] =	ssyncset.done $0x0  }
0x100: {  	[sflag:s11] =	ssyncadd.s32 $0xFFFFD880  }
0x101: {  	_ =	sfence.sel $0x180000  }
0x102: {  	[bflag:$0x0] =	sbarrier.arrive $0xFFFF  }
0x103: {  	p0 =	sne.s32 s1, $0x0;
	_ =	strace $0x90000047  }
0x104: {  	s0 =	sadd.s32 @!p0 $0x100000, s0;
	[bflag:$0x2] =	sbarrier.arrive $0xFFFF  }
0x105: {  	[sflag:s0] =	ssyncadd.tile.s32 @!p0 $0x1;
	_ =	shalt  }
.Lfunc_end2:
_tile_overlayer_lowered:
.L_overlay_start_2:
0x106: {  	(tag) =	ssettag $0x2  }
0x107: {  	s0 =	rddreg [dreg:$0x0];
	s2 =	stileid.u32  }
0x108: {  	s1 =	rddreg [dreg:$0x1];
	p0 =	sne.s32 s2, $0x0  }
0x109: {  	s3 =	rddreg [dreg:$0x2];
	[bflag:$0x3] =	sbarrier.arrive $0xFFFF;
	s2 =	simm.s32 @!p0 $0x1C01  }
0x10a: {  	[timem:s3], [sflag:s2] =	dma.local @!p0 [hbm:s0], s1  }
0x10b: {  	s0 =	simm.s32 @!p0 $0x1  }
0x10c: {  	_ =	swait.ge @!p0 [sflag:s0], s1  }
0x10d: {  	s1 =	ssub.s32 @!p0 $0x0, s1;
	[sflag:s0] =	ssyncset.done @!p0 $0x0  }
0x10e: {  	[sflag:s0] =	ssyncadd.s32 @!p0 s1  }
0x10f: {  	[bflag:$0x3] =	sbarrier.arrive $0xFFFF  }
0x110: {  	_ =	shalt  }

</sc_bundles>
